<compile_context>
chip_gen: v7x
topology: tpu7x:2x2x1
jax: 0.10.2.dev20260603
libtpu: 0.0.44.dev20260713+nightly
codegen_flags: <defaults>
</compile_context>

<pallas_src>
import functools

import jax
import jax.numpy as jnp
from jax import lax
from jax.experimental import pallas as pl
from jax.experimental.pallas import tpu as pltpu
from jax.experimental.pallas import tpu_sc as plsc

N = 10000
NPAD = 10240
E = 160000
EPAD = 163840
CW = 128
CHN = 80
ECH = EPAD // CW
B = 16384
TEXT = 768

_MESH = plsc.VectorSubcoreMesh(core_axis_name="c", subcore_axis_name="s")



def _proj_body(p_ref, w_ref, b_ref, lo_ref, hi_ref):
    acc = jnp.dot(p_ref[...], w_ref[...], preferred_element_type=jnp.float32)
    acc = acc + b_ref[...]
    lo_ref[...] = acc[:, :128]
    hi_ref[...] = acc[:, 128:]


def _tc_proj(P, WprojP, bprojP):
    R = 1024
    return pl.pallas_call(
        _proj_body,
        grid=(NPAD // R,),
        in_specs=[
            pl.BlockSpec((R, 256), lambda i: (i, 0)),
            pl.BlockSpec((256, 256), lambda i: (0, 0)),
            pl.BlockSpec((1, 256), lambda i: (0, 0)),
        ],
        out_specs=[
            pl.BlockSpec((R, 128), lambda i: (i, 0)),
            pl.BlockSpec((R, 128), lambda i: (i, 0)),
        ],
        out_shape=[
            jax.ShapeDtypeStruct((NPAD, 128), jnp.float32),
            jax.ShapeDtypeStruct((NPAD, 128), jnp.float32),
        ],
    )(P, WprojP, bprojP)


def _conv_body(relu, slo_ref, shi_ref, xlo_ref, xhi_ref, cnt_ref,
               wla_ref, wlb_ref, wra_ref, wrb_ref, b_ref, lo_ref, hi_ref):
    c = jnp.maximum(cnt_ref[...], 1.0)
    alo = slo_ref[...] / c
    ahi = shi_ref[...] / c
    h = (jnp.dot(alo, wla_ref[...], preferred_element_type=jnp.float32)
         + jnp.dot(ahi, wlb_ref[...], preferred_element_type=jnp.float32)
         + jnp.dot(xlo_ref[...], wra_ref[...], preferred_element_type=jnp.float32)
         + jnp.dot(xhi_ref[...], wrb_ref[...], preferred_element_type=jnp.float32)
         + b_ref[...])
    if relu:
        h = jnp.maximum(h, 0.0)
    lo_ref[...] = h[:, :128]
    hi_ref[...] = h[:, 128:]


def _tc_conv(slo, shi, xlo, xhi, cntc, WlP, WrP, br, relu):
    R = 1024
    return pl.pallas_call(
        functools.partial(_conv_body, relu),
        grid=(NPAD // R,),
        in_specs=[
            pl.BlockSpec((R, 128), lambda i: (i, 0)),
            pl.BlockSpec((R, 128), lambda i: (i, 0)),
            pl.BlockSpec((R, 128), lambda i: (i, 0)),
            pl.BlockSpec((R, 128), lambda i: (i, 0)),
            pl.BlockSpec((R, 1), lambda i: (i, 0)),
            pl.BlockSpec((128, 256), lambda i: (0, 0)),
            pl.BlockSpec((128, 256), lambda i: (0, 0)),
            pl.BlockSpec((128, 256), lambda i: (0, 0)),
            pl.BlockSpec((128, 256), lambda i: (0, 0)),
            pl.BlockSpec((1, 256), lambda i: (0, 0)),
        ],
        out_specs=[
            pl.BlockSpec((R, 128), lambda i: (i, 0)),
            pl.BlockSpec((R, 128), lambda i: (i, 0)),
        ],
        out_shape=[
            jax.ShapeDtypeStruct((NPAD, 128), jnp.float32),
            jax.ShapeDtypeStruct((NPAD, 128), jnp.float32),
        ],
    )(slo, shi, xlo, xhi, cntc, WlP[:128], WlP[128:], WrP[:128], WrP[128:], br)


def _final_body(q_ref, mlo_ref, mhi_ref, wt_ref, bt_ref, wc_ref, bc_ref, out_ref):
    pr = jnp.dot(q_ref[...], wt_ref[...], preferred_element_type=jnp.float32)
    pr = pr + bt_ref[...]
    tlo = mlo_ref[...] * pr[:, :128]
    thi = mhi_ref[...] * pr[:, 128:]
    out_ref[...] = (jnp.dot(tlo, wc_ref[:128], preferred_element_type=jnp.float32)
                    + jnp.dot(thi, wc_ref[128:], preferred_element_type=jnp.float32)
                    + bc_ref[...])


def _tc_final(qg, mlo, mhi, WtP, btP, WcP, bcP):
    R = 512
    return pl.pallas_call(
        _final_body,
        grid=(B // R,),
        in_specs=[
            pl.BlockSpec((R, TEXT), lambda i: (i, 0)),
            pl.BlockSpec((R, 128), lambda i: (i, 0)),
            pl.BlockSpec((R, 128), lambda i: (i, 0)),
            pl.BlockSpec((TEXT, 256), lambda i: (0, 0)),
            pl.BlockSpec((1, 256), lambda i: (0, 0)),
            pl.BlockSpec((256, 128), lambda i: (0, 0)),
            pl.BlockSpec((1, 128), lambda i: (0, 0)),
        ],
        out_specs=pl.BlockSpec((R, 128), lambda i: (i, 0)),
        out_shape=jax.ShapeDtypeStruct((B, 128), jnp.float32),
    )(qg, mlo, mhi, WtP, btP, WcP, bcP)



def _segsum_body(with_counts, *refs):
    if with_counts:
        (tlo, thi, src2, dst2, zf, z1, ones,
         out_lo, out_hi, cnt_out,
         src_v, dst_v, rows0, rows1, z_v, z1_v, ones_v, acc, cnt_acc,
         sem0, sem1) = refs
    else:
        (tlo, thi, src2, dst2, zf,
         out_lo, out_hi,
         src_v, dst_v, rows0, rows1, z_v, acc,
         sem0, sem1) = refs
    cid = lax.axis_index("c")
    sid = lax.axis_index("s")

    pltpu.sync_copy(zf, z_v)
    for j in range(40):
        pltpu.sync_copy(z_v, acc.at[pl.ds(sid * 640 + j * 16, 16)])
    if with_counts:
        pltpu.sync_copy(z1, z1_v)
        pltpu.sync_copy(z1_v, cnt_acc.at[pl.ds(sid * 640, 640)])
        pltpu.sync_copy(ones, ones_v)
    plsc.subcore_barrier()

    def run(table):
        def half(h):
            pltpu.sync_copy(src2.at[pl.ds(sid * CHN + h * 40, 40)], src_v)
            pltpu.sync_copy(dst2.at[pl.ds(sid * CHN + h * 40, 40)], dst_v)
            pltpu.async_copy(table.at[src_v.at[0]], rows0, sem0)

            def step(t, carry):
                j0 = 2 * t
                pltpu.make_async_copy(table.at[src_v.at[j0]], rows0, sem0).wait()
                pltpu.async_copy(table.at[src_v.at[j0 + 1]], rows1, sem1)
                pltpu.sync_copy(rows0, acc.at[dst_v.at[j0]], add=True)
                if with_counts:
                    pltpu.sync_copy(ones_v, cnt_acc.at[dst_v.at[j0]], add=True)
                pltpu.make_async_copy(table.at[src_v.at[j0 + 1]], rows1, sem1).wait()

                @pl.when(j0 + 2 < 40)
                def _():
                    pltpu.async_copy(table.at[src_v.at[j0 + 2]], rows0, sem0)

                pltpu.sync_copy(rows1, acc.at[dst_v.at[j0 + 1]], add=True)
                if with_counts:
                    pltpu.sync_copy(ones_v, cnt_acc.at[dst_v.at[j0 + 1]], add=True)
                return carry
            lax.fori_loop(0, 20, step, 0)

        half(0)
        half(1)

    @pl.when(cid == 0)
    def _():
        run(tlo)

    @pl.when(cid == 1)
    def _():
        run(thi)

    plsc.subcore_barrier()

    @pl.when(cid == 0)
    def _():
        pltpu.sync_copy(acc.at[pl.ds(sid * 640, 640)],
                        out_lo.at[pl.ds(sid * 640, 640)])
        if with_counts:
            pltpu.sync_copy(cnt_acc.at[pl.ds(sid * 640, 640)],
                            cnt_out.at[pl.ds(sid * 640, 640)])

    @pl.when(cid == 1)
    def _():
        pltpu.sync_copy(acc.at[pl.ds(sid * 640, 640)],
                        out_hi.at[pl.ds(sid * 640, 640)])


_sc_segsum_cnt = pl.kernel(
    functools.partial(_segsum_body, True),
    out_type=[
        jax.ShapeDtypeStruct((NPAD, 128), jnp.float32),
        jax.ShapeDtypeStruct((NPAD, 128), jnp.float32),
        jax.ShapeDtypeStruct((NPAD,), jnp.float32),
    ],
    mesh=_MESH,
    scratch_types=[
        pltpu.VMEM((40, CW), jnp.int32),
        pltpu.VMEM((40, CW), jnp.int32),
        pltpu.VMEM((CW, 128), jnp.float32),
        pltpu.VMEM((CW, 128), jnp.float32),
        pltpu.VMEM((16, 128), jnp.float32),
        pltpu.VMEM((640,), jnp.float32),
        pltpu.VMEM((CW,), jnp.float32),
        pltpu.VMEM_SHARED((NPAD, 128), jnp.float32),
        pltpu.VMEM_SHARED((NPAD,), jnp.float32),
        pltpu.SemaphoreType.DMA,
        pltpu.SemaphoreType.DMA,
    ],
)

_sc_segsum_nocnt = pl.kernel(
    functools.partial(_segsum_body, False),
    out_type=[
        jax.ShapeDtypeStruct((NPAD, 128), jnp.float32),
        jax.ShapeDtypeStruct((NPAD, 128), jnp.float32),
    ],
    mesh=_MESH,
    scratch_types=[
        pltpu.VMEM((40, CW), jnp.int32),
        pltpu.VMEM((40, CW), jnp.int32),
        pltpu.VMEM((CW, 128), jnp.float32),
        pltpu.VMEM((CW, 128), jnp.float32),
        pltpu.VMEM((16, 128), jnp.float32),
        pltpu.VMEM_SHARED((NPAD, 128), jnp.float32),
        pltpu.SemaphoreType.DMA,
        pltpu.SemaphoreType.DMA,
    ],
)


def _gather_model_body(tlo, thi, idx2, out_lo, out_hi, idx_v, rows_v, sem):
    cid = lax.axis_index("c")
    sid = lax.axis_index("s")
    pltpu.sync_copy(idx2.at[pl.ds(sid * 8, 8)], idx_v)

    def run(table, out):
        def step(j, carry):
            pltpu.async_copy(table.at[idx_v.at[j]], rows_v, sem).wait()
            pltpu.sync_copy(rows_v, out.at[pl.ds(sid * 1024 + j * 128, 128)])
            return carry
        lax.fori_loop(0, 8, step, 0)

    @pl.when(cid == 0)
    def _():
        run(tlo, out_lo)

    @pl.when(cid == 1)
    def _():
        run(thi, out_hi)


_sc_gather_model = pl.kernel(
    _gather_model_body,
    out_type=[
        jax.ShapeDtypeStruct((B, 128), jnp.float32),
        jax.ShapeDtypeStruct((B, 128), jnp.float32),
    ],
    mesh=_MESH,
    scratch_types=[
        pltpu.VMEM((8, 128), jnp.int32),
        pltpu.VMEM((128, 128), jnp.float32),
        pltpu.SemaphoreType.DMA,
    ],
)


def _gather_q_body(q_hbm, idx2, out, idx_v, rows_v, sem):
    cid = lax.axis_index("c")
    sid = lax.axis_index("s")
    wid = sid * 2 + cid
    pltpu.sync_copy(idx2.at[pl.ds(wid * 8, 8)], idx_v)

    def step(j, carry):
        pltpu.async_copy(q_hbm.at[idx_v.at[j]], rows_v, sem).wait()
        pltpu.sync_copy(rows_v, out.at[pl.ds(wid * 512 + j * 64, 64)])
        return carry
    lax.fori_loop(0, 8, step, 0)


_sc_gather_q = pl.kernel(
    _gather_q_body,
    out_type=jax.ShapeDtypeStruct((B, TEXT), jnp.float32),
    mesh=_MESH,
    scratch_types=[
        pltpu.VMEM((8, 64), jnp.int32),
        pltpu.VMEM((64, TEXT), jnp.float32),
        pltpu.SemaphoreType.DMA,
    ],
)



def kernel(model_id, prompt_id, edge_index, P, Q, W_proj, b_proj,
           Wl1, Wr1, b1, Wl2, Wr2, b2, W_text, b_text, W_cls, b_cls):
    f32 = jnp.float32
    model_id = model_id.astype(jnp.int32)
    prompt_id = prompt_id.astype(jnp.int32)
    src = edge_index[0].astype(jnp.int32)
    dst = edge_index[1].astype(jnp.int32)
    src2d = jnp.concatenate([src, jnp.zeros((EPAD - E,), jnp.int32)]).reshape(ECH, CW)
    dst2d = jnp.concatenate([dst, jnp.full((EPAD - E,), N, jnp.int32)]).reshape(ECH, CW)
    mid2d = model_id.reshape(128, 128)
    pid2d = prompt_id.reshape(256, 64)

    WprojP = jnp.pad(W_proj, ((0, 0), (0, 24)))
    bprojP = jnp.pad(b_proj, (0, 24)).reshape(1, 256)
    Wl1P = jnp.pad(Wl1, ((0, 24), (0, 0)))
    Wr1P = jnp.pad(Wr1, ((0, 24), (0, 0)))
    b1r = b1.reshape(1, 256)
    Wl2P = jnp.pad(Wl2, ((0, 0), (0, 24)))
    Wr2P = jnp.pad(Wr2, ((0, 0), (0, 24)))
    b2P = jnp.pad(b2, (0, 24)).reshape(1, 256)
    WtP = jnp.pad(W_text, ((0, 0), (0, 24)))
    btP = jnp.pad(b_text, (0, 24)).reshape(1, 256)
    WcP = jnp.pad(W_cls, ((0, 24), (0, 128 - W_cls.shape[1])))
    bcP = jnp.pad(b_cls, (0, 128 - b_cls.shape[0])).reshape(1, 128)

    zf = jnp.zeros((16, 128), f32)
    z1 = jnp.zeros((640,), f32)
    ones = jnp.ones((CW,), f32)

    x_lo, x_hi = _tc_proj(P, WprojP, bprojP)
    s1_lo, s1_hi, cnt = _sc_segsum_cnt(x_lo, x_hi, src2d, dst2d, zf, z1, ones)
    cntc = cnt.reshape(NPAD, 1)
    h1_lo, h1_hi = _tc_conv(s1_lo, s1_hi, x_lo, x_hi, cntc, Wl1P, Wr1P, b1r, True)
    s2_lo, s2_hi = _sc_segsum_nocnt(h1_lo, h1_hi, src2d, dst2d, zf)
    h2_lo, h2_hi = _tc_conv(s2_lo, s2_hi, h1_lo, h1_hi, cntc, Wl2P, Wr2P, b2P, False)
    mr_lo, mr_hi = _sc_gather_model(h2_lo, h2_hi, mid2d)
    qg = _sc_gather_q(Q, pid2d)
    out = _tc_final(qg, mr_lo, mr_hi, WtP, btP, WcP, bcP)
    return out[:, :2]

# --- scband reference (transcript-rebuilt; emitter-appended) ---
"""Pipeline reference for scband-graph-sage-text-mf-dyn-87411174408700 (READ-ONLY COPY).

The authoritative reference and input builder live on the scoring server;
editing this copy changes nothing except your own understanding.
"""

import jax, jax.numpy as jnp
import numpy as np

N_MODELS = 10000
N_PROMPTS = 100000
D_EMB = 256      # model_embedding_dim
D_ORIG = 232     # model_embedding_dim_origin (fixed class attr)
HID = 256        # hidden_dim
TEXT = 768       # text_dim
NCLS = 2
B = 16384
E = 160000


def setup_inputs(seed: int = 0) -> dict:
    key = jax.random.key(seed)
    ks = jax.random.split(key, 20)
    s = 0.02
    inp = {
        # forward args
        "model_id": jax.random.randint(ks[0], (B,), 0, N_MODELS, dtype=jnp.int64) if jax.config.jax_enable_x64 else jax.random.randint(ks[0], (B,), 0, N_MODELS, dtype=jnp.int32),
        "prompt_id": jax.random.randint(ks[1], (B,), 0, N_PROMPTS, dtype=jnp.int32),
        "edge_index": jax.random.randint(ks[2], (2, E), 0, N_MODELS, dtype=jnp.int32),
        # learned parameters
        "P": jax.random.normal(ks[3], (N_MODELS, D_EMB), jnp.float32) * s,          # nn.Embedding(num_models, model_embedding_dim)
        "Q": jax.random.normal(ks[4], (N_PROMPTS, TEXT), jnp.float32) * s,          # frozen question embeddings
        "W_proj": jax.random.normal(ks[5], (D_EMB, D_ORIG), jnp.float32) * s,       # model_proj
        "b_proj": jnp.zeros((D_ORIG,), jnp.float32),
        "Wl1": jax.random.normal(ks[6], (D_ORIG, HID), jnp.float32) * s,            # SAGEConv1 lin_l (neighbor aggr)
        "Wr1": jax.random.normal(ks[7], (D_ORIG, HID), jnp.float32) * s,            # SAGEConv1 lin_r (root)
        "b1": jnp.zeros((HID,), jnp.float32),
        "Wl2": jax.random.normal(ks[8], (HID, D_ORIG), jnp.float32) * s,            # SAGEConv2 lin_l
        "Wr2": jax.random.normal(ks[9], (HID, D_ORIG), jnp.float32) * s,            # SAGEConv2 lin_r
        "b2": jnp.zeros((D_ORIG,), jnp.float32),
        "W_text": jax.random.normal(ks[10], (TEXT, D_ORIG), jnp.float32) * s,       # text_proj
        "b_text": jnp.zeros((D_ORIG,), jnp.float32),
        "W_cls": jax.random.normal(ks[11], (D_ORIG, NCLS), jnp.float32) * s,        # classifier
        "b_cls": jnp.zeros((NCLS,), jnp.float32),
    }
    return inp


def _sage_conv(x, src, dst, Wl, Wr, b):
    # PyG SAGEConv(aggr='mean'): out = lin_l(mean_{j in N(i)} x_j) + lin_r(x_i) + bias
    n = x.shape[0]
    msgs = jnp.take(x, src, axis=0)
    sums = jnp.zeros((n, x.shape[1]), x.dtype).at[dst].add(msgs)
    cnt = jnp.zeros((n,), x.dtype).at[dst].add(1.0)
    aggr = sums / jnp.clip(cnt, 1.0)[:, None]
    return aggr @ Wl + x @ Wr + b


def reference(model_id, prompt_id, edge_index, P, Q, W_proj, b_proj,
              Wl1, Wr1, b1, Wl2, Wr2, b2, W_text, b_text, W_cls, b_cls):
    # project all model embeddings to the GNN working dim (232)
    x = P @ W_proj + b_proj                                # [N_MODELS, 232]
    src = edge_index[0]
    dst = edge_index[1]
    h = jax.nn.relu(_sage_conv(x, src, dst, Wl1, Wr1, b1))  # [N_MODELS, 256]
    h = _sage_conv(h, src, dst, Wl2, Wr2, b2)               # [N_MODELS, 232]
    model_repr = jnp.take(h, model_id, axis=0)              # [B, 232] gather
    prompt_repr = jnp.take(Q, prompt_id, axis=0) @ W_text + b_text  # [B, 232]
    logits = (model_repr * prompt_repr) @ W_cls + b_cls     # [B, 2]
    return logits

if __name__ == "__main__":
    import jax
    _d = setup_inputs()
    print(jax.jit(kernel)(*tuple(_d.values())))

</pallas_src>

<mosaic_0001>
#map = affine_map<(d0, d1) -> (0, 0)>
module attributes {stable_mosaic.version = 14 : i64} {
  func.func @_gather_q_body(%arg0: i32, %arg1: i32, %arg2: memref<100000x768xf32, #tpu.memory_space<hbm>>, %arg3: memref<256x64xi32, #tpu.memory_space<hbm>>, %arg4: memref<16384x768xf32, #tpu.memory_space<hbm>>, %arg5: memref<8x64xi32, #tpu.memory_space<vmem>>, %arg6: memref<64x768xf32, #tpu.memory_space<vmem>>, %arg7: memref<!tpu.dma_semaphore, #tpu.memory_space<semaphore_mem>>) attributes {dimension_semantics = [#tpu.dimension_semantics<core_parallel>, #tpu.dimension_semantics<subcore_parallel>], iteration_bounds = array<i64: 2, 16>, scalar_prefetch = 0 : i64, scratch_operands = 3 : i64, tpu.core_type = #tpu.core_type<sc_vector_subcore>, window_params = [{transform_indices = #map}, {transform_indices = #map}, {transform_indices = #map}]} {
    %mul3A = arith.constant 2 : i32
    %mul3A_0 = arith.muli %arg1, %mul3A : i32
    %add3A = arith.addi %mul3A_0, %arg0 : i32
    %mul3A_1 = arith.constant 8 : i32
    %mul3A_2 = arith.muli %add3A, %mul3A_1 : i32
    "tpu.region"() ({
      %run_scoped3A = tpu.sem_alloc : memref<!tpu.dma_semaphore, #tpu.memory_space<semaphore_mem>>
      %dma_start3A = arith.constant 0 : i32
      %dma_start3A_8 = tpu.memref_slice %arg3[%mul3A_2, %dma_start3A] : memref<256x64xi32, #tpu.memory_space<hbm>> -> memref<8x64xi32, #tpu.memory_space<hbm>>
      %dma_start3A_9 = arith.constant 0 : i32
      %dma_start3A_10 = tpu.memref_slice %arg3[%mul3A_2, %dma_start3A_9] : memref<256x64xi32, #tpu.memory_space<hbm>> -> memref<8x64xi32, #tpu.memory_space<hbm>>
      tpu.enqueue_dma source(%dma_start3A_10 : memref<8x64xi32, #tpu.memory_space<hbm>>) target(%arg5 : memref<8x64xi32, #tpu.memory_space<vmem>>) target_semaphore(%run_scoped3A : memref<!tpu.dma_semaphore, #tpu.memory_space<semaphore_mem>>)
      %dma_wait3A = arith.constant 0 : i32
      %dma_wait3A_11 = tpu.memref_slice %arg3[%mul3A_2, %dma_wait3A] : memref<256x64xi32, #tpu.memory_space<hbm>> -> memref<8x64xi32, #tpu.memory_space<hbm>>
      %dma_wait3A_12 = arith.constant 0 : i32
      %dma_wait3A_13 = tpu.memref_slice %arg3[%mul3A_2, %dma_wait3A_12] : memref<256x64xi32, #tpu.memory_space<hbm>> -> memref<8x64xi32, #tpu.memory_space<hbm>>
      tpu.wait_dma2 semaphore(%run_scoped3A : memref<!tpu.dma_semaphore, #tpu.memory_space<semaphore_mem>>) src(%dma_wait3A_13 : memref<8x64xi32, #tpu.memory_space<hbm>>) dst(%arg5 : memref<8x64xi32, #tpu.memory_space<vmem>>)
      tpu.yield
    }) : () -> ()
    %scan3A = arith.constant 0 : i32
    %scan3A_3 = arith.constant 0 : i32
    %scan3A_4 = arith.constant 8 : i32
    %scan3A_5 = arith.addi %scan3A_3, %scan3A_4 : i32
    %scan3A_6 = arith.constant 1 : i32
    scf.for %scan3A_8 = %scan3A_3 to %scan3A_5 step %scan3A_6  : i32 {
      %dma_start3A = arith.constant 0 : i32
      %dma_start3A_9 = tpu.memref_slice %arg5[%scan3A_8, %dma_start3A] : memref<8x64xi32, #tpu.memory_space<vmem>> -> memref<1x64xi32, #tpu.memory_space<vmem>>
      %dma_start3A_10 = tpu.memref_squeeze %dma_start3A_9 : memref<1x64xi32, #tpu.memory_space<vmem>> -> memref<64xi32, #tpu.memory_space<vmem>>
      %dma_start3A_11 = arith.constant 0 : i32
      %dma_start3A_12 = arith.constant 0 : i32
      %dma_start3A_13 = tpu.memref_slice %arg2[%dma_start3A_11, %dma_start3A_12] : memref<100000x768xf32, #tpu.memory_space<hbm>> -> memref<100000x768xf32, #tpu.memory_space<hbm>>
      tpu.enqueue_indirect_dma source(%dma_start3A_13 : memref<100000x768xf32, #tpu.memory_space<hbm>>) target(%arg6 : memref<64x768xf32, #tpu.memory_space<vmem>>) offsets(%dma_start3A_10 : memref<64xi32, #tpu.memory_space<vmem>>) semaphore(%arg7 : memref<!tpu.dma_semaphore, #tpu.memory_space<semaphore_mem>>)
      %dma_wait3A = arith.constant 0 : i32
      %dma_wait3A_14 = tpu.memref_slice %arg5[%scan3A_8, %dma_wait3A] : memref<8x64xi32, #tpu.memory_space<vmem>> -> memref<1x64xi32, #tpu.memory_space<vmem>>
      %dma_wait3A_15 = tpu.memref_squeeze %dma_wait3A_14 : memref<1x64xi32, #tpu.memory_space<vmem>> -> memref<64xi32, #tpu.memory_space<vmem>>
      %dma_wait3A_16 = arith.constant 0 : i32
      %dma_wait3A_17 = arith.constant 0 : i32
      %dma_wait3A_18 = tpu.memref_slice %arg2[%dma_wait3A_16, %dma_wait3A_17] : memref<100000x768xf32, #tpu.memory_space<hbm>> -> memref<100000x768xf32, #tpu.memory_space<hbm>>
      tpu.wait_indirect_dma semaphore(%arg7 : memref<!tpu.dma_semaphore, #tpu.memory_space<semaphore_mem>>) src(%dma_wait3A_18 : memref<100000x768xf32, #tpu.memory_space<hbm>>) dst(%arg6 : memref<64x768xf32, #tpu.memory_space<vmem>>)
      %mul3A_19 = arith.constant 512 : i32
      %mul3A_20 = arith.muli %add3A, %mul3A_19 : i32
      %mul3A_21 = arith.constant 64 : i32
      %mul3A_22 = arith.muli %scan3A_8, %mul3A_21 : i32
      %add3A_23 = arith.addi %mul3A_20, %mul3A_22 : i32
      "tpu.region"() ({
        %run_scoped3A = tpu.sem_alloc : memref<!tpu.dma_semaphore, #tpu.memory_space<semaphore_mem>>
        %dma_start3A_24 = arith.constant 0 : i32
        %dma_start3A_25 = tpu.memref_slice %arg4[%add3A_23, %dma_start3A_24] : memref<16384x768xf32, #tpu.memory_space<hbm>> -> memref<64x768xf32, #tpu.memory_space<hbm>>
        %dma_start3A_26 = arith.constant 0 : i32
        %dma_start3A_27 = tpu.memref_slice %arg4[%add3A_23, %dma_start3A_26] : memref<16384x768xf32, #tpu.memory_space<hbm>> -> memref<64x768xf32, #tpu.memory_space<hbm>>
        tpu.enqueue_dma source(%arg6 : memref<64x768xf32, #tpu.memory_space<vmem>>) target(%dma_start3A_27 : memref<64x768xf32, #tpu.memory_space<hbm>>) target_semaphore(%run_scoped3A : memref<!tpu.dma_semaphore, #tpu.memory_space<semaphore_mem>>)
        %dma_wait3A_28 = arith.constant 0 : i32
        %dma_wait3A_29 = tpu.memref_slice %arg4[%add3A_23, %dma_wait3A_28] : memref<16384x768xf32, #tpu.memory_space<hbm>> -> memref<64x768xf32, #tpu.memory_space<hbm>>
        %dma_wait3A_30 = arith.constant 0 : i32
        %dma_wait3A_31 = tpu.memref_slice %arg4[%add3A_23, %dma_wait3A_30] : memref<16384x768xf32, #tpu.memory_space<hbm>> -> memref<64x768xf32, #tpu.memory_space<hbm>>
        tpu.wait_dma2 semaphore(%run_scoped3A : memref<!tpu.dma_semaphore, #tpu.memory_space<semaphore_mem>>) src(%arg6 : memref<64x768xf32, #tpu.memory_space<vmem>>) dst(%dma_wait3A_31 : memref<64x768xf32, #tpu.memory_space<hbm>>)
        tpu.yield
      }) : () -> ()
    }
    %scan3A_7 = arith.constant 8 : i32
    return
  }
}

#map = affine_map<(d0, d1) -> (0, 0)>
module attributes {stable_mosaic.version = 14 : i64} {
  func.func @_gather_model_body(%arg0: i32, %arg1: i32, %arg2: memref<10240x128xf32, #tpu.memory_space<hbm>>, %arg3: memref<10240x128xf32, #tpu.memory_space<hbm>>, %arg4: memref<128x128xi32, #tpu.memory_space<hbm>>, %arg5: memref<16384x128xf32, #tpu.memory_space<hbm>>, %arg6: memref<16384x128xf32, #tpu.memory_space<hbm>>, %arg7: memref<8x128xi32, #tpu.memory_space<vmem>>, %arg8: memref<128x128xf32, #tpu.memory_space<vmem>>, %arg9: memref<!tpu.dma_semaphore, #tpu.memory_space<semaphore_mem>>) attributes {dimension_semantics = [#tpu.dimension_semantics<core_parallel>, #tpu.dimension_semantics<subcore_parallel>], iteration_bounds = array<i64: 2, 16>, scalar_prefetch = 0 : i64, scratch_operands = 3 : i64, tpu.core_type = #tpu.core_type<sc_vector_subcore>, window_params = [{transform_indices = #map}, {transform_indices = #map}, {transform_indices = #map}, {transform_indices = #map}, {transform_indices = #map}]} {
    %mul3A = arith.constant 8 : i32
    %mul3A_0 = arith.muli %arg1, %mul3A : i32
    "tpu.region"() ({
      %run_scoped3A = tpu.sem_alloc : memref<!tpu.dma_semaphore, #tpu.memory_space<semaphore_mem>>
      %dma_start3A = arith.constant 0 : i32
      %dma_start3A_8 = tpu.memref_slice %arg4[%mul3A_0, %dma_start3A] : memref<128x128xi32, #tpu.memory_space<hbm>> -> memref<8x128xi32, #tpu.memory_space<hbm>>
      %dma_start3A_9 = arith.constant 0 : i32
      %dma_start3A_10 = tpu.memref_slice %arg4[%mul3A_0, %dma_start3A_9] : memref<128x128xi32, #tpu.memory_space<hbm>> -> memref<8x128xi32, #tpu.memory_space<hbm>>
      tpu.enqueue_dma source(%dma_start3A_10 : memref<8x128xi32, #tpu.memory_space<hbm>>) target(%arg7 : memref<8x128xi32, #tpu.memory_space<vmem>>) target_semaphore(%run_scoped3A : memref<!tpu.dma_semaphore, #tpu.memory_space<semaphore_mem>>)
      %dma_wait3A = arith.constant 0 : i32
      %dma_wait3A_11 = tpu.memref_slice %arg4[%mul3A_0, %dma_wait3A] : memref<128x128xi32, #tpu.memory_space<hbm>> -> memref<8x128xi32, #tpu.memory_space<hbm>>
      %dma_wait3A_12 = arith.constant 0 : i32
      %dma_wait3A_13 = tpu.memref_slice %arg4[%mul3A_0, %dma_wait3A_12] : memref<128x128xi32, #tpu.memory_space<hbm>> -> memref<8x128xi32, #tpu.memory_space<hbm>>
      tpu.wait_dma2 semaphore(%run_scoped3A : memref<!tpu.dma_semaphore, #tpu.memory_space<semaphore_mem>>) src(%dma_wait3A_13 : memref<8x128xi32, #tpu.memory_space<hbm>>) dst(%arg7 : memref<8x128xi32, #tpu.memory_space<vmem>>)
      tpu.yield
    }) : () -> ()
    %eq3A = arith.constant 0 : i32
    %eq3A_1 = arith.cmpi eq, %arg0, %eq3A : i32
    %convert_element_type3A = arith.extui %eq3A_1 : i1 to i32
    %cond3A = arith.constant 0 : i32
    %cond3A_2 = arith.cmpi ne, %convert_element_type3A, %cond3A : i32
    scf.if %cond3A_2 {
      %scan3A = arith.constant 0 : i32
      %scan3A_8 = arith.constant 0 : i32
      %scan3A_9 = arith.constant 8 : i32
      %scan3A_10 = arith.addi %scan3A_8, %scan3A_9 : i32
      %scan3A_11 = arith.constant 1 : i32
      scf.for %scan3A_13 = %scan3A_8 to %scan3A_10 step %scan3A_11  : i32 {
        %dma_start3A = arith.constant 0 : i32
        %dma_start3A_14 = tpu.memref_slice %arg7[%scan3A_13, %dma_start3A] : memref<8x128xi32, #tpu.memory_space<vmem>> -> memref<1x128xi32, #tpu.memory_space<vmem>>
        %dma_start3A_15 = tpu.memref_squeeze %dma_start3A_14 : memref<1x128xi32, #tpu.memory_space<vmem>> -> memref<128xi32, #tpu.memory_space<vmem>>
        %dma_start3A_16 = arith.constant 0 : i32
        %dma_start3A_17 = arith.constant 0 : i32
        %dma_start3A_18 = tpu.memref_slice %arg2[%dma_start3A_16, %dma_start3A_17] : memref<10240x128xf32, #tpu.memory_space<hbm>> -> memref<10240x128xf32, #tpu.memory_space<hbm>>
        tpu.enqueue_indirect_dma source(%dma_start3A_18 : memref<10240x128xf32, #tpu.memory_space<hbm>>) target(%arg8 : memref<128x128xf32, #tpu.memory_space<vmem>>) offsets(%dma_start3A_15 : memref<128xi32, #tpu.memory_space<vmem>>) semaphore(%arg9 : memref<!tpu.dma_semaphore, #tpu.memory_space<semaphore_mem>>)
        %dma_wait3A = arith.constant 0 : i32
        %dma_wait3A_19 = tpu.memref_slice %arg7[%scan3A_13, %dma_wait3A] : memref<8x128xi32, #tpu.memory_space<vmem>> -> memref<1x128xi32, #tpu.memory_space<vmem>>
        %dma_wait3A_20 = tpu.memref_squeeze %dma_wait3A_19 : memref<1x128xi32, #tpu.memory_space<vmem>> -> memref<128xi32, #tpu.memory_space<vmem>>
        %dma_wait3A_21 = arith.constant 0 : i32
        %dma_wait3A_22 = arith.constant 0 : i32
        %dma_wait3A_23 = tpu.memref_slice %arg2[%dma_wait3A_21, %dma_wait3A_22] : memref<10240x128xf32, #tpu.memory_space<hbm>> -> memref<10240x128xf32, #tpu.memory_space<hbm>>
        tpu.wait_indirect_dma semaphore(%arg9 : memref<!tpu.dma_semaphore, #tpu.memory_space<semaphore_mem>>) src(%dma_wait3A_23 : memref<10240x128xf32, #tpu.memory_space<hbm>>) dst(%arg8 : memref<128x128xf32, #tpu.memory_space<vmem>>)
        %mul3A_24 = arith.constant 1024 : i32
        %mul3A_25 = arith.muli %arg1, %mul3A_24 : i32
        %mul3A_26 = arith.constant 128 : i32
        %mul3A_27 = arith.muli %scan3A_13, %mul3A_26 : i32
        %add3A = arith.addi %mul3A_25, %mul3A_27 : i32
        "tpu.region"() ({
          %run_scoped3A = tpu.sem_alloc : memref<!tpu.dma_semaphore, #tpu.memory_space<semaphore_mem>>
          %dma_start3A_28 = arith.constant 0 : i32
          %dma_start3A_29 = tpu.memref_slice %arg5[%add3A, %dma_start3A_28] : memref<16384x128xf32, #tpu.memory_space<hbm>> -> memref<128x128xf32, #tpu.memory_space<hbm>>
          %dma_start3A_30 = arith.constant 0 : i32
          %dma_start3A_31 = tpu.memref_slice %arg5[%add3A, %dma_start3A_30] : memref<16384x128xf32, #tpu.memory_space<hbm>> -> memref<128x128xf32, #tpu.memory_space<hbm>>
          tpu.enqueue_dma source(%arg8 : memref<128x128xf32, #tpu.memory_space<vmem>>) target(%dma_start3A_31 : memref<128x128xf32, #tpu.memory_space<hbm>>) target_semaphore(%run_scoped3A : memref<!tpu.dma_semaphore, #tpu.memory_space<semaphore_mem>>)
          %dma_wait3A_32 = arith.constant 0 : i32
          %dma_wait3A_33 = tpu.memref_slice %arg5[%add3A, %dma_wait3A_32] : memref<16384x128xf32, #tpu.memory_space<hbm>> -> memref<128x128xf32, #tpu.memory_space<hbm>>
          %dma_wait3A_34 = arith.constant 0 : i32
          %dma_wait3A_35 = tpu.memref_slice %arg5[%add3A, %dma_wait3A_34] : memref<16384x128xf32, #tpu.memory_space<hbm>> -> memref<128x128xf32, #tpu.memory_space<hbm>>
          tpu.wait_dma2 semaphore(%run_scoped3A : memref<!tpu.dma_semaphore, #tpu.memory_space<semaphore_mem>>) src(%arg8 : memref<128x128xf32, #tpu.memory_space<vmem>>) dst(%dma_wait3A_35 : memref<128x128xf32, #tpu.memory_space<hbm>>)
          tpu.yield
        }) : () -> ()
      }
      %scan3A_12 = arith.constant 8 : i32
    } else {
    }
    %eq3A_3 = arith.constant 1 : i32
    %eq3A_4 = arith.cmpi eq, %arg0, %eq3A_3 : i32
    %convert_element_type3A_5 = arith.extui %eq3A_4 : i1 to i32
    %cond3A_6 = arith.constant 0 : i32
    %cond3A_7 = arith.cmpi ne, %convert_element_type3A_5, %cond3A_6 : i32
    scf.if %cond3A_7 {
      %scan3A = arith.constant 0 : i32
      %scan3A_8 = arith.constant 0 : i32
      %scan3A_9 = arith.constant 8 : i32
      %scan3A_10 = arith.addi %scan3A_8, %scan3A_9 : i32
      %scan3A_11 = arith.constant 1 : i32
      scf.for %scan3A_13 = %scan3A_8 to %scan3A_10 step %scan3A_11  : i32 {
        %dma_start3A = arith.constant 0 : i32
        %dma_start3A_14 = tpu.memref_slice %arg7[%scan3A_13, %dma_start3A] : memref<8x128xi32, #tpu.memory_space<vmem>> -> memref<1x128xi32, #tpu.memory_space<vmem>>
        %dma_start3A_15 = tpu.memref_squeeze %dma_start3A_14 : memref<1x128xi32, #tpu.memory_space<vmem>> -> memref<128xi32, #tpu.memory_space<vmem>>
        %dma_start3A_16 = arith.constant 0 : i32
        %dma_start3A_17 = arith.constant 0 : i32
        %dma_start3A_18 = tpu.memref_slice %arg3[%dma_start3A_16, %dma_start3A_17] : memref<10240x128xf32, #tpu.memory_space<hbm>> -> memref<10240x128xf32, #tpu.memory_space<hbm>>
        tpu.enqueue_indirect_dma source(%dma_start3A_18 : memref<10240x128xf32, #tpu.memory_space<hbm>>) target(%arg8 : memref<128x128xf32, #tpu.memory_space<vmem>>) offsets(%dma_start3A_15 : memref<128xi32, #tpu.memory_space<vmem>>) semaphore(%arg9 : memref<!tpu.dma_semaphore, #tpu.memory_space<semaphore_mem>>)
        %dma_wait3A = arith.constant 0 : i32
        %dma_wait3A_19 = tpu.memref_slice %arg7[%scan3A_13, %dma_wait3A] : memref<8x128xi32, #tpu.memory_space<vmem>> -> memref<1x128xi32, #tpu.memory_space<vmem>>
        %dma_wait3A_20 = tpu.memref_squeeze %dma_wait3A_19 : memref<1x128xi32, #tpu.memory_space<vmem>> -> memref<128xi32, #tpu.memory_space<vmem>>
        %dma_wait3A_21 = arith.constant 0 : i32
        %dma_wait3A_22 = arith.constant 0 : i32
        %dma_wait3A_23 = tpu.memref_slice %arg3[%dma_wait3A_21, %dma_wait3A_22] : memref<10240x128xf32, #tpu.memory_space<hbm>> -> memref<10240x128xf32, #tpu.memory_space<hbm>>
        tpu.wait_indirect_dma semaphore(%arg9 : memref<!tpu.dma_semaphore, #tpu.memory_space<semaphore_mem>>) src(%dma_wait3A_23 : memref<10240x128xf32, #tpu.memory_space<hbm>>) dst(%arg8 : memref<128x128xf32, #tpu.memory_space<vmem>>)
        %mul3A_24 = arith.constant 1024 : i32
        %mul3A_25 = arith.muli %arg1, %mul3A_24 : i32
        %mul3A_26 = arith.constant 128 : i32
        %mul3A_27 = arith.muli %scan3A_13, %mul3A_26 : i32
        %add3A = arith.addi %mul3A_25, %mul3A_27 : i32
        "tpu.region"() ({
          %run_scoped3A = tpu.sem_alloc : memref<!tpu.dma_semaphore, #tpu.memory_space<semaphore_mem>>
          %dma_start3A_28 = arith.constant 0 : i32
          %dma_start3A_29 = tpu.memref_slice %arg6[%add3A, %dma_start3A_28] : memref<16384x128xf32, #tpu.memory_space<hbm>> -> memref<128x128xf32, #tpu.memory_space<hbm>>
          %dma_start3A_30 = arith.constant 0 : i32
          %dma_start3A_31 = tpu.memref_slice %arg6[%add3A, %dma_start3A_30] : memref<16384x128xf32, #tpu.memory_space<hbm>> -> memref<128x128xf32, #tpu.memory_space<hbm>>
          tpu.enqueue_dma source(%arg8 : memref<128x128xf32, #tpu.memory_space<vmem>>) target(%dma_start3A_31 : memref<128x128xf32, #tpu.memory_space<hbm>>) target_semaphore(%run_scoped3A : memref<!tpu.dma_semaphore, #tpu.memory_space<semaphore_mem>>)
          %dma_wait3A_32 = arith.constant 0 : i32
          %dma_wait3A_33 = tpu.memref_slice %arg6[%add3A, %dma_wait3A_32] : memref<16384x128xf32, #tpu.memory_space<hbm>> -> memref<128x128xf32, #tpu.memory_space<hbm>>
          %dma_wait3A_34 = arith.constant 0 : i32
          %dma_wait3A_35 = tpu.memref_slice %arg6[%add3A, %dma_wait3A_34] : memref<16384x128xf32, #tpu.memory_space<hbm>> -> memref<128x128xf32, #tpu.memory_space<hbm>>
          tpu.wait_dma2 semaphore(%run_scoped3A : memref<!tpu.dma_semaphore, #tpu.memory_space<semaphore_mem>>) src(%arg8 : memref<128x128xf32, #tpu.memory_space<vmem>>) dst(%dma_wait3A_35 : memref<128x128xf32, #tpu.memory_space<hbm>>)
          tpu.yield
        }) : () -> ()
      }
      %scan3A_12 = arith.constant 8 : i32
    } else {
    }
    return
  }
}

#map = affine_map<(d0, d1) -> (0, 0)>
module attributes {stable_mosaic.version = 14 : i64} {
  func.func @_segsum_body(%arg0: i32, %arg1: i32, %arg2: memref<10240x128xf32, #tpu.memory_space<hbm>>, %arg3: memref<10240x128xf32, #tpu.memory_space<hbm>>, %arg4: memref<1280x128xi32, #tpu.memory_space<hbm>>, %arg5: memref<1280x128xi32, #tpu.memory_space<hbm>>, %arg6: memref<16x128xf32, #tpu.memory_space<hbm>>, %arg7: memref<10240x128xf32, #tpu.memory_space<hbm>>, %arg8: memref<10240x128xf32, #tpu.memory_space<hbm>>, %arg9: memref<40x128xi32, #tpu.memory_space<vmem>>, %arg10: memref<40x128xi32, #tpu.memory_space<vmem>>, %arg11: memref<128x128xf32, #tpu.memory_space<vmem>>, %arg12: memref<128x128xf32, #tpu.memory_space<vmem>>, %arg13: memref<16x128xf32, #tpu.memory_space<vmem>>, %arg14: memref<10240x128xf32, #tpu.memory_space<vmem_shared>>, %arg15: memref<!tpu.dma_semaphore, #tpu.memory_space<semaphore_mem>>, %arg16: memref<!tpu.dma_semaphore, #tpu.memory_space<semaphore_mem>>) attributes {dimension_semantics = [#tpu.dimension_semantics<core_parallel>, #tpu.dimension_semantics<subcore_parallel>], iteration_bounds = array<i64: 2, 16>, scalar_prefetch = 0 : i64, scratch_operands = 8 : i64, tpu.core_type = #tpu.core_type<sc_vector_subcore>, window_params = [{transform_indices = #map}, {transform_indices = #map}, {transform_indices = #map}, {transform_indices = #map}, {transform_indices = #map}, {transform_indices = #map}, {transform_indices = #map}]} {
    "tpu.region"() ({
      %run_scoped3A = tpu.sem_alloc : memref<!tpu.dma_semaphore, #tpu.memory_space<semaphore_mem>>
      tpu.enqueue_dma source(%arg6 : memref<16x128xf32, #tpu.memory_space<hbm>>) target(%arg13 : memref<16x128xf32, #tpu.memory_space<vmem>>) target_semaphore(%run_scoped3A : memref<!tpu.dma_semaphore, #tpu.memory_space<semaphore_mem>>)
      tpu.wait_dma2 semaphore(%run_scoped3A : memref<!tpu.dma_semaphore, #tpu.memory_space<semaphore_mem>>) src(%arg6 : memref<16x128xf32, #tpu.memory_space<hbm>>) dst(%arg13 : memref<16x128xf32, #tpu.memory_space<vmem>>)
      tpu.yield
    }) : () -> ()
    %mul3A = arith.constant 640 : i32
    %mul3A_0 = arith.muli %arg1, %mul3A : i32
    %add3A = arith.constant 0 : i32
    %add3A_1 = arith.addi %mul3A_0, %add3A : i32
    "tpu.region"() ({
      %run_scoped3A = tpu.sem_alloc : memref<!tpu.dma_semaphore, #tpu.memory_space<semaphore_mem>>
      %dma_start3A = arith.constant 0 : i32
      %dma_start3A_176 = tpu.memref_slice %arg14[%add3A_1, %dma_start3A] : memref<10240x128xf32, #tpu.memory_space<vmem_shared>> -> memref<16x128xf32, #tpu.memory_space<vmem_shared>>
      %dma_start3A_177 = arith.constant 0 : i32
      %dma_start3A_178 = tpu.memref_slice %arg14[%add3A_1, %dma_start3A_177] : memref<10240x128xf32, #tpu.memory_space<vmem_shared>> -> memref<16x128xf32, #tpu.memory_space<vmem_shared>>
      tpu.enqueue_dma source(%arg13 : memref<16x128xf32, #tpu.memory_space<vmem>>) target(%dma_start3A_178 : memref<16x128xf32, #tpu.memory_space<vmem_shared>>) target_semaphore(%run_scoped3A : memref<!tpu.dma_semaphore, #tpu.memory_space<semaphore_mem>>)
      %dma_wait3A = arith.constant 0 : i32
      %dma_wait3A_179 = tpu.memref_slice %arg14[%add3A_1, %dma_wait3A] : memref<10240x128xf32, #tpu.memory_space<vmem_shared>> -> memref<16x128xf32, #tpu.memory_space<vmem_shared>>
      %dma_wait3A_180 = arith.constant 0 : i32
      %dma_wait3A_181 = tpu.memref_slice %arg14[%add3A_1, %dma_wait3A_180] : memref<10240x128xf32, #tpu.memory_space<vmem_shared>> -> memref<16x128xf32, #tpu.memory_space<vmem_shared>>
      tpu.wait_dma2 semaphore(%run_scoped3A : memref<!tpu.dma_semaphore, #tpu.memory_space<semaphore_mem>>) src(%arg13 : memref<16x128xf32, #tpu.memory_space<vmem>>) dst(%dma_wait3A_181 : memref<16x128xf32, #tpu.memory_space<vmem_shared>>)
      tpu.yield
    }) : () -> ()
    %mul3A_2 = arith.constant 640 : i32
    %mul3A_3 = arith.muli %arg1, %mul3A_2 : i32
    %add3A_4 = arith.constant 16 : i32
    %add3A_5 = arith.addi %mul3A_3, %add3A_4 : i32
    "tpu.region"() ({
      %run_scoped3A = tpu.sem_alloc : memref<!tpu.dma_semaphore, #tpu.memory_space<semaphore_mem>>
      %dma_start3A = arith.constant 0 : i32
      %dma_start3A_176 = tpu.memref_slice %arg14[%add3A_5, %dma_start3A] : memref<10240x128xf32, #tpu.memory_space<vmem_shared>> -> memref<16x128xf32, #tpu.memory_space<vmem_shared>>
      %dma_start3A_177 = arith.constant 0 : i32
      %dma_start3A_178 = tpu.memref_slice %arg14[%add3A_5, %dma_start3A_177] : memref<10240x128xf32, #tpu.memory_space<vmem_shared>> -> memref<16x128xf32, #tpu.memory_space<vmem_shared>>
      tpu.enqueue_dma source(%arg13 : memref<16x128xf32, #tpu.memory_space<vmem>>) target(%dma_start3A_178 : memref<16x128xf32, #tpu.memory_space<vmem_shared>>) target_semaphore(%run_scoped3A : memref<!tpu.dma_semaphore, #tpu.memory_space<semaphore_mem>>)
      %dma_wait3A = arith.constant 0 : i32
      %dma_wait3A_179 = tpu.memref_slice %arg14[%add3A_5, %dma_wait3A] : memref<10240x128xf32, #tpu.memory_space<vmem_shared>> -> memref<16x128xf32, #tpu.memory_space<vmem_shared>>
      %dma_wait3A_180 = arith.constant 0 : i32
      %dma_wait3A_181 = tpu.memref_slice %arg14[%add3A_5, %dma_wait3A_180] : memref<10240x128xf32, #tpu.memory_space<vmem_shared>> -> memref<16x128xf32, #tpu.memory_space<vmem_shared>>
      tpu.wait_dma2 semaphore(%run_scoped3A : memref<!tpu.dma_semaphore, #tpu.memory_space<semaphore_mem>>) src(%arg13 : memref<16x128xf32, #tpu.memory_space<vmem>>) dst(%dma_wait3A_181 : memref<16x128xf32, #tpu.memory_space<vmem_shared>>)
      tpu.yield
    }) : () -> ()
    %mul3A_6 = arith.constant 640 : i32
    %mul3A_7 = arith.muli %arg1, %mul3A_6 : i32
    %add3A_8 = arith.constant 32 : i32
    %add3A_9 = arith.addi %mul3A_7, %add3A_8 : i32
    "tpu.region"() ({
      %run_scoped3A = tpu.sem_alloc : memref<!tpu.dma_semaphore, #tpu.memory_space<semaphore_mem>>
      %dma_start3A = arith.constant 0 : i32
      %dma_start3A_176 = tpu.memref_slice %arg14[%add3A_9, %dma_start3A] : memref<10240x128xf32, #tpu.memory_space<vmem_shared>> -> memref<16x128xf32, #tpu.memory_space<vmem_shared>>
      %dma_start3A_177 = arith.constant 0 : i32
      %dma_start3A_178 = tpu.memref_slice %arg14[%add3A_9, %dma_start3A_177] : memref<10240x128xf32, #tpu.memory_space<vmem_shared>> -> memref<16x128xf32, #tpu.memory_space<vmem_shared>>
      tpu.enqueue_dma source(%arg13 : memref<16x128xf32, #tpu.memory_space<vmem>>) target(%dma_start3A_178 : memref<16x128xf32, #tpu.memory_space<vmem_shared>>) target_semaphore(%run_scoped3A : memref<!tpu.dma_semaphore, #tpu.memory_space<semaphore_mem>>)
      %dma_wait3A = arith.constant 0 : i32
      %dma_wait3A_179 = tpu.memref_slice %arg14[%add3A_9, %dma_wait3A] : memref<10240x128xf32, #tpu.memory_space<vmem_shared>> -> memref<16x128xf32, #tpu.memory_space<vmem_shared>>
      %dma_wait3A_180 = arith.constant 0 : i32
      %dma_wait3A_181 = tpu.memref_slice %arg14[%add3A_9, %dma_wait3A_180] : memref<10240x128xf32, #tpu.memory_space<vmem_shared>> -> memref<16x128xf32, #tpu.memory_space<vmem_shared>>
      tpu.wait_dma2 semaphore(%run_scoped3A : memref<!tpu.dma_semaphore, #tpu.memory_space<semaphore_mem>>) src(%arg13 : memref<16x128xf32, #tpu.memory_space<vmem>>) dst(%dma_wait3A_181 : memref<16x128xf32, #tpu.memory_space<vmem_shared>>)
      tpu.yield
    }) : () -> ()
    %mul3A_10 = arith.constant 640 : i32
    %mul3A_11 = arith.muli %arg1, %mul3A_10 : i32
    %add3A_12 = arith.constant 48 : i32
    %add3A_13 = arith.addi %mul3A_11, %add3A_12 : i32
    "tpu.region"() ({
      %run_scoped3A = tpu.sem_alloc : memref<!tpu.dma_semaphore, #tpu.memory_space<semaphore_mem>>
      %dma_start3A = arith.constant 0 : i32
      %dma_start3A_176 = tpu.memref_slice %arg14[%add3A_13, %dma_start3A] : memref<10240x128xf32, #tpu.memory_space<vmem_shared>> -> memref<16x128xf32, #tpu.memory_space<vmem_shared>>
      %dma_start3A_177 = arith.constant 0 : i32
      %dma_start3A_178 = tpu.memref_slice %arg14[%add3A_13, %dma_start3A_177] : memref<10240x128xf32, #tpu.memory_space<vmem_shared>> -> memref<16x128xf32, #tpu.memory_space<vmem_shared>>
      tpu.enqueue_dma source(%arg13 : memref<16x128xf32, #tpu.memory_space<vmem>>) target(%dma_start3A_178 : memref<16x128xf32, #tpu.memory_space<vmem_shared>>) target_semaphore(%run_scoped3A : memref<!tpu.dma_semaphore, #tpu.memory_space<semaphore_mem>>)
      %dma_wait3A = arith.constant 0 : i32
      %dma_wait3A_179 = tpu.memref_slice %arg14[%add3A_13, %dma_wait3A] : memref<10240x128xf32, #tpu.memory_space<vmem_shared>> -> memref<16x128xf32, #tpu.memory_space<vmem_shared>>
      %dma_wait3A_180 = arith.constant 0 : i32
      %dma_wait3A_181 = tpu.memref_slice %arg14[%add3A_13, %dma_wait3A_180] : memref<10240x128xf32, #tpu.memory_space<vmem_shared>> -> memref<16x128xf32, #tpu.memory_space<vmem_shared>>
      tpu.wait_dma2 semaphore(%run_scoped3A : memref<!tpu.dma_semaphore, #tpu.memory_space<semaphore_mem>>) src(%arg13 : memref<16x128xf32, #tpu.memory_space<vmem>>) dst(%dma_wait3A_181 : memref<16x128xf32, #tpu.memory_space<vmem_shared>>)
      tpu.yield
    }) : () -> ()
    %mul3A_14 = arith.constant 640 : i32
    %mul3A_15 = arith.muli %arg1, %mul3A_14 : i32
    %add3A_16 = arith.constant 64 : i32
    %add3A_17 = arith.addi %mul3A_15, %add3A_16 : i32
    "tpu.region"() ({
      %run_scoped3A = tpu.sem_alloc : memref<!tpu.dma_semaphore, #tpu.memory_space<semaphore_mem>>
      %dma_start3A = arith.constant 0 : i32
      %dma_start3A_176 = tpu.memref_slice %arg14[%add3A_17, %dma_start3A] : memref<10240x128xf32, #tpu.memory_space<vmem_shared>> -> memref<16x128xf32, #tpu.memory_space<vmem_shared>>
      %dma_start3A_177 = arith.constant 0 : i32
      %dma_start3A_178 = tpu.memref_slice %arg14[%add3A_17, %dma_start3A_177] : memref<10240x128xf32, #tpu.memory_space<vmem_shared>> -> memref<16x128xf32, #tpu.memory_space<vmem_shared>>
      tpu.enqueue_dma source(%arg13 : memref<16x128xf32, #tpu.memory_space<vmem>>) target(%dma_start3A_178 : memref<16x128xf32, #tpu.memory_space<vmem_shared>>) target_semaphore(%run_scoped3A : memref<!tpu.dma_semaphore, #tpu.memory_space<semaphore_mem>>)
      %dma_wait3A = arith.constant 0 : i32
      %dma_wait3A_179 = tpu.memref_slice %arg14[%add3A_17, %dma_wait3A] : memref<10240x128xf32, #tpu.memory_space<vmem_shared>> -> memref<16x128xf32, #tpu.memory_space<vmem_shared>>
      %dma_wait3A_180 = arith.constant 0 : i32
      %dma_wait3A_181 = tpu.memref_slice %arg14[%add3A_17, %dma_wait3A_180] : memref<10240x128xf32, #tpu.memory_space<vmem_shared>> -> memref<16x128xf32, #tpu.memory_space<vmem_shared>>
      tpu.wait_dma2 semaphore(%run_scoped3A : memref<!tpu.dma_semaphore, #tpu.memory_space<semaphore_mem>>) src(%arg13 : memref<16x128xf32, #tpu.memory_space<vmem>>) dst(%dma_wait3A_181 : memref<16x128xf32, #tpu.memory_space<vmem_shared>>)
      tpu.yield
    }) : () -> ()
    %mul3A_18 = arith.constant 640 : i32
    %mul3A_19 = arith.muli %arg1, %mul3A_18 : i32
    %add3A_20 = arith.constant 80 : i32
    %add3A_21 = arith.addi %mul3A_19, %add3A_20 : i32
    "tpu.region"() ({
      %run_scoped3A = tpu.sem_alloc : memref<!tpu.dma_semaphore, #tpu.memory_space<semaphore_mem>>
      %dma_start3A = arith.constant 0 : i32
      %dma_start3A_176 = tpu.memref_slice %arg14[%add3A_21, %dma_start3A] : memref<10240x128xf32, #tpu.memory_space<vmem_shared>> -> memref<16x128xf32, #tpu.memory_space<vmem_shared>>
      %dma_start3A_177 = arith.constant 0 : i32
      %dma_start3A_178 = tpu.memref_slice %arg14[%add3A_21, %dma_start3A_177] : memref<10240x128xf32, #tpu.memory_space<vmem_shared>> -> memref<16x128xf32, #tpu.memory_space<vmem_shared>>
      tpu.enqueue_dma source(%arg13 : memref<16x128xf32, #tpu.memory_space<vmem>>) target(%dma_start3A_178 : memref<16x128xf32, #tpu.memory_space<vmem_shared>>) target_semaphore(%run_scoped3A : memref<!tpu.dma_semaphore, #tpu.memory_space<semaphore_mem>>)
      %dma_wait3A = arith.constant 0 : i32
      %dma_wait3A_179 = tpu.memref_slice %arg14[%add3A_21, %dma_wait3A] : memref<10240x128xf32, #tpu.memory_space<vmem_shared>> -> memref<16x128xf32, #tpu.memory_space<vmem_shared>>
      %dma_wait3A_180 = arith.constant 0 : i32
      %dma_wait3A_181 = tpu.memref_slice %arg14[%add3A_21, %dma_wait3A_180] : memref<10240x128xf32, #tpu.memory_space<vmem_shared>> -> memref<16x128xf32, #tpu.memory_space<vmem_shared>>
      tpu.wait_dma2 semaphore(%run_scoped3A : memref<!tpu.dma_semaphore, #tpu.memory_space<semaphore_mem>>) src(%arg13 : memref<16x128xf32, #tpu.memory_space<vmem>>) dst(%dma_wait3A_181 : memref<16x128xf32, #tpu.memory_space<vmem_shared>>)
      tpu.yield
    }) : () -> ()
    %mul3A_22 = arith.constant 640 : i32
    %mul3A_23 = arith.muli %arg1, %mul3A_22 : i32
    %add3A_24 = arith.constant 96 : i32
    %add3A_25 = arith.addi %mul3A_23, %add3A_24 : i32
    "tpu.region"() ({
      %run_scoped3A = tpu.sem_alloc : memref<!tpu.dma_semaphore, #tpu.memory_space<semaphore_mem>>
      %dma_start3A = arith.constant 0 : i32
      %dma_start3A_176 = tpu.memref_slice %arg14[%add3A_25, %dma_start3A] : memref<10240x128xf32, #tpu.memory_space<vmem_shared>> -> memref<16x128xf32, #tpu.memory_space<vmem_shared>>
      %dma_start3A_177 = arith.constant 0 : i32
      %dma_start3A_178 = tpu.memref_slice %arg14[%add3A_25, %dma_start3A_177] : memref<10240x128xf32, #tpu.memory_space<vmem_shared>> -> memref<16x128xf32, #tpu.memory_space<vmem_shared>>
      tpu.enqueue_dma source(%arg13 : memref<16x128xf32, #tpu.memory_space<vmem>>) target(%dma_start3A_178 : memref<16x128xf32, #tpu.memory_space<vmem_shared>>) target_semaphore(%run_scoped3A : memref<!tpu.dma_semaphore, #tpu.memory_space<semaphore_mem>>)
      %dma_wait3A = arith.constant 0 : i32
      %dma_wait3A_179 = tpu.memref_slice %arg14[%add3A_25, %dma_wait3A] : memref<10240x128xf32, #tpu.memory_space<vmem_shared>> -> memref<16x128xf32, #tpu.memory_space<vmem_shared>>
      %dma_wait3A_180 = arith.constant 0 : i32
      %dma_wait3A_181 = tpu.memref_slice %arg14[%add3A_25, %dma_wait3A_180] : memref<10240x128xf32, #tpu.memory_space<vmem_shared>> -> memref<16x128xf32, #tpu.memory_space<vmem_shared>>
      tpu.wait_dma2 semaphore(%run_scoped3A : memref<!tpu.dma_semaphore, #tpu.memory_space<semaphore_mem>>) src(%arg13 : memref<16x128xf32, #tpu.memory_space<vmem>>) dst(%dma_wait3A_181 : memref<16x128xf32, #tpu.memory_space<vmem_shared>>)
      tpu.yield
    }) : () -> ()
    %mul3A_26 = arith.constant 640 : i32
    %mul3A_27 = arith.muli %arg1, %mul3A_26 : i32
    %add3A_28 = arith.constant 112 : i32
    %add3A_29 = arith.addi %mul3A_27, %add3A_28 : i32
    "tpu.region"() ({
      %run_scoped3A = tpu.sem_alloc : memref<!tpu.dma_semaphore, #tpu.memory_space<semaphore_mem>>
      %dma_start3A = arith.constant 0 : i32
      %dma_start3A_176 = tpu.memref_slice %arg14[%add3A_29, %dma_start3A] : memref<10240x128xf32, #tpu.memory_space<vmem_shared>> -> memref<16x128xf32, #tpu.memory_space<vmem_shared>>
      %dma_start3A_177 = arith.constant 0 : i32
      %dma_start3A_178 = tpu.memref_slice %arg14[%add3A_29, %dma_start3A_177] : memref<10240x128xf32, #tpu.memory_space<vmem_shared>> -> memref<16x128xf32, #tpu.memory_space<vmem_shared>>
      tpu.enqueue_dma source(%arg13 : memref<16x128xf32, #tpu.memory_space<vmem>>) target(%dma_start3A_178 : memref<16x128xf32, #tpu.memory_space<vmem_shared>>) target_semaphore(%run_scoped3A : memref<!tpu.dma_semaphore, #tpu.memory_space<semaphore_mem>>)
      %dma_wait3A = arith.constant 0 : i32
      %dma_wait3A_179 = tpu.memref_slice %arg14[%add3A_29, %dma_wait3A] : memref<10240x128xf32, #tpu.memory_space<vmem_shared>> -> memref<16x128xf32, #tpu.memory_space<vmem_shared>>
      %dma_wait3A_180 = arith.constant 0 : i32
      %dma_wait3A_181 = tpu.memref_slice %arg14[%add3A_29, %dma_wait3A_180] : memref<10240x128xf32, #tpu.memory_space<vmem_shared>> -> memref<16x128xf32, #tpu.memory_space<vmem_shared>>
      tpu.wait_dma2 semaphore(%run_scoped3A : memref<!tpu.dma_semaphore, #tpu.memory_space<semaphore_mem>>) src(%arg13 : memref<16x128xf32, #tpu.memory_space<vmem>>) dst(%dma_wait3A_181 : memref<16x128xf32, #tpu.memory_space<vmem_shared>>)
      tpu.yield
    }) : () -> ()
    %mul3A_30 = arith.constant 640 : i32
    %mul3A_31 = arith.muli %arg1, %mul3A_30 : i32
    %add3A_32 = arith.constant 128 : i32
    %add3A_33 = arith.addi %mul3A_31, %add3A_32 : i32
    "tpu.region"() ({
      %run_scoped3A = tpu.sem_alloc : memref<!tpu.dma_semaphore, #tpu.memory_space<semaphore_mem>>
      %dma_start3A = arith.constant 0 : i32
      %dma_start3A_176 = tpu.memref_slice %arg14[%add3A_33, %dma_start3A] : memref<10240x128xf32, #tpu.memory_space<vmem_shared>> -> memref<16x128xf32, #tpu.memory_space<vmem_shared>>
      %dma_start3A_177 = arith.constant 0 : i32
      %dma_start3A_178 = tpu.memref_slice %arg14[%add3A_33, %dma_start3A_177] : memref<10240x128xf32, #tpu.memory_space<vmem_shared>> -> memref<16x128xf32, #tpu.memory_space<vmem_shared>>
      tpu.enqueue_dma source(%arg13 : memref<16x128xf32, #tpu.memory_space<vmem>>) target(%dma_start3A_178 : memref<16x128xf32, #tpu.memory_space<vmem_shared>>) target_semaphore(%run_scoped3A : memref<!tpu.dma_semaphore, #tpu.memory_space<semaphore_mem>>)
      %dma_wait3A = arith.constant 0 : i32
      %dma_wait3A_179 = tpu.memref_slice %arg14[%add3A_33, %dma_wait3A] : memref<10240x128xf32, #tpu.memory_space<vmem_shared>> -> memref<16x128xf32, #tpu.memory_space<vmem_shared>>
      %dma_wait3A_180 = arith.constant 0 : i32
      %dma_wait3A_181 = tpu.memref_slice %arg14[%add3A_33, %dma_wait3A_180] : memref<10240x128xf32, #tpu.memory_space<vmem_shared>> -> memref<16x128xf32, #tpu.memory_space<vmem_shared>>
      tpu.wait_dma2 semaphore(%run_scoped3A : memref<!tpu.dma_semaphore, #tpu.memory_space<semaphore_mem>>) src(%arg13 : memref<16x128xf32, #tpu.memory_space<vmem>>) dst(%dma_wait3A_181 : memref<16x128xf32, #tpu.memory_space<vmem_shared>>)
      tpu.yield
    }) : () -> ()
    %mul3A_34 = arith.constant 640 : i32
    %mul3A_35 = arith.muli %arg1, %mul3A_34 : i32
    %add3A_36 = arith.constant 144 : i32
    %add3A_37 = arith.addi %mul3A_35, %add3A_36 : i32
    "tpu.region"() ({
      %run_scoped3A = tpu.sem_alloc : memref<!tpu.dma_semaphore, #tpu.memory_space<semaphore_mem>>
      %dma_start3A = arith.constant 0 : i32
      %dma_start3A_176 = tpu.memref_slice %arg14[%add3A_37, %dma_start3A] : memref<10240x128xf32, #tpu.memory_space<vmem_shared>> -> memref<16x128xf32, #tpu.memory_space<vmem_shared>>
      %dma_start3A_177 = arith.constant 0 : i32
      %dma_start3A_178 = tpu.memref_slice %arg14[%add3A_37, %dma_start3A_177] : memref<10240x128xf32, #tpu.memory_space<vmem_shared>> -> memref<16x128xf32, #tpu.memory_space<vmem_shared>>
      tpu.enqueue_dma source(%arg13 : memref<16x128xf32, #tpu.memory_space<vmem>>) target(%dma_start3A_178 : memref<16x128xf32, #tpu.memory_space<vmem_shared>>) target_semaphore(%run_scoped3A : memref<!tpu.dma_semaphore, #tpu.memory_space<semaphore_mem>>)
      %dma_wait3A = arith.constant 0 : i32
      %dma_wait3A_179 = tpu.memref_slice %arg14[%add3A_37, %dma_wait3A] : memref<10240x128xf32, #tpu.memory_space<vmem_shared>> -> memref<16x128xf32, #tpu.memory_space<vmem_shared>>
      %dma_wait3A_180 = arith.constant 0 : i32
      %dma_wait3A_181 = tpu.memref_slice %arg14[%add3A_37, %dma_wait3A_180] : memref<10240x128xf32, #tpu.memory_space<vmem_shared>> -> memref<16x128xf32, #tpu.memory_space<vmem_shared>>
      tpu.wait_dma2 semaphore(%run_scoped3A : memref<!tpu.dma_semaphore, #tpu.memory_space<semaphore_mem>>) src(%arg13 : memref<16x128xf32, #tpu.memory_space<vmem>>) dst(%dma_wait3A_181 : memref<16x128xf32, #tpu.memory_space<vmem_shared>>)
      tpu.yield
    }) : () -> ()
    %mul3A_38 = arith.constant 640 : i32
    %mul3A_39 = arith.muli %arg1, %mul3A_38 : i32
    %add3A_40 = arith.constant 160 : i32
    %add3A_41 = arith.addi %mul3A_39, %add3A_40 : i32
    "tpu.region"() ({
      %run_scoped3A = tpu.sem_alloc : memref<!tpu.dma_semaphore, #tpu.memory_space<semaphore_mem>>
      %dma_start3A = arith.constant 0 : i32
      %dma_start3A_176 = tpu.memref_slice %arg14[%add3A_41, %dma_start3A] : memref<10240x128xf32, #tpu.memory_space<vmem_shared>> -> memref<16x128xf32, #tpu.memory_space<vmem_shared>>
      %dma_start3A_177 = arith.constant 0 : i32
      %dma_start3A_178 = tpu.memref_slice %arg14[%add3A_41, %dma_start3A_177] : memref<10240x128xf32, #tpu.memory_space<vmem_shared>> -> memref<16x128xf32, #tpu.memory_space<vmem_shared>>
      tpu.enqueue_dma source(%arg13 : memref<16x128xf32, #tpu.memory_space<vmem>>) target(%dma_start3A_178 : memref<16x128xf32, #tpu.memory_space<vmem_shared>>) target_semaphore(%run_scoped3A : memref<!tpu.dma_semaphore, #tpu.memory_space<semaphore_mem>>)
      %dma_wait3A = arith.constant 0 : i32
      %dma_wait3A_179 = tpu.memref_slice %arg14[%add3A_41, %dma_wait3A] : memref<10240x128xf32, #tpu.memory_space<vmem_shared>> -> memref<16x128xf32, #tpu.memory_space<vmem_shared>>
      %dma_wait3A_180 = arith.constant 0 : i32
      %dma_wait3A_181 = tpu.memref_slice %arg14[%add3A_41, %dma_wait3A_180] : memref<10240x128xf32, #tpu.memory_space<vmem_shared>> -> memref<16x128xf32, #tpu.memory_space<vmem_shared>>
      tpu.wait_dma2 semaphore(%run_scoped3A : memref<!tpu.dma_semaphore, #tpu.memory_space<semaphore_mem>>) src(%arg13 : memref<16x128xf32, #tpu.memory_space<vmem>>) dst(%dma_wait3A_181 : memref<16x128xf32, #tpu.memory_space<vmem_shared>>)
      tpu.yield
    }) : () -> ()
    %mul3A_42 = arith.constant 640 : i32
    %mul3A_43 = arith.muli %arg1, %mul3A_42 : i32
    %add3A_44 = arith.constant 176 : i32
    %add3A_45 = arith.addi %mul3A_43, %add3A_44 : i32
    "tpu.region"() ({
      %run_scoped3A = tpu.sem_alloc : memref<!tpu.dma_semaphore, #tpu.memory_space<semaphore_mem>>
      %dma_start3A = arith.constant 0 : i32
      %dma_start3A_176 = tpu.memref_slice %arg14[%add3A_45, %dma_start3A] : memref<10240x128xf32, #tpu.memory_space<vmem_shared>> -> memref<16x128xf32, #tpu.memory_space<vmem_shared>>
      %dma_start3A_177 = arith.constant 0 : i32
      %dma_start3A_178 = tpu.memref_slice %arg14[%add3A_45, %dma_start3A_177] : memref<10240x128xf32, #tpu.memory_space<vmem_shared>> -> memref<16x128xf32, #tpu.memory_space<vmem_shared>>
      tpu.enqueue_dma source(%arg13 : memref<16x128xf32, #tpu.memory_space<vmem>>) target(%dma_start3A_178 : memref<16x128xf32, #tpu.memory_space<vmem_shared>>) target_semaphore(%run_scoped3A : memref<!tpu.dma_semaphore, #tpu.memory_space<semaphore_mem>>)
      %dma_wait3A = arith.constant 0 : i32
      %dma_wait3A_179 = tpu.memref_slice %arg14[%add3A_45, %dma_wait3A] : memref<10240x128xf32, #tpu.memory_space<vmem_shared>> -> memref<16x128xf32, #tpu.memory_space<vmem_shared>>
      %dma_wait3A_180 = arith.constant 0 : i32
      %dma_wait3A_181 = tpu.memref_slice %arg14[%add3A_45, %dma_wait3A_180] : memref<10240x128xf32, #tpu.memory_space<vmem_shared>> -> memref<16x128xf32, #tpu.memory_space<vmem_shared>>
      tpu.wait_dma2 semaphore(%run_scoped3A : memref<!tpu.dma_semaphore, #tpu.memory_space<semaphore_mem>>) src(%arg13 : memref<16x128xf32, #tpu.memory_space<vmem>>) dst(%dma_wait3A_181 : memref<16x128xf32, #tpu.memory_space<vmem_shared>>)
      tpu.yield
    }) : () -> ()
    %mul3A_46 = arith.constant 640 : i32
    %mul3A_47 = arith.muli %arg1, %mul3A_46 : i32
    %add3A_48 = arith.constant 192 : i32
    %add3A_49 = arith.addi %mul3A_47, %add3A_48 : i32
    "tpu.region"() ({
      %run_scoped3A = tpu.sem_alloc : memref<!tpu.dma_semaphore, #tpu.memory_space<semaphore_mem>>
      %dma_start3A = arith.constant 0 : i32
      %dma_start3A_176 = tpu.memref_slice %arg14[%add3A_49, %dma_start3A] : memref<10240x128xf32, #tpu.memory_space<vmem_shared>> -> memref<16x128xf32, #tpu.memory_space<vmem_shared>>
      %dma_start3A_177 = arith.constant 0 : i32
      %dma_start3A_178 = tpu.memref_slice %arg14[%add3A_49, %dma_start3A_177] : memref<10240x128xf32, #tpu.memory_space<vmem_shared>> -> memref<16x128xf32, #tpu.memory_space<vmem_shared>>
      tpu.enqueue_dma source(%arg13 : memref<16x128xf32, #tpu.memory_space<vmem>>) target(%dma_start3A_178 : memref<16x128xf32, #tpu.memory_space<vmem_shared>>) target_semaphore(%run_scoped3A : memref<!tpu.dma_semaphore, #tpu.memory_space<semaphore_mem>>)
      %dma_wait3A = arith.constant 0 : i32
      %dma_wait3A_179 = tpu.memref_slice %arg14[%add3A_49, %dma_wait3A] : memref<10240x128xf32, #tpu.memory_space<vmem_shared>> -> memref<16x128xf32, #tpu.memory_space<vmem_shared>>
      %dma_wait3A_180 = arith.constant 0 : i32
      %dma_wait3A_181 = tpu.memref_slice %arg14[%add3A_49, %dma_wait3A_180] : memref<10240x128xf32, #tpu.memory_space<vmem_shared>> -> memref<16x128xf32, #tpu.memory_space<vmem_shared>>
      tpu.wait_dma2 semaphore(%run_scoped3A : memref<!tpu.dma_semaphore, #tpu.memory_space<semaphore_mem>>) src(%arg13 : memref<16x128xf32, #tpu.memory_space<vmem>>) dst(%dma_wait3A_181 : memref<16x128xf32, #tpu.memory_space<vmem_shared>>)
      tpu.yield
    }) : () -> ()
    %mul3A_50 = arith.constant 640 : i32
    %mul3A_51 = arith.muli %arg1, %mul3A_50 : i32
    %add3A_52 = arith.constant 208 : i32
    %add3A_53 = arith.addi %mul3A_51, %add3A_52 : i32
    "tpu.region"() ({
      %run_scoped3A = tpu.sem_alloc : memref<!tpu.dma_semaphore, #tpu.memory_space<semaphore_mem>>
      %dma_start3A = arith.constant 0 : i32
      %dma_start3A_176 = tpu.memref_slice %arg14[%add3A_53, %dma_start3A] : memref<10240x128xf32, #tpu.memory_space<vmem_shared>> -> memref<16x128xf32, #tpu.memory_space<vmem_shared>>
      %dma_start3A_177 = arith.constant 0 : i32
      %dma_start3A_178 = tpu.memref_slice %arg14[%add3A_53, %dma_start3A_177] : memref<10240x128xf32, #tpu.memory_space<vmem_shared>> -> memref<16x128xf32, #tpu.memory_space<vmem_shared>>
      tpu.enqueue_dma source(%arg13 : memref<16x128xf32, #tpu.memory_space<vmem>>) target(%dma_start3A_178 : memref<16x128xf32, #tpu.memory_space<vmem_shared>>) target_semaphore(%run_scoped3A : memref<!tpu.dma_semaphore, #tpu.memory_space<semaphore_mem>>)
      %dma_wait3A = arith.constant 0 : i32
      %dma_wait3A_179 = tpu.memref_slice %arg14[%add3A_53, %dma_wait3A] : memref<10240x128xf32, #tpu.memory_space<vmem_shared>> -> memref<16x128xf32, #tpu.memory_space<vmem_shared>>
      %dma_wait3A_180 = arith.constant 0 : i32
      %dma_wait3A_181 = tpu.memref_slice %arg14[%add3A_53, %dma_wait3A_180] : memref<10240x128xf32, #tpu.memory_space<vmem_shared>> -> memref<16x128xf32, #tpu.memory_space<vmem_shared>>
      tpu.wait_dma2 semaphore(%run_scoped3A : memref<!tpu.dma_semaphore, #tpu.memory_space<semaphore_mem>>) src(%arg13 : memref<16x128xf32, #tpu.memory_space<vmem>>) dst(%dma_wait3A_181 : memref<16x128xf32, #tpu.memory_space<vmem_shared>>)
      tpu.yield
    }) : () -> ()
    %mul3A_54 = arith.constant 640 : i32
    %mul3A_55 = arith.muli %arg1, %mul3A_54 : i32
    %add3A_56 = arith.constant 224 : i32
    %add3A_57 = arith.addi %mul3A_55, %add3A_56 : i32
    "tpu.region"() ({
      %run_scoped3A = tpu.sem_alloc : memref<!tpu.dma_semaphore, #tpu.memory_space<semaphore_mem>>
      %dma_start3A = arith.constant 0 : i32
      %dma_start3A_176 = tpu.memref_slice %arg14[%add3A_57, %dma_start3A] : memref<10240x128xf32, #tpu.memory_space<vmem_shared>> -> memref<16x128xf32, #tpu.memory_space<vmem_shared>>
      %dma_start3A_177 = arith.constant 0 : i32
      %dma_start3A_178 = tpu.memref_slice %arg14[%add3A_57, %dma_start3A_177] : memref<10240x128xf32, #tpu.memory_space<vmem_shared>> -> memref<16x128xf32, #tpu.memory_space<vmem_shared>>
      tpu.enqueue_dma source(%arg13 : memref<16x128xf32, #tpu.memory_space<vmem>>) target(%dma_start3A_178 : memref<16x128xf32, #tpu.memory_space<vmem_shared>>) target_semaphore(%run_scoped3A : memref<!tpu.dma_semaphore, #tpu.memory_space<semaphore_mem>>)
      %dma_wait3A = arith.constant 0 : i32
      %dma_wait3A_179 = tpu.memref_slice %arg14[%add3A_57, %dma_wait3A] : memref<10240x128xf32, #tpu.memory_space<vmem_shared>> -> memref<16x128xf32, #tpu.memory_space<vmem_shared>>
      %dma_wait3A_180 = arith.constant 0 : i32
      %dma_wait3A_181 = tpu.memref_slice %arg14[%add3A_57, %dma_wait3A_180] : memref<10240x128xf32, #tpu.memory_space<vmem_shared>> -> memref<16x128xf32, #tpu.memory_space<vmem_shared>>
      tpu.wait_dma2 semaphore(%run_scoped3A : memref<!tpu.dma_semaphore, #tpu.memory_space<semaphore_mem>>) src(%arg13 : memref<16x128xf32, #tpu.memory_space<vmem>>) dst(%dma_wait3A_181 : memref<16x128xf32, #tpu.memory_space<vmem_shared>>)
      tpu.yield
    }) : () -> ()
    %mul3A_58 = arith.constant 640 : i32
    %mul3A_59 = arith.muli %arg1, %mul3A_58 : i32
    %add3A_60 = arith.constant 240 : i32
    %add3A_61 = arith.addi %mul3A_59, %add3A_60 : i32
    "tpu.region"() ({
      %run_scoped3A = tpu.sem_alloc : memref<!tpu.dma_semaphore, #tpu.memory_space<semaphore_mem>>
      %dma_start3A = arith.constant 0 : i32
      %dma_start3A_176 = tpu.memref_slice %arg14[%add3A_61, %dma_start3A] : memref<10240x128xf32, #tpu.memory_space<vmem_shared>> -> memref<16x128xf32, #tpu.memory_space<vmem_shared>>
      %dma_start3A_177 = arith.constant 0 : i32
      %dma_start3A_178 = tpu.memref_slice %arg14[%add3A_61, %dma_start3A_177] : memref<10240x128xf32, #tpu.memory_space<vmem_shared>> -> memref<16x128xf32, #tpu.memory_space<vmem_shared>>
      tpu.enqueue_dma source(%arg13 : memref<16x128xf32, #tpu.memory_space<vmem>>) target(%dma_start3A_178 : memref<16x128xf32, #tpu.memory_space<vmem_shared>>) target_semaphore(%run_scoped3A : memref<!tpu.dma_semaphore, #tpu.memory_space<semaphore_mem>>)
      %dma_wait3A = arith.constant 0 : i32
      %dma_wait3A_179 = tpu.memref_slice %arg14[%add3A_61, %dma_wait3A] : memref<10240x128xf32, #tpu.memory_space<vmem_shared>> -> memref<16x128xf32, #tpu.memory_space<vmem_shared>>
      %dma_wait3A_180 = arith.constant 0 : i32
      %dma_wait3A_181 = tpu.memref_slice %arg14[%add3A_61, %dma_wait3A_180] : memref<10240x128xf32, #tpu.memory_space<vmem_shared>> -> memref<16x128xf32, #tpu.memory_space<vmem_shared>>
      tpu.wait_dma2 semaphore(%run_scoped3A : memref<!tpu.dma_semaphore, #tpu.memory_space<semaphore_mem>>) src(%arg13 : memref<16x128xf32, #tpu.memory_space<vmem>>) dst(%dma_wait3A_181 : memref<16x128xf32, #tpu.memory_space<vmem_shared>>)
      tpu.yield
    }) : () -> ()
    %mul3A_62 = arith.constant 640 : i32
    %mul3A_63 = arith.muli %arg1, %mul3A_62 : i32
    %add3A_64 = arith.constant 256 : i32
    %add3A_65 = arith.addi %mul3A_63, %add3A_64 : i32
    "tpu.region"() ({
      %run_scoped3A = tpu.sem_alloc : memref<!tpu.dma_semaphore, #tpu.memory_space<semaphore_mem>>
      %dma_start3A = arith.constant 0 : i32
      %dma_start3A_176 = tpu.memref_slice %arg14[%add3A_65, %dma_start3A] : memref<10240x128xf32, #tpu.memory_space<vmem_shared>> -> memref<16x128xf32, #tpu.memory_space<vmem_shared>>
      %dma_start3A_177 = arith.constant 0 : i32
      %dma_start3A_178 = tpu.memref_slice %arg14[%add3A_65, %dma_start3A_177] : memref<10240x128xf32, #tpu.memory_space<vmem_shared>> -> memref<16x128xf32, #tpu.memory_space<vmem_shared>>
      tpu.enqueue_dma source(%arg13 : memref<16x128xf32, #tpu.memory_space<vmem>>) target(%dma_start3A_178 : memref<16x128xf32, #tpu.memory_space<vmem_shared>>) target_semaphore(%run_scoped3A : memref<!tpu.dma_semaphore, #tpu.memory_space<semaphore_mem>>)
      %dma_wait3A = arith.constant 0 : i32
      %dma_wait3A_179 = tpu.memref_slice %arg14[%add3A_65, %dma_wait3A] : memref<10240x128xf32, #tpu.memory_space<vmem_shared>> -> memref<16x128xf32, #tpu.memory_space<vmem_shared>>
      %dma_wait3A_180 = arith.constant 0 : i32
      %dma_wait3A_181 = tpu.memref_slice %arg14[%add3A_65, %dma_wait3A_180] : memref<10240x128xf32, #tpu.memory_space<vmem_shared>> -> memref<16x128xf32, #tpu.memory_space<vmem_shared>>
      tpu.wait_dma2 semaphore(%run_scoped3A : memref<!tpu.dma_semaphore, #tpu.memory_space<semaphore_mem>>) src(%arg13 : memref<16x128xf32, #tpu.memory_space<vmem>>) dst(%dma_wait3A_181 : memref<16x128xf32, #tpu.memory_space<vmem_shared>>)
      tpu.yield
    }) : () -> ()
    %mul3A_66 = arith.constant 640 : i32
    %mul3A_67 = arith.muli %arg1, %mul3A_66 : i32
    %add3A_68 = arith.constant 272 : i32
    %add3A_69 = arith.addi %mul3A_67, %add3A_68 : i32
    "tpu.region"() ({
      %run_scoped3A = tpu.sem_alloc : memref<!tpu.dma_semaphore, #tpu.memory_space<semaphore_mem>>
      %dma_start3A = arith.constant 0 : i32
      %dma_start3A_176 = tpu.memref_slice %arg14[%add3A_69, %dma_start3A] : memref<10240x128xf32, #tpu.memory_space<vmem_shared>> -> memref<16x128xf32, #tpu.memory_space<vmem_shared>>
      %dma_start3A_177 = arith.constant 0 : i32
      %dma_start3A_178 = tpu.memref_slice %arg14[%add3A_69, %dma_start3A_177] : memref<10240x128xf32, #tpu.memory_space<vmem_shared>> -> memref<16x128xf32, #tpu.memory_space<vmem_shared>>
      tpu.enqueue_dma source(%arg13 : memref<16x128xf32, #tpu.memory_space<vmem>>) target(%dma_start3A_178 : memref<16x128xf32, #tpu.memory_space<vmem_shared>>) target_semaphore(%run_scoped3A : memref<!tpu.dma_semaphore, #tpu.memory_space<semaphore_mem>>)
      %dma_wait3A = arith.constant 0 : i32
      %dma_wait3A_179 = tpu.memref_slice %arg14[%add3A_69, %dma_wait3A] : memref<10240x128xf32, #tpu.memory_space<vmem_shared>> -> memref<16x128xf32, #tpu.memory_space<vmem_shared>>
      %dma_wait3A_180 = arith.constant 0 : i32
      %dma_wait3A_181 = tpu.memref_slice %arg14[%add3A_69, %dma_wait3A_180] : memref<10240x128xf32, #tpu.memory_space<vmem_shared>> -> memref<16x128xf32, #tpu.memory_space<vmem_shared>>
      tpu.wait_dma2 semaphore(%run_scoped3A : memref<!tpu.dma_semaphore, #tpu.memory_space<semaphore_mem>>) src(%arg13 : memref<16x128xf32, #tpu.memory_space<vmem>>) dst(%dma_wait3A_181 : memref<16x128xf32, #tpu.memory_space<vmem_shared>>)
      tpu.yield
    }) : () -> ()
    %mul3A_70 = arith.constant 640 : i32
    %mul3A_71 = arith.muli %arg1, %mul3A_70 : i32
    %add3A_72 = arith.constant 288 : i32
    %add3A_73 = arith.addi %mul3A_71, %add3A_72 : i32
    "tpu.region"() ({
      %run_scoped3A = tpu.sem_alloc : memref<!tpu.dma_semaphore, #tpu.memory_space<semaphore_mem>>
      %dma_start3A = arith.constant 0 : i32
      %dma_start3A_176 = tpu.memref_slice %arg14[%add3A_73, %dma_start3A] : memref<10240x128xf32, #tpu.memory_space<vmem_shared>> -> memref<16x128xf32, #tpu.memory_space<vmem_shared>>
      %dma_start3A_177 = arith.constant 0 : i32
      %dma_start3A_178 = tpu.memref_slice %arg14[%add3A_73, %dma_start3A_177] : memref<10240x128xf32, #tpu.memory_space<vmem_shared>> -> memref<16x128xf32, #tpu.memory_space<vmem_shared>>
      tpu.enqueue_dma source(%arg13 : memref<16x128xf32, #tpu.memory_space<vmem>>) target(%dma_start3A_178 : memref<16x128xf32, #tpu.memory_space<vmem_shared>>) target_semaphore(%run_scoped3A : memref<!tpu.dma_semaphore, #tpu.memory_space<semaphore_mem>>)
      %dma_wait3A = arith.constant 0 : i32
      %dma_wait3A_179 = tpu.memref_slice %arg14[%add3A_73, %dma_wait3A] : memref<10240x128xf32, #tpu.memory_space<vmem_shared>> -> memref<16x128xf32, #tpu.memory_space<vmem_shared>>
      %dma_wait3A_180 = arith.constant 0 : i32
      %dma_wait3A_181 = tpu.memref_slice %arg14[%add3A_73, %dma_wait3A_180] : memref<10240x128xf32, #tpu.memory_space<vmem_shared>> -> memref<16x128xf32, #tpu.memory_space<vmem_shared>>
      tpu.wait_dma2 semaphore(%run_scoped3A : memref<!tpu.dma_semaphore, #tpu.memory_space<semaphore_mem>>) src(%arg13 : memref<16x128xf32, #tpu.memory_space<vmem>>) dst(%dma_wait3A_181 : memref<16x128xf32, #tpu.memory_space<vmem_shared>>)
      tpu.yield
    }) : () -> ()
    %mul3A_74 = arith.constant 640 : i32
    %mul3A_75 = arith.muli %arg1, %mul3A_74 : i32
    %add3A_76 = arith.constant 304 : i32
    %add3A_77 = arith.addi %mul3A_75, %add3A_76 : i32
    "tpu.region"() ({
      %run_scoped3A = tpu.sem_alloc : memref<!tpu.dma_semaphore, #tpu.memory_space<semaphore_mem>>
      %dma_start3A = arith.constant 0 : i32
      %dma_start3A_176 = tpu.memref_slice %arg14[%add3A_77, %dma_start3A] : memref<10240x128xf32, #tpu.memory_space<vmem_shared>> -> memref<16x128xf32, #tpu.memory_space<vmem_shared>>
      %dma_start3A_177 = arith.constant 0 : i32
      %dma_start3A_178 = tpu.memref_slice %arg14[%add3A_77, %dma_start3A_177] : memref<10240x128xf32, #tpu.memory_space<vmem_shared>> -> memref<16x128xf32, #tpu.memory_space<vmem_shared>>
      tpu.enqueue_dma source(%arg13 : memref<16x128xf32, #tpu.memory_space<vmem>>) target(%dma_start3A_178 : memref<16x128xf32, #tpu.memory_space<vmem_shared>>) target_semaphore(%run_scoped3A : memref<!tpu.dma_semaphore, #tpu.memory_space<semaphore_mem>>)
      %dma_wait3A = arith.constant 0 : i32
      %dma_wait3A_179 = tpu.memref_slice %arg14[%add3A_77, %dma_wait3A] : memref<10240x128xf32, #tpu.memory_space<vmem_shared>> -> memref<16x128xf32, #tpu.memory_space<vmem_shared>>
      %dma_wait3A_180 = arith.constant 0 : i32
      %dma_wait3A_181 = tpu.memref_slice %arg14[%add3A_77, %dma_wait3A_180] : memref<10240x128xf32, #tpu.memory_space<vmem_shared>> -> memref<16x128xf32, #tpu.memory_space<vmem_shared>>
      tpu.wait_dma2 semaphore(%run_scoped3A : memref<!tpu.dma_semaphore, #tpu.memory_space<semaphore_mem>>) src(%arg13 : memref<16x128xf32, #tpu.memory_space<vmem>>) dst(%dma_wait3A_181 : memref<16x128xf32, #tpu.memory_space<vmem_shared>>)
      tpu.yield
    }) : () -> ()
    %mul3A_78 = arith.constant 640 : i32
    %mul3A_79 = arith.muli %arg1, %mul3A_78 : i32
    %add3A_80 = arith.constant 320 : i32
    %add3A_81 = arith.addi %mul3A_79, %add3A_80 : i32
    "tpu.region"() ({
      %run_scoped3A = tpu.sem_alloc : memref<!tpu.dma_semaphore, #tpu.memory_space<semaphore_mem>>
      %dma_start3A = arith.constant 0 : i32
      %dma_start3A_176 = tpu.memref_slice %arg14[%add3A_81, %dma_start3A] : memref<10240x128xf32, #tpu.memory_space<vmem_shared>> -> memref<16x128xf32, #tpu.memory_space<vmem_shared>>
      %dma_start3A_177 = arith.constant 0 : i32
      %dma_start3A_178 = tpu.memref_slice %arg14[%add3A_81, %dma_start3A_177] : memref<10240x128xf32, #tpu.memory_space<vmem_shared>> -> memref<16x128xf32, #tpu.memory_space<vmem_shared>>
      tpu.enqueue_dma source(%arg13 : memref<16x128xf32, #tpu.memory_space<vmem>>) target(%dma_start3A_178 : memref<16x128xf32, #tpu.memory_space<vmem_shared>>) target_semaphore(%run_scoped3A : memref<!tpu.dma_semaphore, #tpu.memory_space<semaphore_mem>>)
      %dma_wait3A = arith.constant 0 : i32
      %dma_wait3A_179 = tpu.memref_slice %arg14[%add3A_81, %dma_wait3A] : memref<10240x128xf32, #tpu.memory_space<vmem_shared>> -> memref<16x128xf32, #tpu.memory_space<vmem_shared>>
      %dma_wait3A_180 = arith.constant 0 : i32
      %dma_wait3A_181 = tpu.memref_slice %arg14[%add3A_81, %dma_wait3A_180] : memref<10240x128xf32, #tpu.memory_space<vmem_shared>> -> memref<16x128xf32, #tpu.memory_space<vmem_shared>>
      tpu.wait_dma2 semaphore(%run_scoped3A : memref<!tpu.dma_semaphore, #tpu.memory_space<semaphore_mem>>) src(%arg13 : memref<16x128xf32, #tpu.memory_space<vmem>>) dst(%dma_wait3A_181 : memref<16x128xf32, #tpu.memory_space<vmem_shared>>)
      tpu.yield
    }) : () -> ()
    %mul3A_82 = arith.constant 640 : i32
    %mul3A_83 = arith.muli %arg1, %mul3A_82 : i32
    %add3A_84 = arith.constant 336 : i32
    %add3A_85 = arith.addi %mul3A_83, %add3A_84 : i32
    "tpu.region"() ({
      %run_scoped3A = tpu.sem_alloc : memref<!tpu.dma_semaphore, #tpu.memory_space<semaphore_mem>>
      %dma_start3A = arith.constant 0 : i32
      %dma_start3A_176 = tpu.memref_slice %arg14[%add3A_85, %dma_start3A] : memref<10240x128xf32, #tpu.memory_space<vmem_shared>> -> memref<16x128xf32, #tpu.memory_space<vmem_shared>>
      %dma_start3A_177 = arith.constant 0 : i32
      %dma_start3A_178 = tpu.memref_slice %arg14[%add3A_85, %dma_start3A_177] : memref<10240x128xf32, #tpu.memory_space<vmem_shared>> -> memref<16x128xf32, #tpu.memory_space<vmem_shared>>
      tpu.enqueue_dma source(%arg13 : memref<16x128xf32, #tpu.memory_space<vmem>>) target(%dma_start3A_178 : memref<16x128xf32, #tpu.memory_space<vmem_shared>>) target_semaphore(%run_scoped3A : memref<!tpu.dma_semaphore, #tpu.memory_space<semaphore_mem>>)
      %dma_wait3A = arith.constant 0 : i32
      %dma_wait3A_179 = tpu.memref_slice %arg14[%add3A_85, %dma_wait3A] : memref<10240x128xf32, #tpu.memory_space<vmem_shared>> -> memref<16x128xf32, #tpu.memory_space<vmem_shared>>
      %dma_wait3A_180 = arith.constant 0 : i32
      %dma_wait3A_181 = tpu.memref_slice %arg14[%add3A_85, %dma_wait3A_180] : memref<10240x128xf32, #tpu.memory_space<vmem_shared>> -> memref<16x128xf32, #tpu.memory_space<vmem_shared>>
      tpu.wait_dma2 semaphore(%run_scoped3A : memref<!tpu.dma_semaphore, #tpu.memory_space<semaphore_mem>>) src(%arg13 : memref<16x128xf32, #tpu.memory_space<vmem>>) dst(%dma_wait3A_181 : memref<16x128xf32, #tpu.memory_space<vmem_shared>>)
      tpu.yield
    }) : () -> ()
    %mul3A_86 = arith.constant 640 : i32
    %mul3A_87 = arith.muli %arg1, %mul3A_86 : i32
    %add3A_88 = arith.constant 352 : i32
    %add3A_89 = arith.addi %mul3A_87, %add3A_88 : i32
    "tpu.region"() ({
      %run_scoped3A = tpu.sem_alloc : memref<!tpu.dma_semaphore, #tpu.memory_space<semaphore_mem>>
      %dma_start3A = arith.constant 0 : i32
      %dma_start3A_176 = tpu.memref_slice %arg14[%add3A_89, %dma_start3A] : memref<10240x128xf32, #tpu.memory_space<vmem_shared>> -> memref<16x128xf32, #tpu.memory_space<vmem_shared>>
      %dma_start3A_177 = arith.constant 0 : i32
      %dma_start3A_178 = tpu.memref_slice %arg14[%add3A_89, %dma_start3A_177] : memref<10240x128xf32, #tpu.memory_space<vmem_shared>> -> memref<16x128xf32, #tpu.memory_space<vmem_shared>>
      tpu.enqueue_dma source(%arg13 : memref<16x128xf32, #tpu.memory_space<vmem>>) target(%dma_start3A_178 : memref<16x128xf32, #tpu.memory_space<vmem_shared>>) target_semaphore(%run_scoped3A : memref<!tpu.dma_semaphore, #tpu.memory_space<semaphore_mem>>)
      %dma_wait3A = arith.constant 0 : i32
      %dma_wait3A_179 = tpu.memref_slice %arg14[%add3A_89, %dma_wait3A] : memref<10240x128xf32, #tpu.memory_space<vmem_shared>> -> memref<16x128xf32, #tpu.memory_space<vmem_shared>>
      %dma_wait3A_180 = arith.constant 0 : i32
      %dma_wait3A_181 = tpu.memref_slice %arg14[%add3A_89, %dma_wait3A_180] : memref<10240x128xf32, #tpu.memory_space<vmem_shared>> -> memref<16x128xf32, #tpu.memory_space<vmem_shared>>
      tpu.wait_dma2 semaphore(%run_scoped3A : memref<!tpu.dma_semaphore, #tpu.memory_space<semaphore_mem>>) src(%arg13 : memref<16x128xf32, #tpu.memory_space<vmem>>) dst(%dma_wait3A_181 : memref<16x128xf32, #tpu.memory_space<vmem_shared>>)
      tpu.yield
    }) : () -> ()
    %mul3A_90 = arith.constant 640 : i32
    %mul3A_91 = arith.muli %arg1, %mul3A_90 : i32
    %add3A_92 = arith.constant 368 : i32
    %add3A_93 = arith.addi %mul3A_91, %add3A_92 : i32
    "tpu.region"() ({
      %run_scoped3A = tpu.sem_alloc : memref<!tpu.dma_semaphore, #tpu.memory_space<semaphore_mem>>
      %dma_start3A = arith.constant 0 : i32
      %dma_start3A_176 = tpu.memref_slice %arg14[%add3A_93, %dma_start3A] : memref<10240x128xf32, #tpu.memory_space<vmem_shared>> -> memref<16x128xf32, #tpu.memory_space<vmem_shared>>
      %dma_start3A_177 = arith.constant 0 : i32
      %dma_start3A_178 = tpu.memref_slice %arg14[%add3A_93, %dma_start3A_177] : memref<10240x128xf32, #tpu.memory_space<vmem_shared>> -> memref<16x128xf32, #tpu.memory_space<vmem_shared>>
      tpu.enqueue_dma source(%arg13 : memref<16x128xf32, #tpu.memory_space<vmem>>) target(%dma_start3A_178 : memref<16x128xf32, #tpu.memory_space<vmem_shared>>) target_semaphore(%run_scoped3A : memref<!tpu.dma_semaphore, #tpu.memory_space<semaphore_mem>>)
      %dma_wait3A = arith.constant 0 : i32
      %dma_wait3A_179 = tpu.memref_slice %arg14[%add3A_93, %dma_wait3A] : memref<10240x128xf32, #tpu.memory_space<vmem_shared>> -> memref<16x128xf32, #tpu.memory_space<vmem_shared>>
      %dma_wait3A_180 = arith.constant 0 : i32
      %dma_wait3A_181 = tpu.memref_slice %arg14[%add3A_93, %dma_wait3A_180] : memref<10240x128xf32, #tpu.memory_space<vmem_shared>> -> memref<16x128xf32, #tpu.memory_space<vmem_shared>>
      tpu.wait_dma2 semaphore(%run_scoped3A : memref<!tpu.dma_semaphore, #tpu.memory_space<semaphore_mem>>) src(%arg13 : memref<16x128xf32, #tpu.memory_space<vmem>>) dst(%dma_wait3A_181 : memref<16x128xf32, #tpu.memory_space<vmem_shared>>)
      tpu.yield
    }) : () -> ()
    %mul3A_94 = arith.constant 640 : i32
    %mul3A_95 = arith.muli %arg1, %mul3A_94 : i32
    %add3A_96 = arith.constant 384 : i32
    %add3A_97 = arith.addi %mul3A_95, %add3A_96 : i32
    "tpu.region"() ({
      %run_scoped3A = tpu.sem_alloc : memref<!tpu.dma_semaphore, #tpu.memory_space<semaphore_mem>>
      %dma_start3A = arith.constant 0 : i32
      %dma_start3A_176 = tpu.memref_slice %arg14[%add3A_97, %dma_start3A] : memref<10240x128xf32, #tpu.memory_space<vmem_shared>> -> memref<16x128xf32, #tpu.memory_space<vmem_shared>>
      %dma_start3A_177 = arith.constant 0 : i32
      %dma_start3A_178 = tpu.memref_slice %arg14[%add3A_97, %dma_start3A_177] : memref<10240x128xf32, #tpu.memory_space<vmem_shared>> -> memref<16x128xf32, #tpu.memory_space<vmem_shared>>
      tpu.enqueue_dma source(%arg13 : memref<16x128xf32, #tpu.memory_space<vmem>>) target(%dma_start3A_178 : memref<16x128xf32, #tpu.memory_space<vmem_shared>>) target_semaphore(%run_scoped3A : memref<!tpu.dma_semaphore, #tpu.memory_space<semaphore_mem>>)
      %dma_wait3A = arith.constant 0 : i32
      %dma_wait3A_179 = tpu.memref_slice %arg14[%add3A_97, %dma_wait3A] : memref<10240x128xf32, #tpu.memory_space<vmem_shared>> -> memref<16x128xf32, #tpu.memory_space<vmem_shared>>
      %dma_wait3A_180 = arith.constant 0 : i32
      %dma_wait3A_181 = tpu.memref_slice %arg14[%add3A_97, %dma_wait3A_180] : memref<10240x128xf32, #tpu.memory_space<vmem_shared>> -> memref<16x128xf32, #tpu.memory_space<vmem_shared>>
      tpu.wait_dma2 semaphore(%run_scoped3A : memref<!tpu.dma_semaphore, #tpu.memory_space<semaphore_mem>>) src(%arg13 : memref<16x128xf32, #tpu.memory_space<vmem>>) dst(%dma_wait3A_181 : memref<16x128xf32, #tpu.memory_space<vmem_shared>>)
      tpu.yield
    }) : () -> ()
    %mul3A_98 = arith.constant 640 : i32
    %mul3A_99 = arith.muli %arg1, %mul3A_98 : i32
    %add3A_100 = arith.constant 400 : i32
    %add3A_101 = arith.addi %mul3A_99, %add3A_100 : i32
    "tpu.region"() ({
      %run_scoped3A = tpu.sem_alloc : memref<!tpu.dma_semaphore, #tpu.memory_space<semaphore_mem>>
      %dma_start3A = arith.constant 0 : i32
      %dma_start3A_176 = tpu.memref_slice %arg14[%add3A_101, %dma_start3A] : memref<10240x128xf32, #tpu.memory_space<vmem_shared>> -> memref<16x128xf32, #tpu.memory_space<vmem_shared>>
      %dma_start3A_177 = arith.constant 0 : i32
      %dma_start3A_178 = tpu.memref_slice %arg14[%add3A_101, %dma_start3A_177] : memref<10240x128xf32, #tpu.memory_space<vmem_shared>> -> memref<16x128xf32, #tpu.memory_space<vmem_shared>>
      tpu.enqueue_dma source(%arg13 : memref<16x128xf32, #tpu.memory_space<vmem>>) target(%dma_start3A_178 : memref<16x128xf32, #tpu.memory_space<vmem_shared>>) target_semaphore(%run_scoped3A : memref<!tpu.dma_semaphore, #tpu.memory_space<semaphore_mem>>)
      %dma_wait3A = arith.constant 0 : i32
      %dma_wait3A_179 = tpu.memref_slice %arg14[%add3A_101, %dma_wait3A] : memref<10240x128xf32, #tpu.memory_space<vmem_shared>> -> memref<16x128xf32, #tpu.memory_space<vmem_shared>>
      %dma_wait3A_180 = arith.constant 0 : i32
      %dma_wait3A_181 = tpu.memref_slice %arg14[%add3A_101, %dma_wait3A_180] : memref<10240x128xf32, #tpu.memory_space<vmem_shared>> -> memref<16x128xf32, #tpu.memory_space<vmem_shared>>
      tpu.wait_dma2 semaphore(%run_scoped3A : memref<!tpu.dma_semaphore, #tpu.memory_space<semaphore_mem>>) src(%arg13 : memref<16x128xf32, #tpu.memory_space<vmem>>) dst(%dma_wait3A_181 : memref<16x128xf32, #tpu.memory_space<vmem_shared>>)
      tpu.yield
    }) : () -> ()
    %mul3A_102 = arith.constant 640 : i32
    %mul3A_103 = arith.muli %arg1, %mul3A_102 : i32
    %add3A_104 = arith.constant 416 : i32
    %add3A_105 = arith.addi %mul3A_103, %add3A_104 : i32
    "tpu.region"() ({
      %run_scoped3A = tpu.sem_alloc : memref<!tpu.dma_semaphore, #tpu.memory_space<semaphore_mem>>
      %dma_start3A = arith.constant 0 : i32
      %dma_start3A_176 = tpu.memref_slice %arg14[%add3A_105, %dma_start3A] : memref<10240x128xf32, #tpu.memory_space<vmem_shared>> -> memref<16x128xf32, #tpu.memory_space<vmem_shared>>
      %dma_start3A_177 = arith.constant 0 : i32
      %dma_start3A_178 = tpu.memref_slice %arg14[%add3A_105, %dma_start3A_177] : memref<10240x128xf32, #tpu.memory_space<vmem_shared>> -> memref<16x128xf32, #tpu.memory_space<vmem_shared>>
      tpu.enqueue_dma source(%arg13 : memref<16x128xf32, #tpu.memory_space<vmem>>) target(%dma_start3A_178 : memref<16x128xf32, #tpu.memory_space<vmem_shared>>) target_semaphore(%run_scoped3A : memref<!tpu.dma_semaphore, #tpu.memory_space<semaphore_mem>>)
      %dma_wait3A = arith.constant 0 : i32
      %dma_wait3A_179 = tpu.memref_slice %arg14[%add3A_105, %dma_wait3A] : memref<10240x128xf32, #tpu.memory_space<vmem_shared>> -> memref<16x128xf32, #tpu.memory_space<vmem_shared>>
      %dma_wait3A_180 = arith.constant 0 : i32
      %dma_wait3A_181 = tpu.memref_slice %arg14[%add3A_105, %dma_wait3A_180] : memref<10240x128xf32, #tpu.memory_space<vmem_shared>> -> memref<16x128xf32, #tpu.memory_space<vmem_shared>>
      tpu.wait_dma2 semaphore(%run_scoped3A : memref<!tpu.dma_semaphore, #tpu.memory_space<semaphore_mem>>) src(%arg13 : memref<16x128xf32, #tpu.memory_space<vmem>>) dst(%dma_wait3A_181 : memref<16x128xf32, #tpu.memory_space<vmem_shared>>)
      tpu.yield
    }) : () -> ()
    %mul3A_106 = arith.constant 640 : i32
    %mul3A_107 = arith.muli %arg1, %mul3A_106 : i32
    %add3A_108 = arith.constant 432 : i32
    %add3A_109 = arith.addi %mul3A_107, %add3A_108 : i32
    "tpu.region"() ({
      %run_scoped3A = tpu.sem_alloc : memref<!tpu.dma_semaphore, #tpu.memory_space<semaphore_mem>>
      %dma_start3A = arith.constant 0 : i32
      %dma_start3A_176 = tpu.memref_slice %arg14[%add3A_109, %dma_start3A] : memref<10240x128xf32, #tpu.memory_space<vmem_shared>> -> memref<16x128xf32, #tpu.memory_space<vmem_shared>>
      %dma_start3A_177 = arith.constant 0 : i32
      %dma_start3A_178 = tpu.memref_slice %arg14[%add3A_109, %dma_start3A_177] : memref<10240x128xf32, #tpu.memory_space<vmem_shared>> -> memref<16x128xf32, #tpu.memory_space<vmem_shared>>
      tpu.enqueue_dma source(%arg13 : memref<16x128xf32, #tpu.memory_space<vmem>>) target(%dma_start3A_178 : memref<16x128xf32, #tpu.memory_space<vmem_shared>>) target_semaphore(%run_scoped3A : memref<!tpu.dma_semaphore, #tpu.memory_space<semaphore_mem>>)
      %dma_wait3A = arith.constant 0 : i32
      %dma_wait3A_179 = tpu.memref_slice %arg14[%add3A_109, %dma_wait3A] : memref<10240x128xf32, #tpu.memory_space<vmem_shared>> -> memref<16x128xf32, #tpu.memory_space<vmem_shared>>
      %dma_wait3A_180 = arith.constant 0 : i32
      %dma_wait3A_181 = tpu.memref_slice %arg14[%add3A_109, %dma_wait3A_180] : memref<10240x128xf32, #tpu.memory_space<vmem_shared>> -> memref<16x128xf32, #tpu.memory_space<vmem_shared>>
      tpu.wait_dma2 semaphore(%run_scoped3A : memref<!tpu.dma_semaphore, #tpu.memory_space<semaphore_mem>>) src(%arg13 : memref<16x128xf32, #tpu.memory_space<vmem>>) dst(%dma_wait3A_181 : memref<16x128xf32, #tpu.memory_space<vmem_shared>>)
      tpu.yield
    }) : () -> ()
    %mul3A_110 = arith.constant 640 : i32
    %mul3A_111 = arith.muli %arg1, %mul3A_110 : i32
    %add3A_112 = arith.constant 448 : i32
    %add3A_113 = arith.addi %mul3A_111, %add3A_112 : i32
    "tpu.region"() ({
      %run_scoped3A = tpu.sem_alloc : memref<!tpu.dma_semaphore, #tpu.memory_space<semaphore_mem>>
      %dma_start3A = arith.constant 0 : i32
      %dma_start3A_176 = tpu.memref_slice %arg14[%add3A_113, %dma_start3A] : memref<10240x128xf32, #tpu.memory_space<vmem_shared>> -> memref<16x128xf32, #tpu.memory_space<vmem_shared>>
      %dma_start3A_177 = arith.constant 0 : i32
      %dma_start3A_178 = tpu.memref_slice %arg14[%add3A_113, %dma_start3A_177] : memref<10240x128xf32, #tpu.memory_space<vmem_shared>> -> memref<16x128xf32, #tpu.memory_space<vmem_shared>>
      tpu.enqueue_dma source(%arg13 : memref<16x128xf32, #tpu.memory_space<vmem>>) target(%dma_start3A_178 : memref<16x128xf32, #tpu.memory_space<vmem_shared>>) target_semaphore(%run_scoped3A : memref<!tpu.dma_semaphore, #tpu.memory_space<semaphore_mem>>)
      %dma_wait3A = arith.constant 0 : i32
      %dma_wait3A_179 = tpu.memref_slice %arg14[%add3A_113, %dma_wait3A] : memref<10240x128xf32, #tpu.memory_space<vmem_shared>> -> memref<16x128xf32, #tpu.memory_space<vmem_shared>>
      %dma_wait3A_180 = arith.constant 0 : i32
      %dma_wait3A_181 = tpu.memref_slice %arg14[%add3A_113, %dma_wait3A_180] : memref<10240x128xf32, #tpu.memory_space<vmem_shared>> -> memref<16x128xf32, #tpu.memory_space<vmem_shared>>
      tpu.wait_dma2 semaphore(%run_scoped3A : memref<!tpu.dma_semaphore, #tpu.memory_space<semaphore_mem>>) src(%arg13 : memref<16x128xf32, #tpu.memory_space<vmem>>) dst(%dma_wait3A_181 : memref<16x128xf32, #tpu.memory_space<vmem_shared>>)
      tpu.yield
    }) : () -> ()
    %mul3A_114 = arith.constant 640 : i32
    %mul3A_115 = arith.muli %arg1, %mul3A_114 : i32
    %add3A_116 = arith.constant 464 : i32
    %add3A_117 = arith.addi %mul3A_115, %add3A_116 : i32
    "tpu.region"() ({
      %run_scoped3A = tpu.sem_alloc : memref<!tpu.dma_semaphore, #tpu.memory_space<semaphore_mem>>
      %dma_start3A = arith.constant 0 : i32
      %dma_start3A_176 = tpu.memref_slice %arg14[%add3A_117, %dma_start3A] : memref<10240x128xf32, #tpu.memory_space<vmem_shared>> -> memref<16x128xf32, #tpu.memory_space<vmem_shared>>
      %dma_start3A_177 = arith.constant 0 : i32
      %dma_start3A_178 = tpu.memref_slice %arg14[%add3A_117, %dma_start3A_177] : memref<10240x128xf32, #tpu.memory_space<vmem_shared>> -> memref<16x128xf32, #tpu.memory_space<vmem_shared>>
      tpu.enqueue_dma source(%arg13 : memref<16x128xf32, #tpu.memory_space<vmem>>) target(%dma_start3A_178 : memref<16x128xf32, #tpu.memory_space<vmem_shared>>) target_semaphore(%run_scoped3A : memref<!tpu.dma_semaphore, #tpu.memory_space<semaphore_mem>>)
      %dma_wait3A = arith.constant 0 : i32
      %dma_wait3A_179 = tpu.memref_slice %arg14[%add3A_117, %dma_wait3A] : memref<10240x128xf32, #tpu.memory_space<vmem_shared>> -> memref<16x128xf32, #tpu.memory_space<vmem_shared>>
      %dma_wait3A_180 = arith.constant 0 : i32
      %dma_wait3A_181 = tpu.memref_slice %arg14[%add3A_117, %dma_wait3A_180] : memref<10240x128xf32, #tpu.memory_space<vmem_shared>> -> memref<16x128xf32, #tpu.memory_space<vmem_shared>>
      tpu.wait_dma2 semaphore(%run_scoped3A : memref<!tpu.dma_semaphore, #tpu.memory_space<semaphore_mem>>) src(%arg13 : memref<16x128xf32, #tpu.memory_space<vmem>>) dst(%dma_wait3A_181 : memref<16x128xf32, #tpu.memory_space<vmem_shared>>)
      tpu.yield
    }) : () -> ()
    %mul3A_118 = arith.constant 640 : i32
    %mul3A_119 = arith.muli %arg1, %mul3A_118 : i32
    %add3A_120 = arith.constant 480 : i32
    %add3A_121 = arith.addi %mul3A_119, %add3A_120 : i32
    "tpu.region"() ({
      %run_scoped3A = tpu.sem_alloc : memref<!tpu.dma_semaphore, #tpu.memory_space<semaphore_mem>>
      %dma_start3A = arith.constant 0 : i32
      %dma_start3A_176 = tpu.memref_slice %arg14[%add3A_121, %dma_start3A] : memref<10240x128xf32, #tpu.memory_space<vmem_shared>> -> memref<16x128xf32, #tpu.memory_space<vmem_shared>>
      %dma_start3A_177 = arith.constant 0 : i32
      %dma_start3A_178 = tpu.memref_slice %arg14[%add3A_121, %dma_start3A_177] : memref<10240x128xf32, #tpu.memory_space<vmem_shared>> -> memref<16x128xf32, #tpu.memory_space<vmem_shared>>
      tpu.enqueue_dma source(%arg13 : memref<16x128xf32, #tpu.memory_space<vmem>>) target(%dma_start3A_178 : memref<16x128xf32, #tpu.memory_space<vmem_shared>>) target_semaphore(%run_scoped3A : memref<!tpu.dma_semaphore, #tpu.memory_space<semaphore_mem>>)
      %dma_wait3A = arith.constant 0 : i32
      %dma_wait3A_179 = tpu.memref_slice %arg14[%add3A_121, %dma_wait3A] : memref<10240x128xf32, #tpu.memory_space<vmem_shared>> -> memref<16x128xf32, #tpu.memory_space<vmem_shared>>
      %dma_wait3A_180 = arith.constant 0 : i32
      %dma_wait3A_181 = tpu.memref_slice %arg14[%add3A_121, %dma_wait3A_180] : memref<10240x128xf32, #tpu.memory_space<vmem_shared>> -> memref<16x128xf32, #tpu.memory_space<vmem_shared>>
      tpu.wait_dma2 semaphore(%run_scoped3A : memref<!tpu.dma_semaphore, #tpu.memory_space<semaphore_mem>>) src(%arg13 : memref<16x128xf32, #tpu.memory_space<vmem>>) dst(%dma_wait3A_181 : memref<16x128xf32, #tpu.memory_space<vmem_shared>>)
      tpu.yield
    }) : () -> ()
    %mul3A_122 = arith.constant 640 : i32
    %mul3A_123 = arith.muli %arg1, %mul3A_122 : i32
    %add3A_124 = arith.constant 496 : i32
    %add3A_125 = arith.addi %mul3A_123, %add3A_124 : i32
    "tpu.region"() ({
      %run_scoped3A = tpu.sem_alloc : memref<!tpu.dma_semaphore, #tpu.memory_space<semaphore_mem>>
      %dma_start3A = arith.constant 0 : i32
      %dma_start3A_176 = tpu.memref_slice %arg14[%add3A_125, %dma_start3A] : memref<10240x128xf32, #tpu.memory_space<vmem_shared>> -> memref<16x128xf32, #tpu.memory_space<vmem_shared>>
      %dma_start3A_177 = arith.constant 0 : i32
      %dma_start3A_178 = tpu.memref_slice %arg14[%add3A_125, %dma_start3A_177] : memref<10240x128xf32, #tpu.memory_space<vmem_shared>> -> memref<16x128xf32, #tpu.memory_space<vmem_shared>>
      tpu.enqueue_dma source(%arg13 : memref<16x128xf32, #tpu.memory_space<vmem>>) target(%dma_start3A_178 : memref<16x128xf32, #tpu.memory_space<vmem_shared>>) target_semaphore(%run_scoped3A : memref<!tpu.dma_semaphore, #tpu.memory_space<semaphore_mem>>)
      %dma_wait3A = arith.constant 0 : i32
      %dma_wait3A_179 = tpu.memref_slice %arg14[%add3A_125, %dma_wait3A] : memref<10240x128xf32, #tpu.memory_space<vmem_shared>> -> memref<16x128xf32, #tpu.memory_space<vmem_shared>>
      %dma_wait3A_180 = arith.constant 0 : i32
      %dma_wait3A_181 = tpu.memref_slice %arg14[%add3A_125, %dma_wait3A_180] : memref<10240x128xf32, #tpu.memory_space<vmem_shared>> -> memref<16x128xf32, #tpu.memory_space<vmem_shared>>
      tpu.wait_dma2 semaphore(%run_scoped3A : memref<!tpu.dma_semaphore, #tpu.memory_space<semaphore_mem>>) src(%arg13 : memref<16x128xf32, #tpu.memory_space<vmem>>) dst(%dma_wait3A_181 : memref<16x128xf32, #tpu.memory_space<vmem_shared>>)
      tpu.yield
    }) : () -> ()
    %mul3A_126 = arith.constant 640 : i32
    %mul3A_127 = arith.muli %arg1, %mul3A_126 : i32
    %add3A_128 = arith.constant 512 : i32
    %add3A_129 = arith.addi %mul3A_127, %add3A_128 : i32
    "tpu.region"() ({
      %run_scoped3A = tpu.sem_alloc : memref<!tpu.dma_semaphore, #tpu.memory_space<semaphore_mem>>
      %dma_start3A = arith.constant 0 : i32
      %dma_start3A_176 = tpu.memref_slice %arg14[%add3A_129, %dma_start3A] : memref<10240x128xf32, #tpu.memory_space<vmem_shared>> -> memref<16x128xf32, #tpu.memory_space<vmem_shared>>
      %dma_start3A_177 = arith.constant 0 : i32
      %dma_start3A_178 = tpu.memref_slice %arg14[%add3A_129, %dma_start3A_177] : memref<10240x128xf32, #tpu.memory_space<vmem_shared>> -> memref<16x128xf32, #tpu.memory_space<vmem_shared>>
      tpu.enqueue_dma source(%arg13 : memref<16x128xf32, #tpu.memory_space<vmem>>) target(%dma_start3A_178 : memref<16x128xf32, #tpu.memory_space<vmem_shared>>) target_semaphore(%run_scoped3A : memref<!tpu.dma_semaphore, #tpu.memory_space<semaphore_mem>>)
      %dma_wait3A = arith.constant 0 : i32
      %dma_wait3A_179 = tpu.memref_slice %arg14[%add3A_129, %dma_wait3A] : memref<10240x128xf32, #tpu.memory_space<vmem_shared>> -> memref<16x128xf32, #tpu.memory_space<vmem_shared>>
      %dma_wait3A_180 = arith.constant 0 : i32
      %dma_wait3A_181 = tpu.memref_slice %arg14[%add3A_129, %dma_wait3A_180] : memref<10240x128xf32, #tpu.memory_space<vmem_shared>> -> memref<16x128xf32, #tpu.memory_space<vmem_shared>>
      tpu.wait_dma2 semaphore(%run_scoped3A : memref<!tpu.dma_semaphore, #tpu.memory_space<semaphore_mem>>) src(%arg13 : memref<16x128xf32, #tpu.memory_space<vmem>>) dst(%dma_wait3A_181 : memref<16x128xf32, #tpu.memory_space<vmem_shared>>)
      tpu.yield
    }) : () -> ()
    %mul3A_130 = arith.constant 640 : i32
    %mul3A_131 = arith.muli %arg1, %mul3A_130 : i32
    %add3A_132 = arith.constant 528 : i32
    %add3A_133 = arith.addi %mul3A_131, %add3A_132 : i32
    "tpu.region"() ({
      %run_scoped3A = tpu.sem_alloc : memref<!tpu.dma_semaphore, #tpu.memory_space<semaphore_mem>>
      %dma_start3A = arith.constant 0 : i32
      %dma_start3A_176 = tpu.memref_slice %arg14[%add3A_133, %dma_start3A] : memref<10240x128xf32, #tpu.memory_space<vmem_shared>> -> memref<16x128xf32, #tpu.memory_space<vmem_shared>>
      %dma_start3A_177 = arith.constant 0 : i32
      %dma_start3A_178 = tpu.memref_slice %arg14[%add3A_133, %dma_start3A_177] : memref<10240x128xf32, #tpu.memory_space<vmem_shared>> -> memref<16x128xf32, #tpu.memory_space<vmem_shared>>
      tpu.enqueue_dma source(%arg13 : memref<16x128xf32, #tpu.memory_space<vmem>>) target(%dma_start3A_178 : memref<16x128xf32, #tpu.memory_space<vmem_shared>>) target_semaphore(%run_scoped3A : memref<!tpu.dma_semaphore, #tpu.memory_space<semaphore_mem>>)
      %dma_wait3A = arith.constant 0 : i32
      %dma_wait3A_179 = tpu.memref_slice %arg14[%add3A_133, %dma_wait3A] : memref<10240x128xf32, #tpu.memory_space<vmem_shared>> -> memref<16x128xf32, #tpu.memory_space<vmem_shared>>
      %dma_wait3A_180 = arith.constant 0 : i32
      %dma_wait3A_181 = tpu.memref_slice %arg14[%add3A_133, %dma_wait3A_180] : memref<10240x128xf32, #tpu.memory_space<vmem_shared>> -> memref<16x128xf32, #tpu.memory_space<vmem_shared>>
      tpu.wait_dma2 semaphore(%run_scoped3A : memref<!tpu.dma_semaphore, #tpu.memory_space<semaphore_mem>>) src(%arg13 : memref<16x128xf32, #tpu.memory_space<vmem>>) dst(%dma_wait3A_181 : memref<16x128xf32, #tpu.memory_space<vmem_shared>>)
      tpu.yield
    }) : () -> ()
    %mul3A_134 = arith.constant 640 : i32
    %mul3A_135 = arith.muli %arg1, %mul3A_134 : i32
    %add3A_136 = arith.constant 544 : i32
    %add3A_137 = arith.addi %mul3A_135, %add3A_136 : i32
    "tpu.region"() ({
      %run_scoped3A = tpu.sem_alloc : memref<!tpu.dma_semaphore, #tpu.memory_space<semaphore_mem>>
      %dma_start3A = arith.constant 0 : i32
      %dma_start3A_176 = tpu.memref_slice %arg14[%add3A_137, %dma_start3A] : memref<10240x128xf32, #tpu.memory_space<vmem_shared>> -> memref<16x128xf32, #tpu.memory_space<vmem_shared>>
      %dma_start3A_177 = arith.constant 0 : i32
      %dma_start3A_178 = tpu.memref_slice %arg14[%add3A_137, %dma_start3A_177] : memref<10240x128xf32, #tpu.memory_space<vmem_shared>> -> memref<16x128xf32, #tpu.memory_space<vmem_shared>>
      tpu.enqueue_dma source(%arg13 : memref<16x128xf32, #tpu.memory_space<vmem>>) target(%dma_start3A_178 : memref<16x128xf32, #tpu.memory_space<vmem_shared>>) target_semaphore(%run_scoped3A : memref<!tpu.dma_semaphore, #tpu.memory_space<semaphore_mem>>)
      %dma_wait3A = arith.constant 0 : i32
      %dma_wait3A_179 = tpu.memref_slice %arg14[%add3A_137, %dma_wait3A] : memref<10240x128xf32, #tpu.memory_space<vmem_shared>> -> memref<16x128xf32, #tpu.memory_space<vmem_shared>>
      %dma_wait3A_180 = arith.constant 0 : i32
      %dma_wait3A_181 = tpu.memref_slice %arg14[%add3A_137, %dma_wait3A_180] : memref<10240x128xf32, #tpu.memory_space<vmem_shared>> -> memref<16x128xf32, #tpu.memory_space<vmem_shared>>
      tpu.wait_dma2 semaphore(%run_scoped3A : memref<!tpu.dma_semaphore, #tpu.memory_space<semaphore_mem>>) src(%arg13 : memref<16x128xf32, #tpu.memory_space<vmem>>) dst(%dma_wait3A_181 : memref<16x128xf32, #tpu.memory_space<vmem_shared>>)
      tpu.yield
    }) : () -> ()
    %mul3A_138 = arith.constant 640 : i32
    %mul3A_139 = arith.muli %arg1, %mul3A_138 : i32
    %add3A_140 = arith.constant 560 : i32
    %add3A_141 = arith.addi %mul3A_139, %add3A_140 : i32
    "tpu.region"() ({
      %run_scoped3A = tpu.sem_alloc : memref<!tpu.dma_semaphore, #tpu.memory_space<semaphore_mem>>
      %dma_start3A = arith.constant 0 : i32
      %dma_start3A_176 = tpu.memref_slice %arg14[%add3A_141, %dma_start3A] : memref<10240x128xf32, #tpu.memory_space<vmem_shared>> -> memref<16x128xf32, #tpu.memory_space<vmem_shared>>
      %dma_start3A_177 = arith.constant 0 : i32
      %dma_start3A_178 = tpu.memref_slice %arg14[%add3A_141, %dma_start3A_177] : memref<10240x128xf32, #tpu.memory_space<vmem_shared>> -> memref<16x128xf32, #tpu.memory_space<vmem_shared>>
      tpu.enqueue_dma source(%arg13 : memref<16x128xf32, #tpu.memory_space<vmem>>) target(%dma_start3A_178 : memref<16x128xf32, #tpu.memory_space<vmem_shared>>) target_semaphore(%run_scoped3A : memref<!tpu.dma_semaphore, #tpu.memory_space<semaphore_mem>>)
      %dma_wait3A = arith.constant 0 : i32
      %dma_wait3A_179 = tpu.memref_slice %arg14[%add3A_141, %dma_wait3A] : memref<10240x128xf32, #tpu.memory_space<vmem_shared>> -> memref<16x128xf32, #tpu.memory_space<vmem_shared>>
      %dma_wait3A_180 = arith.constant 0 : i32
      %dma_wait3A_181 = tpu.memref_slice %arg14[%add3A_141, %dma_wait3A_180] : memref<10240x128xf32, #tpu.memory_space<vmem_shared>> -> memref<16x128xf32, #tpu.memory_space<vmem_shared>>
      tpu.wait_dma2 semaphore(%run_scoped3A : memref<!tpu.dma_semaphore, #tpu.memory_space<semaphore_mem>>) src(%arg13 : memref<16x128xf32, #tpu.memory_space<vmem>>) dst(%dma_wait3A_181 : memref<16x128xf32, #tpu.memory_space<vmem_shared>>)
      tpu.yield
    }) : () -> ()
    %mul3A_142 = arith.constant 640 : i32
    %mul3A_143 = arith.muli %arg1, %mul3A_142 : i32
    %add3A_144 = arith.constant 576 : i32
    %add3A_145 = arith.addi %mul3A_143, %add3A_144 : i32
    "tpu.region"() ({
      %run_scoped3A = tpu.sem_alloc : memref<!tpu.dma_semaphore, #tpu.memory_space<semaphore_mem>>
      %dma_start3A = arith.constant 0 : i32
      %dma_start3A_176 = tpu.memref_slice %arg14[%add3A_145, %dma_start3A] : memref<10240x128xf32, #tpu.memory_space<vmem_shared>> -> memref<16x128xf32, #tpu.memory_space<vmem_shared>>
      %dma_start3A_177 = arith.constant 0 : i32
      %dma_start3A_178 = tpu.memref_slice %arg14[%add3A_145, %dma_start3A_177] : memref<10240x128xf32, #tpu.memory_space<vmem_shared>> -> memref<16x128xf32, #tpu.memory_space<vmem_shared>>
      tpu.enqueue_dma source(%arg13 : memref<16x128xf32, #tpu.memory_space<vmem>>) target(%dma_start3A_178 : memref<16x128xf32, #tpu.memory_space<vmem_shared>>) target_semaphore(%run_scoped3A : memref<!tpu.dma_semaphore, #tpu.memory_space<semaphore_mem>>)
      %dma_wait3A = arith.constant 0 : i32
      %dma_wait3A_179 = tpu.memref_slice %arg14[%add3A_145, %dma_wait3A] : memref<10240x128xf32, #tpu.memory_space<vmem_shared>> -> memref<16x128xf32, #tpu.memory_space<vmem_shared>>
      %dma_wait3A_180 = arith.constant 0 : i32
      %dma_wait3A_181 = tpu.memref_slice %arg14[%add3A_145, %dma_wait3A_180] : memref<10240x128xf32, #tpu.memory_space<vmem_shared>> -> memref<16x128xf32, #tpu.memory_space<vmem_shared>>
      tpu.wait_dma2 semaphore(%run_scoped3A : memref<!tpu.dma_semaphore, #tpu.memory_space<semaphore_mem>>) src(%arg13 : memref<16x128xf32, #tpu.memory_space<vmem>>) dst(%dma_wait3A_181 : memref<16x128xf32, #tpu.memory_space<vmem_shared>>)
      tpu.yield
    }) : () -> ()
    %mul3A_146 = arith.constant 640 : i32
    %mul3A_147 = arith.muli %arg1, %mul3A_146 : i32
    %add3A_148 = arith.constant 592 : i32
    %add3A_149 = arith.addi %mul3A_147, %add3A_148 : i32
    "tpu.region"() ({
      %run_scoped3A = tpu.sem_alloc : memref<!tpu.dma_semaphore, #tpu.memory_space<semaphore_mem>>
      %dma_start3A = arith.constant 0 : i32
      %dma_start3A_176 = tpu.memref_slice %arg14[%add3A_149, %dma_start3A] : memref<10240x128xf32, #tpu.memory_space<vmem_shared>> -> memref<16x128xf32, #tpu.memory_space<vmem_shared>>
      %dma_start3A_177 = arith.constant 0 : i32
      %dma_start3A_178 = tpu.memref_slice %arg14[%add3A_149, %dma_start3A_177] : memref<10240x128xf32, #tpu.memory_space<vmem_shared>> -> memref<16x128xf32, #tpu.memory_space<vmem_shared>>
      tpu.enqueue_dma source(%arg13 : memref<16x128xf32, #tpu.memory_space<vmem>>) target(%dma_start3A_178 : memref<16x128xf32, #tpu.memory_space<vmem_shared>>) target_semaphore(%run_scoped3A : memref<!tpu.dma_semaphore, #tpu.memory_space<semaphore_mem>>)
      %dma_wait3A = arith.constant 0 : i32
      %dma_wait3A_179 = tpu.memref_slice %arg14[%add3A_149, %dma_wait3A] : memref<10240x128xf32, #tpu.memory_space<vmem_shared>> -> memref<16x128xf32, #tpu.memory_space<vmem_shared>>
      %dma_wait3A_180 = arith.constant 0 : i32
      %dma_wait3A_181 = tpu.memref_slice %arg14[%add3A_149, %dma_wait3A_180] : memref<10240x128xf32, #tpu.memory_space<vmem_shared>> -> memref<16x128xf32, #tpu.memory_space<vmem_shared>>
      tpu.wait_dma2 semaphore(%run_scoped3A : memref<!tpu.dma_semaphore, #tpu.memory_space<semaphore_mem>>) src(%arg13 : memref<16x128xf32, #tpu.memory_space<vmem>>) dst(%dma_wait3A_181 : memref<16x128xf32, #tpu.memory_space<vmem_shared>>)
      tpu.yield
    }) : () -> ()
    %mul3A_150 = arith.constant 640 : i32
    %mul3A_151 = arith.muli %arg1, %mul3A_150 : i32
    %add3A_152 = arith.constant 608 : i32
    %add3A_153 = arith.addi %mul3A_151, %add3A_152 : i32
    "tpu.region"() ({
      %run_scoped3A = tpu.sem_alloc : memref<!tpu.dma_semaphore, #tpu.memory_space<semaphore_mem>>
      %dma_start3A = arith.constant 0 : i32
      %dma_start3A_176 = tpu.memref_slice %arg14[%add3A_153, %dma_start3A] : memref<10240x128xf32, #tpu.memory_space<vmem_shared>> -> memref<16x128xf32, #tpu.memory_space<vmem_shared>>
      %dma_start3A_177 = arith.constant 0 : i32
      %dma_start3A_178 = tpu.memref_slice %arg14[%add3A_153, %dma_start3A_177] : memref<10240x128xf32, #tpu.memory_space<vmem_shared>> -> memref<16x128xf32, #tpu.memory_space<vmem_shared>>
      tpu.enqueue_dma source(%arg13 : memref<16x128xf32, #tpu.memory_space<vmem>>) target(%dma_start3A_178 : memref<16x128xf32, #tpu.memory_space<vmem_shared>>) target_semaphore(%run_scoped3A : memref<!tpu.dma_semaphore, #tpu.memory_space<semaphore_mem>>)
      %dma_wait3A = arith.constant 0 : i32
      %dma_wait3A_179 = tpu.memref_slice %arg14[%add3A_153, %dma_wait3A] : memref<10240x128xf32, #tpu.memory_space<vmem_shared>> -> memref<16x128xf32, #tpu.memory_space<vmem_shared>>
      %dma_wait3A_180 = arith.constant 0 : i32
      %dma_wait3A_181 = tpu.memref_slice %arg14[%add3A_153, %dma_wait3A_180] : memref<10240x128xf32, #tpu.memory_space<vmem_shared>> -> memref<16x128xf32, #tpu.memory_space<vmem_shared>>
      tpu.wait_dma2 semaphore(%run_scoped3A : memref<!tpu.dma_semaphore, #tpu.memory_space<semaphore_mem>>) src(%arg13 : memref<16x128xf32, #tpu.memory_space<vmem>>) dst(%dma_wait3A_181 : memref<16x128xf32, #tpu.memory_space<vmem_shared>>)
      tpu.yield
    }) : () -> ()
    %mul3A_154 = arith.constant 640 : i32
    %mul3A_155 = arith.muli %arg1, %mul3A_154 : i32
    %add3A_156 = arith.constant 624 : i32
    %add3A_157 = arith.addi %mul3A_155, %add3A_156 : i32
    "tpu.region"() ({
      %run_scoped3A = tpu.sem_alloc : memref<!tpu.dma_semaphore, #tpu.memory_space<semaphore_mem>>
      %dma_start3A = arith.constant 0 : i32
      %dma_start3A_176 = tpu.memref_slice %arg14[%add3A_157, %dma_start3A] : memref<10240x128xf32, #tpu.memory_space<vmem_shared>> -> memref<16x128xf32, #tpu.memory_space<vmem_shared>>
      %dma_start3A_177 = arith.constant 0 : i32
      %dma_start3A_178 = tpu.memref_slice %arg14[%add3A_157, %dma_start3A_177] : memref<10240x128xf32, #tpu.memory_space<vmem_shared>> -> memref<16x128xf32, #tpu.memory_space<vmem_shared>>
      tpu.enqueue_dma source(%arg13 : memref<16x128xf32, #tpu.memory_space<vmem>>) target(%dma_start3A_178 : memref<16x128xf32, #tpu.memory_space<vmem_shared>>) target_semaphore(%run_scoped3A : memref<!tpu.dma_semaphore, #tpu.memory_space<semaphore_mem>>)
      %dma_wait3A = arith.constant 0 : i32
      %dma_wait3A_179 = tpu.memref_slice %arg14[%add3A_157, %dma_wait3A] : memref<10240x128xf32, #tpu.memory_space<vmem_shared>> -> memref<16x128xf32, #tpu.memory_space<vmem_shared>>
      %dma_wait3A_180 = arith.constant 0 : i32
      %dma_wait3A_181 = tpu.memref_slice %arg14[%add3A_157, %dma_wait3A_180] : memref<10240x128xf32, #tpu.memory_space<vmem_shared>> -> memref<16x128xf32, #tpu.memory_space<vmem_shared>>
      tpu.wait_dma2 semaphore(%run_scoped3A : memref<!tpu.dma_semaphore, #tpu.memory_space<semaphore_mem>>) src(%arg13 : memref<16x128xf32, #tpu.memory_space<vmem>>) dst(%dma_wait3A_181 : memref<16x128xf32, #tpu.memory_space<vmem_shared>>)
      tpu.yield
    }) : () -> ()
    %barrier3A = arith.constant 0 : index
    tpu.barrier barrier_id(%barrier3A)
    %eq3A = arith.constant 0 : i32
    %eq3A_158 = arith.cmpi eq, %arg0, %eq3A : i32
    %convert_element_type3A = arith.extui %eq3A_158 : i1 to i32
    %cond3A = arith.constant 0 : i32
    %cond3A_159 = arith.cmpi ne, %convert_element_type3A, %cond3A : i32
    scf.if %cond3A_159 {
      %mul3A_176 = arith.constant 80 : i32
      %mul3A_177 = arith.muli %arg1, %mul3A_176 : i32
      %add3A_178 = arith.constant 0 : i32
      %add3A_179 = arith.addi %mul3A_177, %add3A_178 : i32
      "tpu.region"() ({
        %run_scoped3A = tpu.sem_alloc : memref<!tpu.dma_semaphore, #tpu.memory_space<semaphore_mem>>
        %dma_start3A_216 = arith.constant 0 : i32
        %dma_start3A_217 = tpu.memref_slice %arg4[%add3A_179, %dma_start3A_216] : memref<1280x128xi32, #tpu.memory_space<hbm>> -> memref<40x128xi32, #tpu.memory_space<hbm>>
        %dma_start3A_218 = arith.constant 0 : i32
        %dma_start3A_219 = tpu.memref_slice %arg4[%add3A_179, %dma_start3A_218] : memref<1280x128xi32, #tpu.memory_space<hbm>> -> memref<40x128xi32, #tpu.memory_space<hbm>>
        tpu.enqueue_dma source(%dma_start3A_219 : memref<40x128xi32, #tpu.memory_space<hbm>>) target(%arg9 : memref<40x128xi32, #tpu.memory_space<vmem>>) target_semaphore(%run_scoped3A : memref<!tpu.dma_semaphore, #tpu.memory_space<semaphore_mem>>)
        %dma_wait3A = arith.constant 0 : i32
        %dma_wait3A_220 = tpu.memref_slice %arg4[%add3A_179, %dma_wait3A] : memref<1280x128xi32, #tpu.memory_space<hbm>> -> memref<40x128xi32, #tpu.memory_space<hbm>>
        %dma_wait3A_221 = arith.constant 0 : i32
        %dma_wait3A_222 = tpu.memref_slice %arg4[%add3A_179, %dma_wait3A_221] : memref<1280x128xi32, #tpu.memory_space<hbm>> -> memref<40x128xi32, #tpu.memory_space<hbm>>
        tpu.wait_dma2 semaphore(%run_scoped3A : memref<!tpu.dma_semaphore, #tpu.memory_space<semaphore_mem>>) src(%dma_wait3A_222 : memref<40x128xi32, #tpu.memory_space<hbm>>) dst(%arg9 : memref<40x128xi32, #tpu.memory_space<vmem>>)
        tpu.yield
      }) : () -> ()
      %mul3A_180 = arith.constant 80 : i32
      %mul3A_181 = arith.muli %arg1, %mul3A_180 : i32
      %add3A_182 = arith.constant 0 : i32
      %add3A_183 = arith.addi %mul3A_181, %add3A_182 : i32
      "tpu.region"() ({
        %run_scoped3A = tpu.sem_alloc : memref<!tpu.dma_semaphore, #tpu.memory_space<semaphore_mem>>
        %dma_start3A_216 = arith.constant 0 : i32
        %dma_start3A_217 = tpu.memref_slice %arg5[%add3A_183, %dma_start3A_216] : memref<1280x128xi32, #tpu.memory_space<hbm>> -> memref<40x128xi32, #tpu.memory_space<hbm>>
        %dma_start3A_218 = arith.constant 0 : i32
        %dma_start3A_219 = tpu.memref_slice %arg5[%add3A_183, %dma_start3A_218] : memref<1280x128xi32, #tpu.memory_space<hbm>> -> memref<40x128xi32, #tpu.memory_space<hbm>>
        tpu.enqueue_dma source(%dma_start3A_219 : memref<40x128xi32, #tpu.memory_space<hbm>>) target(%arg10 : memref<40x128xi32, #tpu.memory_space<vmem>>) target_semaphore(%run_scoped3A : memref<!tpu.dma_semaphore, #tpu.memory_space<semaphore_mem>>)
        %dma_wait3A = arith.constant 0 : i32
        %dma_wait3A_220 = tpu.memref_slice %arg5[%add3A_183, %dma_wait3A] : memref<1280x128xi32, #tpu.memory_space<hbm>> -> memref<40x128xi32, #tpu.memory_space<hbm>>
        %dma_wait3A_221 = arith.constant 0 : i32
        %dma_wait3A_222 = tpu.memref_slice %arg5[%add3A_183, %dma_wait3A_221] : memref<1280x128xi32, #tpu.memory_space<hbm>> -> memref<40x128xi32, #tpu.memory_space<hbm>>
        tpu.wait_dma2 semaphore(%run_scoped3A : memref<!tpu.dma_semaphore, #tpu.memory_space<semaphore_mem>>) src(%dma_wait3A_222 : memref<40x128xi32, #tpu.memory_space<hbm>>) dst(%arg10 : memref<40x128xi32, #tpu.memory_space<vmem>>)
        tpu.yield
      }) : () -> ()
      %dma_start3A = arith.constant 0 : i32
      %dma_start3A_184 = arith.constant 0 : i32
      %dma_start3A_185 = tpu.memref_slice %arg9[%dma_start3A, %dma_start3A_184] : memref<40x128xi32, #tpu.memory_space<vmem>> -> memref<1x128xi32, #tpu.memory_space<vmem>>
      %dma_start3A_186 = tpu.memref_squeeze %dma_start3A_185 : memref<1x128xi32, #tpu.memory_space<vmem>> -> memref<128xi32, #tpu.memory_space<vmem>>
      %dma_start3A_187 = arith.constant 0 : i32
      %dma_start3A_188 = arith.constant 0 : i32
      %dma_start3A_189 = tpu.memref_slice %arg2[%dma_start3A_187, %dma_start3A_188] : memref<10240x128xf32, #tpu.memory_space<hbm>> -> memref<10240x128xf32, #tpu.memory_space<hbm>>
      tpu.enqueue_indirect_dma source(%dma_start3A_189 : memref<10240x128xf32, #tpu.memory_space<hbm>>) target(%arg11 : memref<128x128xf32, #tpu.memory_space<vmem>>) offsets(%dma_start3A_186 : memref<128xi32, #tpu.memory_space<vmem>>) semaphore(%arg15 : memref<!tpu.dma_semaphore, #tpu.memory_space<semaphore_mem>>)
      %scan3A = arith.constant 0 : i32
      %scan3A_190 = arith.constant 0 : i32
      %scan3A_191 = arith.constant 20 : i32
      %scan3A_192 = arith.addi %scan3A_190, %scan3A_191 : i32
      %scan3A_193 = arith.constant 1 : i32
      scf.for %scan3A_216 = %scan3A_190 to %scan3A_192 step %scan3A_193  : i32 {
        %mul3A_217 = arith.constant 2 : i32
        %mul3A_218 = arith.muli %mul3A_217, %scan3A_216 : i32
        %dma_wait3A = arith.constant 0 : i32
        %dma_wait3A_219 = tpu.memref_slice %arg9[%mul3A_218, %dma_wait3A] : memref<40x128xi32, #tpu.memory_space<vmem>> -> memref<1x128xi32, #tpu.memory_space<vmem>>
        %dma_wait3A_220 = tpu.memref_squeeze %dma_wait3A_219 : memref<1x128xi32, #tpu.memory_space<vmem>> -> memref<128xi32, #tpu.memory_space<vmem>>
        %dma_wait3A_221 = arith.constant 0 : i32
        %dma_wait3A_222 = arith.constant 0 : i32
        %dma_wait3A_223 = tpu.memref_slice %arg2[%dma_wait3A_221, %dma_wait3A_222] : memref<10240x128xf32, #tpu.memory_space<hbm>> -> memref<10240x128xf32, #tpu.memory_space<hbm>>
        tpu.wait_indirect_dma semaphore(%arg15 : memref<!tpu.dma_semaphore, #tpu.memory_space<semaphore_mem>>) src(%dma_wait3A_223 : memref<10240x128xf32, #tpu.memory_space<hbm>>) dst(%arg11 : memref<128x128xf32, #tpu.memory_space<vmem>>)
        %add3A_224 = arith.constant 1 : i32
        %add3A_225 = arith.addi %mul3A_218, %add3A_224 : i32
        %dma_start3A_226 = arith.constant 0 : i32
        %dma_start3A_227 = tpu.memref_slice %arg9[%add3A_225, %dma_start3A_226] : memref<40x128xi32, #tpu.memory_space<vmem>> -> memref<1x128xi32, #tpu.memory_space<vmem>>
        %dma_start3A_228 = tpu.memref_squeeze %dma_start3A_227 : memref<1x128xi32, #tpu.memory_space<vmem>> -> memref<128xi32, #tpu.memory_space<vmem>>
        %dma_start3A_229 = arith.constant 0 : i32
        %dma_start3A_230 = arith.constant 0 : i32
        %dma_start3A_231 = tpu.memref_slice %arg2[%dma_start3A_229, %dma_start3A_230] : memref<10240x128xf32, #tpu.memory_space<hbm>> -> memref<10240x128xf32, #tpu.memory_space<hbm>>
        tpu.enqueue_indirect_dma source(%dma_start3A_231 : memref<10240x128xf32, #tpu.memory_space<hbm>>) target(%arg12 : memref<128x128xf32, #tpu.memory_space<vmem>>) offsets(%dma_start3A_228 : memref<128xi32, #tpu.memory_space<vmem>>) semaphore(%arg16 : memref<!tpu.dma_semaphore, #tpu.memory_space<semaphore_mem>>)
        "tpu.region"() ({
          %run_scoped3A = tpu.sem_alloc : memref<!tpu.dma_semaphore, #tpu.memory_space<semaphore_mem>>
          %dma_start3A_248 = arith.constant 0 : i32
          %dma_start3A_249 = tpu.memref_slice %arg10[%mul3A_218, %dma_start3A_248] : memref<40x128xi32, #tpu.memory_space<vmem>> -> memref<1x128xi32, #tpu.memory_space<vmem>>
          %dma_start3A_250 = tpu.memref_squeeze %dma_start3A_249 : memref<1x128xi32, #tpu.memory_space<vmem>> -> memref<128xi32, #tpu.memory_space<vmem>>
          %dma_start3A_251 = arith.constant 0 : i32
          %dma_start3A_252 = arith.constant 0 : i32
          %dma_start3A_253 = tpu.memref_slice %arg14[%dma_start3A_251, %dma_start3A_252] : memref<10240x128xf32, #tpu.memory_space<vmem_shared>> -> memref<10240x128xf32, #tpu.memory_space<vmem_shared>>
          tpu.enqueue_indirect_dma source(%arg11 : memref<128x128xf32, #tpu.memory_space<vmem>>) target(%dma_start3A_253 : memref<10240x128xf32, #tpu.memory_space<vmem_shared>>) offsets(%dma_start3A_250 : memref<128xi32, #tpu.memory_space<vmem>>) semaphore(%run_scoped3A : memref<!tpu.dma_semaphore, #tpu.memory_space<semaphore_mem>>) {add = true}
          %dma_wait3A_254 = arith.constant 0 : i32
          %dma_wait3A_255 = tpu.memref_slice %arg10[%mul3A_218, %dma_wait3A_254] : memref<40x128xi32, #tpu.memory_space<vmem>> -> memref<1x128xi32, #tpu.memory_space<vmem>>
          %dma_wait3A_256 = tpu.memref_squeeze %dma_wait3A_255 : memref<1x128xi32, #tpu.memory_space<vmem>> -> memref<128xi32, #tpu.memory_space<vmem>>
          %dma_wait3A_257 = arith.constant 0 : i32
          %dma_wait3A_258 = arith.constant 0 : i32
          %dma_wait3A_259 = tpu.memref_slice %arg14[%dma_wait3A_257, %dma_wait3A_258] : memref<10240x128xf32, #tpu.memory_space<vmem_shared>> -> memref<10240x128xf32, #tpu.memory_space<vmem_shared>>
          tpu.wait_indirect_dma semaphore(%run_scoped3A : memref<!tpu.dma_semaphore, #tpu.memory_space<semaphore_mem>>) src(%arg11 : memref<128x128xf32, #tpu.memory_space<vmem>>) dst(%dma_wait3A_259 : memref<10240x128xf32, #tpu.memory_space<vmem_shared>>)
          tpu.yield
        }) : () -> ()
        %add3A_232 = arith.constant 1 : i32
        %add3A_233 = arith.addi %mul3A_218, %add3A_232 : i32
        %dma_wait3A_234 = arith.constant 0 : i32
        %dma_wait3A_235 = tpu.memref_slice %arg9[%add3A_233, %dma_wait3A_234] : memref<40x128xi32, #tpu.memory_space<vmem>> -> memref<1x128xi32, #tpu.memory_space<vmem>>
        %dma_wait3A_236 = tpu.memref_squeeze %dma_wait3A_235 : memref<1x128xi32, #tpu.memory_space<vmem>> -> memref<128xi32, #tpu.memory_space<vmem>>
        %dma_wait3A_237 = arith.constant 0 : i32
        %dma_wait3A_238 = arith.constant 0 : i32
        %dma_wait3A_239 = tpu.memref_slice %arg2[%dma_wait3A_237, %dma_wait3A_238] : memref<10240x128xf32, #tpu.memory_space<hbm>> -> memref<10240x128xf32, #tpu.memory_space<hbm>>
        tpu.wait_indirect_dma semaphore(%arg16 : memref<!tpu.dma_semaphore, #tpu.memory_space<semaphore_mem>>) src(%dma_wait3A_239 : memref<10240x128xf32, #tpu.memory_space<hbm>>) dst(%arg12 : memref<128x128xf32, #tpu.memory_space<vmem>>)
        %add3A_240 = arith.constant 2 : i32
        %add3A_241 = arith.addi %mul3A_218, %add3A_240 : i32
        %lt3A = arith.constant 40 : i32
        %lt3A_242 = arith.cmpi slt, %add3A_241, %lt3A : i32
        %convert_element_type3A_243 = arith.extui %lt3A_242 : i1 to i32
        %cond3A_244 = arith.constant 0 : i32
        %cond3A_245 = arith.cmpi ne, %convert_element_type3A_243, %cond3A_244 : i32
        scf.if %cond3A_245 {
          %add3A_248 = arith.constant 2 : i32
          %add3A_249 = arith.addi %mul3A_218, %add3A_248 : i32
          %dma_start3A_250 = arith.constant 0 : i32
          %dma_start3A_251 = tpu.memref_slice %arg9[%add3A_249, %dma_start3A_250] : memref<40x128xi32, #tpu.memory_space<vmem>> -> memref<1x128xi32, #tpu.memory_space<vmem>>
          %dma_start3A_252 = tpu.memref_squeeze %dma_start3A_251 : memref<1x128xi32, #tpu.memory_space<vmem>> -> memref<128xi32, #tpu.memory_space<vmem>>
          %dma_start3A_253 = arith.constant 0 : i32
          %dma_start3A_254 = arith.constant 0 : i32
          %dma_start3A_255 = tpu.memref_slice %arg2[%dma_start3A_253, %dma_start3A_254] : memref<10240x128xf32, #tpu.memory_space<hbm>> -> memref<10240x128xf32, #tpu.memory_space<hbm>>
          tpu.enqueue_indirect_dma source(%dma_start3A_255 : memref<10240x128xf32, #tpu.memory_space<hbm>>) target(%arg11 : memref<128x128xf32, #tpu.memory_space<vmem>>) offsets(%dma_start3A_252 : memref<128xi32, #tpu.memory_space<vmem>>) semaphore(%arg15 : memref<!tpu.dma_semaphore, #tpu.memory_space<semaphore_mem>>)
        } else {
        }
        %add3A_246 = arith.constant 1 : i32
        %add3A_247 = arith.addi %mul3A_218, %add3A_246 : i32
        "tpu.region"() ({
          %run_scoped3A = tpu.sem_alloc : memref<!tpu.dma_semaphore, #tpu.memory_space<semaphore_mem>>
          %dma_start3A_248 = arith.constant 0 : i32
          %dma_start3A_249 = tpu.memref_slice %arg10[%add3A_247, %dma_start3A_248] : memref<40x128xi32, #tpu.memory_space<vmem>> -> memref<1x128xi32, #tpu.memory_space<vmem>>
          %dma_start3A_250 = tpu.memref_squeeze %dma_start3A_249 : memref<1x128xi32, #tpu.memory_space<vmem>> -> memref<128xi32, #tpu.memory_space<vmem>>
          %dma_start3A_251 = arith.constant 0 : i32
          %dma_start3A_252 = arith.constant 0 : i32
          %dma_start3A_253 = tpu.memref_slice %arg14[%dma_start3A_251, %dma_start3A_252] : memref<10240x128xf32, #tpu.memory_space<vmem_shared>> -> memref<10240x128xf32, #tpu.memory_space<vmem_shared>>
          tpu.enqueue_indirect_dma source(%arg12 : memref<128x128xf32, #tpu.memory_space<vmem>>) target(%dma_start3A_253 : memref<10240x128xf32, #tpu.memory_space<vmem_shared>>) offsets(%dma_start3A_250 : memref<128xi32, #tpu.memory_space<vmem>>) semaphore(%run_scoped3A : memref<!tpu.dma_semaphore, #tpu.memory_space<semaphore_mem>>) {add = true}
          %dma_wait3A_254 = arith.constant 0 : i32
          %dma_wait3A_255 = tpu.memref_slice %arg10[%add3A_247, %dma_wait3A_254] : memref<40x128xi32, #tpu.memory_space<vmem>> -> memref<1x128xi32, #tpu.memory_space<vmem>>
          %dma_wait3A_256 = tpu.memref_squeeze %dma_wait3A_255 : memref<1x128xi32, #tpu.memory_space<vmem>> -> memref<128xi32, #tpu.memory_space<vmem>>
          %dma_wait3A_257 = arith.constant 0 : i32
          %dma_wait3A_258 = arith.constant 0 : i32
          %dma_wait3A_259 = tpu.memref_slice %arg14[%dma_wait3A_257, %dma_wait3A_258] : memref<10240x128xf32, #tpu.memory_space<vmem_shared>> -> memref<10240x128xf32, #tpu.memory_space<vmem_shared>>
          tpu.wait_indirect_dma semaphore(%run_scoped3A : memref<!tpu.dma_semaphore, #tpu.memory_space<semaphore_mem>>) src(%arg12 : memref<128x128xf32, #tpu.memory_space<vmem>>) dst(%dma_wait3A_259 : memref<10240x128xf32, #tpu.memory_space<vmem_shared>>)
          tpu.yield
        }) : () -> ()
      }
      %scan3A_194 = arith.constant 20 : i32
      %mul3A_195 = arith.constant 80 : i32
      %mul3A_196 = arith.muli %arg1, %mul3A_195 : i32
      %add3A_197 = arith.constant 40 : i32
      %add3A_198 = arith.addi %mul3A_196, %add3A_197 : i32
      "tpu.region"() ({
        %run_scoped3A = tpu.sem_alloc : memref<!tpu.dma_semaphore, #tpu.memory_space<semaphore_mem>>
        %dma_start3A_216 = arith.constant 0 : i32
        %dma_start3A_217 = tpu.memref_slice %arg4[%add3A_198, %dma_start3A_216] : memref<1280x128xi32, #tpu.memory_space<hbm>> -> memref<40x128xi32, #tpu.memory_space<hbm>>
        %dma_start3A_218 = arith.constant 0 : i32
        %dma_start3A_219 = tpu.memref_slice %arg4[%add3A_198, %dma_start3A_218] : memref<1280x128xi32, #tpu.memory_space<hbm>> -> memref<40x128xi32, #tpu.memory_space<hbm>>
        tpu.enqueue_dma source(%dma_start3A_219 : memref<40x128xi32, #tpu.memory_space<hbm>>) target(%arg9 : memref<40x128xi32, #tpu.memory_space<vmem>>) target_semaphore(%run_scoped3A : memref<!tpu.dma_semaphore, #tpu.memory_space<semaphore_mem>>)
        %dma_wait3A = arith.constant 0 : i32
        %dma_wait3A_220 = tpu.memref_slice %arg4[%add3A_198, %dma_wait3A] : memref<1280x128xi32, #tpu.memory_space<hbm>> -> memref<40x128xi32, #tpu.memory_space<hbm>>
        %dma_wait3A_221 = arith.constant 0 : i32
        %dma_wait3A_222 = tpu.memref_slice %arg4[%add3A_198, %dma_wait3A_221] : memref<1280x128xi32, #tpu.memory_space<hbm>> -> memref<40x128xi32, #tpu.memory_space<hbm>>
        tpu.wait_dma2 semaphore(%run_scoped3A : memref<!tpu.dma_semaphore, #tpu.memory_space<semaphore_mem>>) src(%dma_wait3A_222 : memref<40x128xi32, #tpu.memory_space<hbm>>) dst(%arg9 : memref<40x128xi32, #tpu.memory_space<vmem>>)
        tpu.yield
      }) : () -> ()
      %mul3A_199 = arith.constant 80 : i32
      %mul3A_200 = arith.muli %arg1, %mul3A_199 : i32
      %add3A_201 = arith.constant 40 : i32
      %add3A_202 = arith.addi %mul3A_200, %add3A_201 : i32
      "tpu.region"() ({
        %run_scoped3A = tpu.sem_alloc : memref<!tpu.dma_semaphore, #tpu.memory_space<semaphore_mem>>
        %dma_start3A_216 = arith.constant 0 : i32
        %dma_start3A_217 = tpu.memref_slice %arg5[%add3A_202, %dma_start3A_216] : memref<1280x128xi32, #tpu.memory_space<hbm>> -> memref<40x128xi32, #tpu.memory_space<hbm>>
        %dma_start3A_218 = arith.constant 0 : i32
        %dma_start3A_219 = tpu.memref_slice %arg5[%add3A_202, %dma_start3A_218] : memref<1280x128xi32, #tpu.memory_space<hbm>> -> memref<40x128xi32, #tpu.memory_space<hbm>>
        tpu.enqueue_dma source(%dma_start3A_219 : memref<40x128xi32, #tpu.memory_space<hbm>>) target(%arg10 : memref<40x128xi32, #tpu.memory_space<vmem>>) target_semaphore(%run_scoped3A : memref<!tpu.dma_semaphore, #tpu.memory_space<semaphore_mem>>)
        %dma_wait3A = arith.constant 0 : i32
        %dma_wait3A_220 = tpu.memref_slice %arg5[%add3A_202, %dma_wait3A] : memref<1280x128xi32, #tpu.memory_space<hbm>> -> memref<40x128xi32, #tpu.memory_space<hbm>>
        %dma_wait3A_221 = arith.constant 0 : i32
        %dma_wait3A_222 = tpu.memref_slice %arg5[%add3A_202, %dma_wait3A_221] : memref<1280x128xi32, #tpu.memory_space<hbm>> -> memref<40x128xi32, #tpu.memory_space<hbm>>
        tpu.wait_dma2 semaphore(%run_scoped3A : memref<!tpu.dma_semaphore, #tpu.memory_space<semaphore_mem>>) src(%dma_wait3A_222 : memref<40x128xi32, #tpu.memory_space<hbm>>) dst(%arg10 : memref<40x128xi32, #tpu.memory_space<vmem>>)
        tpu.yield
      }) : () -> ()
      %dma_start3A_203 = arith.constant 0 : i32
      %dma_start3A_204 = arith.constant 0 : i32
      %dma_start3A_205 = tpu.memref_slice %arg9[%dma_start3A_203, %dma_start3A_204] : memref<40x128xi32, #tpu.memory_space<vmem>> -> memref<1x128xi32, #tpu.memory_space<vmem>>
      %dma_start3A_206 = tpu.memref_squeeze %dma_start3A_205 : memref<1x128xi32, #tpu.memory_space<vmem>> -> memref<128xi32, #tpu.memory_space<vmem>>
      %dma_start3A_207 = arith.constant 0 : i32
      %dma_start3A_208 = arith.constant 0 : i32
      %dma_start3A_209 = tpu.memref_slice %arg2[%dma_start3A_207, %dma_start3A_208] : memref<10240x128xf32, #tpu.memory_space<hbm>> -> memref<10240x128xf32, #tpu.memory_space<hbm>>
      tpu.enqueue_indirect_dma source(%dma_start3A_209 : memref<10240x128xf32, #tpu.memory_space<hbm>>) target(%arg11 : memref<128x128xf32, #tpu.memory_space<vmem>>) offsets(%dma_start3A_206 : memref<128xi32, #tpu.memory_space<vmem>>) semaphore(%arg15 : memref<!tpu.dma_semaphore, #tpu.memory_space<semaphore_mem>>)
      %scan3A_210 = arith.constant 0 : i32
      %scan3A_211 = arith.constant 0 : i32
      %scan3A_212 = arith.constant 20 : i32
      %scan3A_213 = arith.addi %scan3A_211, %scan3A_212 : i32
      %scan3A_214 = arith.constant 1 : i32
      scf.for %scan3A_216 = %scan3A_211 to %scan3A_213 step %scan3A_214  : i32 {
        %mul3A_217 = arith.constant 2 : i32
        %mul3A_218 = arith.muli %mul3A_217, %scan3A_216 : i32
        %dma_wait3A = arith.constant 0 : i32
        %dma_wait3A_219 = tpu.memref_slice %arg9[%mul3A_218, %dma_wait3A] : memref<40x128xi32, #tpu.memory_space<vmem>> -> memref<1x128xi32, #tpu.memory_space<vmem>>
        %dma_wait3A_220 = tpu.memref_squeeze %dma_wait3A_219 : memref<1x128xi32, #tpu.memory_space<vmem>> -> memref<128xi32, #tpu.memory_space<vmem>>
        %dma_wait3A_221 = arith.constant 0 : i32
        %dma_wait3A_222 = arith.constant 0 : i32
        %dma_wait3A_223 = tpu.memref_slice %arg2[%dma_wait3A_221, %dma_wait3A_222] : memref<10240x128xf32, #tpu.memory_space<hbm>> -> memref<10240x128xf32, #tpu.memory_space<hbm>>
        tpu.wait_indirect_dma semaphore(%arg15 : memref<!tpu.dma_semaphore, #tpu.memory_space<semaphore_mem>>) src(%dma_wait3A_223 : memref<10240x128xf32, #tpu.memory_space<hbm>>) dst(%arg11 : memref<128x128xf32, #tpu.memory_space<vmem>>)
        %add3A_224 = arith.constant 1 : i32
        %add3A_225 = arith.addi %mul3A_218, %add3A_224 : i32
        %dma_start3A_226 = arith.constant 0 : i32
        %dma_start3A_227 = tpu.memref_slice %arg9[%add3A_225, %dma_start3A_226] : memref<40x128xi32, #tpu.memory_space<vmem>> -> memref<1x128xi32, #tpu.memory_space<vmem>>
        %dma_start3A_228 = tpu.memref_squeeze %dma_start3A_227 : memref<1x128xi32, #tpu.memory_space<vmem>> -> memref<128xi32, #tpu.memory_space<vmem>>
        %dma_start3A_229 = arith.constant 0 : i32
        %dma_start3A_230 = arith.constant 0 : i32
        %dma_start3A_231 = tpu.memref_slice %arg2[%dma_start3A_229, %dma_start3A_230] : memref<10240x128xf32, #tpu.memory_space<hbm>> -> memref<10240x128xf32, #tpu.memory_space<hbm>>
        tpu.enqueue_indirect_dma source(%dma_start3A_231 : memref<10240x128xf32, #tpu.memory_space<hbm>>) target(%arg12 : memref<128x128xf32, #tpu.memory_space<vmem>>) offsets(%dma_start3A_228 : memref<128xi32, #tpu.memory_space<vmem>>) semaphore(%arg16 : memref<!tpu.dma_semaphore, #tpu.memory_space<semaphore_mem>>)
        "tpu.region"() ({
          %run_scoped3A = tpu.sem_alloc : memref<!tpu.dma_semaphore, #tpu.memory_space<semaphore_mem>>
          %dma_start3A_248 = arith.constant 0 : i32
          %dma_start3A_249 = tpu.memref_slice %arg10[%mul3A_218, %dma_start3A_248] : memref<40x128xi32, #tpu.memory_space<vmem>> -> memref<1x128xi32, #tpu.memory_space<vmem>>
          %dma_start3A_250 = tpu.memref_squeeze %dma_start3A_249 : memref<1x128xi32, #tpu.memory_space<vmem>> -> memref<128xi32, #tpu.memory_space<vmem>>
          %dma_start3A_251 = arith.constant 0 : i32
          %dma_start3A_252 = arith.constant 0 : i32
          %dma_start3A_253 = tpu.memref_slice %arg14[%dma_start3A_251, %dma_start3A_252] : memref<10240x128xf32, #tpu.memory_space<vmem_shared>> -> memref<10240x128xf32, #tpu.memory_space<vmem_shared>>
          tpu.enqueue_indirect_dma source(%arg11 : memref<128x128xf32, #tpu.memory_space<vmem>>) target(%dma_start3A_253 : memref<10240x128xf32, #tpu.memory_space<vmem_shared>>) offsets(%dma_start3A_250 : memref<128xi32, #tpu.memory_space<vmem>>) semaphore(%run_scoped3A : memref<!tpu.dma_semaphore, #tpu.memory_space<semaphore_mem>>) {add = true}
          %dma_wait3A_254 = arith.constant 0 : i32
          %dma_wait3A_255 = tpu.memref_slice %arg10[%mul3A_218, %dma_wait3A_254] : memref<40x128xi32, #tpu.memory_space<vmem>> -> memref<1x128xi32, #tpu.memory_space<vmem>>
          %dma_wait3A_256 = tpu.memref_squeeze %dma_wait3A_255 : memref<1x128xi32, #tpu.memory_space<vmem>> -> memref<128xi32, #tpu.memory_space<vmem>>
          %dma_wait3A_257 = arith.constant 0 : i32
          %dma_wait3A_258 = arith.constant 0 : i32
          %dma_wait3A_259 = tpu.memref_slice %arg14[%dma_wait3A_257, %dma_wait3A_258] : memref<10240x128xf32, #tpu.memory_space<vmem_shared>> -> memref<10240x128xf32, #tpu.memory_space<vmem_shared>>
          tpu.wait_indirect_dma semaphore(%run_scoped3A : memref<!tpu.dma_semaphore, #tpu.memory_space<semaphore_mem>>) src(%arg11 : memref<128x128xf32, #tpu.memory_space<vmem>>) dst(%dma_wait3A_259 : memref<10240x128xf32, #tpu.memory_space<vmem_shared>>)
          tpu.yield
        }) : () -> ()
        %add3A_232 = arith.constant 1 : i32
        %add3A_233 = arith.addi %mul3A_218, %add3A_232 : i32
        %dma_wait3A_234 = arith.constant 0 : i32
        %dma_wait3A_235 = tpu.memref_slice %arg9[%add3A_233, %dma_wait3A_234] : memref<40x128xi32, #tpu.memory_space<vmem>> -> memref<1x128xi32, #tpu.memory_space<vmem>>
        %dma_wait3A_236 = tpu.memref_squeeze %dma_wait3A_235 : memref<1x128xi32, #tpu.memory_space<vmem>> -> memref<128xi32, #tpu.memory_space<vmem>>
        %dma_wait3A_237 = arith.constant 0 : i32
        %dma_wait3A_238 = arith.constant 0 : i32
        %dma_wait3A_239 = tpu.memref_slice %arg2[%dma_wait3A_237, %dma_wait3A_238] : memref<10240x128xf32, #tpu.memory_space<hbm>> -> memref<10240x128xf32, #tpu.memory_space<hbm>>
        tpu.wait_indirect_dma semaphore(%arg16 : memref<!tpu.dma_semaphore, #tpu.memory_space<semaphore_mem>>) src(%dma_wait3A_239 : memref<10240x128xf32, #tpu.memory_space<hbm>>) dst(%arg12 : memref<128x128xf32, #tpu.memory_space<vmem>>)
        %add3A_240 = arith.constant 2 : i32
        %add3A_241 = arith.addi %mul3A_218, %add3A_240 : i32
        %lt3A = arith.constant 40 : i32
        %lt3A_242 = arith.cmpi slt, %add3A_241, %lt3A : i32
        %convert_element_type3A_243 = arith.extui %lt3A_242 : i1 to i32
        %cond3A_244 = arith.constant 0 : i32
        %cond3A_245 = arith.cmpi ne, %convert_element_type3A_243, %cond3A_244 : i32
        scf.if %cond3A_245 {
          %add3A_248 = arith.constant 2 : i32
          %add3A_249 = arith.addi %mul3A_218, %add3A_248 : i32
          %dma_start3A_250 = arith.constant 0 : i32
          %dma_start3A_251 = tpu.memref_slice %arg9[%add3A_249, %dma_start3A_250] : memref<40x128xi32, #tpu.memory_space<vmem>> -> memref<1x128xi32, #tpu.memory_space<vmem>>
          %dma_start3A_252 = tpu.memref_squeeze %dma_start3A_251 : memref<1x128xi32, #tpu.memory_space<vmem>> -> memref<128xi32, #tpu.memory_space<vmem>>
          %dma_start3A_253 = arith.constant 0 : i32
          %dma_start3A_254 = arith.constant 0 : i32
          %dma_start3A_255 = tpu.memref_slice %arg2[%dma_start3A_253, %dma_start3A_254] : memref<10240x128xf32, #tpu.memory_space<hbm>> -> memref<10240x128xf32, #tpu.memory_space<hbm>>
          tpu.enqueue_indirect_dma source(%dma_start3A_255 : memref<10240x128xf32, #tpu.memory_space<hbm>>) target(%arg11 : memref<128x128xf32, #tpu.memory_space<vmem>>) offsets(%dma_start3A_252 : memref<128xi32, #tpu.memory_space<vmem>>) semaphore(%arg15 : memref<!tpu.dma_semaphore, #tpu.memory_space<semaphore_mem>>)
        } else {
        }
        %add3A_246 = arith.constant 1 : i32
        %add3A_247 = arith.addi %mul3A_218, %add3A_246 : i32
        "tpu.region"() ({
          %run_scoped3A = tpu.sem_alloc : memref<!tpu.dma_semaphore, #tpu.memory_space<semaphore_mem>>
          %dma_start3A_248 = arith.constant 0 : i32
          %dma_start3A_249 = tpu.memref_slice %arg10[%add3A_247, %dma_start3A_248] : memref<40x128xi32, #tpu.memory_space<vmem>> -> memref<1x128xi32, #tpu.memory_space<vmem>>
          %dma_start3A_250 = tpu.memref_squeeze %dma_start3A_249 : memref<1x128xi32, #tpu.memory_space<vmem>> -> memref<128xi32, #tpu.memory_space<vmem>>
          %dma_start3A_251 = arith.constant 0 : i32
          %dma_start3A_252 = arith.constant 0 : i32
          %dma_start3A_253 = tpu.memref_slice %arg14[%dma_start3A_251, %dma_start3A_252] : memref<10240x128xf32, #tpu.memory_space<vmem_shared>> -> memref<10240x128xf32, #tpu.memory_space<vmem_shared>>
          tpu.enqueue_indirect_dma source(%arg12 : memref<128x128xf32, #tpu.memory_space<vmem>>) target(%dma_start3A_253 : memref<10240x128xf32, #tpu.memory_space<vmem_shared>>) offsets(%dma_start3A_250 : memref<128xi32, #tpu.memory_space<vmem>>) semaphore(%run_scoped3A : memref<!tpu.dma_semaphore, #tpu.memory_space<semaphore_mem>>) {add = true}
          %dma_wait3A_254 = arith.constant 0 : i32
          %dma_wait3A_255 = tpu.memref_slice %arg10[%add3A_247, %dma_wait3A_254] : memref<40x128xi32, #tpu.memory_space<vmem>> -> memref<1x128xi32, #tpu.memory_space<vmem>>
          %dma_wait3A_256 = tpu.memref_squeeze %dma_wait3A_255 : memref<1x128xi32, #tpu.memory_space<vmem>> -> memref<128xi32, #tpu.memory_space<vmem>>
          %dma_wait3A_257 = arith.constant 0 : i32
          %dma_wait3A_258 = arith.constant 0 : i32
          %dma_wait3A_259 = tpu.memref_slice %arg14[%dma_wait3A_257, %dma_wait3A_258] : memref<10240x128xf32, #tpu.memory_space<vmem_shared>> -> memref<10240x128xf32, #tpu.memory_space<vmem_shared>>
          tpu.wait_indirect_dma semaphore(%run_scoped3A : memref<!tpu.dma_semaphore, #tpu.memory_space<semaphore_mem>>) src(%arg12 : memref<128x128xf32, #tpu.memory_space<vmem>>) dst(%dma_wait3A_259 : memref<10240x128xf32, #tpu.memory_space<vmem_shared>>)
          tpu.yield
        }) : () -> ()
      }
      %scan3A_215 = arith.constant 20 : i32
    } else {
    }
    %eq3A_160 = arith.constant 1 : i32
    %eq3A_161 = arith.cmpi eq, %arg0, %eq3A_160 : i32
    %convert_element_type3A_162 = arith.extui %eq3A_161 : i1 to i32
    %cond3A_163 = arith.constant 0 : i32
    %cond3A_164 = arith.cmpi ne, %convert_element_type3A_162, %cond3A_163 : i32
    scf.if %cond3A_164 {
      %mul3A_176 = arith.constant 80 : i32
      %mul3A_177 = arith.muli %arg1, %mul3A_176 : i32
      %add3A_178 = arith.constant 0 : i32
      %add3A_179 = arith.addi %mul3A_177, %add3A_178 : i32
      "tpu.region"() ({
        %run_scoped3A = tpu.sem_alloc : memref<!tpu.dma_semaphore, #tpu.memory_space<semaphore_mem>>
        %dma_start3A_216 = arith.constant 0 : i32
        %dma_start3A_217 = tpu.memref_slice %arg4[%add3A_179, %dma_start3A_216] : memref<1280x128xi32, #tpu.memory_space<hbm>> -> memref<40x128xi32, #tpu.memory_space<hbm>>
        %dma_start3A_218 = arith.constant 0 : i32
        %dma_start3A_219 = tpu.memref_slice %arg4[%add3A_179, %dma_start3A_218] : memref<1280x128xi32, #tpu.memory_space<hbm>> -> memref<40x128xi32, #tpu.memory_space<hbm>>
        tpu.enqueue_dma source(%dma_start3A_219 : memref<40x128xi32, #tpu.memory_space<hbm>>) target(%arg9 : memref<40x128xi32, #tpu.memory_space<vmem>>) target_semaphore(%run_scoped3A : memref<!tpu.dma_semaphore, #tpu.memory_space<semaphore_mem>>)
        %dma_wait3A = arith.constant 0 : i32
        %dma_wait3A_220 = tpu.memref_slice %arg4[%add3A_179, %dma_wait3A] : memref<1280x128xi32, #tpu.memory_space<hbm>> -> memref<40x128xi32, #tpu.memory_space<hbm>>
        %dma_wait3A_221 = arith.constant 0 : i32
        %dma_wait3A_222 = tpu.memref_slice %arg4[%add3A_179, %dma_wait3A_221] : memref<1280x128xi32, #tpu.memory_space<hbm>> -> memref<40x128xi32, #tpu.memory_space<hbm>>
        tpu.wait_dma2 semaphore(%run_scoped3A : memref<!tpu.dma_semaphore, #tpu.memory_space<semaphore_mem>>) src(%dma_wait3A_222 : memref<40x128xi32, #tpu.memory_space<hbm>>) dst(%arg9 : memref<40x128xi32, #tpu.memory_space<vmem>>)
        tpu.yield
      }) : () -> ()
      %mul3A_180 = arith.constant 80 : i32
      %mul3A_181 = arith.muli %arg1, %mul3A_180 : i32
      %add3A_182 = arith.constant 0 : i32
      %add3A_183 = arith.addi %mul3A_181, %add3A_182 : i32
      "tpu.region"() ({
        %run_scoped3A = tpu.sem_alloc : memref<!tpu.dma_semaphore, #tpu.memory_space<semaphore_mem>>
        %dma_start3A_216 = arith.constant 0 : i32
        %dma_start3A_217 = tpu.memref_slice %arg5[%add3A_183, %dma_start3A_216] : memref<1280x128xi32, #tpu.memory_space<hbm>> -> memref<40x128xi32, #tpu.memory_space<hbm>>
        %dma_start3A_218 = arith.constant 0 : i32
        %dma_start3A_219 = tpu.memref_slice %arg5[%add3A_183, %dma_start3A_218] : memref<1280x128xi32, #tpu.memory_space<hbm>> -> memref<40x128xi32, #tpu.memory_space<hbm>>
        tpu.enqueue_dma source(%dma_start3A_219 : memref<40x128xi32, #tpu.memory_space<hbm>>) target(%arg10 : memref<40x128xi32, #tpu.memory_space<vmem>>) target_semaphore(%run_scoped3A : memref<!tpu.dma_semaphore, #tpu.memory_space<semaphore_mem>>)
        %dma_wait3A = arith.constant 0 : i32
        %dma_wait3A_220 = tpu.memref_slice %arg5[%add3A_183, %dma_wait3A] : memref<1280x128xi32, #tpu.memory_space<hbm>> -> memref<40x128xi32, #tpu.memory_space<hbm>>
        %dma_wait3A_221 = arith.constant 0 : i32
        %dma_wait3A_222 = tpu.memref_slice %arg5[%add3A_183, %dma_wait3A_221] : memref<1280x128xi32, #tpu.memory_space<hbm>> -> memref<40x128xi32, #tpu.memory_space<hbm>>
        tpu.wait_dma2 semaphore(%run_scoped3A : memref<!tpu.dma_semaphore, #tpu.memory_space<semaphore_mem>>) src(%dma_wait3A_222 : memref<40x128xi32, #tpu.memory_space<hbm>>) dst(%arg10 : memref<40x128xi32, #tpu.memory_space<vmem>>)
        tpu.yield
      }) : () -> ()
      %dma_start3A = arith.constant 0 : i32
      %dma_start3A_184 = arith.constant 0 : i32
      %dma_start3A_185 = tpu.memref_slice %arg9[%dma_start3A, %dma_start3A_184] : memref<40x128xi32, #tpu.memory_space<vmem>> -> memref<1x128xi32, #tpu.memory_space<vmem>>
      %dma_start3A_186 = tpu.memref_squeeze %dma_start3A_185 : memref<1x128xi32, #tpu.memory_space<vmem>> -> memref<128xi32, #tpu.memory_space<vmem>>
      %dma_start3A_187 = arith.constant 0 : i32
      %dma_start3A_188 = arith.constant 0 : i32
      %dma_start3A_189 = tpu.memref_slice %arg3[%dma_start3A_187, %dma_start3A_188] : memref<10240x128xf32, #tpu.memory_space<hbm>> -> memref<10240x128xf32, #tpu.memory_space<hbm>>
      tpu.enqueue_indirect_dma source(%dma_start3A_189 : memref<10240x128xf32, #tpu.memory_space<hbm>>) target(%arg11 : memref<128x128xf32, #tpu.memory_space<vmem>>) offsets(%dma_start3A_186 : memref<128xi32, #tpu.memory_space<vmem>>) semaphore(%arg15 : memref<!tpu.dma_semaphore, #tpu.memory_space<semaphore_mem>>)
      %scan3A = arith.constant 0 : i32
      %scan3A_190 = arith.constant 0 : i32
      %scan3A_191 = arith.constant 20 : i32
      %scan3A_192 = arith.addi %scan3A_190, %scan3A_191 : i32
      %scan3A_193 = arith.constant 1 : i32
      scf.for %scan3A_216 = %scan3A_190 to %scan3A_192 step %scan3A_193  : i32 {
        %mul3A_217 = arith.constant 2 : i32
        %mul3A_218 = arith.muli %mul3A_217, %scan3A_216 : i32
        %dma_wait3A = arith.constant 0 : i32
        %dma_wait3A_219 = tpu.memref_slice %arg9[%mul3A_218, %dma_wait3A] : memref<40x128xi32, #tpu.memory_space<vmem>> -> memref<1x128xi32, #tpu.memory_space<vmem>>
        %dma_wait3A_220 = tpu.memref_squeeze %dma_wait3A_219 : memref<1x128xi32, #tpu.memory_space<vmem>> -> memref<128xi32, #tpu.memory_space<vmem>>
        %dma_wait3A_221 = arith.constant 0 : i32
        %dma_wait3A_222 = arith.constant 0 : i32
        %dma_wait3A_223 = tpu.memref_slice %arg3[%dma_wait3A_221, %dma_wait3A_222] : memref<10240x128xf32, #tpu.memory_space<hbm>> -> memref<10240x128xf32, #tpu.memory_space<hbm>>
        tpu.wait_indirect_dma semaphore(%arg15 : memref<!tpu.dma_semaphore, #tpu.memory_space<semaphore_mem>>) src(%dma_wait3A_223 : memref<10240x128xf32, #tpu.memory_space<hbm>>) dst(%arg11 : memref<128x128xf32, #tpu.memory_space<vmem>>)
        %add3A_224 = arith.constant 1 : i32
        %add3A_225 = arith.addi %mul3A_218, %add3A_224 : i32
        %dma_start3A_226 = arith.constant 0 : i32
        %dma_start3A_227 = tpu.memref_slice %arg9[%add3A_225, %dma_start3A_226] : memref<40x128xi32, #tpu.memory_space<vmem>> -> memref<1x128xi32, #tpu.memory_space<vmem>>
        %dma_start3A_228 = tpu.memref_squeeze %dma_start3A_227 : memref<1x128xi32, #tpu.memory_space<vmem>> -> memref<128xi32, #tpu.memory_space<vmem>>
        %dma_start3A_229 = arith.constant 0 : i32
        %dma_start3A_230 = arith.constant 0 : i32
        %dma_start3A_231 = tpu.memref_slice %arg3[%dma_start3A_229, %dma_start3A_230] : memref<10240x128xf32, #tpu.memory_space<hbm>> -> memref<10240x128xf32, #tpu.memory_space<hbm>>
        tpu.enqueue_indirect_dma source(%dma_start3A_231 : memref<10240x128xf32, #tpu.memory_space<hbm>>) target(%arg12 : memref<128x128xf32, #tpu.memory_space<vmem>>) offsets(%dma_start3A_228 : memref<128xi32, #tpu.memory_space<vmem>>) semaphore(%arg16 : memref<!tpu.dma_semaphore, #tpu.memory_space<semaphore_mem>>)
        "tpu.region"() ({
          %run_scoped3A = tpu.sem_alloc : memref<!tpu.dma_semaphore, #tpu.memory_space<semaphore_mem>>
          %dma_start3A_248 = arith.constant 0 : i32
          %dma_start3A_249 = tpu.memref_slice %arg10[%mul3A_218, %dma_start3A_248] : memref<40x128xi32, #tpu.memory_space<vmem>> -> memref<1x128xi32, #tpu.memory_space<vmem>>
          %dma_start3A_250 = tpu.memref_squeeze %dma_start3A_249 : memref<1x128xi32, #tpu.memory_space<vmem>> -> memref<128xi32, #tpu.memory_space<vmem>>
          %dma_start3A_251 = arith.constant 0 : i32
          %dma_start3A_252 = arith.constant 0 : i32
          %dma_start3A_253 = tpu.memref_slice %arg14[%dma_start3A_251, %dma_start3A_252] : memref<10240x128xf32, #tpu.memory_space<vmem_shared>> -> memref<10240x128xf32, #tpu.memory_space<vmem_shared>>
          tpu.enqueue_indirect_dma source(%arg11 : memref<128x128xf32, #tpu.memory_space<vmem>>) target(%dma_start3A_253 : memref<10240x128xf32, #tpu.memory_space<vmem_shared>>) offsets(%dma_start3A_250 : memref<128xi32, #tpu.memory_space<vmem>>) semaphore(%run_scoped3A : memref<!tpu.dma_semaphore, #tpu.memory_space<semaphore_mem>>) {add = true}
          %dma_wait3A_254 = arith.constant 0 : i32
          %dma_wait3A_255 = tpu.memref_slice %arg10[%mul3A_218, %dma_wait3A_254] : memref<40x128xi32, #tpu.memory_space<vmem>> -> memref<1x128xi32, #tpu.memory_space<vmem>>
          %dma_wait3A_256 = tpu.memref_squeeze %dma_wait3A_255 : memref<1x128xi32, #tpu.memory_space<vmem>> -> memref<128xi32, #tpu.memory_space<vmem>>
          %dma_wait3A_257 = arith.constant 0 : i32
          %dma_wait3A_258 = arith.constant 0 : i32
          %dma_wait3A_259 = tpu.memref_slice %arg14[%dma_wait3A_257, %dma_wait3A_258] : memref<10240x128xf32, #tpu.memory_space<vmem_shared>> -> memref<10240x128xf32, #tpu.memory_space<vmem_shared>>
          tpu.wait_indirect_dma semaphore(%run_scoped3A : memref<!tpu.dma_semaphore, #tpu.memory_space<semaphore_mem>>) src(%arg11 : memref<128x128xf32, #tpu.memory_space<vmem>>) dst(%dma_wait3A_259 : memref<10240x128xf32, #tpu.memory_space<vmem_shared>>)
          tpu.yield
        }) : () -> ()
        %add3A_232 = arith.constant 1 : i32
        %add3A_233 = arith.addi %mul3A_218, %add3A_232 : i32
        %dma_wait3A_234 = arith.constant 0 : i32
        %dma_wait3A_235 = tpu.memref_slice %arg9[%add3A_233, %dma_wait3A_234] : memref<40x128xi32, #tpu.memory_space<vmem>> -> memref<1x128xi32, #tpu.memory_space<vmem>>
        %dma_wait3A_236 = tpu.memref_squeeze %dma_wait3A_235 : memref<1x128xi32, #tpu.memory_space<vmem>> -> memref<128xi32, #tpu.memory_space<vmem>>
        %dma_wait3A_237 = arith.constant 0 : i32
        %dma_wait3A_238 = arith.constant 0 : i32
        %dma_wait3A_239 = tpu.memref_slice %arg3[%dma_wait3A_237, %dma_wait3A_238] : memref<10240x128xf32, #tpu.memory_space<hbm>> -> memref<10240x128xf32, #tpu.memory_space<hbm>>
        tpu.wait_indirect_dma semaphore(%arg16 : memref<!tpu.dma_semaphore, #tpu.memory_space<semaphore_mem>>) src(%dma_wait3A_239 : memref<10240x128xf32, #tpu.memory_space<hbm>>) dst(%arg12 : memref<128x128xf32, #tpu.memory_space<vmem>>)
        %add3A_240 = arith.constant 2 : i32
        %add3A_241 = arith.addi %mul3A_218, %add3A_240 : i32
        %lt3A = arith.constant 40 : i32
        %lt3A_242 = arith.cmpi slt, %add3A_241, %lt3A : i32
        %convert_element_type3A_243 = arith.extui %lt3A_242 : i1 to i32
        %cond3A_244 = arith.constant 0 : i32
        %cond3A_245 = arith.cmpi ne, %convert_element_type3A_243, %cond3A_244 : i32
        scf.if %cond3A_245 {
          %add3A_248 = arith.constant 2 : i32
          %add3A_249 = arith.addi %mul3A_218, %add3A_248 : i32
          %dma_start3A_250 = arith.constant 0 : i32
          %dma_start3A_251 = tpu.memref_slice %arg9[%add3A_249, %dma_start3A_250] : memref<40x128xi32, #tpu.memory_space<vmem>> -> memref<1x128xi32, #tpu.memory_space<vmem>>
          %dma_start3A_252 = tpu.memref_squeeze %dma_start3A_251 : memref<1x128xi32, #tpu.memory_space<vmem>> -> memref<128xi32, #tpu.memory_space<vmem>>
          %dma_start3A_253 = arith.constant 0 : i32
          %dma_start3A_254 = arith.constant 0 : i32
          %dma_start3A_255 = tpu.memref_slice %arg3[%dma_start3A_253, %dma_start3A_254] : memref<10240x128xf32, #tpu.memory_space<hbm>> -> memref<10240x128xf32, #tpu.memory_space<hbm>>
          tpu.enqueue_indirect_dma source(%dma_start3A_255 : memref<10240x128xf32, #tpu.memory_space<hbm>>) target(%arg11 : memref<128x128xf32, #tpu.memory_space<vmem>>) offsets(%dma_start3A_252 : memref<128xi32, #tpu.memory_space<vmem>>) semaphore(%arg15 : memref<!tpu.dma_semaphore, #tpu.memory_space<semaphore_mem>>)
        } else {
        }
        %add3A_246 = arith.constant 1 : i32
        %add3A_247 = arith.addi %mul3A_218, %add3A_246 : i32
        "tpu.region"() ({
          %run_scoped3A = tpu.sem_alloc : memref<!tpu.dma_semaphore, #tpu.memory_space<semaphore_mem>>
          %dma_start3A_248 = arith.constant 0 : i32
          %dma_start3A_249 = tpu.memref_slice %arg10[%add3A_247, %dma_start3A_248] : memref<40x128xi32, #tpu.memory_space<vmem>> -> memref<1x128xi32, #tpu.memory_space<vmem>>
          %dma_start3A_250 = tpu.memref_squeeze %dma_start3A_249 : memref<1x128xi32, #tpu.memory_space<vmem>> -> memref<128xi32, #tpu.memory_space<vmem>>
          %dma_start3A_251 = arith.constant 0 : i32
          %dma_start3A_252 = arith.constant 0 : i32
          %dma_start3A_253 = tpu.memref_slice %arg14[%dma_start3A_251, %dma_start3A_252] : memref<10240x128xf32, #tpu.memory_space<vmem_shared>> -> memref<10240x128xf32, #tpu.memory_space<vmem_shared>>
          tpu.enqueue_indirect_dma source(%arg12 : memref<128x128xf32, #tpu.memory_space<vmem>>) target(%dma_start3A_253 : memref<10240x128xf32, #tpu.memory_space<vmem_shared>>) offsets(%dma_start3A_250 : memref<128xi32, #tpu.memory_space<vmem>>) semaphore(%run_scoped3A : memref<!tpu.dma_semaphore, #tpu.memory_space<semaphore_mem>>) {add = true}
          %dma_wait3A_254 = arith.constant 0 : i32
          %dma_wait3A_255 = tpu.memref_slice %arg10[%add3A_247, %dma_wait3A_254] : memref<40x128xi32, #tpu.memory_space<vmem>> -> memref<1x128xi32, #tpu.memory_space<vmem>>
          %dma_wait3A_256 = tpu.memref_squeeze %dma_wait3A_255 : memref<1x128xi32, #tpu.memory_space<vmem>> -> memref<128xi32, #tpu.memory_space<vmem>>
          %dma_wait3A_257 = arith.constant 0 : i32
          %dma_wait3A_258 = arith.constant 0 : i32
          %dma_wait3A_259 = tpu.memref_slice %arg14[%dma_wait3A_257, %dma_wait3A_258] : memref<10240x128xf32, #tpu.memory_space<vmem_shared>> -> memref<10240x128xf32, #tpu.memory_space<vmem_shared>>
          tpu.wait_indirect_dma semaphore(%run_scoped3A : memref<!tpu.dma_semaphore, #tpu.memory_space<semaphore_mem>>) src(%arg12 : memref<128x128xf32, #tpu.memory_space<vmem>>) dst(%dma_wait3A_259 : memref<10240x128xf32, #tpu.memory_space<vmem_shared>>)
          tpu.yield
        }) : () -> ()
      }
      %scan3A_194 = arith.constant 20 : i32
      %mul3A_195 = arith.constant 80 : i32
      %mul3A_196 = arith.muli %arg1, %mul3A_195 : i32
      %add3A_197 = arith.constant 40 : i32
      %add3A_198 = arith.addi %mul3A_196, %add3A_197 : i32
      "tpu.region"() ({
        %run_scoped3A = tpu.sem_alloc : memref<!tpu.dma_semaphore, #tpu.memory_space<semaphore_mem>>
        %dma_start3A_216 = arith.constant 0 : i32
        %dma_start3A_217 = tpu.memref_slice %arg4[%add3A_198, %dma_start3A_216] : memref<1280x128xi32, #tpu.memory_space<hbm>> -> memref<40x128xi32, #tpu.memory_space<hbm>>
        %dma_start3A_218 = arith.constant 0 : i32
        %dma_start3A_219 = tpu.memref_slice %arg4[%add3A_198, %dma_start3A_218] : memref<1280x128xi32, #tpu.memory_space<hbm>> -> memref<40x128xi32, #tpu.memory_space<hbm>>
        tpu.enqueue_dma source(%dma_start3A_219 : memref<40x128xi32, #tpu.memory_space<hbm>>) target(%arg9 : memref<40x128xi32, #tpu.memory_space<vmem>>) target_semaphore(%run_scoped3A : memref<!tpu.dma_semaphore, #tpu.memory_space<semaphore_mem>>)
        %dma_wait3A = arith.constant 0 : i32
        %dma_wait3A_220 = tpu.memref_slice %arg4[%add3A_198, %dma_wait3A] : memref<1280x128xi32, #tpu.memory_space<hbm>> -> memref<40x128xi32, #tpu.memory_space<hbm>>
        %dma_wait3A_221 = arith.constant 0 : i32
        %dma_wait3A_222 = tpu.memref_slice %arg4[%add3A_198, %dma_wait3A_221] : memref<1280x128xi32, #tpu.memory_space<hbm>> -> memref<40x128xi32, #tpu.memory_space<hbm>>
        tpu.wait_dma2 semaphore(%run_scoped3A : memref<!tpu.dma_semaphore, #tpu.memory_space<semaphore_mem>>) src(%dma_wait3A_222 : memref<40x128xi32, #tpu.memory_space<hbm>>) dst(%arg9 : memref<40x128xi32, #tpu.memory_space<vmem>>)
        tpu.yield
      }) : () -> ()
      %mul3A_199 = arith.constant 80 : i32
      %mul3A_200 = arith.muli %arg1, %mul3A_199 : i32
      %add3A_201 = arith.constant 40 : i32
      %add3A_202 = arith.addi %mul3A_200, %add3A_201 : i32
      "tpu.region"() ({
        %run_scoped3A = tpu.sem_alloc : memref<!tpu.dma_semaphore, #tpu.memory_space<semaphore_mem>>
        %dma_start3A_216 = arith.constant 0 : i32
        %dma_start3A_217 = tpu.memref_slice %arg5[%add3A_202, %dma_start3A_216] : memref<1280x128xi32, #tpu.memory_space<hbm>> -> memref<40x128xi32, #tpu.memory_space<hbm>>
        %dma_start3A_218 = arith.constant 0 : i32
        %dma_start3A_219 = tpu.memref_slice %arg5[%add3A_202, %dma_start3A_218] : memref<1280x128xi32, #tpu.memory_space<hbm>> -> memref<40x128xi32, #tpu.memory_space<hbm>>
        tpu.enqueue_dma source(%dma_start3A_219 : memref<40x128xi32, #tpu.memory_space<hbm>>) target(%arg10 : memref<40x128xi32, #tpu.memory_space<vmem>>) target_semaphore(%run_scoped3A : memref<!tpu.dma_semaphore, #tpu.memory_space<semaphore_mem>>)
        %dma_wait3A = arith.constant 0 : i32
        %dma_wait3A_220 = tpu.memref_slice %arg5[%add3A_202, %dma_wait3A] : memref<1280x128xi32, #tpu.memory_space<hbm>> -> memref<40x128xi32, #tpu.memory_space<hbm>>
        %dma_wait3A_221 = arith.constant 0 : i32
        %dma_wait3A_222 = tpu.memref_slice %arg5[%add3A_202, %dma_wait3A_221] : memref<1280x128xi32, #tpu.memory_space<hbm>> -> memref<40x128xi32, #tpu.memory_space<hbm>>
        tpu.wait_dma2 semaphore(%run_scoped3A : memref<!tpu.dma_semaphore, #tpu.memory_space<semaphore_mem>>) src(%dma_wait3A_222 : memref<40x128xi32, #tpu.memory_space<hbm>>) dst(%arg10 : memref<40x128xi32, #tpu.memory_space<vmem>>)
        tpu.yield
      }) : () -> ()
      %dma_start3A_203 = arith.constant 0 : i32
      %dma_start3A_204 = arith.constant 0 : i32
      %dma_start3A_205 = tpu.memref_slice %arg9[%dma_start3A_203, %dma_start3A_204] : memref<40x128xi32, #tpu.memory_space<vmem>> -> memref<1x128xi32, #tpu.memory_space<vmem>>
      %dma_start3A_206 = tpu.memref_squeeze %dma_start3A_205 : memref<1x128xi32, #tpu.memory_space<vmem>> -> memref<128xi32, #tpu.memory_space<vmem>>
      %dma_start3A_207 = arith.constant 0 : i32
      %dma_start3A_208 = arith.constant 0 : i32
      %dma_start3A_209 = tpu.memref_slice %arg3[%dma_start3A_207, %dma_start3A_208] : memref<10240x128xf32, #tpu.memory_space<hbm>> -> memref<10240x128xf32, #tpu.memory_space<hbm>>
      tpu.enqueue_indirect_dma source(%dma_start3A_209 : memref<10240x128xf32, #tpu.memory_space<hbm>>) target(%arg11 : memref<128x128xf32, #tpu.memory_space<vmem>>) offsets(%dma_start3A_206 : memref<128xi32, #tpu.memory_space<vmem>>) semaphore(%arg15 : memref<!tpu.dma_semaphore, #tpu.memory_space<semaphore_mem>>)
      %scan3A_210 = arith.constant 0 : i32
      %scan3A_211 = arith.constant 0 : i32
      %scan3A_212 = arith.constant 20 : i32
      %scan3A_213 = arith.addi %scan3A_211, %scan3A_212 : i32
      %scan3A_214 = arith.constant 1 : i32
      scf.for %scan3A_216 = %scan3A_211 to %scan3A_213 step %scan3A_214  : i32 {
        %mul3A_217 = arith.constant 2 : i32
        %mul3A_218 = arith.muli %mul3A_217, %scan3A_216 : i32
        %dma_wait3A = arith.constant 0 : i32
        %dma_wait3A_219 = tpu.memref_slice %arg9[%mul3A_218, %dma_wait3A] : memref<40x128xi32, #tpu.memory_space<vmem>> -> memref<1x128xi32, #tpu.memory_space<vmem>>
        %dma_wait3A_220 = tpu.memref_squeeze %dma_wait3A_219 : memref<1x128xi32, #tpu.memory_space<vmem>> -> memref<128xi32, #tpu.memory_space<vmem>>
        %dma_wait3A_221 = arith.constant 0 : i32
        %dma_wait3A_222 = arith.constant 0 : i32
        %dma_wait3A_223 = tpu.memref_slice %arg3[%dma_wait3A_221, %dma_wait3A_222] : memref<10240x128xf32, #tpu.memory_space<hbm>> -> memref<10240x128xf32, #tpu.memory_space<hbm>>
        tpu.wait_indirect_dma semaphore(%arg15 : memref<!tpu.dma_semaphore, #tpu.memory_space<semaphore_mem>>) src(%dma_wait3A_223 : memref<10240x128xf32, #tpu.memory_space<hbm>>) dst(%arg11 : memref<128x128xf32, #tpu.memory_space<vmem>>)
        %add3A_224 = arith.constant 1 : i32
        %add3A_225 = arith.addi %mul3A_218, %add3A_224 : i32
        %dma_start3A_226 = arith.constant 0 : i32
        %dma_start3A_227 = tpu.memref_slice %arg9[%add3A_225, %dma_start3A_226] : memref<40x128xi32, #tpu.memory_space<vmem>> -> memref<1x128xi32, #tpu.memory_space<vmem>>
        %dma_start3A_228 = tpu.memref_squeeze %dma_start3A_227 : memref<1x128xi32, #tpu.memory_space<vmem>> -> memref<128xi32, #tpu.memory_space<vmem>>
        %dma_start3A_229 = arith.constant 0 : i32
        %dma_start3A_230 = arith.constant 0 : i32
        %dma_start3A_231 = tpu.memref_slice %arg3[%dma_start3A_229, %dma_start3A_230] : memref<10240x128xf32, #tpu.memory_space<hbm>> -> memref<10240x128xf32, #tpu.memory_space<hbm>>
        tpu.enqueue_indirect_dma source(%dma_start3A_231 : memref<10240x128xf32, #tpu.memory_space<hbm>>) target(%arg12 : memref<128x128xf32, #tpu.memory_space<vmem>>) offsets(%dma_start3A_228 : memref<128xi32, #tpu.memory_space<vmem>>) semaphore(%arg16 : memref<!tpu.dma_semaphore, #tpu.memory_space<semaphore_mem>>)
        "tpu.region"() ({
          %run_scoped3A = tpu.sem_alloc : memref<!tpu.dma_semaphore, #tpu.memory_space<semaphore_mem>>
          %dma_start3A_248 = arith.constant 0 : i32
          %dma_start3A_249 = tpu.memref_slice %arg10[%mul3A_218, %dma_start3A_248] : memref<40x128xi32, #tpu.memory_space<vmem>> -> memref<1x128xi32, #tpu.memory_space<vmem>>
          %dma_start3A_250 = tpu.memref_squeeze %dma_start3A_249 : memref<1x128xi32, #tpu.memory_space<vmem>> -> memref<128xi32, #tpu.memory_space<vmem>>
          %dma_start3A_251 = arith.constant 0 : i32
          %dma_start3A_252 = arith.constant 0 : i32
          %dma_start3A_253 = tpu.memref_slice %arg14[%dma_start3A_251, %dma_start3A_252] : memref<10240x128xf32, #tpu.memory_space<vmem_shared>> -> memref<10240x128xf32, #tpu.memory_space<vmem_shared>>
          tpu.enqueue_indirect_dma source(%arg11 : memref<128x128xf32, #tpu.memory_space<vmem>>) target(%dma_start3A_253 : memref<10240x128xf32, #tpu.memory_space<vmem_shared>>) offsets(%dma_start3A_250 : memref<128xi32, #tpu.memory_space<vmem>>) semaphore(%run_scoped3A : memref<!tpu.dma_semaphore, #tpu.memory_space<semaphore_mem>>) {add = true}
          %dma_wait3A_254 = arith.constant 0 : i32
          %dma_wait3A_255 = tpu.memref_slice %arg10[%mul3A_218, %dma_wait3A_254] : memref<40x128xi32, #tpu.memory_space<vmem>> -> memref<1x128xi32, #tpu.memory_space<vmem>>
          %dma_wait3A_256 = tpu.memref_squeeze %dma_wait3A_255 : memref<1x128xi32, #tpu.memory_space<vmem>> -> memref<128xi32, #tpu.memory_space<vmem>>
          %dma_wait3A_257 = arith.constant 0 : i32
          %dma_wait3A_258 = arith.constant 0 : i32
          %dma_wait3A_259 = tpu.memref_slice %arg14[%dma_wait3A_257, %dma_wait3A_258] : memref<10240x128xf32, #tpu.memory_space<vmem_shared>> -> memref<10240x128xf32, #tpu.memory_space<vmem_shared>>
          tpu.wait_indirect_dma semaphore(%run_scoped3A : memref<!tpu.dma_semaphore, #tpu.memory_space<semaphore_mem>>) src(%arg11 : memref<128x128xf32, #tpu.memory_space<vmem>>) dst(%dma_wait3A_259 : memref<10240x128xf32, #tpu.memory_space<vmem_shared>>)
          tpu.yield
        }) : () -> ()
        %add3A_232 = arith.constant 1 : i32
        %add3A_233 = arith.addi %mul3A_218, %add3A_232 : i32
        %dma_wait3A_234 = arith.constant 0 : i32
        %dma_wait3A_235 = tpu.memref_slice %arg9[%add3A_233, %dma_wait3A_234] : memref<40x128xi32, #tpu.memory_space<vmem>> -> memref<1x128xi32, #tpu.memory_space<vmem>>
        %dma_wait3A_236 = tpu.memref_squeeze %dma_wait3A_235 : memref<1x128xi32, #tpu.memory_space<vmem>> -> memref<128xi32, #tpu.memory_space<vmem>>
        %dma_wait3A_237 = arith.constant 0 : i32
        %dma_wait3A_238 = arith.constant 0 : i32
        %dma_wait3A_239 = tpu.memref_slice %arg3[%dma_wait3A_237, %dma_wait3A_238] : memref<10240x128xf32, #tpu.memory_space<hbm>> -> memref<10240x128xf32, #tpu.memory_space<hbm>>
        tpu.wait_indirect_dma semaphore(%arg16 : memref<!tpu.dma_semaphore, #tpu.memory_space<semaphore_mem>>) src(%dma_wait3A_239 : memref<10240x128xf32, #tpu.memory_space<hbm>>) dst(%arg12 : memref<128x128xf32, #tpu.memory_space<vmem>>)
        %add3A_240 = arith.constant 2 : i32
        %add3A_241 = arith.addi %mul3A_218, %add3A_240 : i32
        %lt3A = arith.constant 40 : i32
        %lt3A_242 = arith.cmpi slt, %add3A_241, %lt3A : i32
        %convert_element_type3A_243 = arith.extui %lt3A_242 : i1 to i32
        %cond3A_244 = arith.constant 0 : i32
        %cond3A_245 = arith.cmpi ne, %convert_element_type3A_243, %cond3A_244 : i32
        scf.if %cond3A_245 {
          %add3A_248 = arith.constant 2 : i32
          %add3A_249 = arith.addi %mul3A_218, %add3A_248 : i32
          %dma_start3A_250 = arith.constant 0 : i32
          %dma_start3A_251 = tpu.memref_slice %arg9[%add3A_249, %dma_start3A_250] : memref<40x128xi32, #tpu.memory_space<vmem>> -> memref<1x128xi32, #tpu.memory_space<vmem>>
          %dma_start3A_252 = tpu.memref_squeeze %dma_start3A_251 : memref<1x128xi32, #tpu.memory_space<vmem>> -> memref<128xi32, #tpu.memory_space<vmem>>
          %dma_start3A_253 = arith.constant 0 : i32
          %dma_start3A_254 = arith.constant 0 : i32
          %dma_start3A_255 = tpu.memref_slice %arg3[%dma_start3A_253, %dma_start3A_254] : memref<10240x128xf32, #tpu.memory_space<hbm>> -> memref<10240x128xf32, #tpu.memory_space<hbm>>
          tpu.enqueue_indirect_dma source(%dma_start3A_255 : memref<10240x128xf32, #tpu.memory_space<hbm>>) target(%arg11 : memref<128x128xf32, #tpu.memory_space<vmem>>) offsets(%dma_start3A_252 : memref<128xi32, #tpu.memory_space<vmem>>) semaphore(%arg15 : memref<!tpu.dma_semaphore, #tpu.memory_space<semaphore_mem>>)
        } else {
        }
        %add3A_246 = arith.constant 1 : i32
        %add3A_247 = arith.addi %mul3A_218, %add3A_246 : i32
        "tpu.region"() ({
          %run_scoped3A = tpu.sem_alloc : memref<!tpu.dma_semaphore, #tpu.memory_space<semaphore_mem>>
          %dma_start3A_248 = arith.constant 0 : i32
          %dma_start3A_249 = tpu.memref_slice %arg10[%add3A_247, %dma_start3A_248] : memref<40x128xi32, #tpu.memory_space<vmem>> -> memref<1x128xi32, #tpu.memory_space<vmem>>
          %dma_start3A_250 = tpu.memref_squeeze %dma_start3A_249 : memref<1x128xi32, #tpu.memory_space<vmem>> -> memref<128xi32, #tpu.memory_space<vmem>>
          %dma_start3A_251 = arith.constant 0 : i32
          %dma_start3A_252 = arith.constant 0 : i32
          %dma_start3A_253 = tpu.memref_slice %arg14[%dma_start3A_251, %dma_start3A_252] : memref<10240x128xf32, #tpu.memory_space<vmem_shared>> -> memref<10240x128xf32, #tpu.memory_space<vmem_shared>>
          tpu.enqueue_indirect_dma source(%arg12 : memref<128x128xf32, #tpu.memory_space<vmem>>) target(%dma_start3A_253 : memref<10240x128xf32, #tpu.memory_space<vmem_shared>>) offsets(%dma_start3A_250 : memref<128xi32, #tpu.memory_space<vmem>>) semaphore(%run_scoped3A : memref<!tpu.dma_semaphore, #tpu.memory_space<semaphore_mem>>) {add = true}
          %dma_wait3A_254 = arith.constant 0 : i32
          %dma_wait3A_255 = tpu.memref_slice %arg10[%add3A_247, %dma_wait3A_254] : memref<40x128xi32, #tpu.memory_space<vmem>> -> memref<1x128xi32, #tpu.memory_space<vmem>>
          %dma_wait3A_256 = tpu.memref_squeeze %dma_wait3A_255 : memref<1x128xi32, #tpu.memory_space<vmem>> -> memref<128xi32, #tpu.memory_space<vmem>>
          %dma_wait3A_257 = arith.constant 0 : i32
          %dma_wait3A_258 = arith.constant 0 : i32
          %dma_wait3A_259 = tpu.memref_slice %arg14[%dma_wait3A_257, %dma_wait3A_258] : memref<10240x128xf32, #tpu.memory_space<vmem_shared>> -> memref<10240x128xf32, #tpu.memory_space<vmem_shared>>
          tpu.wait_indirect_dma semaphore(%run_scoped3A : memref<!tpu.dma_semaphore, #tpu.memory_space<semaphore_mem>>) src(%arg12 : memref<128x128xf32, #tpu.memory_space<vmem>>) dst(%dma_wait3A_259 : memref<10240x128xf32, #tpu.memory_space<vmem_shared>>)
          tpu.yield
        }) : () -> ()
      }
      %scan3A_215 = arith.constant 20 : i32
    } else {
    }
    %barrier3A_165 = arith.constant 0 : index
    tpu.barrier barrier_id(%barrier3A_165)
    %eq3A_166 = arith.constant 0 : i32
    %eq3A_167 = arith.cmpi eq, %arg0, %eq3A_166 : i32
    %convert_element_type3A_168 = arith.extui %eq3A_167 : i1 to i32
    %cond3A_169 = arith.constant 0 : i32
    %cond3A_170 = arith.cmpi ne, %convert_element_type3A_168, %cond3A_169 : i32
    scf.if %cond3A_170 {
      %mul3A_176 = arith.constant 640 : i32
      %mul3A_177 = arith.muli %arg1, %mul3A_176 : i32
      %mul3A_178 = arith.constant 640 : i32
      %mul3A_179 = arith.muli %arg1, %mul3A_178 : i32
      "tpu.region"() ({
        %run_scoped3A = tpu.sem_alloc : memref<!tpu.dma_semaphore, #tpu.memory_space<semaphore_mem>>
        %dma_start3A = arith.constant 0 : i32
        %dma_start3A_180 = tpu.memref_slice %arg7[%mul3A_179, %dma_start3A] : memref<10240x128xf32, #tpu.memory_space<hbm>> -> memref<640x128xf32, #tpu.memory_space<hbm>>
        %dma_start3A_181 = arith.constant 0 : i32
        %dma_start3A_182 = tpu.memref_slice %arg14[%mul3A_177, %dma_start3A_181] : memref<10240x128xf32, #tpu.memory_space<vmem_shared>> -> memref<640x128xf32, #tpu.memory_space<vmem_shared>>
        tpu.enqueue_dma source(%dma_start3A_182 : memref<640x128xf32, #tpu.memory_space<vmem_shared>>) target(%dma_start3A_180 : memref<640x128xf32, #tpu.memory_space<hbm>>) target_semaphore(%run_scoped3A : memref<!tpu.dma_semaphore, #tpu.memory_space<semaphore_mem>>)
        %dma_wait3A = arith.constant 0 : i32
        %dma_wait3A_183 = tpu.memref_slice %arg7[%mul3A_179, %dma_wait3A] : memref<10240x128xf32, #tpu.memory_space<hbm>> -> memref<640x128xf32, #tpu.memory_space<hbm>>
        %dma_wait3A_184 = arith.constant 0 : i32
        %dma_wait3A_185 = tpu.memref_slice %arg14[%mul3A_177, %dma_wait3A_184] : memref<10240x128xf32, #tpu.memory_space<vmem_shared>> -> memref<640x128xf32, #tpu.memory_space<vmem_shared>>
        tpu.wait_dma2 semaphore(%run_scoped3A : memref<!tpu.dma_semaphore, #tpu.memory_space<semaphore_mem>>) src(%dma_wait3A_185 : memref<640x128xf32, #tpu.memory_space<vmem_shared>>) dst(%dma_wait3A_183 : memref<640x128xf32, #tpu.memory_space<hbm>>)
        tpu.yield
      }) : () -> ()
    } else {
    }
    %eq3A_171 = arith.constant 1 : i32
    %eq3A_172 = arith.cmpi eq, %arg0, %eq3A_171 : i32
    %convert_element_type3A_173 = arith.extui %eq3A_172 : i1 to i32
    %cond3A_174 = arith.constant 0 : i32
    %cond3A_175 = arith.cmpi ne, %convert_element_type3A_173, %cond3A_174 : i32
    scf.if %cond3A_175 {
      %mul3A_176 = arith.constant 640 : i32
      %mul3A_177 = arith.muli %arg1, %mul3A_176 : i32
      %mul3A_178 = arith.constant 640 : i32
      %mul3A_179 = arith.muli %arg1, %mul3A_178 : i32
      "tpu.region"() ({
        %run_scoped3A = tpu.sem_alloc : memref<!tpu.dma_semaphore, #tpu.memory_space<semaphore_mem>>
        %dma_start3A = arith.constant 0 : i32
        %dma_start3A_180 = tpu.memref_slice %arg8[%mul3A_179, %dma_start3A] : memref<10240x128xf32, #tpu.memory_space<hbm>> -> memref<640x128xf32, #tpu.memory_space<hbm>>
        %dma_start3A_181 = arith.constant 0 : i32
        %dma_start3A_182 = tpu.memref_slice %arg14[%mul3A_177, %dma_start3A_181] : memref<10240x128xf32, #tpu.memory_space<vmem_shared>> -> memref<640x128xf32, #tpu.memory_space<vmem_shared>>
        tpu.enqueue_dma source(%dma_start3A_182 : memref<640x128xf32, #tpu.memory_space<vmem_shared>>) target(%dma_start3A_180 : memref<640x128xf32, #tpu.memory_space<hbm>>) target_semaphore(%run_scoped3A : memref<!tpu.dma_semaphore, #tpu.memory_space<semaphore_mem>>)
        %dma_wait3A = arith.constant 0 : i32
        %dma_wait3A_183 = tpu.memref_slice %arg8[%mul3A_179, %dma_wait3A] : memref<10240x128xf32, #tpu.memory_space<hbm>> -> memref<640x128xf32, #tpu.memory_space<hbm>>
        %dma_wait3A_184 = arith.constant 0 : i32
        %dma_wait3A_185 = tpu.memref_slice %arg14[%mul3A_177, %dma_wait3A_184] : memref<10240x128xf32, #tpu.memory_space<vmem_shared>> -> memref<640x128xf32, #tpu.memory_space<vmem_shared>>
        tpu.wait_dma2 semaphore(%run_scoped3A : memref<!tpu.dma_semaphore, #tpu.memory_space<semaphore_mem>>) src(%dma_wait3A_185 : memref<640x128xf32, #tpu.memory_space<vmem_shared>>) dst(%dma_wait3A_183 : memref<640x128xf32, #tpu.memory_space<hbm>>)
        tpu.yield
      }) : () -> ()
    } else {
    }
    return
  }
}

#map = affine_map<(d0, d1) -> (0, 0)>
#map1 = affine_map<(d0, d1) -> (0)>
module attributes {stable_mosaic.version = 14 : i64} {
  func.func @_segsum_body(%arg0: i32, %arg1: i32, %arg2: memref<10240x128xf32, #tpu.memory_space<hbm>>, %arg3: memref<10240x128xf32, #tpu.memory_space<hbm>>, %arg4: memref<1280x128xi32, #tpu.memory_space<hbm>>, %arg5: memref<1280x128xi32, #tpu.memory_space<hbm>>, %arg6: memref<16x128xf32, #tpu.memory_space<hbm>>, %arg7: memref<640xf32, #tpu.memory_space<hbm>>, %arg8: memref<128xf32, #tpu.memory_space<hbm>>, %arg9: memref<10240x128xf32, #tpu.memory_space<hbm>>, %arg10: memref<10240x128xf32, #tpu.memory_space<hbm>>, %arg11: memref<10240xf32, #tpu.memory_space<hbm>>, %arg12: memref<40x128xi32, #tpu.memory_space<vmem>>, %arg13: memref<40x128xi32, #tpu.memory_space<vmem>>, %arg14: memref<128x128xf32, #tpu.memory_space<vmem>>, %arg15: memref<128x128xf32, #tpu.memory_space<vmem>>, %arg16: memref<16x128xf32, #tpu.memory_space<vmem>>, %arg17: memref<640xf32, #tpu.memory_space<vmem>>, %arg18: memref<128xf32, #tpu.memory_space<vmem>>, %arg19: memref<10240x128xf32, #tpu.memory_space<vmem_shared>>, %arg20: memref<10240xf32, #tpu.memory_space<vmem_shared>>, %arg21: memref<!tpu.dma_semaphore, #tpu.memory_space<semaphore_mem>>, %arg22: memref<!tpu.dma_semaphore, #tpu.memory_space<semaphore_mem>>) attributes {dimension_semantics = [#tpu.dimension_semantics<core_parallel>, #tpu.dimension_semantics<subcore_parallel>], iteration_bounds = array<i64: 2, 16>, scalar_prefetch = 0 : i64, scratch_operands = 11 : i64, tpu.core_type = #tpu.core_type<sc_vector_subcore>, window_params = [{transform_indices = #map}, {transform_indices = #map}, {transform_indices = #map}, {transform_indices = #map}, {transform_indices = #map}, {transform_indices = #map1}, {transform_indices = #map1}, {transform_indices = #map}, {transform_indices = #map}, {transform_indices = #map1}]} {
    "tpu.region"() ({
      %run_scoped3A = tpu.sem_alloc : memref<!tpu.dma_semaphore, #tpu.memory_space<semaphore_mem>>
      tpu.enqueue_dma source(%arg6 : memref<16x128xf32, #tpu.memory_space<hbm>>) target(%arg16 : memref<16x128xf32, #tpu.memory_space<vmem>>) target_semaphore(%run_scoped3A : memref<!tpu.dma_semaphore, #tpu.memory_space<semaphore_mem>>)
      tpu.wait_dma2 semaphore(%run_scoped3A : memref<!tpu.dma_semaphore, #tpu.memory_space<semaphore_mem>>) src(%arg6 : memref<16x128xf32, #tpu.memory_space<hbm>>) dst(%arg16 : memref<16x128xf32, #tpu.memory_space<vmem>>)
      tpu.yield
    }) : () -> ()
    %mul3A = arith.constant 640 : i32
    %mul3A_0 = arith.muli %arg1, %mul3A : i32
    %add3A = arith.constant 0 : i32
    %add3A_1 = arith.addi %mul3A_0, %add3A : i32
    "tpu.region"() ({
      %run_scoped3A = tpu.sem_alloc : memref<!tpu.dma_semaphore, #tpu.memory_space<semaphore_mem>>
      %dma_start3A = arith.constant 0 : i32
      %dma_start3A_178 = tpu.memref_slice %arg19[%add3A_1, %dma_start3A] : memref<10240x128xf32, #tpu.memory_space<vmem_shared>> -> memref<16x128xf32, #tpu.memory_space<vmem_shared>>
      %dma_start3A_179 = arith.constant 0 : i32
      %dma_start3A_180 = tpu.memref_slice %arg19[%add3A_1, %dma_start3A_179] : memref<10240x128xf32, #tpu.memory_space<vmem_shared>> -> memref<16x128xf32, #tpu.memory_space<vmem_shared>>
      tpu.enqueue_dma source(%arg16 : memref<16x128xf32, #tpu.memory_space<vmem>>) target(%dma_start3A_180 : memref<16x128xf32, #tpu.memory_space<vmem_shared>>) target_semaphore(%run_scoped3A : memref<!tpu.dma_semaphore, #tpu.memory_space<semaphore_mem>>)
      %dma_wait3A = arith.constant 0 : i32
      %dma_wait3A_181 = tpu.memref_slice %arg19[%add3A_1, %dma_wait3A] : memref<10240x128xf32, #tpu.memory_space<vmem_shared>> -> memref<16x128xf32, #tpu.memory_space<vmem_shared>>
      %dma_wait3A_182 = arith.constant 0 : i32
      %dma_wait3A_183 = tpu.memref_slice %arg19[%add3A_1, %dma_wait3A_182] : memref<10240x128xf32, #tpu.memory_space<vmem_shared>> -> memref<16x128xf32, #tpu.memory_space<vmem_shared>>
      tpu.wait_dma2 semaphore(%run_scoped3A : memref<!tpu.dma_semaphore, #tpu.memory_space<semaphore_mem>>) src(%arg16 : memref<16x128xf32, #tpu.memory_space<vmem>>) dst(%dma_wait3A_183 : memref<16x128xf32, #tpu.memory_space<vmem_shared>>)
      tpu.yield
    }) : () -> ()
    %mul3A_2 = arith.constant 640 : i32
    %mul3A_3 = arith.muli %arg1, %mul3A_2 : i32
    %add3A_4 = arith.constant 16 : i32
    %add3A_5 = arith.addi %mul3A_3, %add3A_4 : i32
    "tpu.region"() ({
      %run_scoped3A = tpu.sem_alloc : memref<!tpu.dma_semaphore, #tpu.memory_space<semaphore_mem>>
      %dma_start3A = arith.constant 0 : i32
      %dma_start3A_178 = tpu.memref_slice %arg19[%add3A_5, %dma_start3A] : memref<10240x128xf32, #tpu.memory_space<vmem_shared>> -> memref<16x128xf32, #tpu.memory_space<vmem_shared>>
      %dma_start3A_179 = arith.constant 0 : i32
      %dma_start3A_180 = tpu.memref_slice %arg19[%add3A_5, %dma_start3A_179] : memref<10240x128xf32, #tpu.memory_space<vmem_shared>> -> memref<16x128xf32, #tpu.memory_space<vmem_shared>>
      tpu.enqueue_dma source(%arg16 : memref<16x128xf32, #tpu.memory_space<vmem>>) target(%dma_start3A_180 : memref<16x128xf32, #tpu.memory_space<vmem_shared>>) target_semaphore(%run_scoped3A : memref<!tpu.dma_semaphore, #tpu.memory_space<semaphore_mem>>)
      %dma_wait3A = arith.constant 0 : i32
      %dma_wait3A_181 = tpu.memref_slice %arg19[%add3A_5, %dma_wait3A] : memref<10240x128xf32, #tpu.memory_space<vmem_shared>> -> memref<16x128xf32, #tpu.memory_space<vmem_shared>>
      %dma_wait3A_182 = arith.constant 0 : i32
      %dma_wait3A_183 = tpu.memref_slice %arg19[%add3A_5, %dma_wait3A_182] : memref<10240x128xf32, #tpu.memory_space<vmem_shared>> -> memref<16x128xf32, #tpu.memory_space<vmem_shared>>
      tpu.wait_dma2 semaphore(%run_scoped3A : memref<!tpu.dma_semaphore, #tpu.memory_space<semaphore_mem>>) src(%arg16 : memref<16x128xf32, #tpu.memory_space<vmem>>) dst(%dma_wait3A_183 : memref<16x128xf32, #tpu.memory_space<vmem_shared>>)
      tpu.yield
    }) : () -> ()
    %mul3A_6 = arith.constant 640 : i32
    %mul3A_7 = arith.muli %arg1, %mul3A_6 : i32
    %add3A_8 = arith.constant 32 : i32
    %add3A_9 = arith.addi %mul3A_7, %add3A_8 : i32
    "tpu.region"() ({
      %run_scoped3A = tpu.sem_alloc : memref<!tpu.dma_semaphore, #tpu.memory_space<semaphore_mem>>
      %dma_start3A = arith.constant 0 : i32
      %dma_start3A_178 = tpu.memref_slice %arg19[%add3A_9, %dma_start3A] : memref<10240x128xf32, #tpu.memory_space<vmem_shared>> -> memref<16x128xf32, #tpu.memory_space<vmem_shared>>
      %dma_start3A_179 = arith.constant 0 : i32
      %dma_start3A_180 = tpu.memref_slice %arg19[%add3A_9, %dma_start3A_179] : memref<10240x128xf32, #tpu.memory_space<vmem_shared>> -> memref<16x128xf32, #tpu.memory_space<vmem_shared>>
      tpu.enqueue_dma source(%arg16 : memref<16x128xf32, #tpu.memory_space<vmem>>) target(%dma_start3A_180 : memref<16x128xf32, #tpu.memory_space<vmem_shared>>) target_semaphore(%run_scoped3A : memref<!tpu.dma_semaphore, #tpu.memory_space<semaphore_mem>>)
      %dma_wait3A = arith.constant 0 : i32
      %dma_wait3A_181 = tpu.memref_slice %arg19[%add3A_9, %dma_wait3A] : memref<10240x128xf32, #tpu.memory_space<vmem_shared>> -> memref<16x128xf32, #tpu.memory_space<vmem_shared>>
      %dma_wait3A_182 = arith.constant 0 : i32
      %dma_wait3A_183 = tpu.memref_slice %arg19[%add3A_9, %dma_wait3A_182] : memref<10240x128xf32, #tpu.memory_space<vmem_shared>> -> memref<16x128xf32, #tpu.memory_space<vmem_shared>>
      tpu.wait_dma2 semaphore(%run_scoped3A : memref<!tpu.dma_semaphore, #tpu.memory_space<semaphore_mem>>) src(%arg16 : memref<16x128xf32, #tpu.memory_space<vmem>>) dst(%dma_wait3A_183 : memref<16x128xf32, #tpu.memory_space<vmem_shared>>)
      tpu.yield
    }) : () -> ()
    %mul3A_10 = arith.constant 640 : i32
    %mul3A_11 = arith.muli %arg1, %mul3A_10 : i32
    %add3A_12 = arith.constant 48 : i32
    %add3A_13 = arith.addi %mul3A_11, %add3A_12 : i32
    "tpu.region"() ({
      %run_scoped3A = tpu.sem_alloc : memref<!tpu.dma_semaphore, #tpu.memory_space<semaphore_mem>>
      %dma_start3A = arith.constant 0 : i32
      %dma_start3A_178 = tpu.memref_slice %arg19[%add3A_13, %dma_start3A] : memref<10240x128xf32, #tpu.memory_space<vmem_shared>> -> memref<16x128xf32, #tpu.memory_space<vmem_shared>>
      %dma_start3A_179 = arith.constant 0 : i32
      %dma_start3A_180 = tpu.memref_slice %arg19[%add3A_13, %dma_start3A_179] : memref<10240x128xf32, #tpu.memory_space<vmem_shared>> -> memref<16x128xf32, #tpu.memory_space<vmem_shared>>
      tpu.enqueue_dma source(%arg16 : memref<16x128xf32, #tpu.memory_space<vmem>>) target(%dma_start3A_180 : memref<16x128xf32, #tpu.memory_space<vmem_shared>>) target_semaphore(%run_scoped3A : memref<!tpu.dma_semaphore, #tpu.memory_space<semaphore_mem>>)
      %dma_wait3A = arith.constant 0 : i32
      %dma_wait3A_181 = tpu.memref_slice %arg19[%add3A_13, %dma_wait3A] : memref<10240x128xf32, #tpu.memory_space<vmem_shared>> -> memref<16x128xf32, #tpu.memory_space<vmem_shared>>
      %dma_wait3A_182 = arith.constant 0 : i32
      %dma_wait3A_183 = tpu.memref_slice %arg19[%add3A_13, %dma_wait3A_182] : memref<10240x128xf32, #tpu.memory_space<vmem_shared>> -> memref<16x128xf32, #tpu.memory_space<vmem_shared>>
      tpu.wait_dma2 semaphore(%run_scoped3A : memref<!tpu.dma_semaphore, #tpu.memory_space<semaphore_mem>>) src(%arg16 : memref<16x128xf32, #tpu.memory_space<vmem>>) dst(%dma_wait3A_183 : memref<16x128xf32, #tpu.memory_space<vmem_shared>>)
      tpu.yield
    }) : () -> ()
    %mul3A_14 = arith.constant 640 : i32
    %mul3A_15 = arith.muli %arg1, %mul3A_14 : i32
    %add3A_16 = arith.constant 64 : i32
    %add3A_17 = arith.addi %mul3A_15, %add3A_16 : i32
    "tpu.region"() ({
      %run_scoped3A = tpu.sem_alloc : memref<!tpu.dma_semaphore, #tpu.memory_space<semaphore_mem>>
      %dma_start3A = arith.constant 0 : i32
      %dma_start3A_178 = tpu.memref_slice %arg19[%add3A_17, %dma_start3A] : memref<10240x128xf32, #tpu.memory_space<vmem_shared>> -> memref<16x128xf32, #tpu.memory_space<vmem_shared>>
      %dma_start3A_179 = arith.constant 0 : i32
      %dma_start3A_180 = tpu.memref_slice %arg19[%add3A_17, %dma_start3A_179] : memref<10240x128xf32, #tpu.memory_space<vmem_shared>> -> memref<16x128xf32, #tpu.memory_space<vmem_shared>>
      tpu.enqueue_dma source(%arg16 : memref<16x128xf32, #tpu.memory_space<vmem>>) target(%dma_start3A_180 : memref<16x128xf32, #tpu.memory_space<vmem_shared>>) target_semaphore(%run_scoped3A : memref<!tpu.dma_semaphore, #tpu.memory_space<semaphore_mem>>)
      %dma_wait3A = arith.constant 0 : i32
      %dma_wait3A_181 = tpu.memref_slice %arg19[%add3A_17, %dma_wait3A] : memref<10240x128xf32, #tpu.memory_space<vmem_shared>> -> memref<16x128xf32, #tpu.memory_space<vmem_shared>>
      %dma_wait3A_182 = arith.constant 0 : i32
      %dma_wait3A_183 = tpu.memref_slice %arg19[%add3A_17, %dma_wait3A_182] : memref<10240x128xf32, #tpu.memory_space<vmem_shared>> -> memref<16x128xf32, #tpu.memory_space<vmem_shared>>
      tpu.wait_dma2 semaphore(%run_scoped3A : memref<!tpu.dma_semaphore, #tpu.memory_space<semaphore_mem>>) src(%arg16 : memref<16x128xf32, #tpu.memory_space<vmem>>) dst(%dma_wait3A_183 : memref<16x128xf32, #tpu.memory_space<vmem_shared>>)
      tpu.yield
    }) : () -> ()
    %mul3A_18 = arith.constant 640 : i32
    %mul3A_19 = arith.muli %arg1, %mul3A_18 : i32
    %add3A_20 = arith.constant 80 : i32
    %add3A_21 = arith.addi %mul3A_19, %add3A_20 : i32
    "tpu.region"() ({
      %run_scoped3A = tpu.sem_alloc : memref<!tpu.dma_semaphore, #tpu.memory_space<semaphore_mem>>
      %dma_start3A = arith.constant 0 : i32
      %dma_start3A_178 = tpu.memref_slice %arg19[%add3A_21, %dma_start3A] : memref<10240x128xf32, #tpu.memory_space<vmem_shared>> -> memref<16x128xf32, #tpu.memory_space<vmem_shared>>
      %dma_start3A_179 = arith.constant 0 : i32
      %dma_start3A_180 = tpu.memref_slice %arg19[%add3A_21, %dma_start3A_179] : memref<10240x128xf32, #tpu.memory_space<vmem_shared>> -> memref<16x128xf32, #tpu.memory_space<vmem_shared>>
      tpu.enqueue_dma source(%arg16 : memref<16x128xf32, #tpu.memory_space<vmem>>) target(%dma_start3A_180 : memref<16x128xf32, #tpu.memory_space<vmem_shared>>) target_semaphore(%run_scoped3A : memref<!tpu.dma_semaphore, #tpu.memory_space<semaphore_mem>>)
      %dma_wait3A = arith.constant 0 : i32
      %dma_wait3A_181 = tpu.memref_slice %arg19[%add3A_21, %dma_wait3A] : memref<10240x128xf32, #tpu.memory_space<vmem_shared>> -> memref<16x128xf32, #tpu.memory_space<vmem_shared>>
      %dma_wait3A_182 = arith.constant 0 : i32
      %dma_wait3A_183 = tpu.memref_slice %arg19[%add3A_21, %dma_wait3A_182] : memref<10240x128xf32, #tpu.memory_space<vmem_shared>> -> memref<16x128xf32, #tpu.memory_space<vmem_shared>>
      tpu.wait_dma2 semaphore(%run_scoped3A : memref<!tpu.dma_semaphore, #tpu.memory_space<semaphore_mem>>) src(%arg16 : memref<16x128xf32, #tpu.memory_space<vmem>>) dst(%dma_wait3A_183 : memref<16x128xf32, #tpu.memory_space<vmem_shared>>)
      tpu.yield
    }) : () -> ()
    %mul3A_22 = arith.constant 640 : i32
    %mul3A_23 = arith.muli %arg1, %mul3A_22 : i32
    %add3A_24 = arith.constant 96 : i32
    %add3A_25 = arith.addi %mul3A_23, %add3A_24 : i32
    "tpu.region"() ({
      %run_scoped3A = tpu.sem_alloc : memref<!tpu.dma_semaphore, #tpu.memory_space<semaphore_mem>>
      %dma_start3A = arith.constant 0 : i32
      %dma_start3A_178 = tpu.memref_slice %arg19[%add3A_25, %dma_start3A] : memref<10240x128xf32, #tpu.memory_space<vmem_shared>> -> memref<16x128xf32, #tpu.memory_space<vmem_shared>>
      %dma_start3A_179 = arith.constant 0 : i32
      %dma_start3A_180 = tpu.memref_slice %arg19[%add3A_25, %dma_start3A_179] : memref<10240x128xf32, #tpu.memory_space<vmem_shared>> -> memref<16x128xf32, #tpu.memory_space<vmem_shared>>
      tpu.enqueue_dma source(%arg16 : memref<16x128xf32, #tpu.memory_space<vmem>>) target(%dma_start3A_180 : memref<16x128xf32, #tpu.memory_space<vmem_shared>>) target_semaphore(%run_scoped3A : memref<!tpu.dma_semaphore, #tpu.memory_space<semaphore_mem>>)
      %dma_wait3A = arith.constant 0 : i32
      %dma_wait3A_181 = tpu.memref_slice %arg19[%add3A_25, %dma_wait3A] : memref<10240x128xf32, #tpu.memory_space<vmem_shared>> -> memref<16x128xf32, #tpu.memory_space<vmem_shared>>
      %dma_wait3A_182 = arith.constant 0 : i32
      %dma_wait3A_183 = tpu.memref_slice %arg19[%add3A_25, %dma_wait3A_182] : memref<10240x128xf32, #tpu.memory_space<vmem_shared>> -> memref<16x128xf32, #tpu.memory_space<vmem_shared>>
      tpu.wait_dma2 semaphore(%run_scoped3A : memref<!tpu.dma_semaphore, #tpu.memory_space<semaphore_mem>>) src(%arg16 : memref<16x128xf32, #tpu.memory_space<vmem>>) dst(%dma_wait3A_183 : memref<16x128xf32, #tpu.memory_space<vmem_shared>>)
      tpu.yield
    }) : () -> ()
    %mul3A_26 = arith.constant 640 : i32
    %mul3A_27 = arith.muli %arg1, %mul3A_26 : i32
    %add3A_28 = arith.constant 112 : i32
    %add3A_29 = arith.addi %mul3A_27, %add3A_28 : i32
    "tpu.region"() ({
      %run_scoped3A = tpu.sem_alloc : memref<!tpu.dma_semaphore, #tpu.memory_space<semaphore_mem>>
      %dma_start3A = arith.constant 0 : i32
      %dma_start3A_178 = tpu.memref_slice %arg19[%add3A_29, %dma_start3A] : memref<10240x128xf32, #tpu.memory_space<vmem_shared>> -> memref<16x128xf32, #tpu.memory_space<vmem_shared>>
      %dma_start3A_179 = arith.constant 0 : i32
      %dma_start3A_180 = tpu.memref_slice %arg19[%add3A_29, %dma_start3A_179] : memref<10240x128xf32, #tpu.memory_space<vmem_shared>> -> memref<16x128xf32, #tpu.memory_space<vmem_shared>>
      tpu.enqueue_dma source(%arg16 : memref<16x128xf32, #tpu.memory_space<vmem>>) target(%dma_start3A_180 : memref<16x128xf32, #tpu.memory_space<vmem_shared>>) target_semaphore(%run_scoped3A : memref<!tpu.dma_semaphore, #tpu.memory_space<semaphore_mem>>)
      %dma_wait3A = arith.constant 0 : i32
      %dma_wait3A_181 = tpu.memref_slice %arg19[%add3A_29, %dma_wait3A] : memref<10240x128xf32, #tpu.memory_space<vmem_shared>> -> memref<16x128xf32, #tpu.memory_space<vmem_shared>>
      %dma_wait3A_182 = arith.constant 0 : i32
      %dma_wait3A_183 = tpu.memref_slice %arg19[%add3A_29, %dma_wait3A_182] : memref<10240x128xf32, #tpu.memory_space<vmem_shared>> -> memref<16x128xf32, #tpu.memory_space<vmem_shared>>
      tpu.wait_dma2 semaphore(%run_scoped3A : memref<!tpu.dma_semaphore, #tpu.memory_space<semaphore_mem>>) src(%arg16 : memref<16x128xf32, #tpu.memory_space<vmem>>) dst(%dma_wait3A_183 : memref<16x128xf32, #tpu.memory_space<vmem_shared>>)
      tpu.yield
    }) : () -> ()
    %mul3A_30 = arith.constant 640 : i32
    %mul3A_31 = arith.muli %arg1, %mul3A_30 : i32
    %add3A_32 = arith.constant 128 : i32
    %add3A_33 = arith.addi %mul3A_31, %add3A_32 : i32
    "tpu.region"() ({
      %run_scoped3A = tpu.sem_alloc : memref<!tpu.dma_semaphore, #tpu.memory_space<semaphore_mem>>
      %dma_start3A = arith.constant 0 : i32
      %dma_start3A_178 = tpu.memref_slice %arg19[%add3A_33, %dma_start3A] : memref<10240x128xf32, #tpu.memory_space<vmem_shared>> -> memref<16x128xf32, #tpu.memory_space<vmem_shared>>
      %dma_start3A_179 = arith.constant 0 : i32
      %dma_start3A_180 = tpu.memref_slice %arg19[%add3A_33, %dma_start3A_179] : memref<10240x128xf32, #tpu.memory_space<vmem_shared>> -> memref<16x128xf32, #tpu.memory_space<vmem_shared>>
      tpu.enqueue_dma source(%arg16 : memref<16x128xf32, #tpu.memory_space<vmem>>) target(%dma_start3A_180 : memref<16x128xf32, #tpu.memory_space<vmem_shared>>) target_semaphore(%run_scoped3A : memref<!tpu.dma_semaphore, #tpu.memory_space<semaphore_mem>>)
      %dma_wait3A = arith.constant 0 : i32
      %dma_wait3A_181 = tpu.memref_slice %arg19[%add3A_33, %dma_wait3A] : memref<10240x128xf32, #tpu.memory_space<vmem_shared>> -> memref<16x128xf32, #tpu.memory_space<vmem_shared>>
      %dma_wait3A_182 = arith.constant 0 : i32
      %dma_wait3A_183 = tpu.memref_slice %arg19[%add3A_33, %dma_wait3A_182] : memref<10240x128xf32, #tpu.memory_space<vmem_shared>> -> memref<16x128xf32, #tpu.memory_space<vmem_shared>>
      tpu.wait_dma2 semaphore(%run_scoped3A : memref<!tpu.dma_semaphore, #tpu.memory_space<semaphore_mem>>) src(%arg16 : memref<16x128xf32, #tpu.memory_space<vmem>>) dst(%dma_wait3A_183 : memref<16x128xf32, #tpu.memory_space<vmem_shared>>)
      tpu.yield
    }) : () -> ()
    %mul3A_34 = arith.constant 640 : i32
    %mul3A_35 = arith.muli %arg1, %mul3A_34 : i32
    %add3A_36 = arith.constant 144 : i32
    %add3A_37 = arith.addi %mul3A_35, %add3A_36 : i32
    "tpu.region"() ({
      %run_scoped3A = tpu.sem_alloc : memref<!tpu.dma_semaphore, #tpu.memory_space<semaphore_mem>>
      %dma_start3A = arith.constant 0 : i32
      %dma_start3A_178 = tpu.memref_slice %arg19[%add3A_37, %dma_start3A] : memref<10240x128xf32, #tpu.memory_space<vmem_shared>> -> memref<16x128xf32, #tpu.memory_space<vmem_shared>>
      %dma_start3A_179 = arith.constant 0 : i32
      %dma_start3A_180 = tpu.memref_slice %arg19[%add3A_37, %dma_start3A_179] : memref<10240x128xf32, #tpu.memory_space<vmem_shared>> -> memref<16x128xf32, #tpu.memory_space<vmem_shared>>
      tpu.enqueue_dma source(%arg16 : memref<16x128xf32, #tpu.memory_space<vmem>>) target(%dma_start3A_180 : memref<16x128xf32, #tpu.memory_space<vmem_shared>>) target_semaphore(%run_scoped3A : memref<!tpu.dma_semaphore, #tpu.memory_space<semaphore_mem>>)
      %dma_wait3A = arith.constant 0 : i32
      %dma_wait3A_181 = tpu.memref_slice %arg19[%add3A_37, %dma_wait3A] : memref<10240x128xf32, #tpu.memory_space<vmem_shared>> -> memref<16x128xf32, #tpu.memory_space<vmem_shared>>
      %dma_wait3A_182 = arith.constant 0 : i32
      %dma_wait3A_183 = tpu.memref_slice %arg19[%add3A_37, %dma_wait3A_182] : memref<10240x128xf32, #tpu.memory_space<vmem_shared>> -> memref<16x128xf32, #tpu.memory_space<vmem_shared>>
      tpu.wait_dma2 semaphore(%run_scoped3A : memref<!tpu.dma_semaphore, #tpu.memory_space<semaphore_mem>>) src(%arg16 : memref<16x128xf32, #tpu.memory_space<vmem>>) dst(%dma_wait3A_183 : memref<16x128xf32, #tpu.memory_space<vmem_shared>>)
      tpu.yield
    }) : () -> ()
    %mul3A_38 = arith.constant 640 : i32
    %mul3A_39 = arith.muli %arg1, %mul3A_38 : i32
    %add3A_40 = arith.constant 160 : i32
    %add3A_41 = arith.addi %mul3A_39, %add3A_40 : i32
    "tpu.region"() ({
      %run_scoped3A = tpu.sem_alloc : memref<!tpu.dma_semaphore, #tpu.memory_space<semaphore_mem>>
      %dma_start3A = arith.constant 0 : i32
      %dma_start3A_178 = tpu.memref_slice %arg19[%add3A_41, %dma_start3A] : memref<10240x128xf32, #tpu.memory_space<vmem_shared>> -> memref<16x128xf32, #tpu.memory_space<vmem_shared>>
      %dma_start3A_179 = arith.constant 0 : i32
      %dma_start3A_180 = tpu.memref_slice %arg19[%add3A_41, %dma_start3A_179] : memref<10240x128xf32, #tpu.memory_space<vmem_shared>> -> memref<16x128xf32, #tpu.memory_space<vmem_shared>>
      tpu.enqueue_dma source(%arg16 : memref<16x128xf32, #tpu.memory_space<vmem>>) target(%dma_start3A_180 : memref<16x128xf32, #tpu.memory_space<vmem_shared>>) target_semaphore(%run_scoped3A : memref<!tpu.dma_semaphore, #tpu.memory_space<semaphore_mem>>)
      %dma_wait3A = arith.constant 0 : i32
      %dma_wait3A_181 = tpu.memref_slice %arg19[%add3A_41, %dma_wait3A] : memref<10240x128xf32, #tpu.memory_space<vmem_shared>> -> memref<16x128xf32, #tpu.memory_space<vmem_shared>>
      %dma_wait3A_182 = arith.constant 0 : i32
      %dma_wait3A_183 = tpu.memref_slice %arg19[%add3A_41, %dma_wait3A_182] : memref<10240x128xf32, #tpu.memory_space<vmem_shared>> -> memref<16x128xf32, #tpu.memory_space<vmem_shared>>
      tpu.wait_dma2 semaphore(%run_scoped3A : memref<!tpu.dma_semaphore, #tpu.memory_space<semaphore_mem>>) src(%arg16 : memref<16x128xf32, #tpu.memory_space<vmem>>) dst(%dma_wait3A_183 : memref<16x128xf32, #tpu.memory_space<vmem_shared>>)
      tpu.yield
    }) : () -> ()
    %mul3A_42 = arith.constant 640 : i32
    %mul3A_43 = arith.muli %arg1, %mul3A_42 : i32
    %add3A_44 = arith.constant 176 : i32
    %add3A_45 = arith.addi %mul3A_43, %add3A_44 : i32
    "tpu.region"() ({
      %run_scoped3A = tpu.sem_alloc : memref<!tpu.dma_semaphore, #tpu.memory_space<semaphore_mem>>
      %dma_start3A = arith.constant 0 : i32
      %dma_start3A_178 = tpu.memref_slice %arg19[%add3A_45, %dma_start3A] : memref<10240x128xf32, #tpu.memory_space<vmem_shared>> -> memref<16x128xf32, #tpu.memory_space<vmem_shared>>
      %dma_start3A_179 = arith.constant 0 : i32
      %dma_start3A_180 = tpu.memref_slice %arg19[%add3A_45, %dma_start3A_179] : memref<10240x128xf32, #tpu.memory_space<vmem_shared>> -> memref<16x128xf32, #tpu.memory_space<vmem_shared>>
      tpu.enqueue_dma source(%arg16 : memref<16x128xf32, #tpu.memory_space<vmem>>) target(%dma_start3A_180 : memref<16x128xf32, #tpu.memory_space<vmem_shared>>) target_semaphore(%run_scoped3A : memref<!tpu.dma_semaphore, #tpu.memory_space<semaphore_mem>>)
      %dma_wait3A = arith.constant 0 : i32
      %dma_wait3A_181 = tpu.memref_slice %arg19[%add3A_45, %dma_wait3A] : memref<10240x128xf32, #tpu.memory_space<vmem_shared>> -> memref<16x128xf32, #tpu.memory_space<vmem_shared>>
      %dma_wait3A_182 = arith.constant 0 : i32
      %dma_wait3A_183 = tpu.memref_slice %arg19[%add3A_45, %dma_wait3A_182] : memref<10240x128xf32, #tpu.memory_space<vmem_shared>> -> memref<16x128xf32, #tpu.memory_space<vmem_shared>>
      tpu.wait_dma2 semaphore(%run_scoped3A : memref<!tpu.dma_semaphore, #tpu.memory_space<semaphore_mem>>) src(%arg16 : memref<16x128xf32, #tpu.memory_space<vmem>>) dst(%dma_wait3A_183 : memref<16x128xf32, #tpu.memory_space<vmem_shared>>)
      tpu.yield
    }) : () -> ()
    %mul3A_46 = arith.constant 640 : i32
    %mul3A_47 = arith.muli %arg1, %mul3A_46 : i32
    %add3A_48 = arith.constant 192 : i32
    %add3A_49 = arith.addi %mul3A_47, %add3A_48 : i32
    "tpu.region"() ({
      %run_scoped3A = tpu.sem_alloc : memref<!tpu.dma_semaphore, #tpu.memory_space<semaphore_mem>>
      %dma_start3A = arith.constant 0 : i32
      %dma_start3A_178 = tpu.memref_slice %arg19[%add3A_49, %dma_start3A] : memref<10240x128xf32, #tpu.memory_space<vmem_shared>> -> memref<16x128xf32, #tpu.memory_space<vmem_shared>>
      %dma_start3A_179 = arith.constant 0 : i32
      %dma_start3A_180 = tpu.memref_slice %arg19[%add3A_49, %dma_start3A_179] : memref<10240x128xf32, #tpu.memory_space<vmem_shared>> -> memref<16x128xf32, #tpu.memory_space<vmem_shared>>
      tpu.enqueue_dma source(%arg16 : memref<16x128xf32, #tpu.memory_space<vmem>>) target(%dma_start3A_180 : memref<16x128xf32, #tpu.memory_space<vmem_shared>>) target_semaphore(%run_scoped3A : memref<!tpu.dma_semaphore, #tpu.memory_space<semaphore_mem>>)
      %dma_wait3A = arith.constant 0 : i32
      %dma_wait3A_181 = tpu.memref_slice %arg19[%add3A_49, %dma_wait3A] : memref<10240x128xf32, #tpu.memory_space<vmem_shared>> -> memref<16x128xf32, #tpu.memory_space<vmem_shared>>
      %dma_wait3A_182 = arith.constant 0 : i32
      %dma_wait3A_183 = tpu.memref_slice %arg19[%add3A_49, %dma_wait3A_182] : memref<10240x128xf32, #tpu.memory_space<vmem_shared>> -> memref<16x128xf32, #tpu.memory_space<vmem_shared>>
      tpu.wait_dma2 semaphore(%run_scoped3A : memref<!tpu.dma_semaphore, #tpu.memory_space<semaphore_mem>>) src(%arg16 : memref<16x128xf32, #tpu.memory_space<vmem>>) dst(%dma_wait3A_183 : memref<16x128xf32, #tpu.memory_space<vmem_shared>>)
      tpu.yield
    }) : () -> ()
    %mul3A_50 = arith.constant 640 : i32
    %mul3A_51 = arith.muli %arg1, %mul3A_50 : i32
    %add3A_52 = arith.constant 208 : i32
    %add3A_53 = arith.addi %mul3A_51, %add3A_52 : i32
    "tpu.region"() ({
      %run_scoped3A = tpu.sem_alloc : memref<!tpu.dma_semaphore, #tpu.memory_space<semaphore_mem>>
      %dma_start3A = arith.constant 0 : i32
      %dma_start3A_178 = tpu.memref_slice %arg19[%add3A_53, %dma_start3A] : memref<10240x128xf32, #tpu.memory_space<vmem_shared>> -> memref<16x128xf32, #tpu.memory_space<vmem_shared>>
      %dma_start3A_179 = arith.constant 0 : i32
      %dma_start3A_180 = tpu.memref_slice %arg19[%add3A_53, %dma_start3A_179] : memref<10240x128xf32, #tpu.memory_space<vmem_shared>> -> memref<16x128xf32, #tpu.memory_space<vmem_shared>>
      tpu.enqueue_dma source(%arg16 : memref<16x128xf32, #tpu.memory_space<vmem>>) target(%dma_start3A_180 : memref<16x128xf32, #tpu.memory_space<vmem_shared>>) target_semaphore(%run_scoped3A : memref<!tpu.dma_semaphore, #tpu.memory_space<semaphore_mem>>)
      %dma_wait3A = arith.constant 0 : i32
      %dma_wait3A_181 = tpu.memref_slice %arg19[%add3A_53, %dma_wait3A] : memref<10240x128xf32, #tpu.memory_space<vmem_shared>> -> memref<16x128xf32, #tpu.memory_space<vmem_shared>>
      %dma_wait3A_182 = arith.constant 0 : i32
      %dma_wait3A_183 = tpu.memref_slice %arg19[%add3A_53, %dma_wait3A_182] : memref<10240x128xf32, #tpu.memory_space<vmem_shared>> -> memref<16x128xf32, #tpu.memory_space<vmem_shared>>
      tpu.wait_dma2 semaphore(%run_scoped3A : memref<!tpu.dma_semaphore, #tpu.memory_space<semaphore_mem>>) src(%arg16 : memref<16x128xf32, #tpu.memory_space<vmem>>) dst(%dma_wait3A_183 : memref<16x128xf32, #tpu.memory_space<vmem_shared>>)
      tpu.yield
    }) : () -> ()
    %mul3A_54 = arith.constant 640 : i32
    %mul3A_55 = arith.muli %arg1, %mul3A_54 : i32
    %add3A_56 = arith.constant 224 : i32
    %add3A_57 = arith.addi %mul3A_55, %add3A_56 : i32
    "tpu.region"() ({
      %run_scoped3A = tpu.sem_alloc : memref<!tpu.dma_semaphore, #tpu.memory_space<semaphore_mem>>
      %dma_start3A = arith.constant 0 : i32
      %dma_start3A_178 = tpu.memref_slice %arg19[%add3A_57, %dma_start3A] : memref<10240x128xf32, #tpu.memory_space<vmem_shared>> -> memref<16x128xf32, #tpu.memory_space<vmem_shared>>
      %dma_start3A_179 = arith.constant 0 : i32
      %dma_start3A_180 = tpu.memref_slice %arg19[%add3A_57, %dma_start3A_179] : memref<10240x128xf32, #tpu.memory_space<vmem_shared>> -> memref<16x128xf32, #tpu.memory_space<vmem_shared>>
      tpu.enqueue_dma source(%arg16 : memref<16x128xf32, #tpu.memory_space<vmem>>) target(%dma_start3A_180 : memref<16x128xf32, #tpu.memory_space<vmem_shared>>) target_semaphore(%run_scoped3A : memref<!tpu.dma_semaphore, #tpu.memory_space<semaphore_mem>>)
      %dma_wait3A = arith.constant 0 : i32
      %dma_wait3A_181 = tpu.memref_slice %arg19[%add3A_57, %dma_wait3A] : memref<10240x128xf32, #tpu.memory_space<vmem_shared>> -> memref<16x128xf32, #tpu.memory_space<vmem_shared>>
      %dma_wait3A_182 = arith.constant 0 : i32
      %dma_wait3A_183 = tpu.memref_slice %arg19[%add3A_57, %dma_wait3A_182] : memref<10240x128xf32, #tpu.memory_space<vmem_shared>> -> memref<16x128xf32, #tpu.memory_space<vmem_shared>>
      tpu.wait_dma2 semaphore(%run_scoped3A : memref<!tpu.dma_semaphore, #tpu.memory_space<semaphore_mem>>) src(%arg16 : memref<16x128xf32, #tpu.memory_space<vmem>>) dst(%dma_wait3A_183 : memref<16x128xf32, #tpu.memory_space<vmem_shared>>)
      tpu.yield
    }) : () -> ()
    %mul3A_58 = arith.constant 640 : i32
    %mul3A_59 = arith.muli %arg1, %mul3A_58 : i32
    %add3A_60 = arith.constant 240 : i32
    %add3A_61 = arith.addi %mul3A_59, %add3A_60 : i32
    "tpu.region"() ({
      %run_scoped3A = tpu.sem_alloc : memref<!tpu.dma_semaphore, #tpu.memory_space<semaphore_mem>>
      %dma_start3A = arith.constant 0 : i32
      %dma_start3A_178 = tpu.memref_slice %arg19[%add3A_61, %dma_start3A] : memref<10240x128xf32, #tpu.memory_space<vmem_shared>> -> memref<16x128xf32, #tpu.memory_space<vmem_shared>>
      %dma_start3A_179 = arith.constant 0 : i32
      %dma_start3A_180 = tpu.memref_slice %arg19[%add3A_61, %dma_start3A_179] : memref<10240x128xf32, #tpu.memory_space<vmem_shared>> -> memref<16x128xf32, #tpu.memory_space<vmem_shared>>
      tpu.enqueue_dma source(%arg16 : memref<16x128xf32, #tpu.memory_space<vmem>>) target(%dma_start3A_180 : memref<16x128xf32, #tpu.memory_space<vmem_shared>>) target_semaphore(%run_scoped3A : memref<!tpu.dma_semaphore, #tpu.memory_space<semaphore_mem>>)
      %dma_wait3A = arith.constant 0 : i32
      %dma_wait3A_181 = tpu.memref_slice %arg19[%add3A_61, %dma_wait3A] : memref<10240x128xf32, #tpu.memory_space<vmem_shared>> -> memref<16x128xf32, #tpu.memory_space<vmem_shared>>
      %dma_wait3A_182 = arith.constant 0 : i32
      %dma_wait3A_183 = tpu.memref_slice %arg19[%add3A_61, %dma_wait3A_182] : memref<10240x128xf32, #tpu.memory_space<vmem_shared>> -> memref<16x128xf32, #tpu.memory_space<vmem_shared>>
      tpu.wait_dma2 semaphore(%run_scoped3A : memref<!tpu.dma_semaphore, #tpu.memory_space<semaphore_mem>>) src(%arg16 : memref<16x128xf32, #tpu.memory_space<vmem>>) dst(%dma_wait3A_183 : memref<16x128xf32, #tpu.memory_space<vmem_shared>>)
      tpu.yield
    }) : () -> ()
    %mul3A_62 = arith.constant 640 : i32
    %mul3A_63 = arith.muli %arg1, %mul3A_62 : i32
    %add3A_64 = arith.constant 256 : i32
    %add3A_65 = arith.addi %mul3A_63, %add3A_64 : i32
    "tpu.region"() ({
      %run_scoped3A = tpu.sem_alloc : memref<!tpu.dma_semaphore, #tpu.memory_space<semaphore_mem>>
      %dma_start3A = arith.constant 0 : i32
      %dma_start3A_178 = tpu.memref_slice %arg19[%add3A_65, %dma_start3A] : memref<10240x128xf32, #tpu.memory_space<vmem_shared>> -> memref<16x128xf32, #tpu.memory_space<vmem_shared>>
      %dma_start3A_179 = arith.constant 0 : i32
      %dma_start3A_180 = tpu.memref_slice %arg19[%add3A_65, %dma_start3A_179] : memref<10240x128xf32, #tpu.memory_space<vmem_shared>> -> memref<16x128xf32, #tpu.memory_space<vmem_shared>>
      tpu.enqueue_dma source(%arg16 : memref<16x128xf32, #tpu.memory_space<vmem>>) target(%dma_start3A_180 : memref<16x128xf32, #tpu.memory_space<vmem_shared>>) target_semaphore(%run_scoped3A : memref<!tpu.dma_semaphore, #tpu.memory_space<semaphore_mem>>)
      %dma_wait3A = arith.constant 0 : i32
      %dma_wait3A_181 = tpu.memref_slice %arg19[%add3A_65, %dma_wait3A] : memref<10240x128xf32, #tpu.memory_space<vmem_shared>> -> memref<16x128xf32, #tpu.memory_space<vmem_shared>>
      %dma_wait3A_182 = arith.constant 0 : i32
      %dma_wait3A_183 = tpu.memref_slice %arg19[%add3A_65, %dma_wait3A_182] : memref<10240x128xf32, #tpu.memory_space<vmem_shared>> -> memref<16x128xf32, #tpu.memory_space<vmem_shared>>
      tpu.wait_dma2 semaphore(%run_scoped3A : memref<!tpu.dma_semaphore, #tpu.memory_space<semaphore_mem>>) src(%arg16 : memref<16x128xf32, #tpu.memory_space<vmem>>) dst(%dma_wait3A_183 : memref<16x128xf32, #tpu.memory_space<vmem_shared>>)
      tpu.yield
    }) : () -> ()
    %mul3A_66 = arith.constant 640 : i32
    %mul3A_67 = arith.muli %arg1, %mul3A_66 : i32
    %add3A_68 = arith.constant 272 : i32
    %add3A_69 = arith.addi %mul3A_67, %add3A_68 : i32
    "tpu.region"() ({
      %run_scoped3A = tpu.sem_alloc : memref<!tpu.dma_semaphore, #tpu.memory_space<semaphore_mem>>
      %dma_start3A = arith.constant 0 : i32
      %dma_start3A_178 = tpu.memref_slice %arg19[%add3A_69, %dma_start3A] : memref<10240x128xf32, #tpu.memory_space<vmem_shared>> -> memref<16x128xf32, #tpu.memory_space<vmem_shared>>
      %dma_start3A_179 = arith.constant 0 : i32
      %dma_start3A_180 = tpu.memref_slice %arg19[%add3A_69, %dma_start3A_179] : memref<10240x128xf32, #tpu.memory_space<vmem_shared>> -> memref<16x128xf32, #tpu.memory_space<vmem_shared>>
      tpu.enqueue_dma source(%arg16 : memref<16x128xf32, #tpu.memory_space<vmem>>) target(%dma_start3A_180 : memref<16x128xf32, #tpu.memory_space<vmem_shared>>) target_semaphore(%run_scoped3A : memref<!tpu.dma_semaphore, #tpu.memory_space<semaphore_mem>>)
      %dma_wait3A = arith.constant 0 : i32
      %dma_wait3A_181 = tpu.memref_slice %arg19[%add3A_69, %dma_wait3A] : memref<10240x128xf32, #tpu.memory_space<vmem_shared>> -> memref<16x128xf32, #tpu.memory_space<vmem_shared>>
      %dma_wait3A_182 = arith.constant 0 : i32
      %dma_wait3A_183 = tpu.memref_slice %arg19[%add3A_69, %dma_wait3A_182] : memref<10240x128xf32, #tpu.memory_space<vmem_shared>> -> memref<16x128xf32, #tpu.memory_space<vmem_shared>>
      tpu.wait_dma2 semaphore(%run_scoped3A : memref<!tpu.dma_semaphore, #tpu.memory_space<semaphore_mem>>) src(%arg16 : memref<16x128xf32, #tpu.memory_space<vmem>>) dst(%dma_wait3A_183 : memref<16x128xf32, #tpu.memory_space<vmem_shared>>)
      tpu.yield
    }) : () -> ()
    %mul3A_70 = arith.constant 640 : i32
    %mul3A_71 = arith.muli %arg1, %mul3A_70 : i32
    %add3A_72 = arith.constant 288 : i32
    %add3A_73 = arith.addi %mul3A_71, %add3A_72 : i32
    "tpu.region"() ({
      %run_scoped3A = tpu.sem_alloc : memref<!tpu.dma_semaphore, #tpu.memory_space<semaphore_mem>>
      %dma_start3A = arith.constant 0 : i32
      %dma_start3A_178 = tpu.memref_slice %arg19[%add3A_73, %dma_start3A] : memref<10240x128xf32, #tpu.memory_space<vmem_shared>> -> memref<16x128xf32, #tpu.memory_space<vmem_shared>>
      %dma_start3A_179 = arith.constant 0 : i32
      %dma_start3A_180 = tpu.memref_slice %arg19[%add3A_73, %dma_start3A_179] : memref<10240x128xf32, #tpu.memory_space<vmem_shared>> -> memref<16x128xf32, #tpu.memory_space<vmem_shared>>
      tpu.enqueue_dma source(%arg16 : memref<16x128xf32, #tpu.memory_space<vmem>>) target(%dma_start3A_180 : memref<16x128xf32, #tpu.memory_space<vmem_shared>>) target_semaphore(%run_scoped3A : memref<!tpu.dma_semaphore, #tpu.memory_space<semaphore_mem>>)
      %dma_wait3A = arith.constant 0 : i32
      %dma_wait3A_181 = tpu.memref_slice %arg19[%add3A_73, %dma_wait3A] : memref<10240x128xf32, #tpu.memory_space<vmem_shared>> -> memref<16x128xf32, #tpu.memory_space<vmem_shared>>
      %dma_wait3A_182 = arith.constant 0 : i32
      %dma_wait3A_183 = tpu.memref_slice %arg19[%add3A_73, %dma_wait3A_182] : memref<10240x128xf32, #tpu.memory_space<vmem_shared>> -> memref<16x128xf32, #tpu.memory_space<vmem_shared>>
      tpu.wait_dma2 semaphore(%run_scoped3A : memref<!tpu.dma_semaphore, #tpu.memory_space<semaphore_mem>>) src(%arg16 : memref<16x128xf32, #tpu.memory_space<vmem>>) dst(%dma_wait3A_183 : memref<16x128xf32, #tpu.memory_space<vmem_shared>>)
      tpu.yield
    }) : () -> ()
    %mul3A_74 = arith.constant 640 : i32
    %mul3A_75 = arith.muli %arg1, %mul3A_74 : i32
    %add3A_76 = arith.constant 304 : i32
    %add3A_77 = arith.addi %mul3A_75, %add3A_76 : i32
    "tpu.region"() ({
      %run_scoped3A = tpu.sem_alloc : memref<!tpu.dma_semaphore, #tpu.memory_space<semaphore_mem>>
      %dma_start3A = arith.constant 0 : i32
      %dma_start3A_178 = tpu.memref_slice %arg19[%add3A_77, %dma_start3A] : memref<10240x128xf32, #tpu.memory_space<vmem_shared>> -> memref<16x128xf32, #tpu.memory_space<vmem_shared>>
      %dma_start3A_179 = arith.constant 0 : i32
      %dma_start3A_180 = tpu.memref_slice %arg19[%add3A_77, %dma_start3A_179] : memref<10240x128xf32, #tpu.memory_space<vmem_shared>> -> memref<16x128xf32, #tpu.memory_space<vmem_shared>>
      tpu.enqueue_dma source(%arg16 : memref<16x128xf32, #tpu.memory_space<vmem>>) target(%dma_start3A_180 : memref<16x128xf32, #tpu.memory_space<vmem_shared>>) target_semaphore(%run_scoped3A : memref<!tpu.dma_semaphore, #tpu.memory_space<semaphore_mem>>)
      %dma_wait3A = arith.constant 0 : i32
      %dma_wait3A_181 = tpu.memref_slice %arg19[%add3A_77, %dma_wait3A] : memref<10240x128xf32, #tpu.memory_space<vmem_shared>> -> memref<16x128xf32, #tpu.memory_space<vmem_shared>>
      %dma_wait3A_182 = arith.constant 0 : i32
      %dma_wait3A_183 = tpu.memref_slice %arg19[%add3A_77, %dma_wait3A_182] : memref<10240x128xf32, #tpu.memory_space<vmem_shared>> -> memref<16x128xf32, #tpu.memory_space<vmem_shared>>
      tpu.wait_dma2 semaphore(%run_scoped3A : memref<!tpu.dma_semaphore, #tpu.memory_space<semaphore_mem>>) src(%arg16 : memref<16x128xf32, #tpu.memory_space<vmem>>) dst(%dma_wait3A_183 : memref<16x128xf32, #tpu.memory_space<vmem_shared>>)
      tpu.yield
    }) : () -> ()
    %mul3A_78 = arith.constant 640 : i32
    %mul3A_79 = arith.muli %arg1, %mul3A_78 : i32
    %add3A_80 = arith.constant 320 : i32
    %add3A_81 = arith.addi %mul3A_79, %add3A_80 : i32
    "tpu.region"() ({
      %run_scoped3A = tpu.sem_alloc : memref<!tpu.dma_semaphore, #tpu.memory_space<semaphore_mem>>
      %dma_start3A = arith.constant 0 : i32
      %dma_start3A_178 = tpu.memref_slice %arg19[%add3A_81, %dma_start3A] : memref<10240x128xf32, #tpu.memory_space<vmem_shared>> -> memref<16x128xf32, #tpu.memory_space<vmem_shared>>
      %dma_start3A_179 = arith.constant 0 : i32
      %dma_start3A_180 = tpu.memref_slice %arg19[%add3A_81, %dma_start3A_179] : memref<10240x128xf32, #tpu.memory_space<vmem_shared>> -> memref<16x128xf32, #tpu.memory_space<vmem_shared>>
      tpu.enqueue_dma source(%arg16 : memref<16x128xf32, #tpu.memory_space<vmem>>) target(%dma_start3A_180 : memref<16x128xf32, #tpu.memory_space<vmem_shared>>) target_semaphore(%run_scoped3A : memref<!tpu.dma_semaphore, #tpu.memory_space<semaphore_mem>>)
      %dma_wait3A = arith.constant 0 : i32
      %dma_wait3A_181 = tpu.memref_slice %arg19[%add3A_81, %dma_wait3A] : memref<10240x128xf32, #tpu.memory_space<vmem_shared>> -> memref<16x128xf32, #tpu.memory_space<vmem_shared>>
      %dma_wait3A_182 = arith.constant 0 : i32
      %dma_wait3A_183 = tpu.memref_slice %arg19[%add3A_81, %dma_wait3A_182] : memref<10240x128xf32, #tpu.memory_space<vmem_shared>> -> memref<16x128xf32, #tpu.memory_space<vmem_shared>>
      tpu.wait_dma2 semaphore(%run_scoped3A : memref<!tpu.dma_semaphore, #tpu.memory_space<semaphore_mem>>) src(%arg16 : memref<16x128xf32, #tpu.memory_space<vmem>>) dst(%dma_wait3A_183 : memref<16x128xf32, #tpu.memory_space<vmem_shared>>)
      tpu.yield
    }) : () -> ()
    %mul3A_82 = arith.constant 640 : i32
    %mul3A_83 = arith.muli %arg1, %mul3A_82 : i32
    %add3A_84 = arith.constant 336 : i32
    %add3A_85 = arith.addi %mul3A_83, %add3A_84 : i32
    "tpu.region"() ({
      %run_scoped3A = tpu.sem_alloc : memref<!tpu.dma_semaphore, #tpu.memory_space<semaphore_mem>>
      %dma_start3A = arith.constant 0 : i32
      %dma_start3A_178 = tpu.memref_slice %arg19[%add3A_85, %dma_start3A] : memref<10240x128xf32, #tpu.memory_space<vmem_shared>> -> memref<16x128xf32, #tpu.memory_space<vmem_shared>>
      %dma_start3A_179 = arith.constant 0 : i32
      %dma_start3A_180 = tpu.memref_slice %arg19[%add3A_85, %dma_start3A_179] : memref<10240x128xf32, #tpu.memory_space<vmem_shared>> -> memref<16x128xf32, #tpu.memory_space<vmem_shared>>
      tpu.enqueue_dma source(%arg16 : memref<16x128xf32, #tpu.memory_space<vmem>>) target(%dma_start3A_180 : memref<16x128xf32, #tpu.memory_space<vmem_shared>>) target_semaphore(%run_scoped3A : memref<!tpu.dma_semaphore, #tpu.memory_space<semaphore_mem>>)
      %dma_wait3A = arith.constant 0 : i32
      %dma_wait3A_181 = tpu.memref_slice %arg19[%add3A_85, %dma_wait3A] : memref<10240x128xf32, #tpu.memory_space<vmem_shared>> -> memref<16x128xf32, #tpu.memory_space<vmem_shared>>
      %dma_wait3A_182 = arith.constant 0 : i32
      %dma_wait3A_183 = tpu.memref_slice %arg19[%add3A_85, %dma_wait3A_182] : memref<10240x128xf32, #tpu.memory_space<vmem_shared>> -> memref<16x128xf32, #tpu.memory_space<vmem_shared>>
      tpu.wait_dma2 semaphore(%run_scoped3A : memref<!tpu.dma_semaphore, #tpu.memory_space<semaphore_mem>>) src(%arg16 : memref<16x128xf32, #tpu.memory_space<vmem>>) dst(%dma_wait3A_183 : memref<16x128xf32, #tpu.memory_space<vmem_shared>>)
      tpu.yield
    }) : () -> ()
    %mul3A_86 = arith.constant 640 : i32
    %mul3A_87 = arith.muli %arg1, %mul3A_86 : i32
    %add3A_88 = arith.constant 352 : i32
    %add3A_89 = arith.addi %mul3A_87, %add3A_88 : i32
    "tpu.region"() ({
      %run_scoped3A = tpu.sem_alloc : memref<!tpu.dma_semaphore, #tpu.memory_space<semaphore_mem>>
      %dma_start3A = arith.constant 0 : i32
      %dma_start3A_178 = tpu.memref_slice %arg19[%add3A_89, %dma_start3A] : memref<10240x128xf32, #tpu.memory_space<vmem_shared>> -> memref<16x128xf32, #tpu.memory_space<vmem_shared>>
      %dma_start3A_179 = arith.constant 0 : i32
      %dma_start3A_180 = tpu.memref_slice %arg19[%add3A_89, %dma_start3A_179] : memref<10240x128xf32, #tpu.memory_space<vmem_shared>> -> memref<16x128xf32, #tpu.memory_space<vmem_shared>>
      tpu.enqueue_dma source(%arg16 : memref<16x128xf32, #tpu.memory_space<vmem>>) target(%dma_start3A_180 : memref<16x128xf32, #tpu.memory_space<vmem_shared>>) target_semaphore(%run_scoped3A : memref<!tpu.dma_semaphore, #tpu.memory_space<semaphore_mem>>)
      %dma_wait3A = arith.constant 0 : i32
      %dma_wait3A_181 = tpu.memref_slice %arg19[%add3A_89, %dma_wait3A] : memref<10240x128xf32, #tpu.memory_space<vmem_shared>> -> memref<16x128xf32, #tpu.memory_space<vmem_shared>>
      %dma_wait3A_182 = arith.constant 0 : i32
      %dma_wait3A_183 = tpu.memref_slice %arg19[%add3A_89, %dma_wait3A_182] : memref<10240x128xf32, #tpu.memory_space<vmem_shared>> -> memref<16x128xf32, #tpu.memory_space<vmem_shared>>
      tpu.wait_dma2 semaphore(%run_scoped3A : memref<!tpu.dma_semaphore, #tpu.memory_space<semaphore_mem>>) src(%arg16 : memref<16x128xf32, #tpu.memory_space<vmem>>) dst(%dma_wait3A_183 : memref<16x128xf32, #tpu.memory_space<vmem_shared>>)
      tpu.yield
    }) : () -> ()
    %mul3A_90 = arith.constant 640 : i32
    %mul3A_91 = arith.muli %arg1, %mul3A_90 : i32
    %add3A_92 = arith.constant 368 : i32
    %add3A_93 = arith.addi %mul3A_91, %add3A_92 : i32
    "tpu.region"() ({
      %run_scoped3A = tpu.sem_alloc : memref<!tpu.dma_semaphore, #tpu.memory_space<semaphore_mem>>
      %dma_start3A = arith.constant 0 : i32
      %dma_start3A_178 = tpu.memref_slice %arg19[%add3A_93, %dma_start3A] : memref<10240x128xf32, #tpu.memory_space<vmem_shared>> -> memref<16x128xf32, #tpu.memory_space<vmem_shared>>
      %dma_start3A_179 = arith.constant 0 : i32
      %dma_start3A_180 = tpu.memref_slice %arg19[%add3A_93, %dma_start3A_179] : memref<10240x128xf32, #tpu.memory_space<vmem_shared>> -> memref<16x128xf32, #tpu.memory_space<vmem_shared>>
      tpu.enqueue_dma source(%arg16 : memref<16x128xf32, #tpu.memory_space<vmem>>) target(%dma_start3A_180 : memref<16x128xf32, #tpu.memory_space<vmem_shared>>) target_semaphore(%run_scoped3A : memref<!tpu.dma_semaphore, #tpu.memory_space<semaphore_mem>>)
      %dma_wait3A = arith.constant 0 : i32
      %dma_wait3A_181 = tpu.memref_slice %arg19[%add3A_93, %dma_wait3A] : memref<10240x128xf32, #tpu.memory_space<vmem_shared>> -> memref<16x128xf32, #tpu.memory_space<vmem_shared>>
      %dma_wait3A_182 = arith.constant 0 : i32
      %dma_wait3A_183 = tpu.memref_slice %arg19[%add3A_93, %dma_wait3A_182] : memref<10240x128xf32, #tpu.memory_space<vmem_shared>> -> memref<16x128xf32, #tpu.memory_space<vmem_shared>>
      tpu.wait_dma2 semaphore(%run_scoped3A : memref<!tpu.dma_semaphore, #tpu.memory_space<semaphore_mem>>) src(%arg16 : memref<16x128xf32, #tpu.memory_space<vmem>>) dst(%dma_wait3A_183 : memref<16x128xf32, #tpu.memory_space<vmem_shared>>)
      tpu.yield
    }) : () -> ()
    %mul3A_94 = arith.constant 640 : i32
    %mul3A_95 = arith.muli %arg1, %mul3A_94 : i32
    %add3A_96 = arith.constant 384 : i32
    %add3A_97 = arith.addi %mul3A_95, %add3A_96 : i32
    "tpu.region"() ({
      %run_scoped3A = tpu.sem_alloc : memref<!tpu.dma_semaphore, #tpu.memory_space<semaphore_mem>>
      %dma_start3A = arith.constant 0 : i32
      %dma_start3A_178 = tpu.memref_slice %arg19[%add3A_97, %dma_start3A] : memref<10240x128xf32, #tpu.memory_space<vmem_shared>> -> memref<16x128xf32, #tpu.memory_space<vmem_shared>>
      %dma_start3A_179 = arith.constant 0 : i32
      %dma_start3A_180 = tpu.memref_slice %arg19[%add3A_97, %dma_start3A_179] : memref<10240x128xf32, #tpu.memory_space<vmem_shared>> -> memref<16x128xf32, #tpu.memory_space<vmem_shared>>
      tpu.enqueue_dma source(%arg16 : memref<16x128xf32, #tpu.memory_space<vmem>>) target(%dma_start3A_180 : memref<16x128xf32, #tpu.memory_space<vmem_shared>>) target_semaphore(%run_scoped3A : memref<!tpu.dma_semaphore, #tpu.memory_space<semaphore_mem>>)
      %dma_wait3A = arith.constant 0 : i32
      %dma_wait3A_181 = tpu.memref_slice %arg19[%add3A_97, %dma_wait3A] : memref<10240x128xf32, #tpu.memory_space<vmem_shared>> -> memref<16x128xf32, #tpu.memory_space<vmem_shared>>
      %dma_wait3A_182 = arith.constant 0 : i32
      %dma_wait3A_183 = tpu.memref_slice %arg19[%add3A_97, %dma_wait3A_182] : memref<10240x128xf32, #tpu.memory_space<vmem_shared>> -> memref<16x128xf32, #tpu.memory_space<vmem_shared>>
      tpu.wait_dma2 semaphore(%run_scoped3A : memref<!tpu.dma_semaphore, #tpu.memory_space<semaphore_mem>>) src(%arg16 : memref<16x128xf32, #tpu.memory_space<vmem>>) dst(%dma_wait3A_183 : memref<16x128xf32, #tpu.memory_space<vmem_shared>>)
      tpu.yield
    }) : () -> ()
    %mul3A_98 = arith.constant 640 : i32
    %mul3A_99 = arith.muli %arg1, %mul3A_98 : i32
    %add3A_100 = arith.constant 400 : i32
    %add3A_101 = arith.addi %mul3A_99, %add3A_100 : i32
    "tpu.region"() ({
      %run_scoped3A = tpu.sem_alloc : memref<!tpu.dma_semaphore, #tpu.memory_space<semaphore_mem>>
      %dma_start3A = arith.constant 0 : i32
      %dma_start3A_178 = tpu.memref_slice %arg19[%add3A_101, %dma_start3A] : memref<10240x128xf32, #tpu.memory_space<vmem_shared>> -> memref<16x128xf32, #tpu.memory_space<vmem_shared>>
      %dma_start3A_179 = arith.constant 0 : i32
      %dma_start3A_180 = tpu.memref_slice %arg19[%add3A_101, %dma_start3A_179] : memref<10240x128xf32, #tpu.memory_space<vmem_shared>> -> memref<16x128xf32, #tpu.memory_space<vmem_shared>>
      tpu.enqueue_dma source(%arg16 : memref<16x128xf32, #tpu.memory_space<vmem>>) target(%dma_start3A_180 : memref<16x128xf32, #tpu.memory_space<vmem_shared>>) target_semaphore(%run_scoped3A : memref<!tpu.dma_semaphore, #tpu.memory_space<semaphore_mem>>)
      %dma_wait3A = arith.constant 0 : i32
      %dma_wait3A_181 = tpu.memref_slice %arg19[%add3A_101, %dma_wait3A] : memref<10240x128xf32, #tpu.memory_space<vmem_shared>> -> memref<16x128xf32, #tpu.memory_space<vmem_shared>>
      %dma_wait3A_182 = arith.constant 0 : i32
      %dma_wait3A_183 = tpu.memref_slice %arg19[%add3A_101, %dma_wait3A_182] : memref<10240x128xf32, #tpu.memory_space<vmem_shared>> -> memref<16x128xf32, #tpu.memory_space<vmem_shared>>
      tpu.wait_dma2 semaphore(%run_scoped3A : memref<!tpu.dma_semaphore, #tpu.memory_space<semaphore_mem>>) src(%arg16 : memref<16x128xf32, #tpu.memory_space<vmem>>) dst(%dma_wait3A_183 : memref<16x128xf32, #tpu.memory_space<vmem_shared>>)
      tpu.yield
    }) : () -> ()
    %mul3A_102 = arith.constant 640 : i32
    %mul3A_103 = arith.muli %arg1, %mul3A_102 : i32
    %add3A_104 = arith.constant 416 : i32
    %add3A_105 = arith.addi %mul3A_103, %add3A_104 : i32
    "tpu.region"() ({
      %run_scoped3A = tpu.sem_alloc : memref<!tpu.dma_semaphore, #tpu.memory_space<semaphore_mem>>
      %dma_start3A = arith.constant 0 : i32
      %dma_start3A_178 = tpu.memref_slice %arg19[%add3A_105, %dma_start3A] : memref<10240x128xf32, #tpu.memory_space<vmem_shared>> -> memref<16x128xf32, #tpu.memory_space<vmem_shared>>
      %dma_start3A_179 = arith.constant 0 : i32
      %dma_start3A_180 = tpu.memref_slice %arg19[%add3A_105, %dma_start3A_179] : memref<10240x128xf32, #tpu.memory_space<vmem_shared>> -> memref<16x128xf32, #tpu.memory_space<vmem_shared>>
      tpu.enqueue_dma source(%arg16 : memref<16x128xf32, #tpu.memory_space<vmem>>) target(%dma_start3A_180 : memref<16x128xf32, #tpu.memory_space<vmem_shared>>) target_semaphore(%run_scoped3A : memref<!tpu.dma_semaphore, #tpu.memory_space<semaphore_mem>>)
      %dma_wait3A = arith.constant 0 : i32
      %dma_wait3A_181 = tpu.memref_slice %arg19[%add3A_105, %dma_wait3A] : memref<10240x128xf32, #tpu.memory_space<vmem_shared>> -> memref<16x128xf32, #tpu.memory_space<vmem_shared>>
      %dma_wait3A_182 = arith.constant 0 : i32
      %dma_wait3A_183 = tpu.memref_slice %arg19[%add3A_105, %dma_wait3A_182] : memref<10240x128xf32, #tpu.memory_space<vmem_shared>> -> memref<16x128xf32, #tpu.memory_space<vmem_shared>>
      tpu.wait_dma2 semaphore(%run_scoped3A : memref<!tpu.dma_semaphore, #tpu.memory_space<semaphore_mem>>) src(%arg16 : memref<16x128xf32, #tpu.memory_space<vmem>>) dst(%dma_wait3A_183 : memref<16x128xf32, #tpu.memory_space<vmem_shared>>)
      tpu.yield
    }) : () -> ()
    %mul3A_106 = arith.constant 640 : i32
    %mul3A_107 = arith.muli %arg1, %mul3A_106 : i32
    %add3A_108 = arith.constant 432 : i32
    %add3A_109 = arith.addi %mul3A_107, %add3A_108 : i32
    "tpu.region"() ({
      %run_scoped3A = tpu.sem_alloc : memref<!tpu.dma_semaphore, #tpu.memory_space<semaphore_mem>>
      %dma_start3A = arith.constant 0 : i32
      %dma_start3A_178 = tpu.memref_slice %arg19[%add3A_109, %dma_start3A] : memref<10240x128xf32, #tpu.memory_space<vmem_shared>> -> memref<16x128xf32, #tpu.memory_space<vmem_shared>>
      %dma_start3A_179 = arith.constant 0 : i32
      %dma_start3A_180 = tpu.memref_slice %arg19[%add3A_109, %dma_start3A_179] : memref<10240x128xf32, #tpu.memory_space<vmem_shared>> -> memref<16x128xf32, #tpu.memory_space<vmem_shared>>
      tpu.enqueue_dma source(%arg16 : memref<16x128xf32, #tpu.memory_space<vmem>>) target(%dma_start3A_180 : memref<16x128xf32, #tpu.memory_space<vmem_shared>>) target_semaphore(%run_scoped3A : memref<!tpu.dma_semaphore, #tpu.memory_space<semaphore_mem>>)
      %dma_wait3A = arith.constant 0 : i32
      %dma_wait3A_181 = tpu.memref_slice %arg19[%add3A_109, %dma_wait3A] : memref<10240x128xf32, #tpu.memory_space<vmem_shared>> -> memref<16x128xf32, #tpu.memory_space<vmem_shared>>
      %dma_wait3A_182 = arith.constant 0 : i32
      %dma_wait3A_183 = tpu.memref_slice %arg19[%add3A_109, %dma_wait3A_182] : memref<10240x128xf32, #tpu.memory_space<vmem_shared>> -> memref<16x128xf32, #tpu.memory_space<vmem_shared>>
      tpu.wait_dma2 semaphore(%run_scoped3A : memref<!tpu.dma_semaphore, #tpu.memory_space<semaphore_mem>>) src(%arg16 : memref<16x128xf32, #tpu.memory_space<vmem>>) dst(%dma_wait3A_183 : memref<16x128xf32, #tpu.memory_space<vmem_shared>>)
      tpu.yield
    }) : () -> ()
    %mul3A_110 = arith.constant 640 : i32
    %mul3A_111 = arith.muli %arg1, %mul3A_110 : i32
    %add3A_112 = arith.constant 448 : i32
    %add3A_113 = arith.addi %mul3A_111, %add3A_112 : i32
    "tpu.region"() ({
      %run_scoped3A = tpu.sem_alloc : memref<!tpu.dma_semaphore, #tpu.memory_space<semaphore_mem>>
      %dma_start3A = arith.constant 0 : i32
      %dma_start3A_178 = tpu.memref_slice %arg19[%add3A_113, %dma_start3A] : memref<10240x128xf32, #tpu.memory_space<vmem_shared>> -> memref<16x128xf32, #tpu.memory_space<vmem_shared>>
      %dma_start3A_179 = arith.constant 0 : i32
      %dma_start3A_180 = tpu.memref_slice %arg19[%add3A_113, %dma_start3A_179] : memref<10240x128xf32, #tpu.memory_space<vmem_shared>> -> memref<16x128xf32, #tpu.memory_space<vmem_shared>>
      tpu.enqueue_dma source(%arg16 : memref<16x128xf32, #tpu.memory_space<vmem>>) target(%dma_start3A_180 : memref<16x128xf32, #tpu.memory_space<vmem_shared>>) target_semaphore(%run_scoped3A : memref<!tpu.dma_semaphore, #tpu.memory_space<semaphore_mem>>)
      %dma_wait3A = arith.constant 0 : i32
      %dma_wait3A_181 = tpu.memref_slice %arg19[%add3A_113, %dma_wait3A] : memref<10240x128xf32, #tpu.memory_space<vmem_shared>> -> memref<16x128xf32, #tpu.memory_space<vmem_shared>>
      %dma_wait3A_182 = arith.constant 0 : i32
      %dma_wait3A_183 = tpu.memref_slice %arg19[%add3A_113, %dma_wait3A_182] : memref<10240x128xf32, #tpu.memory_space<vmem_shared>> -> memref<16x128xf32, #tpu.memory_space<vmem_shared>>
      tpu.wait_dma2 semaphore(%run_scoped3A : memref<!tpu.dma_semaphore, #tpu.memory_space<semaphore_mem>>) src(%arg16 : memref<16x128xf32, #tpu.memory_space<vmem>>) dst(%dma_wait3A_183 : memref<16x128xf32, #tpu.memory_space<vmem_shared>>)
      tpu.yield
    }) : () -> ()
    %mul3A_114 = arith.constant 640 : i32
    %mul3A_115 = arith.muli %arg1, %mul3A_114 : i32
    %add3A_116 = arith.constant 464 : i32
    %add3A_117 = arith.addi %mul3A_115, %add3A_116 : i32
    "tpu.region"() ({
      %run_scoped3A = tpu.sem_alloc : memref<!tpu.dma_semaphore, #tpu.memory_space<semaphore_mem>>
      %dma_start3A = arith.constant 0 : i32
      %dma_start3A_178 = tpu.memref_slice %arg19[%add3A_117, %dma_start3A] : memref<10240x128xf32, #tpu.memory_space<vmem_shared>> -> memref<16x128xf32, #tpu.memory_space<vmem_shared>>
      %dma_start3A_179 = arith.constant 0 : i32
      %dma_start3A_180 = tpu.memref_slice %arg19[%add3A_117, %dma_start3A_179] : memref<10240x128xf32, #tpu.memory_space<vmem_shared>> -> memref<16x128xf32, #tpu.memory_space<vmem_shared>>
      tpu.enqueue_dma source(%arg16 : memref<16x128xf32, #tpu.memory_space<vmem>>) target(%dma_start3A_180 : memref<16x128xf32, #tpu.memory_space<vmem_shared>>) target_semaphore(%run_scoped3A : memref<!tpu.dma_semaphore, #tpu.memory_space<semaphore_mem>>)
      %dma_wait3A = arith.constant 0 : i32
      %dma_wait3A_181 = tpu.memref_slice %arg19[%add3A_117, %dma_wait3A] : memref<10240x128xf32, #tpu.memory_space<vmem_shared>> -> memref<16x128xf32, #tpu.memory_space<vmem_shared>>
      %dma_wait3A_182 = arith.constant 0 : i32
      %dma_wait3A_183 = tpu.memref_slice %arg19[%add3A_117, %dma_wait3A_182] : memref<10240x128xf32, #tpu.memory_space<vmem_shared>> -> memref<16x128xf32, #tpu.memory_space<vmem_shared>>
      tpu.wait_dma2 semaphore(%run_scoped3A : memref<!tpu.dma_semaphore, #tpu.memory_space<semaphore_mem>>) src(%arg16 : memref<16x128xf32, #tpu.memory_space<vmem>>) dst(%dma_wait3A_183 : memref<16x128xf32, #tpu.memory_space<vmem_shared>>)
      tpu.yield
    }) : () -> ()
    %mul3A_118 = arith.constant 640 : i32
    %mul3A_119 = arith.muli %arg1, %mul3A_118 : i32
    %add3A_120 = arith.constant 480 : i32
    %add3A_121 = arith.addi %mul3A_119, %add3A_120 : i32
    "tpu.region"() ({
      %run_scoped3A = tpu.sem_alloc : memref<!tpu.dma_semaphore, #tpu.memory_space<semaphore_mem>>
      %dma_start3A = arith.constant 0 : i32
      %dma_start3A_178 = tpu.memref_slice %arg19[%add3A_121, %dma_start3A] : memref<10240x128xf32, #tpu.memory_space<vmem_shared>> -> memref<16x128xf32, #tpu.memory_space<vmem_shared>>
      %dma_start3A_179 = arith.constant 0 : i32
      %dma_start3A_180 = tpu.memref_slice %arg19[%add3A_121, %dma_start3A_179] : memref<10240x128xf32, #tpu.memory_space<vmem_shared>> -> memref<16x128xf32, #tpu.memory_space<vmem_shared>>
      tpu.enqueue_dma source(%arg16 : memref<16x128xf32, #tpu.memory_space<vmem>>) target(%dma_start3A_180 : memref<16x128xf32, #tpu.memory_space<vmem_shared>>) target_semaphore(%run_scoped3A : memref<!tpu.dma_semaphore, #tpu.memory_space<semaphore_mem>>)
      %dma_wait3A = arith.constant 0 : i32
      %dma_wait3A_181 = tpu.memref_slice %arg19[%add3A_121, %dma_wait3A] : memref<10240x128xf32, #tpu.memory_space<vmem_shared>> -> memref<16x128xf32, #tpu.memory_space<vmem_shared>>
      %dma_wait3A_182 = arith.constant 0 : i32
      %dma_wait3A_183 = tpu.memref_slice %arg19[%add3A_121, %dma_wait3A_182] : memref<10240x128xf32, #tpu.memory_space<vmem_shared>> -> memref<16x128xf32, #tpu.memory_space<vmem_shared>>
      tpu.wait_dma2 semaphore(%run_scoped3A : memref<!tpu.dma_semaphore, #tpu.memory_space<semaphore_mem>>) src(%arg16 : memref<16x128xf32, #tpu.memory_space<vmem>>) dst(%dma_wait3A_183 : memref<16x128xf32, #tpu.memory_space<vmem_shared>>)
      tpu.yield
    }) : () -> ()
    %mul3A_122 = arith.constant 640 : i32
    %mul3A_123 = arith.muli %arg1, %mul3A_122 : i32
    %add3A_124 = arith.constant 496 : i32
    %add3A_125 = arith.addi %mul3A_123, %add3A_124 : i32
    "tpu.region"() ({
      %run_scoped3A = tpu.sem_alloc : memref<!tpu.dma_semaphore, #tpu.memory_space<semaphore_mem>>
      %dma_start3A = arith.constant 0 : i32
      %dma_start3A_178 = tpu.memref_slice %arg19[%add3A_125, %dma_start3A] : memref<10240x128xf32, #tpu.memory_space<vmem_shared>> -> memref<16x128xf32, #tpu.memory_space<vmem_shared>>
      %dma_start3A_179 = arith.constant 0 : i32
      %dma_start3A_180 = tpu.memref_slice %arg19[%add3A_125, %dma_start3A_179] : memref<10240x128xf32, #tpu.memory_space<vmem_shared>> -> memref<16x128xf32, #tpu.memory_space<vmem_shared>>
      tpu.enqueue_dma source(%arg16 : memref<16x128xf32, #tpu.memory_space<vmem>>) target(%dma_start3A_180 : memref<16x128xf32, #tpu.memory_space<vmem_shared>>) target_semaphore(%run_scoped3A : memref<!tpu.dma_semaphore, #tpu.memory_space<semaphore_mem>>)
      %dma_wait3A = arith.constant 0 : i32
      %dma_wait3A_181 = tpu.memref_slice %arg19[%add3A_125, %dma_wait3A] : memref<10240x128xf32, #tpu.memory_space<vmem_shared>> -> memref<16x128xf32, #tpu.memory_space<vmem_shared>>
      %dma_wait3A_182 = arith.constant 0 : i32
      %dma_wait3A_183 = tpu.memref_slice %arg19[%add3A_125, %dma_wait3A_182] : memref<10240x128xf32, #tpu.memory_space<vmem_shared>> -> memref<16x128xf32, #tpu.memory_space<vmem_shared>>
      tpu.wait_dma2 semaphore(%run_scoped3A : memref<!tpu.dma_semaphore, #tpu.memory_space<semaphore_mem>>) src(%arg16 : memref<16x128xf32, #tpu.memory_space<vmem>>) dst(%dma_wait3A_183 : memref<16x128xf32, #tpu.memory_space<vmem_shared>>)
      tpu.yield
    }) : () -> ()
    %mul3A_126 = arith.constant 640 : i32
    %mul3A_127 = arith.muli %arg1, %mul3A_126 : i32
    %add3A_128 = arith.constant 512 : i32
    %add3A_129 = arith.addi %mul3A_127, %add3A_128 : i32
    "tpu.region"() ({
      %run_scoped3A = tpu.sem_alloc : memref<!tpu.dma_semaphore, #tpu.memory_space<semaphore_mem>>
      %dma_start3A = arith.constant 0 : i32
      %dma_start3A_178 = tpu.memref_slice %arg19[%add3A_129, %dma_start3A] : memref<10240x128xf32, #tpu.memory_space<vmem_shared>> -> memref<16x128xf32, #tpu.memory_space<vmem_shared>>
      %dma_start3A_179 = arith.constant 0 : i32
      %dma_start3A_180 = tpu.memref_slice %arg19[%add3A_129, %dma_start3A_179] : memref<10240x128xf32, #tpu.memory_space<vmem_shared>> -> memref<16x128xf32, #tpu.memory_space<vmem_shared>>
      tpu.enqueue_dma source(%arg16 : memref<16x128xf32, #tpu.memory_space<vmem>>) target(%dma_start3A_180 : memref<16x128xf32, #tpu.memory_space<vmem_shared>>) target_semaphore(%run_scoped3A : memref<!tpu.dma_semaphore, #tpu.memory_space<semaphore_mem>>)
      %dma_wait3A = arith.constant 0 : i32
      %dma_wait3A_181 = tpu.memref_slice %arg19[%add3A_129, %dma_wait3A] : memref<10240x128xf32, #tpu.memory_space<vmem_shared>> -> memref<16x128xf32, #tpu.memory_space<vmem_shared>>
      %dma_wait3A_182 = arith.constant 0 : i32
      %dma_wait3A_183 = tpu.memref_slice %arg19[%add3A_129, %dma_wait3A_182] : memref<10240x128xf32, #tpu.memory_space<vmem_shared>> -> memref<16x128xf32, #tpu.memory_space<vmem_shared>>
      tpu.wait_dma2 semaphore(%run_scoped3A : memref<!tpu.dma_semaphore, #tpu.memory_space<semaphore_mem>>) src(%arg16 : memref<16x128xf32, #tpu.memory_space<vmem>>) dst(%dma_wait3A_183 : memref<16x128xf32, #tpu.memory_space<vmem_shared>>)
      tpu.yield
    }) : () -> ()
    %mul3A_130 = arith.constant 640 : i32
    %mul3A_131 = arith.muli %arg1, %mul3A_130 : i32
    %add3A_132 = arith.constant 528 : i32
    %add3A_133 = arith.addi %mul3A_131, %add3A_132 : i32
    "tpu.region"() ({
      %run_scoped3A = tpu.sem_alloc : memref<!tpu.dma_semaphore, #tpu.memory_space<semaphore_mem>>
      %dma_start3A = arith.constant 0 : i32
      %dma_start3A_178 = tpu.memref_slice %arg19[%add3A_133, %dma_start3A] : memref<10240x128xf32, #tpu.memory_space<vmem_shared>> -> memref<16x128xf32, #tpu.memory_space<vmem_shared>>
      %dma_start3A_179 = arith.constant 0 : i32
      %dma_start3A_180 = tpu.memref_slice %arg19[%add3A_133, %dma_start3A_179] : memref<10240x128xf32, #tpu.memory_space<vmem_shared>> -> memref<16x128xf32, #tpu.memory_space<vmem_shared>>
      tpu.enqueue_dma source(%arg16 : memref<16x128xf32, #tpu.memory_space<vmem>>) target(%dma_start3A_180 : memref<16x128xf32, #tpu.memory_space<vmem_shared>>) target_semaphore(%run_scoped3A : memref<!tpu.dma_semaphore, #tpu.memory_space<semaphore_mem>>)
      %dma_wait3A = arith.constant 0 : i32
      %dma_wait3A_181 = tpu.memref_slice %arg19[%add3A_133, %dma_wait3A] : memref<10240x128xf32, #tpu.memory_space<vmem_shared>> -> memref<16x128xf32, #tpu.memory_space<vmem_shared>>
      %dma_wait3A_182 = arith.constant 0 : i32
      %dma_wait3A_183 = tpu.memref_slice %arg19[%add3A_133, %dma_wait3A_182] : memref<10240x128xf32, #tpu.memory_space<vmem_shared>> -> memref<16x128xf32, #tpu.memory_space<vmem_shared>>
      tpu.wait_dma2 semaphore(%run_scoped3A : memref<!tpu.dma_semaphore, #tpu.memory_space<semaphore_mem>>) src(%arg16 : memref<16x128xf32, #tpu.memory_space<vmem>>) dst(%dma_wait3A_183 : memref<16x128xf32, #tpu.memory_space<vmem_shared>>)
      tpu.yield
    }) : () -> ()
    %mul3A_134 = arith.constant 640 : i32
    %mul3A_135 = arith.muli %arg1, %mul3A_134 : i32
    %add3A_136 = arith.constant 544 : i32
    %add3A_137 = arith.addi %mul3A_135, %add3A_136 : i32
    "tpu.region"() ({
      %run_scoped3A = tpu.sem_alloc : memref<!tpu.dma_semaphore, #tpu.memory_space<semaphore_mem>>
      %dma_start3A = arith.constant 0 : i32
      %dma_start3A_178 = tpu.memref_slice %arg19[%add3A_137, %dma_start3A] : memref<10240x128xf32, #tpu.memory_space<vmem_shared>> -> memref<16x128xf32, #tpu.memory_space<vmem_shared>>
      %dma_start3A_179 = arith.constant 0 : i32
      %dma_start3A_180 = tpu.memref_slice %arg19[%add3A_137, %dma_start3A_179] : memref<10240x128xf32, #tpu.memory_space<vmem_shared>> -> memref<16x128xf32, #tpu.memory_space<vmem_shared>>
      tpu.enqueue_dma source(%arg16 : memref<16x128xf32, #tpu.memory_space<vmem>>) target(%dma_start3A_180 : memref<16x128xf32, #tpu.memory_space<vmem_shared>>) target_semaphore(%run_scoped3A : memref<!tpu.dma_semaphore, #tpu.memory_space<semaphore_mem>>)
      %dma_wait3A = arith.constant 0 : i32
      %dma_wait3A_181 = tpu.memref_slice %arg19[%add3A_137, %dma_wait3A] : memref<10240x128xf32, #tpu.memory_space<vmem_shared>> -> memref<16x128xf32, #tpu.memory_space<vmem_shared>>
      %dma_wait3A_182 = arith.constant 0 : i32
      %dma_wait3A_183 = tpu.memref_slice %arg19[%add3A_137, %dma_wait3A_182] : memref<10240x128xf32, #tpu.memory_space<vmem_shared>> -> memref<16x128xf32, #tpu.memory_space<vmem_shared>>
      tpu.wait_dma2 semaphore(%run_scoped3A : memref<!tpu.dma_semaphore, #tpu.memory_space<semaphore_mem>>) src(%arg16 : memref<16x128xf32, #tpu.memory_space<vmem>>) dst(%dma_wait3A_183 : memref<16x128xf32, #tpu.memory_space<vmem_shared>>)
      tpu.yield
    }) : () -> ()
    %mul3A_138 = arith.constant 640 : i32
    %mul3A_139 = arith.muli %arg1, %mul3A_138 : i32
    %add3A_140 = arith.constant 560 : i32
    %add3A_141 = arith.addi %mul3A_139, %add3A_140 : i32
    "tpu.region"() ({
      %run_scoped3A = tpu.sem_alloc : memref<!tpu.dma_semaphore, #tpu.memory_space<semaphore_mem>>
      %dma_start3A = arith.constant 0 : i32
      %dma_start3A_178 = tpu.memref_slice %arg19[%add3A_141, %dma_start3A] : memref<10240x128xf32, #tpu.memory_space<vmem_shared>> -> memref<16x128xf32, #tpu.memory_space<vmem_shared>>
      %dma_start3A_179 = arith.constant 0 : i32
      %dma_start3A_180 = tpu.memref_slice %arg19[%add3A_141, %dma_start3A_179] : memref<10240x128xf32, #tpu.memory_space<vmem_shared>> -> memref<16x128xf32, #tpu.memory_space<vmem_shared>>
      tpu.enqueue_dma source(%arg16 : memref<16x128xf32, #tpu.memory_space<vmem>>) target(%dma_start3A_180 : memref<16x128xf32, #tpu.memory_space<vmem_shared>>) target_semaphore(%run_scoped3A : memref<!tpu.dma_semaphore, #tpu.memory_space<semaphore_mem>>)
      %dma_wait3A = arith.constant 0 : i32
      %dma_wait3A_181 = tpu.memref_slice %arg19[%add3A_141, %dma_wait3A] : memref<10240x128xf32, #tpu.memory_space<vmem_shared>> -> memref<16x128xf32, #tpu.memory_space<vmem_shared>>
      %dma_wait3A_182 = arith.constant 0 : i32
      %dma_wait3A_183 = tpu.memref_slice %arg19[%add3A_141, %dma_wait3A_182] : memref<10240x128xf32, #tpu.memory_space<vmem_shared>> -> memref<16x128xf32, #tpu.memory_space<vmem_shared>>
      tpu.wait_dma2 semaphore(%run_scoped3A : memref<!tpu.dma_semaphore, #tpu.memory_space<semaphore_mem>>) src(%arg16 : memref<16x128xf32, #tpu.memory_space<vmem>>) dst(%dma_wait3A_183 : memref<16x128xf32, #tpu.memory_space<vmem_shared>>)
      tpu.yield
    }) : () -> ()
    %mul3A_142 = arith.constant 640 : i32
    %mul3A_143 = arith.muli %arg1, %mul3A_142 : i32
    %add3A_144 = arith.constant 576 : i32
    %add3A_145 = arith.addi %mul3A_143, %add3A_144 : i32
    "tpu.region"() ({
      %run_scoped3A = tpu.sem_alloc : memref<!tpu.dma_semaphore, #tpu.memory_space<semaphore_mem>>
      %dma_start3A = arith.constant 0 : i32
      %dma_start3A_178 = tpu.memref_slice %arg19[%add3A_145, %dma_start3A] : memref<10240x128xf32, #tpu.memory_space<vmem_shared>> -> memref<16x128xf32, #tpu.memory_space<vmem_shared>>
      %dma_start3A_179 = arith.constant 0 : i32
      %dma_start3A_180 = tpu.memref_slice %arg19[%add3A_145, %dma_start3A_179] : memref<10240x128xf32, #tpu.memory_space<vmem_shared>> -> memref<16x128xf32, #tpu.memory_space<vmem_shared>>
      tpu.enqueue_dma source(%arg16 : memref<16x128xf32, #tpu.memory_space<vmem>>) target(%dma_start3A_180 : memref<16x128xf32, #tpu.memory_space<vmem_shared>>) target_semaphore(%run_scoped3A : memref<!tpu.dma_semaphore, #tpu.memory_space<semaphore_mem>>)
      %dma_wait3A = arith.constant 0 : i32
      %dma_wait3A_181 = tpu.memref_slice %arg19[%add3A_145, %dma_wait3A] : memref<10240x128xf32, #tpu.memory_space<vmem_shared>> -> memref<16x128xf32, #tpu.memory_space<vmem_shared>>
      %dma_wait3A_182 = arith.constant 0 : i32
      %dma_wait3A_183 = tpu.memref_slice %arg19[%add3A_145, %dma_wait3A_182] : memref<10240x128xf32, #tpu.memory_space<vmem_shared>> -> memref<16x128xf32, #tpu.memory_space<vmem_shared>>
      tpu.wait_dma2 semaphore(%run_scoped3A : memref<!tpu.dma_semaphore, #tpu.memory_space<semaphore_mem>>) src(%arg16 : memref<16x128xf32, #tpu.memory_space<vmem>>) dst(%dma_wait3A_183 : memref<16x128xf32, #tpu.memory_space<vmem_shared>>)
      tpu.yield
    }) : () -> ()
    %mul3A_146 = arith.constant 640 : i32
    %mul3A_147 = arith.muli %arg1, %mul3A_146 : i32
    %add3A_148 = arith.constant 592 : i32
    %add3A_149 = arith.addi %mul3A_147, %add3A_148 : i32
    "tpu.region"() ({
      %run_scoped3A = tpu.sem_alloc : memref<!tpu.dma_semaphore, #tpu.memory_space<semaphore_mem>>
      %dma_start3A = arith.constant 0 : i32
      %dma_start3A_178 = tpu.memref_slice %arg19[%add3A_149, %dma_start3A] : memref<10240x128xf32, #tpu.memory_space<vmem_shared>> -> memref<16x128xf32, #tpu.memory_space<vmem_shared>>
      %dma_start3A_179 = arith.constant 0 : i32
      %dma_start3A_180 = tpu.memref_slice %arg19[%add3A_149, %dma_start3A_179] : memref<10240x128xf32, #tpu.memory_space<vmem_shared>> -> memref<16x128xf32, #tpu.memory_space<vmem_shared>>
      tpu.enqueue_dma source(%arg16 : memref<16x128xf32, #tpu.memory_space<vmem>>) target(%dma_start3A_180 : memref<16x128xf32, #tpu.memory_space<vmem_shared>>) target_semaphore(%run_scoped3A : memref<!tpu.dma_semaphore, #tpu.memory_space<semaphore_mem>>)
      %dma_wait3A = arith.constant 0 : i32
      %dma_wait3A_181 = tpu.memref_slice %arg19[%add3A_149, %dma_wait3A] : memref<10240x128xf32, #tpu.memory_space<vmem_shared>> -> memref<16x128xf32, #tpu.memory_space<vmem_shared>>
      %dma_wait3A_182 = arith.constant 0 : i32
      %dma_wait3A_183 = tpu.memref_slice %arg19[%add3A_149, %dma_wait3A_182] : memref<10240x128xf32, #tpu.memory_space<vmem_shared>> -> memref<16x128xf32, #tpu.memory_space<vmem_shared>>
      tpu.wait_dma2 semaphore(%run_scoped3A : memref<!tpu.dma_semaphore, #tpu.memory_space<semaphore_mem>>) src(%arg16 : memref<16x128xf32, #tpu.memory_space<vmem>>) dst(%dma_wait3A_183 : memref<16x128xf32, #tpu.memory_space<vmem_shared>>)
      tpu.yield
    }) : () -> ()
    %mul3A_150 = arith.constant 640 : i32
    %mul3A_151 = arith.muli %arg1, %mul3A_150 : i32
    %add3A_152 = arith.constant 608 : i32
    %add3A_153 = arith.addi %mul3A_151, %add3A_152 : i32
    "tpu.region"() ({
      %run_scoped3A = tpu.sem_alloc : memref<!tpu.dma_semaphore, #tpu.memory_space<semaphore_mem>>
      %dma_start3A = arith.constant 0 : i32
      %dma_start3A_178 = tpu.memref_slice %arg19[%add3A_153, %dma_start3A] : memref<10240x128xf32, #tpu.memory_space<vmem_shared>> -> memref<16x128xf32, #tpu.memory_space<vmem_shared>>
      %dma_start3A_179 = arith.constant 0 : i32
      %dma_start3A_180 = tpu.memref_slice %arg19[%add3A_153, %dma_start3A_179] : memref<10240x128xf32, #tpu.memory_space<vmem_shared>> -> memref<16x128xf32, #tpu.memory_space<vmem_shared>>
      tpu.enqueue_dma source(%arg16 : memref<16x128xf32, #tpu.memory_space<vmem>>) target(%dma_start3A_180 : memref<16x128xf32, #tpu.memory_space<vmem_shared>>) target_semaphore(%run_scoped3A : memref<!tpu.dma_semaphore, #tpu.memory_space<semaphore_mem>>)
      %dma_wait3A = arith.constant 0 : i32
      %dma_wait3A_181 = tpu.memref_slice %arg19[%add3A_153, %dma_wait3A] : memref<10240x128xf32, #tpu.memory_space<vmem_shared>> -> memref<16x128xf32, #tpu.memory_space<vmem_shared>>
      %dma_wait3A_182 = arith.constant 0 : i32
      %dma_wait3A_183 = tpu.memref_slice %arg19[%add3A_153, %dma_wait3A_182] : memref<10240x128xf32, #tpu.memory_space<vmem_shared>> -> memref<16x128xf32, #tpu.memory_space<vmem_shared>>
      tpu.wait_dma2 semaphore(%run_scoped3A : memref<!tpu.dma_semaphore, #tpu.memory_space<semaphore_mem>>) src(%arg16 : memref<16x128xf32, #tpu.memory_space<vmem>>) dst(%dma_wait3A_183 : memref<16x128xf32, #tpu.memory_space<vmem_shared>>)
      tpu.yield
    }) : () -> ()
    %mul3A_154 = arith.constant 640 : i32
    %mul3A_155 = arith.muli %arg1, %mul3A_154 : i32
    %add3A_156 = arith.constant 624 : i32
    %add3A_157 = arith.addi %mul3A_155, %add3A_156 : i32
    "tpu.region"() ({
      %run_scoped3A = tpu.sem_alloc : memref<!tpu.dma_semaphore, #tpu.memory_space<semaphore_mem>>
      %dma_start3A = arith.constant 0 : i32
      %dma_start3A_178 = tpu.memref_slice %arg19[%add3A_157, %dma_start3A] : memref<10240x128xf32, #tpu.memory_space<vmem_shared>> -> memref<16x128xf32, #tpu.memory_space<vmem_shared>>
      %dma_start3A_179 = arith.constant 0 : i32
      %dma_start3A_180 = tpu.memref_slice %arg19[%add3A_157, %dma_start3A_179] : memref<10240x128xf32, #tpu.memory_space<vmem_shared>> -> memref<16x128xf32, #tpu.memory_space<vmem_shared>>
      tpu.enqueue_dma source(%arg16 : memref<16x128xf32, #tpu.memory_space<vmem>>) target(%dma_start3A_180 : memref<16x128xf32, #tpu.memory_space<vmem_shared>>) target_semaphore(%run_scoped3A : memref<!tpu.dma_semaphore, #tpu.memory_space<semaphore_mem>>)
      %dma_wait3A = arith.constant 0 : i32
      %dma_wait3A_181 = tpu.memref_slice %arg19[%add3A_157, %dma_wait3A] : memref<10240x128xf32, #tpu.memory_space<vmem_shared>> -> memref<16x128xf32, #tpu.memory_space<vmem_shared>>
      %dma_wait3A_182 = arith.constant 0 : i32
      %dma_wait3A_183 = tpu.memref_slice %arg19[%add3A_157, %dma_wait3A_182] : memref<10240x128xf32, #tpu.memory_space<vmem_shared>> -> memref<16x128xf32, #tpu.memory_space<vmem_shared>>
      tpu.wait_dma2 semaphore(%run_scoped3A : memref<!tpu.dma_semaphore, #tpu.memory_space<semaphore_mem>>) src(%arg16 : memref<16x128xf32, #tpu.memory_space<vmem>>) dst(%dma_wait3A_183 : memref<16x128xf32, #tpu.memory_space<vmem_shared>>)
      tpu.yield
    }) : () -> ()
    "tpu.region"() ({
      %run_scoped3A = tpu.sem_alloc : memref<!tpu.dma_semaphore, #tpu.memory_space<semaphore_mem>>
      tpu.enqueue_dma source(%arg7 : memref<640xf32, #tpu.memory_space<hbm>>) target(%arg17 : memref<640xf32, #tpu.memory_space<vmem>>) target_semaphore(%run_scoped3A : memref<!tpu.dma_semaphore, #tpu.memory_space<semaphore_mem>>)
      tpu.wait_dma2 semaphore(%run_scoped3A : memref<!tpu.dma_semaphore, #tpu.memory_space<semaphore_mem>>) src(%arg7 : memref<640xf32, #tpu.memory_space<hbm>>) dst(%arg17 : memref<640xf32, #tpu.memory_space<vmem>>)
      tpu.yield
    }) : () -> ()
    %mul3A_158 = arith.constant 640 : i32
    %mul3A_159 = arith.muli %arg1, %mul3A_158 : i32
    "tpu.region"() ({
      %run_scoped3A = tpu.sem_alloc : memref<!tpu.dma_semaphore, #tpu.memory_space<semaphore_mem>>
      %dma_start3A = tpu.memref_slice %arg20[%mul3A_159] : memref<10240xf32, #tpu.memory_space<vmem_shared>> -> memref<640xf32, #tpu.memory_space<vmem_shared>>
      %dma_start3A_178 = tpu.memref_slice %arg20[%mul3A_159] : memref<10240xf32, #tpu.memory_space<vmem_shared>> -> memref<640xf32, #tpu.memory_space<vmem_shared>>
      tpu.enqueue_dma source(%arg17 : memref<640xf32, #tpu.memory_space<vmem>>) target(%dma_start3A_178 : memref<640xf32, #tpu.memory_space<vmem_shared>>) target_semaphore(%run_scoped3A : memref<!tpu.dma_semaphore, #tpu.memory_space<semaphore_mem>>)
      %dma_wait3A = tpu.memref_slice %arg20[%mul3A_159] : memref<10240xf32, #tpu.memory_space<vmem_shared>> -> memref<640xf32, #tpu.memory_space<vmem_shared>>
      %dma_wait3A_179 = tpu.memref_slice %arg20[%mul3A_159] : memref<10240xf32, #tpu.memory_space<vmem_shared>> -> memref<640xf32, #tpu.memory_space<vmem_shared>>
      tpu.wait_dma2 semaphore(%run_scoped3A : memref<!tpu.dma_semaphore, #tpu.memory_space<semaphore_mem>>) src(%arg17 : memref<640xf32, #tpu.memory_space<vmem>>) dst(%dma_wait3A_179 : memref<640xf32, #tpu.memory_space<vmem_shared>>)
      tpu.yield
    }) : () -> ()
    "tpu.region"() ({
      %run_scoped3A = tpu.sem_alloc : memref<!tpu.dma_semaphore, #tpu.memory_space<semaphore_mem>>
      tpu.enqueue_dma source(%arg8 : memref<128xf32, #tpu.memory_space<hbm>>) target(%arg18 : memref<128xf32, #tpu.memory_space<vmem>>) target_semaphore(%run_scoped3A : memref<!tpu.dma_semaphore, #tpu.memory_space<semaphore_mem>>)
      tpu.wait_dma2 semaphore(%run_scoped3A : memref<!tpu.dma_semaphore, #tpu.memory_space<semaphore_mem>>) src(%arg8 : memref<128xf32, #tpu.memory_space<hbm>>) dst(%arg18 : memref<128xf32, #tpu.memory_space<vmem>>)
      tpu.yield
    }) : () -> ()
    %barrier3A = arith.constant 0 : index
    tpu.barrier barrier_id(%barrier3A)
    %eq3A = arith.constant 0 : i32
    %eq3A_160 = arith.cmpi eq, %arg0, %eq3A : i32
    %convert_element_type3A = arith.extui %eq3A_160 : i1 to i32
    %cond3A = arith.constant 0 : i32
    %cond3A_161 = arith.cmpi ne, %convert_element_type3A, %cond3A : i32
    scf.if %cond3A_161 {
      %mul3A_178 = arith.constant 80 : i32
      %mul3A_179 = arith.muli %arg1, %mul3A_178 : i32
      %add3A_180 = arith.constant 0 : i32
      %add3A_181 = arith.addi %mul3A_179, %add3A_180 : i32
      "tpu.region"() ({
        %run_scoped3A = tpu.sem_alloc : memref<!tpu.dma_semaphore, #tpu.memory_space<semaphore_mem>>
        %dma_start3A_218 = arith.constant 0 : i32
        %dma_start3A_219 = tpu.memref_slice %arg4[%add3A_181, %dma_start3A_218] : memref<1280x128xi32, #tpu.memory_space<hbm>> -> memref<40x128xi32, #tpu.memory_space<hbm>>
        %dma_start3A_220 = arith.constant 0 : i32
        %dma_start3A_221 = tpu.memref_slice %arg4[%add3A_181, %dma_start3A_220] : memref<1280x128xi32, #tpu.memory_space<hbm>> -> memref<40x128xi32, #tpu.memory_space<hbm>>
        tpu.enqueue_dma source(%dma_start3A_221 : memref<40x128xi32, #tpu.memory_space<hbm>>) target(%arg12 : memref<40x128xi32, #tpu.memory_space<vmem>>) target_semaphore(%run_scoped3A : memref<!tpu.dma_semaphore, #tpu.memory_space<semaphore_mem>>)
        %dma_wait3A = arith.constant 0 : i32
        %dma_wait3A_222 = tpu.memref_slice %arg4[%add3A_181, %dma_wait3A] : memref<1280x128xi32, #tpu.memory_space<hbm>> -> memref<40x128xi32, #tpu.memory_space<hbm>>
        %dma_wait3A_223 = arith.constant 0 : i32
        %dma_wait3A_224 = tpu.memref_slice %arg4[%add3A_181, %dma_wait3A_223] : memref<1280x128xi32, #tpu.memory_space<hbm>> -> memref<40x128xi32, #tpu.memory_space<hbm>>
        tpu.wait_dma2 semaphore(%run_scoped3A : memref<!tpu.dma_semaphore, #tpu.memory_space<semaphore_mem>>) src(%dma_wait3A_224 : memref<40x128xi32, #tpu.memory_space<hbm>>) dst(%arg12 : memref<40x128xi32, #tpu.memory_space<vmem>>)
        tpu.yield
      }) : () -> ()
      %mul3A_182 = arith.constant 80 : i32
      %mul3A_183 = arith.muli %arg1, %mul3A_182 : i32
      %add3A_184 = arith.constant 0 : i32
      %add3A_185 = arith.addi %mul3A_183, %add3A_184 : i32
      "tpu.region"() ({
        %run_scoped3A = tpu.sem_alloc : memref<!tpu.dma_semaphore, #tpu.memory_space<semaphore_mem>>
        %dma_start3A_218 = arith.constant 0 : i32
        %dma_start3A_219 = tpu.memref_slice %arg5[%add3A_185, %dma_start3A_218] : memref<1280x128xi32, #tpu.memory_space<hbm>> -> memref<40x128xi32, #tpu.memory_space<hbm>>
        %dma_start3A_220 = arith.constant 0 : i32
        %dma_start3A_221 = tpu.memref_slice %arg5[%add3A_185, %dma_start3A_220] : memref<1280x128xi32, #tpu.memory_space<hbm>> -> memref<40x128xi32, #tpu.memory_space<hbm>>
        tpu.enqueue_dma source(%dma_start3A_221 : memref<40x128xi32, #tpu.memory_space<hbm>>) target(%arg13 : memref<40x128xi32, #tpu.memory_space<vmem>>) target_semaphore(%run_scoped3A : memref<!tpu.dma_semaphore, #tpu.memory_space<semaphore_mem>>)
        %dma_wait3A = arith.constant 0 : i32
        %dma_wait3A_222 = tpu.memref_slice %arg5[%add3A_185, %dma_wait3A] : memref<1280x128xi32, #tpu.memory_space<hbm>> -> memref<40x128xi32, #tpu.memory_space<hbm>>
        %dma_wait3A_223 = arith.constant 0 : i32
        %dma_wait3A_224 = tpu.memref_slice %arg5[%add3A_185, %dma_wait3A_223] : memref<1280x128xi32, #tpu.memory_space<hbm>> -> memref<40x128xi32, #tpu.memory_space<hbm>>
        tpu.wait_dma2 semaphore(%run_scoped3A : memref<!tpu.dma_semaphore, #tpu.memory_space<semaphore_mem>>) src(%dma_wait3A_224 : memref<40x128xi32, #tpu.memory_space<hbm>>) dst(%arg13 : memref<40x128xi32, #tpu.memory_space<vmem>>)
        tpu.yield
      }) : () -> ()
      %dma_start3A = arith.constant 0 : i32
      %dma_start3A_186 = arith.constant 0 : i32
      %dma_start3A_187 = tpu.memref_slice %arg12[%dma_start3A, %dma_start3A_186] : memref<40x128xi32, #tpu.memory_space<vmem>> -> memref<1x128xi32, #tpu.memory_space<vmem>>
      %dma_start3A_188 = tpu.memref_squeeze %dma_start3A_187 : memref<1x128xi32, #tpu.memory_space<vmem>> -> memref<128xi32, #tpu.memory_space<vmem>>
      %dma_start3A_189 = arith.constant 0 : i32
      %dma_start3A_190 = arith.constant 0 : i32
      %dma_start3A_191 = tpu.memref_slice %arg2[%dma_start3A_189, %dma_start3A_190] : memref<10240x128xf32, #tpu.memory_space<hbm>> -> memref<10240x128xf32, #tpu.memory_space<hbm>>
      tpu.enqueue_indirect_dma source(%dma_start3A_191 : memref<10240x128xf32, #tpu.memory_space<hbm>>) target(%arg14 : memref<128x128xf32, #tpu.memory_space<vmem>>) offsets(%dma_start3A_188 : memref<128xi32, #tpu.memory_space<vmem>>) semaphore(%arg21 : memref<!tpu.dma_semaphore, #tpu.memory_space<semaphore_mem>>)
      %scan3A = arith.constant 0 : i32
      %scan3A_192 = arith.constant 0 : i32
      %scan3A_193 = arith.constant 20 : i32
      %scan3A_194 = arith.addi %scan3A_192, %scan3A_193 : i32
      %scan3A_195 = arith.constant 1 : i32
      scf.for %scan3A_218 = %scan3A_192 to %scan3A_194 step %scan3A_195  : i32 {
        %mul3A_219 = arith.constant 2 : i32
        %mul3A_220 = arith.muli %mul3A_219, %scan3A_218 : i32
        %dma_wait3A = arith.constant 0 : i32
        %dma_wait3A_221 = tpu.memref_slice %arg12[%mul3A_220, %dma_wait3A] : memref<40x128xi32, #tpu.memory_space<vmem>> -> memref<1x128xi32, #tpu.memory_space<vmem>>
        %dma_wait3A_222 = tpu.memref_squeeze %dma_wait3A_221 : memref<1x128xi32, #tpu.memory_space<vmem>> -> memref<128xi32, #tpu.memory_space<vmem>>
        %dma_wait3A_223 = arith.constant 0 : i32
        %dma_wait3A_224 = arith.constant 0 : i32
        %dma_wait3A_225 = tpu.memref_slice %arg2[%dma_wait3A_223, %dma_wait3A_224] : memref<10240x128xf32, #tpu.memory_space<hbm>> -> memref<10240x128xf32, #tpu.memory_space<hbm>>
        tpu.wait_indirect_dma semaphore(%arg21 : memref<!tpu.dma_semaphore, #tpu.memory_space<semaphore_mem>>) src(%dma_wait3A_225 : memref<10240x128xf32, #tpu.memory_space<hbm>>) dst(%arg14 : memref<128x128xf32, #tpu.memory_space<vmem>>)
        %add3A_226 = arith.constant 1 : i32
        %add3A_227 = arith.addi %mul3A_220, %add3A_226 : i32
        %dma_start3A_228 = arith.constant 0 : i32
        %dma_start3A_229 = tpu.memref_slice %arg12[%add3A_227, %dma_start3A_228] : memref<40x128xi32, #tpu.memory_space<vmem>> -> memref<1x128xi32, #tpu.memory_space<vmem>>
        %dma_start3A_230 = tpu.memref_squeeze %dma_start3A_229 : memref<1x128xi32, #tpu.memory_space<vmem>> -> memref<128xi32, #tpu.memory_space<vmem>>
        %dma_start3A_231 = arith.constant 0 : i32
        %dma_start3A_232 = arith.constant 0 : i32
        %dma_start3A_233 = tpu.memref_slice %arg2[%dma_start3A_231, %dma_start3A_232] : memref<10240x128xf32, #tpu.memory_space<hbm>> -> memref<10240x128xf32, #tpu.memory_space<hbm>>
        tpu.enqueue_indirect_dma source(%dma_start3A_233 : memref<10240x128xf32, #tpu.memory_space<hbm>>) target(%arg15 : memref<128x128xf32, #tpu.memory_space<vmem>>) offsets(%dma_start3A_230 : memref<128xi32, #tpu.memory_space<vmem>>) semaphore(%arg22 : memref<!tpu.dma_semaphore, #tpu.memory_space<semaphore_mem>>)
        "tpu.region"() ({
          %run_scoped3A = tpu.sem_alloc : memref<!tpu.dma_semaphore, #tpu.memory_space<semaphore_mem>>
          %dma_start3A_252 = arith.constant 0 : i32
          %dma_start3A_253 = tpu.memref_slice %arg13[%mul3A_220, %dma_start3A_252] : memref<40x128xi32, #tpu.memory_space<vmem>> -> memref<1x128xi32, #tpu.memory_space<vmem>>
          %dma_start3A_254 = tpu.memref_squeeze %dma_start3A_253 : memref<1x128xi32, #tpu.memory_space<vmem>> -> memref<128xi32, #tpu.memory_space<vmem>>
          %dma_start3A_255 = arith.constant 0 : i32
          %dma_start3A_256 = arith.constant 0 : i32
          %dma_start3A_257 = tpu.memref_slice %arg19[%dma_start3A_255, %dma_start3A_256] : memref<10240x128xf32, #tpu.memory_space<vmem_shared>> -> memref<10240x128xf32, #tpu.memory_space<vmem_shared>>
          tpu.enqueue_indirect_dma source(%arg14 : memref<128x128xf32, #tpu.memory_space<vmem>>) target(%dma_start3A_257 : memref<10240x128xf32, #tpu.memory_space<vmem_shared>>) offsets(%dma_start3A_254 : memref<128xi32, #tpu.memory_space<vmem>>) semaphore(%run_scoped3A : memref<!tpu.dma_semaphore, #tpu.memory_space<semaphore_mem>>) {add = true}
          %dma_wait3A_258 = arith.constant 0 : i32
          %dma_wait3A_259 = tpu.memref_slice %arg13[%mul3A_220, %dma_wait3A_258] : memref<40x128xi32, #tpu.memory_space<vmem>> -> memref<1x128xi32, #tpu.memory_space<vmem>>
          %dma_wait3A_260 = tpu.memref_squeeze %dma_wait3A_259 : memref<1x128xi32, #tpu.memory_space<vmem>> -> memref<128xi32, #tpu.memory_space<vmem>>
          %dma_wait3A_261 = arith.constant 0 : i32
          %dma_wait3A_262 = arith.constant 0 : i32
          %dma_wait3A_263 = tpu.memref_slice %arg19[%dma_wait3A_261, %dma_wait3A_262] : memref<10240x128xf32, #tpu.memory_space<vmem_shared>> -> memref<10240x128xf32, #tpu.memory_space<vmem_shared>>
          tpu.wait_indirect_dma semaphore(%run_scoped3A : memref<!tpu.dma_semaphore, #tpu.memory_space<semaphore_mem>>) src(%arg14 : memref<128x128xf32, #tpu.memory_space<vmem>>) dst(%dma_wait3A_263 : memref<10240x128xf32, #tpu.memory_space<vmem_shared>>)
          tpu.yield
        }) : () -> ()
        "tpu.region"() ({
          %run_scoped3A = tpu.sem_alloc : memref<!tpu.dma_semaphore, #tpu.memory_space<semaphore_mem>>
          %dma_start3A_252 = arith.constant 0 : i32
          %dma_start3A_253 = tpu.memref_slice %arg13[%mul3A_220, %dma_start3A_252] : memref<40x128xi32, #tpu.memory_space<vmem>> -> memref<1x128xi32, #tpu.memory_space<vmem>>
          %dma_start3A_254 = tpu.memref_squeeze %dma_start3A_253 : memref<1x128xi32, #tpu.memory_space<vmem>> -> memref<128xi32, #tpu.memory_space<vmem>>
          %dma_start3A_255 = arith.constant 0 : i32
          %dma_start3A_256 = tpu.memref_slice %arg20[%dma_start3A_255] : memref<10240xf32, #tpu.memory_space<vmem_shared>> -> memref<10240xf32, #tpu.memory_space<vmem_shared>>
          tpu.enqueue_indirect_dma source(%arg18 : memref<128xf32, #tpu.memory_space<vmem>>) target(%dma_start3A_256 : memref<10240xf32, #tpu.memory_space<vmem_shared>>) offsets(%dma_start3A_254 : memref<128xi32, #tpu.memory_space<vmem>>) semaphore(%run_scoped3A : memref<!tpu.dma_semaphore, #tpu.memory_space<semaphore_mem>>) {add = true}
          %dma_wait3A_257 = arith.constant 0 : i32
          %dma_wait3A_258 = tpu.memref_slice %arg13[%mul3A_220, %dma_wait3A_257] : memref<40x128xi32, #tpu.memory_space<vmem>> -> memref<1x128xi32, #tpu.memory_space<vmem>>
          %dma_wait3A_259 = tpu.memref_squeeze %dma_wait3A_258 : memref<1x128xi32, #tpu.memory_space<vmem>> -> memref<128xi32, #tpu.memory_space<vmem>>
          %dma_wait3A_260 = arith.constant 0 : i32
          %dma_wait3A_261 = tpu.memref_slice %arg20[%dma_wait3A_260] : memref<10240xf32, #tpu.memory_space<vmem_shared>> -> memref<10240xf32, #tpu.memory_space<vmem_shared>>
          tpu.wait_indirect_dma semaphore(%run_scoped3A : memref<!tpu.dma_semaphore, #tpu.memory_space<semaphore_mem>>) src(%arg18 : memref<128xf32, #tpu.memory_space<vmem>>) dst(%dma_wait3A_261 : memref<10240xf32, #tpu.memory_space<vmem_shared>>)
          tpu.yield
        }) : () -> ()
        %add3A_234 = arith.constant 1 : i32
        %add3A_235 = arith.addi %mul3A_220, %add3A_234 : i32
        %dma_wait3A_236 = arith.constant 0 : i32
        %dma_wait3A_237 = tpu.memref_slice %arg12[%add3A_235, %dma_wait3A_236] : memref<40x128xi32, #tpu.memory_space<vmem>> -> memref<1x128xi32, #tpu.memory_space<vmem>>
        %dma_wait3A_238 = tpu.memref_squeeze %dma_wait3A_237 : memref<1x128xi32, #tpu.memory_space<vmem>> -> memref<128xi32, #tpu.memory_space<vmem>>
        %dma_wait3A_239 = arith.constant 0 : i32
        %dma_wait3A_240 = arith.constant 0 : i32
        %dma_wait3A_241 = tpu.memref_slice %arg2[%dma_wait3A_239, %dma_wait3A_240] : memref<10240x128xf32, #tpu.memory_space<hbm>> -> memref<10240x128xf32, #tpu.memory_space<hbm>>
        tpu.wait_indirect_dma semaphore(%arg22 : memref<!tpu.dma_semaphore, #tpu.memory_space<semaphore_mem>>) src(%dma_wait3A_241 : memref<10240x128xf32, #tpu.memory_space<hbm>>) dst(%arg15 : memref<128x128xf32, #tpu.memory_space<vmem>>)
        %add3A_242 = arith.constant 2 : i32
        %add3A_243 = arith.addi %mul3A_220, %add3A_242 : i32
        %lt3A = arith.constant 40 : i32
        %lt3A_244 = arith.cmpi slt, %add3A_243, %lt3A : i32
        %convert_element_type3A_245 = arith.extui %lt3A_244 : i1 to i32
        %cond3A_246 = arith.constant 0 : i32
        %cond3A_247 = arith.cmpi ne, %convert_element_type3A_245, %cond3A_246 : i32
        scf.if %cond3A_247 {
          %add3A_252 = arith.constant 2 : i32
          %add3A_253 = arith.addi %mul3A_220, %add3A_252 : i32
          %dma_start3A_254 = arith.constant 0 : i32
          %dma_start3A_255 = tpu.memref_slice %arg12[%add3A_253, %dma_start3A_254] : memref<40x128xi32, #tpu.memory_space<vmem>> -> memref<1x128xi32, #tpu.memory_space<vmem>>
          %dma_start3A_256 = tpu.memref_squeeze %dma_start3A_255 : memref<1x128xi32, #tpu.memory_space<vmem>> -> memref<128xi32, #tpu.memory_space<vmem>>
          %dma_start3A_257 = arith.constant 0 : i32
          %dma_start3A_258 = arith.constant 0 : i32
          %dma_start3A_259 = tpu.memref_slice %arg2[%dma_start3A_257, %dma_start3A_258] : memref<10240x128xf32, #tpu.memory_space<hbm>> -> memref<10240x128xf32, #tpu.memory_space<hbm>>
          tpu.enqueue_indirect_dma source(%dma_start3A_259 : memref<10240x128xf32, #tpu.memory_space<hbm>>) target(%arg14 : memref<128x128xf32, #tpu.memory_space<vmem>>) offsets(%dma_start3A_256 : memref<128xi32, #tpu.memory_space<vmem>>) semaphore(%arg21 : memref<!tpu.dma_semaphore, #tpu.memory_space<semaphore_mem>>)
        } else {
        }
        %add3A_248 = arith.constant 1 : i32
        %add3A_249 = arith.addi %mul3A_220, %add3A_248 : i32
        "tpu.region"() ({
          %run_scoped3A = tpu.sem_alloc : memref<!tpu.dma_semaphore, #tpu.memory_space<semaphore_mem>>
          %dma_start3A_252 = arith.constant 0 : i32
          %dma_start3A_253 = tpu.memref_slice %arg13[%add3A_249, %dma_start3A_252] : memref<40x128xi32, #tpu.memory_space<vmem>> -> memref<1x128xi32, #tpu.memory_space<vmem>>
          %dma_start3A_254 = tpu.memref_squeeze %dma_start3A_253 : memref<1x128xi32, #tpu.memory_space<vmem>> -> memref<128xi32, #tpu.memory_space<vmem>>
          %dma_start3A_255 = arith.constant 0 : i32
          %dma_start3A_256 = arith.constant 0 : i32
          %dma_start3A_257 = tpu.memref_slice %arg19[%dma_start3A_255, %dma_start3A_256] : memref<10240x128xf32, #tpu.memory_space<vmem_shared>> -> memref<10240x128xf32, #tpu.memory_space<vmem_shared>>
          tpu.enqueue_indirect_dma source(%arg15 : memref<128x128xf32, #tpu.memory_space<vmem>>) target(%dma_start3A_257 : memref<10240x128xf32, #tpu.memory_space<vmem_shared>>) offsets(%dma_start3A_254 : memref<128xi32, #tpu.memory_space<vmem>>) semaphore(%run_scoped3A : memref<!tpu.dma_semaphore, #tpu.memory_space<semaphore_mem>>) {add = true}
          %dma_wait3A_258 = arith.constant 0 : i32
          %dma_wait3A_259 = tpu.memref_slice %arg13[%add3A_249, %dma_wait3A_258] : memref<40x128xi32, #tpu.memory_space<vmem>> -> memref<1x128xi32, #tpu.memory_space<vmem>>
          %dma_wait3A_260 = tpu.memref_squeeze %dma_wait3A_259 : memref<1x128xi32, #tpu.memory_space<vmem>> -> memref<128xi32, #tpu.memory_space<vmem>>
          %dma_wait3A_261 = arith.constant 0 : i32
          %dma_wait3A_262 = arith.constant 0 : i32
          %dma_wait3A_263 = tpu.memref_slice %arg19[%dma_wait3A_261, %dma_wait3A_262] : memref<10240x128xf32, #tpu.memory_space<vmem_shared>> -> memref<10240x128xf32, #tpu.memory_space<vmem_shared>>
          tpu.wait_indirect_dma semaphore(%run_scoped3A : memref<!tpu.dma_semaphore, #tpu.memory_space<semaphore_mem>>) src(%arg15 : memref<128x128xf32, #tpu.memory_space<vmem>>) dst(%dma_wait3A_263 : memref<10240x128xf32, #tpu.memory_space<vmem_shared>>)
          tpu.yield
        }) : () -> ()
        %add3A_250 = arith.constant 1 : i32
        %add3A_251 = arith.addi %mul3A_220, %add3A_250 : i32
        "tpu.region"() ({
          %run_scoped3A = tpu.sem_alloc : memref<!tpu.dma_semaphore, #tpu.memory_space<semaphore_mem>>
          %dma_start3A_252 = arith.constant 0 : i32
          %dma_start3A_253 = tpu.memref_slice %arg13[%add3A_251, %dma_start3A_252] : memref<40x128xi32, #tpu.memory_space<vmem>> -> memref<1x128xi32, #tpu.memory_space<vmem>>
          %dma_start3A_254 = tpu.memref_squeeze %dma_start3A_253 : memref<1x128xi32, #tpu.memory_space<vmem>> -> memref<128xi32, #tpu.memory_space<vmem>>
          %dma_start3A_255 = arith.constant 0 : i32
          %dma_start3A_256 = tpu.memref_slice %arg20[%dma_start3A_255] : memref<10240xf32, #tpu.memory_space<vmem_shared>> -> memref<10240xf32, #tpu.memory_space<vmem_shared>>
          tpu.enqueue_indirect_dma source(%arg18 : memref<128xf32, #tpu.memory_space<vmem>>) target(%dma_start3A_256 : memref<10240xf32, #tpu.memory_space<vmem_shared>>) offsets(%dma_start3A_254 : memref<128xi32, #tpu.memory_space<vmem>>) semaphore(%run_scoped3A : memref<!tpu.dma_semaphore, #tpu.memory_space<semaphore_mem>>) {add = true}
          %dma_wait3A_257 = arith.constant 0 : i32
          %dma_wait3A_258 = tpu.memref_slice %arg13[%add3A_251, %dma_wait3A_257] : memref<40x128xi32, #tpu.memory_space<vmem>> -> memref<1x128xi32, #tpu.memory_space<vmem>>
          %dma_wait3A_259 = tpu.memref_squeeze %dma_wait3A_258 : memref<1x128xi32, #tpu.memory_space<vmem>> -> memref<128xi32, #tpu.memory_space<vmem>>
          %dma_wait3A_260 = arith.constant 0 : i32
          %dma_wait3A_261 = tpu.memref_slice %arg20[%dma_wait3A_260] : memref<10240xf32, #tpu.memory_space<vmem_shared>> -> memref<10240xf32, #tpu.memory_space<vmem_shared>>
          tpu.wait_indirect_dma semaphore(%run_scoped3A : memref<!tpu.dma_semaphore, #tpu.memory_space<semaphore_mem>>) src(%arg18 : memref<128xf32, #tpu.memory_space<vmem>>) dst(%dma_wait3A_261 : memref<10240xf32, #tpu.memory_space<vmem_shared>>)
          tpu.yield
        }) : () -> ()
      }
      %scan3A_196 = arith.constant 20 : i32
      %mul3A_197 = arith.constant 80 : i32
      %mul3A_198 = arith.muli %arg1, %mul3A_197 : i32
      %add3A_199 = arith.constant 40 : i32
      %add3A_200 = arith.addi %mul3A_198, %add3A_199 : i32
      "tpu.region"() ({
        %run_scoped3A = tpu.sem_alloc : memref<!tpu.dma_semaphore, #tpu.memory_space<semaphore_mem>>
        %dma_start3A_218 = arith.constant 0 : i32
        %dma_start3A_219 = tpu.memref_slice %arg4[%add3A_200, %dma_start3A_218] : memref<1280x128xi32, #tpu.memory_space<hbm>> -> memref<40x128xi32, #tpu.memory_space<hbm>>
        %dma_start3A_220 = arith.constant 0 : i32
        %dma_start3A_221 = tpu.memref_slice %arg4[%add3A_200, %dma_start3A_220] : memref<1280x128xi32, #tpu.memory_space<hbm>> -> memref<40x128xi32, #tpu.memory_space<hbm>>
        tpu.enqueue_dma source(%dma_start3A_221 : memref<40x128xi32, #tpu.memory_space<hbm>>) target(%arg12 : memref<40x128xi32, #tpu.memory_space<vmem>>) target_semaphore(%run_scoped3A : memref<!tpu.dma_semaphore, #tpu.memory_space<semaphore_mem>>)
        %dma_wait3A = arith.constant 0 : i32
        %dma_wait3A_222 = tpu.memref_slice %arg4[%add3A_200, %dma_wait3A] : memref<1280x128xi32, #tpu.memory_space<hbm>> -> memref<40x128xi32, #tpu.memory_space<hbm>>
        %dma_wait3A_223 = arith.constant 0 : i32
        %dma_wait3A_224 = tpu.memref_slice %arg4[%add3A_200, %dma_wait3A_223] : memref<1280x128xi32, #tpu.memory_space<hbm>> -> memref<40x128xi32, #tpu.memory_space<hbm>>
        tpu.wait_dma2 semaphore(%run_scoped3A : memref<!tpu.dma_semaphore, #tpu.memory_space<semaphore_mem>>) src(%dma_wait3A_224 : memref<40x128xi32, #tpu.memory_space<hbm>>) dst(%arg12 : memref<40x128xi32, #tpu.memory_space<vmem>>)
        tpu.yield
      }) : () -> ()
      %mul3A_201 = arith.constant 80 : i32
      %mul3A_202 = arith.muli %arg1, %mul3A_201 : i32
      %add3A_203 = arith.constant 40 : i32
      %add3A_204 = arith.addi %mul3A_202, %add3A_203 : i32
      "tpu.region"() ({
        %run_scoped3A = tpu.sem_alloc : memref<!tpu.dma_semaphore, #tpu.memory_space<semaphore_mem>>
        %dma_start3A_218 = arith.constant 0 : i32
        %dma_start3A_219 = tpu.memref_slice %arg5[%add3A_204, %dma_start3A_218] : memref<1280x128xi32, #tpu.memory_space<hbm>> -> memref<40x128xi32, #tpu.memory_space<hbm>>
        %dma_start3A_220 = arith.constant 0 : i32
        %dma_start3A_221 = tpu.memref_slice %arg5[%add3A_204, %dma_start3A_220] : memref<1280x128xi32, #tpu.memory_space<hbm>> -> memref<40x128xi32, #tpu.memory_space<hbm>>
        tpu.enqueue_dma source(%dma_start3A_221 : memref<40x128xi32, #tpu.memory_space<hbm>>) target(%arg13 : memref<40x128xi32, #tpu.memory_space<vmem>>) target_semaphore(%run_scoped3A : memref<!tpu.dma_semaphore, #tpu.memory_space<semaphore_mem>>)
        %dma_wait3A = arith.constant 0 : i32
        %dma_wait3A_222 = tpu.memref_slice %arg5[%add3A_204, %dma_wait3A] : memref<1280x128xi32, #tpu.memory_space<hbm>> -> memref<40x128xi32, #tpu.memory_space<hbm>>
        %dma_wait3A_223 = arith.constant 0 : i32
        %dma_wait3A_224 = tpu.memref_slice %arg5[%add3A_204, %dma_wait3A_223] : memref<1280x128xi32, #tpu.memory_space<hbm>> -> memref<40x128xi32, #tpu.memory_space<hbm>>
        tpu.wait_dma2 semaphore(%run_scoped3A : memref<!tpu.dma_semaphore, #tpu.memory_space<semaphore_mem>>) src(%dma_wait3A_224 : memref<40x128xi32, #tpu.memory_space<hbm>>) dst(%arg13 : memref<40x128xi32, #tpu.memory_space<vmem>>)
        tpu.yield
      }) : () -> ()
      %dma_start3A_205 = arith.constant 0 : i32
      %dma_start3A_206 = arith.constant 0 : i32
      %dma_start3A_207 = tpu.memref_slice %arg12[%dma_start3A_205, %dma_start3A_206] : memref<40x128xi32, #tpu.memory_space<vmem>> -> memref<1x128xi32, #tpu.memory_space<vmem>>
      %dma_start3A_208 = tpu.memref_squeeze %dma_start3A_207 : memref<1x128xi32, #tpu.memory_space<vmem>> -> memref<128xi32, #tpu.memory_space<vmem>>
      %dma_start3A_209 = arith.constant 0 : i32
      %dma_start3A_210 = arith.constant 0 : i32
      %dma_start3A_211 = tpu.memref_slice %arg2[%dma_start3A_209, %dma_start3A_210] : memref<10240x128xf32, #tpu.memory_space<hbm>> -> memref<10240x128xf32, #tpu.memory_space<hbm>>
      tpu.enqueue_indirect_dma source(%dma_start3A_211 : memref<10240x128xf32, #tpu.memory_space<hbm>>) target(%arg14 : memref<128x128xf32, #tpu.memory_space<vmem>>) offsets(%dma_start3A_208 : memref<128xi32, #tpu.memory_space<vmem>>) semaphore(%arg21 : memref<!tpu.dma_semaphore, #tpu.memory_space<semaphore_mem>>)
      %scan3A_212 = arith.constant 0 : i32
      %scan3A_213 = arith.constant 0 : i32
      %scan3A_214 = arith.constant 20 : i32
      %scan3A_215 = arith.addi %scan3A_213, %scan3A_214 : i32
      %scan3A_216 = arith.constant 1 : i32
      scf.for %scan3A_218 = %scan3A_213 to %scan3A_215 step %scan3A_216  : i32 {
        %mul3A_219 = arith.constant 2 : i32
        %mul3A_220 = arith.muli %mul3A_219, %scan3A_218 : i32
        %dma_wait3A = arith.constant 0 : i32
        %dma_wait3A_221 = tpu.memref_slice %arg12[%mul3A_220, %dma_wait3A] : memref<40x128xi32, #tpu.memory_space<vmem>> -> memref<1x128xi32, #tpu.memory_space<vmem>>
        %dma_wait3A_222 = tpu.memref_squeeze %dma_wait3A_221 : memref<1x128xi32, #tpu.memory_space<vmem>> -> memref<128xi32, #tpu.memory_space<vmem>>
        %dma_wait3A_223 = arith.constant 0 : i32
        %dma_wait3A_224 = arith.constant 0 : i32
        %dma_wait3A_225 = tpu.memref_slice %arg2[%dma_wait3A_223, %dma_wait3A_224] : memref<10240x128xf32, #tpu.memory_space<hbm>> -> memref<10240x128xf32, #tpu.memory_space<hbm>>
        tpu.wait_indirect_dma semaphore(%arg21 : memref<!tpu.dma_semaphore, #tpu.memory_space<semaphore_mem>>) src(%dma_wait3A_225 : memref<10240x128xf32, #tpu.memory_space<hbm>>) dst(%arg14 : memref<128x128xf32, #tpu.memory_space<vmem>>)
        %add3A_226 = arith.constant 1 : i32
        %add3A_227 = arith.addi %mul3A_220, %add3A_226 : i32
        %dma_start3A_228 = arith.constant 0 : i32
        %dma_start3A_229 = tpu.memref_slice %arg12[%add3A_227, %dma_start3A_228] : memref<40x128xi32, #tpu.memory_space<vmem>> -> memref<1x128xi32, #tpu.memory_space<vmem>>
        %dma_start3A_230 = tpu.memref_squeeze %dma_start3A_229 : memref<1x128xi32, #tpu.memory_space<vmem>> -> memref<128xi32, #tpu.memory_space<vmem>>
        %dma_start3A_231 = arith.constant 0 : i32
        %dma_start3A_232 = arith.constant 0 : i32
        %dma_start3A_233 = tpu.memref_slice %arg2[%dma_start3A_231, %dma_start3A_232] : memref<10240x128xf32, #tpu.memory_space<hbm>> -> memref<10240x128xf32, #tpu.memory_space<hbm>>
        tpu.enqueue_indirect_dma source(%dma_start3A_233 : memref<10240x128xf32, #tpu.memory_space<hbm>>) target(%arg15 : memref<128x128xf32, #tpu.memory_space<vmem>>) offsets(%dma_start3A_230 : memref<128xi32, #tpu.memory_space<vmem>>) semaphore(%arg22 : memref<!tpu.dma_semaphore, #tpu.memory_space<semaphore_mem>>)
        "tpu.region"() ({
          %run_scoped3A = tpu.sem_alloc : memref<!tpu.dma_semaphore, #tpu.memory_space<semaphore_mem>>
          %dma_start3A_252 = arith.constant 0 : i32
          %dma_start3A_253 = tpu.memref_slice %arg13[%mul3A_220, %dma_start3A_252] : memref<40x128xi32, #tpu.memory_space<vmem>> -> memref<1x128xi32, #tpu.memory_space<vmem>>
          %dma_start3A_254 = tpu.memref_squeeze %dma_start3A_253 : memref<1x128xi32, #tpu.memory_space<vmem>> -> memref<128xi32, #tpu.memory_space<vmem>>
          %dma_start3A_255 = arith.constant 0 : i32
          %dma_start3A_256 = arith.constant 0 : i32
          %dma_start3A_257 = tpu.memref_slice %arg19[%dma_start3A_255, %dma_start3A_256] : memref<10240x128xf32, #tpu.memory_space<vmem_shared>> -> memref<10240x128xf32, #tpu.memory_space<vmem_shared>>
          tpu.enqueue_indirect_dma source(%arg14 : memref<128x128xf32, #tpu.memory_space<vmem>>) target(%dma_start3A_257 : memref<10240x128xf32, #tpu.memory_space<vmem_shared>>) offsets(%dma_start3A_254 : memref<128xi32, #tpu.memory_space<vmem>>) semaphore(%run_scoped3A : memref<!tpu.dma_semaphore, #tpu.memory_space<semaphore_mem>>) {add = true}
          %dma_wait3A_258 = arith.constant 0 : i32
          %dma_wait3A_259 = tpu.memref_slice %arg13[%mul3A_220, %dma_wait3A_258] : memref<40x128xi32, #tpu.memory_space<vmem>> -> memref<1x128xi32, #tpu.memory_space<vmem>>
          %dma_wait3A_260 = tpu.memref_squeeze %dma_wait3A_259 : memref<1x128xi32, #tpu.memory_space<vmem>> -> memref<128xi32, #tpu.memory_space<vmem>>
          %dma_wait3A_261 = arith.constant 0 : i32
          %dma_wait3A_262 = arith.constant 0 : i32
          %dma_wait3A_263 = tpu.memref_slice %arg19[%dma_wait3A_261, %dma_wait3A_262] : memref<10240x128xf32, #tpu.memory_space<vmem_shared>> -> memref<10240x128xf32, #tpu.memory_space<vmem_shared>>
          tpu.wait_indirect_dma semaphore(%run_scoped3A : memref<!tpu.dma_semaphore, #tpu.memory_space<semaphore_mem>>) src(%arg14 : memref<128x128xf32, #tpu.memory_space<vmem>>) dst(%dma_wait3A_263 : memref<10240x128xf32, #tpu.memory_space<vmem_shared>>)
          tpu.yield
        }) : () -> ()
        "tpu.region"() ({
          %run_scoped3A = tpu.sem_alloc : memref<!tpu.dma_semaphore, #tpu.memory_space<semaphore_mem>>
          %dma_start3A_252 = arith.constant 0 : i32
          %dma_start3A_253 = tpu.memref_slice %arg13[%mul3A_220, %dma_start3A_252] : memref<40x128xi32, #tpu.memory_space<vmem>> -> memref<1x128xi32, #tpu.memory_space<vmem>>
          %dma_start3A_254 = tpu.memref_squeeze %dma_start3A_253 : memref<1x128xi32, #tpu.memory_space<vmem>> -> memref<128xi32, #tpu.memory_space<vmem>>
          %dma_start3A_255 = arith.constant 0 : i32
          %dma_start3A_256 = tpu.memref_slice %arg20[%dma_start3A_255] : memref<10240xf32, #tpu.memory_space<vmem_shared>> -> memref<10240xf32, #tpu.memory_space<vmem_shared>>
          tpu.enqueue_indirect_dma source(%arg18 : memref<128xf32, #tpu.memory_space<vmem>>) target(%dma_start3A_256 : memref<10240xf32, #tpu.memory_space<vmem_shared>>) offsets(%dma_start3A_254 : memref<128xi32, #tpu.memory_space<vmem>>) semaphore(%run_scoped3A : memref<!tpu.dma_semaphore, #tpu.memory_space<semaphore_mem>>) {add = true}
          %dma_wait3A_257 = arith.constant 0 : i32
          %dma_wait3A_258 = tpu.memref_slice %arg13[%mul3A_220, %dma_wait3A_257] : memref<40x128xi32, #tpu.memory_space<vmem>> -> memref<1x128xi32, #tpu.memory_space<vmem>>
          %dma_wait3A_259 = tpu.memref_squeeze %dma_wait3A_258 : memref<1x128xi32, #tpu.memory_space<vmem>> -> memref<128xi32, #tpu.memory_space<vmem>>
          %dma_wait3A_260 = arith.constant 0 : i32
          %dma_wait3A_261 = tpu.memref_slice %arg20[%dma_wait3A_260] : memref<10240xf32, #tpu.memory_space<vmem_shared>> -> memref<10240xf32, #tpu.memory_space<vmem_shared>>
          tpu.wait_indirect_dma semaphore(%run_scoped3A : memref<!tpu.dma_semaphore, #tpu.memory_space<semaphore_mem>>) src(%arg18 : memref<128xf32, #tpu.memory_space<vmem>>) dst(%dma_wait3A_261 : memref<10240xf32, #tpu.memory_space<vmem_shared>>)
          tpu.yield
        }) : () -> ()
        %add3A_234 = arith.constant 1 : i32
        %add3A_235 = arith.addi %mul3A_220, %add3A_234 : i32
        %dma_wait3A_236 = arith.constant 0 : i32
        %dma_wait3A_237 = tpu.memref_slice %arg12[%add3A_235, %dma_wait3A_236] : memref<40x128xi32, #tpu.memory_space<vmem>> -> memref<1x128xi32, #tpu.memory_space<vmem>>
        %dma_wait3A_238 = tpu.memref_squeeze %dma_wait3A_237 : memref<1x128xi32, #tpu.memory_space<vmem>> -> memref<128xi32, #tpu.memory_space<vmem>>
        %dma_wait3A_239 = arith.constant 0 : i32
        %dma_wait3A_240 = arith.constant 0 : i32
        %dma_wait3A_241 = tpu.memref_slice %arg2[%dma_wait3A_239, %dma_wait3A_240] : memref<10240x128xf32, #tpu.memory_space<hbm>> -> memref<10240x128xf32, #tpu.memory_space<hbm>>
        tpu.wait_indirect_dma semaphore(%arg22 : memref<!tpu.dma_semaphore, #tpu.memory_space<semaphore_mem>>) src(%dma_wait3A_241 : memref<10240x128xf32, #tpu.memory_space<hbm>>) dst(%arg15 : memref<128x128xf32, #tpu.memory_space<vmem>>)
        %add3A_242 = arith.constant 2 : i32
        %add3A_243 = arith.addi %mul3A_220, %add3A_242 : i32
        %lt3A = arith.constant 40 : i32
        %lt3A_244 = arith.cmpi slt, %add3A_243, %lt3A : i32
        %convert_element_type3A_245 = arith.extui %lt3A_244 : i1 to i32
        %cond3A_246 = arith.constant 0 : i32
        %cond3A_247 = arith.cmpi ne, %convert_element_type3A_245, %cond3A_246 : i32
        scf.if %cond3A_247 {
          %add3A_252 = arith.constant 2 : i32
          %add3A_253 = arith.addi %mul3A_220, %add3A_252 : i32
          %dma_start3A_254 = arith.constant 0 : i32
          %dma_start3A_255 = tpu.memref_slice %arg12[%add3A_253, %dma_start3A_254] : memref<40x128xi32, #tpu.memory_space<vmem>> -> memref<1x128xi32, #tpu.memory_space<vmem>>
          %dma_start3A_256 = tpu.memref_squeeze %dma_start3A_255 : memref<1x128xi32, #tpu.memory_space<vmem>> -> memref<128xi32, #tpu.memory_space<vmem>>
          %dma_start3A_257 = arith.constant 0 : i32
          %dma_start3A_258 = arith.constant 0 : i32
          %dma_start3A_259 = tpu.memref_slice %arg2[%dma_start3A_257, %dma_start3A_258] : memref<10240x128xf32, #tpu.memory_space<hbm>> -> memref<10240x128xf32, #tpu.memory_space<hbm>>
          tpu.enqueue_indirect_dma source(%dma_start3A_259 : memref<10240x128xf32, #tpu.memory_space<hbm>>) target(%arg14 : memref<128x128xf32, #tpu.memory_space<vmem>>) offsets(%dma_start3A_256 : memref<128xi32, #tpu.memory_space<vmem>>) semaphore(%arg21 : memref<!tpu.dma_semaphore, #tpu.memory_space<semaphore_mem>>)
        } else {
        }
        %add3A_248 = arith.constant 1 : i32
        %add3A_249 = arith.addi %mul3A_220, %add3A_248 : i32
        "tpu.region"() ({
          %run_scoped3A = tpu.sem_alloc : memref<!tpu.dma_semaphore, #tpu.memory_space<semaphore_mem>>
          %dma_start3A_252 = arith.constant 0 : i32
          %dma_start3A_253 = tpu.memref_slice %arg13[%add3A_249, %dma_start3A_252] : memref<40x128xi32, #tpu.memory_space<vmem>> -> memref<1x128xi32, #tpu.memory_space<vmem>>
          %dma_start3A_254 = tpu.memref_squeeze %dma_start3A_253 : memref<1x128xi32, #tpu.memory_space<vmem>> -> memref<128xi32, #tpu.memory_space<vmem>>
          %dma_start3A_255 = arith.constant 0 : i32
          %dma_start3A_256 = arith.constant 0 : i32
          %dma_start3A_257 = tpu.memref_slice %arg19[%dma_start3A_255, %dma_start3A_256] : memref<10240x128xf32, #tpu.memory_space<vmem_shared>> -> memref<10240x128xf32, #tpu.memory_space<vmem_shared>>
          tpu.enqueue_indirect_dma source(%arg15 : memref<128x128xf32, #tpu.memory_space<vmem>>) target(%dma_start3A_257 : memref<10240x128xf32, #tpu.memory_space<vmem_shared>>) offsets(%dma_start3A_254 : memref<128xi32, #tpu.memory_space<vmem>>) semaphore(%run_scoped3A : memref<!tpu.dma_semaphore, #tpu.memory_space<semaphore_mem>>) {add = true}
          %dma_wait3A_258 = arith.constant 0 : i32
          %dma_wait3A_259 = tpu.memref_slice %arg13[%add3A_249, %dma_wait3A_258] : memref<40x128xi32, #tpu.memory_space<vmem>> -> memref<1x128xi32, #tpu.memory_space<vmem>>
          %dma_wait3A_260 = tpu.memref_squeeze %dma_wait3A_259 : memref<1x128xi32, #tpu.memory_space<vmem>> -> memref<128xi32, #tpu.memory_space<vmem>>
          %dma_wait3A_261 = arith.constant 0 : i32
          %dma_wait3A_262 = arith.constant 0 : i32
          %dma_wait3A_263 = tpu.memref_slice %arg19[%dma_wait3A_261, %dma_wait3A_262] : memref<10240x128xf32, #tpu.memory_space<vmem_shared>> -> memref<10240x128xf32, #tpu.memory_space<vmem_shared>>
          tpu.wait_indirect_dma semaphore(%run_scoped3A : memref<!tpu.dma_semaphore, #tpu.memory_space<semaphore_mem>>) src(%arg15 : memref<128x128xf32, #tpu.memory_space<vmem>>) dst(%dma_wait3A_263 : memref<10240x128xf32, #tpu.memory_space<vmem_shared>>)
          tpu.yield
        }) : () -> ()
        %add3A_250 = arith.constant 1 : i32
        %add3A_251 = arith.addi %mul3A_220, %add3A_250 : i32
        "tpu.region"() ({
          %run_scoped3A = tpu.sem_alloc : memref<!tpu.dma_semaphore, #tpu.memory_space<semaphore_mem>>
          %dma_start3A_252 = arith.constant 0 : i32
          %dma_start3A_253 = tpu.memref_slice %arg13[%add3A_251, %dma_start3A_252] : memref<40x128xi32, #tpu.memory_space<vmem>> -> memref<1x128xi32, #tpu.memory_space<vmem>>
          %dma_start3A_254 = tpu.memref_squeeze %dma_start3A_253 : memref<1x128xi32, #tpu.memory_space<vmem>> -> memref<128xi32, #tpu.memory_space<vmem>>
          %dma_start3A_255 = arith.constant 0 : i32
          %dma_start3A_256 = tpu.memref_slice %arg20[%dma_start3A_255] : memref<10240xf32, #tpu.memory_space<vmem_shared>> -> memref<10240xf32, #tpu.memory_space<vmem_shared>>
          tpu.enqueue_indirect_dma source(%arg18 : memref<128xf32, #tpu.memory_space<vmem>>) target(%dma_start3A_256 : memref<10240xf32, #tpu.memory_space<vmem_shared>>) offsets(%dma_start3A_254 : memref<128xi32, #tpu.memory_space<vmem>>) semaphore(%run_scoped3A : memref<!tpu.dma_semaphore, #tpu.memory_space<semaphore_mem>>) {add = true}
          %dma_wait3A_257 = arith.constant 0 : i32
          %dma_wait3A_258 = tpu.memref_slice %arg13[%add3A_251, %dma_wait3A_257] : memref<40x128xi32, #tpu.memory_space<vmem>> -> memref<1x128xi32, #tpu.memory_space<vmem>>
          %dma_wait3A_259 = tpu.memref_squeeze %dma_wait3A_258 : memref<1x128xi32, #tpu.memory_space<vmem>> -> memref<128xi32, #tpu.memory_space<vmem>>
          %dma_wait3A_260 = arith.constant 0 : i32
          %dma_wait3A_261 = tpu.memref_slice %arg20[%dma_wait3A_260] : memref<10240xf32, #tpu.memory_space<vmem_shared>> -> memref<10240xf32, #tpu.memory_space<vmem_shared>>
          tpu.wait_indirect_dma semaphore(%run_scoped3A : memref<!tpu.dma_semaphore, #tpu.memory_space<semaphore_mem>>) src(%arg18 : memref<128xf32, #tpu.memory_space<vmem>>) dst(%dma_wait3A_261 : memref<10240xf32, #tpu.memory_space<vmem_shared>>)
          tpu.yield
        }) : () -> ()
      }
      %scan3A_217 = arith.constant 20 : i32
    } else {
    }
    %eq3A_162 = arith.constant 1 : i32
    %eq3A_163 = arith.cmpi eq, %arg0, %eq3A_162 : i32
    %convert_element_type3A_164 = arith.extui %eq3A_163 : i1 to i32
    %cond3A_165 = arith.constant 0 : i32
    %cond3A_166 = arith.cmpi ne, %convert_element_type3A_164, %cond3A_165 : i32
    scf.if %cond3A_166 {
      %mul3A_178 = arith.constant 80 : i32
      %mul3A_179 = arith.muli %arg1, %mul3A_178 : i32
      %add3A_180 = arith.constant 0 : i32
      %add3A_181 = arith.addi %mul3A_179, %add3A_180 : i32
      "tpu.region"() ({
        %run_scoped3A = tpu.sem_alloc : memref<!tpu.dma_semaphore, #tpu.memory_space<semaphore_mem>>
        %dma_start3A_218 = arith.constant 0 : i32
        %dma_start3A_219 = tpu.memref_slice %arg4[%add3A_181, %dma_start3A_218] : memref<1280x128xi32, #tpu.memory_space<hbm>> -> memref<40x128xi32, #tpu.memory_space<hbm>>
        %dma_start3A_220 = arith.constant 0 : i32
        %dma_start3A_221 = tpu.memref_slice %arg4[%add3A_181, %dma_start3A_220] : memref<1280x128xi32, #tpu.memory_space<hbm>> -> memref<40x128xi32, #tpu.memory_space<hbm>>
        tpu.enqueue_dma source(%dma_start3A_221 : memref<40x128xi32, #tpu.memory_space<hbm>>) target(%arg12 : memref<40x128xi32, #tpu.memory_space<vmem>>) target_semaphore(%run_scoped3A : memref<!tpu.dma_semaphore, #tpu.memory_space<semaphore_mem>>)
        %dma_wait3A = arith.constant 0 : i32
        %dma_wait3A_222 = tpu.memref_slice %arg4[%add3A_181, %dma_wait3A] : memref<1280x128xi32, #tpu.memory_space<hbm>> -> memref<40x128xi32, #tpu.memory_space<hbm>>
        %dma_wait3A_223 = arith.constant 0 : i32
        %dma_wait3A_224 = tpu.memref_slice %arg4[%add3A_181, %dma_wait3A_223] : memref<1280x128xi32, #tpu.memory_space<hbm>> -> memref<40x128xi32, #tpu.memory_space<hbm>>
        tpu.wait_dma2 semaphore(%run_scoped3A : memref<!tpu.dma_semaphore, #tpu.memory_space<semaphore_mem>>) src(%dma_wait3A_224 : memref<40x128xi32, #tpu.memory_space<hbm>>) dst(%arg12 : memref<40x128xi32, #tpu.memory_space<vmem>>)
        tpu.yield
      }) : () -> ()
      %mul3A_182 = arith.constant 80 : i32
      %mul3A_183 = arith.muli %arg1, %mul3A_182 : i32
      %add3A_184 = arith.constant 0 : i32
      %add3A_185 = arith.addi %mul3A_183, %add3A_184 : i32
      "tpu.region"() ({
        %run_scoped3A = tpu.sem_alloc : memref<!tpu.dma_semaphore, #tpu.memory_space<semaphore_mem>>
        %dma_start3A_218 = arith.constant 0 : i32
        %dma_start3A_219 = tpu.memref_slice %arg5[%add3A_185, %dma_start3A_218] : memref<1280x128xi32, #tpu.memory_space<hbm>> -> memref<40x128xi32, #tpu.memory_space<hbm>>
        %dma_start3A_220 = arith.constant 0 : i32
        %dma_start3A_221 = tpu.memref_slice %arg5[%add3A_185, %dma_start3A_220] : memref<1280x128xi32, #tpu.memory_space<hbm>> -> memref<40x128xi32, #tpu.memory_space<hbm>>
        tpu.enqueue_dma source(%dma_start3A_221 : memref<40x128xi32, #tpu.memory_space<hbm>>) target(%arg13 : memref<40x128xi32, #tpu.memory_space<vmem>>) target_semaphore(%run_scoped3A : memref<!tpu.dma_semaphore, #tpu.memory_space<semaphore_mem>>)
        %dma_wait3A = arith.constant 0 : i32
        %dma_wait3A_222 = tpu.memref_slice %arg5[%add3A_185, %dma_wait3A] : memref<1280x128xi32, #tpu.memory_space<hbm>> -> memref<40x128xi32, #tpu.memory_space<hbm>>
        %dma_wait3A_223 = arith.constant 0 : i32
        %dma_wait3A_224 = tpu.memref_slice %arg5[%add3A_185, %dma_wait3A_223] : memref<1280x128xi32, #tpu.memory_space<hbm>> -> memref<40x128xi32, #tpu.memory_space<hbm>>
        tpu.wait_dma2 semaphore(%run_scoped3A : memref<!tpu.dma_semaphore, #tpu.memory_space<semaphore_mem>>) src(%dma_wait3A_224 : memref<40x128xi32, #tpu.memory_space<hbm>>) dst(%arg13 : memref<40x128xi32, #tpu.memory_space<vmem>>)
        tpu.yield
      }) : () -> ()
      %dma_start3A = arith.constant 0 : i32
      %dma_start3A_186 = arith.constant 0 : i32
      %dma_start3A_187 = tpu.memref_slice %arg12[%dma_start3A, %dma_start3A_186] : memref<40x128xi32, #tpu.memory_space<vmem>> -> memref<1x128xi32, #tpu.memory_space<vmem>>
      %dma_start3A_188 = tpu.memref_squeeze %dma_start3A_187 : memref<1x128xi32, #tpu.memory_space<vmem>> -> memref<128xi32, #tpu.memory_space<vmem>>
      %dma_start3A_189 = arith.constant 0 : i32
      %dma_start3A_190 = arith.constant 0 : i32
      %dma_start3A_191 = tpu.memref_slice %arg3[%dma_start3A_189, %dma_start3A_190] : memref<10240x128xf32, #tpu.memory_space<hbm>> -> memref<10240x128xf32, #tpu.memory_space<hbm>>
      tpu.enqueue_indirect_dma source(%dma_start3A_191 : memref<10240x128xf32, #tpu.memory_space<hbm>>) target(%arg14 : memref<128x128xf32, #tpu.memory_space<vmem>>) offsets(%dma_start3A_188 : memref<128xi32, #tpu.memory_space<vmem>>) semaphore(%arg21 : memref<!tpu.dma_semaphore, #tpu.memory_space<semaphore_mem>>)
      %scan3A = arith.constant 0 : i32
      %scan3A_192 = arith.constant 0 : i32
      %scan3A_193 = arith.constant 20 : i32
      %scan3A_194 = arith.addi %scan3A_192, %scan3A_193 : i32
      %scan3A_195 = arith.constant 1 : i32
      scf.for %scan3A_218 = %scan3A_192 to %scan3A_194 step %scan3A_195  : i32 {
        %mul3A_219 = arith.constant 2 : i32
        %mul3A_220 = arith.muli %mul3A_219, %scan3A_218 : i32
        %dma_wait3A = arith.constant 0 : i32
        %dma_wait3A_221 = tpu.memref_slice %arg12[%mul3A_220, %dma_wait3A] : memref<40x128xi32, #tpu.memory_space<vmem>> -> memref<1x128xi32, #tpu.memory_space<vmem>>
        %dma_wait3A_222 = tpu.memref_squeeze %dma_wait3A_221 : memref<1x128xi32, #tpu.memory_space<vmem>> -> memref<128xi32, #tpu.memory_space<vmem>>
        %dma_wait3A_223 = arith.constant 0 : i32
        %dma_wait3A_224 = arith.constant 0 : i32
        %dma_wait3A_225 = tpu.memref_slice %arg3[%dma_wait3A_223, %dma_wait3A_224] : memref<10240x128xf32, #tpu.memory_space<hbm>> -> memref<10240x128xf32, #tpu.memory_space<hbm>>
        tpu.wait_indirect_dma semaphore(%arg21 : memref<!tpu.dma_semaphore, #tpu.memory_space<semaphore_mem>>) src(%dma_wait3A_225 : memref<10240x128xf32, #tpu.memory_space<hbm>>) dst(%arg14 : memref<128x128xf32, #tpu.memory_space<vmem>>)
        %add3A_226 = arith.constant 1 : i32
        %add3A_227 = arith.addi %mul3A_220, %add3A_226 : i32
        %dma_start3A_228 = arith.constant 0 : i32
        %dma_start3A_229 = tpu.memref_slice %arg12[%add3A_227, %dma_start3A_228] : memref<40x128xi32, #tpu.memory_space<vmem>> -> memref<1x128xi32, #tpu.memory_space<vmem>>
        %dma_start3A_230 = tpu.memref_squeeze %dma_start3A_229 : memref<1x128xi32, #tpu.memory_space<vmem>> -> memref<128xi32, #tpu.memory_space<vmem>>
        %dma_start3A_231 = arith.constant 0 : i32
        %dma_start3A_232 = arith.constant 0 : i32
        %dma_start3A_233 = tpu.memref_slice %arg3[%dma_start3A_231, %dma_start3A_232] : memref<10240x128xf32, #tpu.memory_space<hbm>> -> memref<10240x128xf32, #tpu.memory_space<hbm>>
        tpu.enqueue_indirect_dma source(%dma_start3A_233 : memref<10240x128xf32, #tpu.memory_space<hbm>>) target(%arg15 : memref<128x128xf32, #tpu.memory_space<vmem>>) offsets(%dma_start3A_230 : memref<128xi32, #tpu.memory_space<vmem>>) semaphore(%arg22 : memref<!tpu.dma_semaphore, #tpu.memory_space<semaphore_mem>>)
        "tpu.region"() ({
          %run_scoped3A = tpu.sem_alloc : memref<!tpu.dma_semaphore, #tpu.memory_space<semaphore_mem>>
          %dma_start3A_252 = arith.constant 0 : i32
          %dma_start3A_253 = tpu.memref_slice %arg13[%mul3A_220, %dma_start3A_252] : memref<40x128xi32, #tpu.memory_space<vmem>> -> memref<1x128xi32, #tpu.memory_space<vmem>>
          %dma_start3A_254 = tpu.memref_squeeze %dma_start3A_253 : memref<1x128xi32, #tpu.memory_space<vmem>> -> memref<128xi32, #tpu.memory_space<vmem>>
          %dma_start3A_255 = arith.constant 0 : i32
          %dma_start3A_256 = arith.constant 0 : i32
          %dma_start3A_257 = tpu.memref_slice %arg19[%dma_start3A_255, %dma_start3A_256] : memref<10240x128xf32, #tpu.memory_space<vmem_shared>> -> memref<10240x128xf32, #tpu.memory_space<vmem_shared>>
          tpu.enqueue_indirect_dma source(%arg14 : memref<128x128xf32, #tpu.memory_space<vmem>>) target(%dma_start3A_257 : memref<10240x128xf32, #tpu.memory_space<vmem_shared>>) offsets(%dma_start3A_254 : memref<128xi32, #tpu.memory_space<vmem>>) semaphore(%run_scoped3A : memref<!tpu.dma_semaphore, #tpu.memory_space<semaphore_mem>>) {add = true}
          %dma_wait3A_258 = arith.constant 0 : i32
          %dma_wait3A_259 = tpu.memref_slice %arg13[%mul3A_220, %dma_wait3A_258] : memref<40x128xi32, #tpu.memory_space<vmem>> -> memref<1x128xi32, #tpu.memory_space<vmem>>
          %dma_wait3A_260 = tpu.memref_squeeze %dma_wait3A_259 : memref<1x128xi32, #tpu.memory_space<vmem>> -> memref<128xi32, #tpu.memory_space<vmem>>
          %dma_wait3A_261 = arith.constant 0 : i32
          %dma_wait3A_262 = arith.constant 0 : i32
          %dma_wait3A_263 = tpu.memref_slice %arg19[%dma_wait3A_261, %dma_wait3A_262] : memref<10240x128xf32, #tpu.memory_space<vmem_shared>> -> memref<10240x128xf32, #tpu.memory_space<vmem_shared>>
          tpu.wait_indirect_dma semaphore(%run_scoped3A : memref<!tpu.dma_semaphore, #tpu.memory_space<semaphore_mem>>) src(%arg14 : memref<128x128xf32, #tpu.memory_space<vmem>>) dst(%dma_wait3A_263 : memref<10240x128xf32, #tpu.memory_space<vmem_shared>>)
          tpu.yield
        }) : () -> ()
        "tpu.region"() ({
          %run_scoped3A = tpu.sem_alloc : memref<!tpu.dma_semaphore, #tpu.memory_space<semaphore_mem>>
          %dma_start3A_252 = arith.constant 0 : i32
          %dma_start3A_253 = tpu.memref_slice %arg13[%mul3A_220, %dma_start3A_252] : memref<40x128xi32, #tpu.memory_space<vmem>> -> memref<1x128xi32, #tpu.memory_space<vmem>>
          %dma_start3A_254 = tpu.memref_squeeze %dma_start3A_253 : memref<1x128xi32, #tpu.memory_space<vmem>> -> memref<128xi32, #tpu.memory_space<vmem>>
          %dma_start3A_255 = arith.constant 0 : i32
          %dma_start3A_256 = tpu.memref_slice %arg20[%dma_start3A_255] : memref<10240xf32, #tpu.memory_space<vmem_shared>> -> memref<10240xf32, #tpu.memory_space<vmem_shared>>
          tpu.enqueue_indirect_dma source(%arg18 : memref<128xf32, #tpu.memory_space<vmem>>) target(%dma_start3A_256 : memref<10240xf32, #tpu.memory_space<vmem_shared>>) offsets(%dma_start3A_254 : memref<128xi32, #tpu.memory_space<vmem>>) semaphore(%run_scoped3A : memref<!tpu.dma_semaphore, #tpu.memory_space<semaphore_mem>>) {add = true}
          %dma_wait3A_257 = arith.constant 0 : i32
          %dma_wait3A_258 = tpu.memref_slice %arg13[%mul3A_220, %dma_wait3A_257] : memref<40x128xi32, #tpu.memory_space<vmem>> -> memref<1x128xi32, #tpu.memory_space<vmem>>
          %dma_wait3A_259 = tpu.memref_squeeze %dma_wait3A_258 : memref<1x128xi32, #tpu.memory_space<vmem>> -> memref<128xi32, #tpu.memory_space<vmem>>
          %dma_wait3A_260 = arith.constant 0 : i32
          %dma_wait3A_261 = tpu.memref_slice %arg20[%dma_wait3A_260] : memref<10240xf32, #tpu.memory_space<vmem_shared>> -> memref<10240xf32, #tpu.memory_space<vmem_shared>>
          tpu.wait_indirect_dma semaphore(%run_scoped3A : memref<!tpu.dma_semaphore, #tpu.memory_space<semaphore_mem>>) src(%arg18 : memref<128xf32, #tpu.memory_space<vmem>>) dst(%dma_wait3A_261 : memref<10240xf32, #tpu.memory_space<vmem_shared>>)
          tpu.yield
        }) : () -> ()
        %add3A_234 = arith.constant 1 : i32
        %add3A_235 = arith.addi %mul3A_220, %add3A_234 : i32
        %dma_wait3A_236 = arith.constant 0 : i32
        %dma_wait3A_237 = tpu.memref_slice %arg12[%add3A_235, %dma_wait3A_236] : memref<40x128xi32, #tpu.memory_space<vmem>> -> memref<1x128xi32, #tpu.memory_space<vmem>>
        %dma_wait3A_238 = tpu.memref_squeeze %dma_wait3A_237 : memref<1x128xi32, #tpu.memory_space<vmem>> -> memref<128xi32, #tpu.memory_space<vmem>>
        %dma_wait3A_239 = arith.constant 0 : i32
        %dma_wait3A_240 = arith.constant 0 : i32
        %dma_wait3A_241 = tpu.memref_slice %arg3[%dma_wait3A_239, %dma_wait3A_240] : memref<10240x128xf32, #tpu.memory_space<hbm>> -> memref<10240x128xf32, #tpu.memory_space<hbm>>
        tpu.wait_indirect_dma semaphore(%arg22 : memref<!tpu.dma_semaphore, #tpu.memory_space<semaphore_mem>>) src(%dma_wait3A_241 : memref<10240x128xf32, #tpu.memory_space<hbm>>) dst(%arg15 : memref<128x128xf32, #tpu.memory_space<vmem>>)
        %add3A_242 = arith.constant 2 : i32
        %add3A_243 = arith.addi %mul3A_220, %add3A_242 : i32
        %lt3A = arith.constant 40 : i32
        %lt3A_244 = arith.cmpi slt, %add3A_243, %lt3A : i32
        %convert_element_type3A_245 = arith.extui %lt3A_244 : i1 to i32
        %cond3A_246 = arith.constant 0 : i32
        %cond3A_247 = arith.cmpi ne, %convert_element_type3A_245, %cond3A_246 : i32
        scf.if %cond3A_247 {
          %add3A_252 = arith.constant 2 : i32
          %add3A_253 = arith.addi %mul3A_220, %add3A_252 : i32
          %dma_start3A_254 = arith.constant 0 : i32
          %dma_start3A_255 = tpu.memref_slice %arg12[%add3A_253, %dma_start3A_254] : memref<40x128xi32, #tpu.memory_space<vmem>> -> memref<1x128xi32, #tpu.memory_space<vmem>>
          %dma_start3A_256 = tpu.memref_squeeze %dma_start3A_255 : memref<1x128xi32, #tpu.memory_space<vmem>> -> memref<128xi32, #tpu.memory_space<vmem>>
          %dma_start3A_257 = arith.constant 0 : i32
          %dma_start3A_258 = arith.constant 0 : i32
          %dma_start3A_259 = tpu.memref_slice %arg3[%dma_start3A_257, %dma_start3A_258] : memref<10240x128xf32, #tpu.memory_space<hbm>> -> memref<10240x128xf32, #tpu.memory_space<hbm>>
          tpu.enqueue_indirect_dma source(%dma_start3A_259 : memref<10240x128xf32, #tpu.memory_space<hbm>>) target(%arg14 : memref<128x128xf32, #tpu.memory_space<vmem>>) offsets(%dma_start3A_256 : memref<128xi32, #tpu.memory_space<vmem>>) semaphore(%arg21 : memref<!tpu.dma_semaphore, #tpu.memory_space<semaphore_mem>>)
        } else {
        }
        %add3A_248 = arith.constant 1 : i32
        %add3A_249 = arith.addi %mul3A_220, %add3A_248 : i32
        "tpu.region"() ({
          %run_scoped3A = tpu.sem_alloc : memref<!tpu.dma_semaphore, #tpu.memory_space<semaphore_mem>>
          %dma_start3A_252 = arith.constant 0 : i32
          %dma_start3A_253 = tpu.memref_slice %arg13[%add3A_249, %dma_start3A_252] : memref<40x128xi32, #tpu.memory_space<vmem>> -> memref<1x128xi32, #tpu.memory_space<vmem>>
          %dma_start3A_254 = tpu.memref_squeeze %dma_start3A_253 : memref<1x128xi32, #tpu.memory_space<vmem>> -> memref<128xi32, #tpu.memory_space<vmem>>
          %dma_start3A_255 = arith.constant 0 : i32
          %dma_start3A_256 = arith.constant 0 : i32
          %dma_start3A_257 = tpu.memref_slice %arg19[%dma_start3A_255, %dma_start3A_256] : memref<10240x128xf32, #tpu.memory_space<vmem_shared>> -> memref<10240x128xf32, #tpu.memory_space<vmem_shared>>
          tpu.enqueue_indirect_dma source(%arg15 : memref<128x128xf32, #tpu.memory_space<vmem>>) target(%dma_start3A_257 : memref<10240x128xf32, #tpu.memory_space<vmem_shared>>) offsets(%dma_start3A_254 : memref<128xi32, #tpu.memory_space<vmem>>) semaphore(%run_scoped3A : memref<!tpu.dma_semaphore, #tpu.memory_space<semaphore_mem>>) {add = true}
          %dma_wait3A_258 = arith.constant 0 : i32
          %dma_wait3A_259 = tpu.memref_slice %arg13[%add3A_249, %dma_wait3A_258] : memref<40x128xi32, #tpu.memory_space<vmem>> -> memref<1x128xi32, #tpu.memory_space<vmem>>
          %dma_wait3A_260 = tpu.memref_squeeze %dma_wait3A_259 : memref<1x128xi32, #tpu.memory_space<vmem>> -> memref<128xi32, #tpu.memory_space<vmem>>
          %dma_wait3A_261 = arith.constant 0 : i32
          %dma_wait3A_262 = arith.constant 0 : i32
          %dma_wait3A_263 = tpu.memref_slice %arg19[%dma_wait3A_261, %dma_wait3A_262] : memref<10240x128xf32, #tpu.memory_space<vmem_shared>> -> memref<10240x128xf32, #tpu.memory_space<vmem_shared>>
          tpu.wait_indirect_dma semaphore(%run_scoped3A : memref<!tpu.dma_semaphore, #tpu.memory_space<semaphore_mem>>) src(%arg15 : memref<128x128xf32, #tpu.memory_space<vmem>>) dst(%dma_wait3A_263 : memref<10240x128xf32, #tpu.memory_space<vmem_shared>>)
          tpu.yield
        }) : () -> ()
        %add3A_250 = arith.constant 1 : i32
        %add3A_251 = arith.addi %mul3A_220, %add3A_250 : i32
        "tpu.region"() ({
          %run_scoped3A = tpu.sem_alloc : memref<!tpu.dma_semaphore, #tpu.memory_space<semaphore_mem>>
          %dma_start3A_252 = arith.constant 0 : i32
          %dma_start3A_253 = tpu.memref_slice %arg13[%add3A_251, %dma_start3A_252] : memref<40x128xi32, #tpu.memory_space<vmem>> -> memref<1x128xi32, #tpu.memory_space<vmem>>
          %dma_start3A_254 = tpu.memref_squeeze %dma_start3A_253 : memref<1x128xi32, #tpu.memory_space<vmem>> -> memref<128xi32, #tpu.memory_space<vmem>>
          %dma_start3A_255 = arith.constant 0 : i32
          %dma_start3A_256 = tpu.memref_slice %arg20[%dma_start3A_255] : memref<10240xf32, #tpu.memory_space<vmem_shared>> -> memref<10240xf32, #tpu.memory_space<vmem_shared>>
          tpu.enqueue_indirect_dma source(%arg18 : memref<128xf32, #tpu.memory_space<vmem>>) target(%dma_start3A_256 : memref<10240xf32, #tpu.memory_space<vmem_shared>>) offsets(%dma_start3A_254 : memref<128xi32, #tpu.memory_space<vmem>>) semaphore(%run_scoped3A : memref<!tpu.dma_semaphore, #tpu.memory_space<semaphore_mem>>) {add = true}
          %dma_wait3A_257 = arith.constant 0 : i32
          %dma_wait3A_258 = tpu.memref_slice %arg13[%add3A_251, %dma_wait3A_257] : memref<40x128xi32, #tpu.memory_space<vmem>> -> memref<1x128xi32, #tpu.memory_space<vmem>>
          %dma_wait3A_259 = tpu.memref_squeeze %dma_wait3A_258 : memref<1x128xi32, #tpu.memory_space<vmem>> -> memref<128xi32, #tpu.memory_space<vmem>>
          %dma_wait3A_260 = arith.constant 0 : i32
          %dma_wait3A_261 = tpu.memref_slice %arg20[%dma_wait3A_260] : memref<10240xf32, #tpu.memory_space<vmem_shared>> -> memref<10240xf32, #tpu.memory_space<vmem_shared>>
          tpu.wait_indirect_dma semaphore(%run_scoped3A : memref<!tpu.dma_semaphore, #tpu.memory_space<semaphore_mem>>) src(%arg18 : memref<128xf32, #tpu.memory_space<vmem>>) dst(%dma_wait3A_261 : memref<10240xf32, #tpu.memory_space<vmem_shared>>)
          tpu.yield
        }) : () -> ()
      }
      %scan3A_196 = arith.constant 20 : i32
      %mul3A_197 = arith.constant 80 : i32
      %mul3A_198 = arith.muli %arg1, %mul3A_197 : i32
      %add3A_199 = arith.constant 40 : i32
      %add3A_200 = arith.addi %mul3A_198, %add3A_199 : i32
      "tpu.region"() ({
        %run_scoped3A = tpu.sem_alloc : memref<!tpu.dma_semaphore, #tpu.memory_space<semaphore_mem>>
        %dma_start3A_218 = arith.constant 0 : i32
        %dma_start3A_219 = tpu.memref_slice %arg4[%add3A_200, %dma_start3A_218] : memref<1280x128xi32, #tpu.memory_space<hbm>> -> memref<40x128xi32, #tpu.memory_space<hbm>>
        %dma_start3A_220 = arith.constant 0 : i32
        %dma_start3A_221 = tpu.memref_slice %arg4[%add3A_200, %dma_start3A_220] : memref<1280x128xi32, #tpu.memory_space<hbm>> -> memref<40x128xi32, #tpu.memory_space<hbm>>
        tpu.enqueue_dma source(%dma_start3A_221 : memref<40x128xi32, #tpu.memory_space<hbm>>) target(%arg12 : memref<40x128xi32, #tpu.memory_space<vmem>>) target_semaphore(%run_scoped3A : memref<!tpu.dma_semaphore, #tpu.memory_space<semaphore_mem>>)
        %dma_wait3A = arith.constant 0 : i32
        %dma_wait3A_222 = tpu.memref_slice %arg4[%add3A_200, %dma_wait3A] : memref<1280x128xi32, #tpu.memory_space<hbm>> -> memref<40x128xi32, #tpu.memory_space<hbm>>
        %dma_wait3A_223 = arith.constant 0 : i32
        %dma_wait3A_224 = tpu.memref_slice %arg4[%add3A_200, %dma_wait3A_223] : memref<1280x128xi32, #tpu.memory_space<hbm>> -> memref<40x128xi32, #tpu.memory_space<hbm>>
        tpu.wait_dma2 semaphore(%run_scoped3A : memref<!tpu.dma_semaphore, #tpu.memory_space<semaphore_mem>>) src(%dma_wait3A_224 : memref<40x128xi32, #tpu.memory_space<hbm>>) dst(%arg12 : memref<40x128xi32, #tpu.memory_space<vmem>>)
        tpu.yield
      }) : () -> ()
      %mul3A_201 = arith.constant 80 : i32
      %mul3A_202 = arith.muli %arg1, %mul3A_201 : i32
      %add3A_203 = arith.constant 40 : i32
      %add3A_204 = arith.addi %mul3A_202, %add3A_203 : i32
      "tpu.region"() ({
        %run_scoped3A = tpu.sem_alloc : memref<!tpu.dma_semaphore, #tpu.memory_space<semaphore_mem>>
        %dma_start3A_218 = arith.constant 0 : i32
        %dma_start3A_219 = tpu.memref_slice %arg5[%add3A_204, %dma_start3A_218] : memref<1280x128xi32, #tpu.memory_space<hbm>> -> memref<40x128xi32, #tpu.memory_space<hbm>>
        %dma_start3A_220 = arith.constant 0 : i32
        %dma_start3A_221 = tpu.memref_slice %arg5[%add3A_204, %dma_start3A_220] : memref<1280x128xi32, #tpu.memory_space<hbm>> -> memref<40x128xi32, #tpu.memory_space<hbm>>
        tpu.enqueue_dma source(%dma_start3A_221 : memref<40x128xi32, #tpu.memory_space<hbm>>) target(%arg13 : memref<40x128xi32, #tpu.memory_space<vmem>>) target_semaphore(%run_scoped3A : memref<!tpu.dma_semaphore, #tpu.memory_space<semaphore_mem>>)
        %dma_wait3A = arith.constant 0 : i32
        %dma_wait3A_222 = tpu.memref_slice %arg5[%add3A_204, %dma_wait3A] : memref<1280x128xi32, #tpu.memory_space<hbm>> -> memref<40x128xi32, #tpu.memory_space<hbm>>
        %dma_wait3A_223 = arith.constant 0 : i32
        %dma_wait3A_224 = tpu.memref_slice %arg5[%add3A_204, %dma_wait3A_223] : memref<1280x128xi32, #tpu.memory_space<hbm>> -> memref<40x128xi32, #tpu.memory_space<hbm>>
        tpu.wait_dma2 semaphore(%run_scoped3A : memref<!tpu.dma_semaphore, #tpu.memory_space<semaphore_mem>>) src(%dma_wait3A_224 : memref<40x128xi32, #tpu.memory_space<hbm>>) dst(%arg13 : memref<40x128xi32, #tpu.memory_space<vmem>>)
        tpu.yield
      }) : () -> ()
      %dma_start3A_205 = arith.constant 0 : i32
      %dma_start3A_206 = arith.constant 0 : i32
      %dma_start3A_207 = tpu.memref_slice %arg12[%dma_start3A_205, %dma_start3A_206] : memref<40x128xi32, #tpu.memory_space<vmem>> -> memref<1x128xi32, #tpu.memory_space<vmem>>
      %dma_start3A_208 = tpu.memref_squeeze %dma_start3A_207 : memref<1x128xi32, #tpu.memory_space<vmem>> -> memref<128xi32, #tpu.memory_space<vmem>>
      %dma_start3A_209 = arith.constant 0 : i32
      %dma_start3A_210 = arith.constant 0 : i32
      %dma_start3A_211 = tpu.memref_slice %arg3[%dma_start3A_209, %dma_start3A_210] : memref<10240x128xf32, #tpu.memory_space<hbm>> -> memref<10240x128xf32, #tpu.memory_space<hbm>>
      tpu.enqueue_indirect_dma source(%dma_start3A_211 : memref<10240x128xf32, #tpu.memory_space<hbm>>) target(%arg14 : memref<128x128xf32, #tpu.memory_space<vmem>>) offsets(%dma_start3A_208 : memref<128xi32, #tpu.memory_space<vmem>>) semaphore(%arg21 : memref<!tpu.dma_semaphore, #tpu.memory_space<semaphore_mem>>)
      %scan3A_212 = arith.constant 0 : i32
      %scan3A_213 = arith.constant 0 : i32
      %scan3A_214 = arith.constant 20 : i32
      %scan3A_215 = arith.addi %scan3A_213, %scan3A_214 : i32
      %scan3A_216 = arith.constant 1 : i32
      scf.for %scan3A_218 = %scan3A_213 to %scan3A_215 step %scan3A_216  : i32 {
        %mul3A_219 = arith.constant 2 : i32
        %mul3A_220 = arith.muli %mul3A_219, %scan3A_218 : i32
        %dma_wait3A = arith.constant 0 : i32
        %dma_wait3A_221 = tpu.memref_slice %arg12[%mul3A_220, %dma_wait3A] : memref<40x128xi32, #tpu.memory_space<vmem>> -> memref<1x128xi32, #tpu.memory_space<vmem>>
        %dma_wait3A_222 = tpu.memref_squeeze %dma_wait3A_221 : memref<1x128xi32, #tpu.memory_space<vmem>> -> memref<128xi32, #tpu.memory_space<vmem>>
        %dma_wait3A_223 = arith.constant 0 : i32
        %dma_wait3A_224 = arith.constant 0 : i32
        %dma_wait3A_225 = tpu.memref_slice %arg3[%dma_wait3A_223, %dma_wait3A_224] : memref<10240x128xf32, #tpu.memory_space<hbm>> -> memref<10240x128xf32, #tpu.memory_space<hbm>>
        tpu.wait_indirect_dma semaphore(%arg21 : memref<!tpu.dma_semaphore, #tpu.memory_space<semaphore_mem>>) src(%dma_wait3A_225 : memref<10240x128xf32, #tpu.memory_space<hbm>>) dst(%arg14 : memref<128x128xf32, #tpu.memory_space<vmem>>)
        %add3A_226 = arith.constant 1 : i32
        %add3A_227 = arith.addi %mul3A_220, %add3A_226 : i32
        %dma_start3A_228 = arith.constant 0 : i32
        %dma_start3A_229 = tpu.memref_slice %arg12[%add3A_227, %dma_start3A_228] : memref<40x128xi32, #tpu.memory_space<vmem>> -> memref<1x128xi32, #tpu.memory_space<vmem>>
        %dma_start3A_230 = tpu.memref_squeeze %dma_start3A_229 : memref<1x128xi32, #tpu.memory_space<vmem>> -> memref<128xi32, #tpu.memory_space<vmem>>
        %dma_start3A_231 = arith.constant 0 : i32
        %dma_start3A_232 = arith.constant 0 : i32
        %dma_start3A_233 = tpu.memref_slice %arg3[%dma_start3A_231, %dma_start3A_232] : memref<10240x128xf32, #tpu.memory_space<hbm>> -> memref<10240x128xf32, #tpu.memory_space<hbm>>
        tpu.enqueue_indirect_dma source(%dma_start3A_233 : memref<10240x128xf32, #tpu.memory_space<hbm>>) target(%arg15 : memref<128x128xf32, #tpu.memory_space<vmem>>) offsets(%dma_start3A_230 : memref<128xi32, #tpu.memory_space<vmem>>) semaphore(%arg22 : memref<!tpu.dma_semaphore, #tpu.memory_space<semaphore_mem>>)
        "tpu.region"() ({
          %run_scoped3A = tpu.sem_alloc : memref<!tpu.dma_semaphore, #tpu.memory_space<semaphore_mem>>
          %dma_start3A_252 = arith.constant 0 : i32
          %dma_start3A_253 = tpu.memref_slice %arg13[%mul3A_220, %dma_start3A_252] : memref<40x128xi32, #tpu.memory_space<vmem>> -> memref<1x128xi32, #tpu.memory_space<vmem>>
          %dma_start3A_254 = tpu.memref_squeeze %dma_start3A_253 : memref<1x128xi32, #tpu.memory_space<vmem>> -> memref<128xi32, #tpu.memory_space<vmem>>
          %dma_start3A_255 = arith.constant 0 : i32
          %dma_start3A_256 = arith.constant 0 : i32
          %dma_start3A_257 = tpu.memref_slice %arg19[%dma_start3A_255, %dma_start3A_256] : memref<10240x128xf32, #tpu.memory_space<vmem_shared>> -> memref<10240x128xf32, #tpu.memory_space<vmem_shared>>
          tpu.enqueue_indirect_dma source(%arg14 : memref<128x128xf32, #tpu.memory_space<vmem>>) target(%dma_start3A_257 : memref<10240x128xf32, #tpu.memory_space<vmem_shared>>) offsets(%dma_start3A_254 : memref<128xi32, #tpu.memory_space<vmem>>) semaphore(%run_scoped3A : memref<!tpu.dma_semaphore, #tpu.memory_space<semaphore_mem>>) {add = true}
          %dma_wait3A_258 = arith.constant 0 : i32
          %dma_wait3A_259 = tpu.memref_slice %arg13[%mul3A_220, %dma_wait3A_258] : memref<40x128xi32, #tpu.memory_space<vmem>> -> memref<1x128xi32, #tpu.memory_space<vmem>>
          %dma_wait3A_260 = tpu.memref_squeeze %dma_wait3A_259 : memref<1x128xi32, #tpu.memory_space<vmem>> -> memref<128xi32, #tpu.memory_space<vmem>>
          %dma_wait3A_261 = arith.constant 0 : i32
          %dma_wait3A_262 = arith.constant 0 : i32
          %dma_wait3A_263 = tpu.memref_slice %arg19[%dma_wait3A_261, %dma_wait3A_262] : memref<10240x128xf32, #tpu.memory_space<vmem_shared>> -> memref<10240x128xf32, #tpu.memory_space<vmem_shared>>
          tpu.wait_indirect_dma semaphore(%run_scoped3A : memref<!tpu.dma_semaphore, #tpu.memory_space<semaphore_mem>>) src(%arg14 : memref<128x128xf32, #tpu.memory_space<vmem>>) dst(%dma_wait3A_263 : memref<10240x128xf32, #tpu.memory_space<vmem_shared>>)
          tpu.yield
        }) : () -> ()
        "tpu.region"() ({
          %run_scoped3A = tpu.sem_alloc : memref<!tpu.dma_semaphore, #tpu.memory_space<semaphore_mem>>
          %dma_start3A_252 = arith.constant 0 : i32
          %dma_start3A_253 = tpu.memref_slice %arg13[%mul3A_220, %dma_start3A_252] : memref<40x128xi32, #tpu.memory_space<vmem>> -> memref<1x128xi32, #tpu.memory_space<vmem>>
          %dma_start3A_254 = tpu.memref_squeeze %dma_start3A_253 : memref<1x128xi32, #tpu.memory_space<vmem>> -> memref<128xi32, #tpu.memory_space<vmem>>
          %dma_start3A_255 = arith.constant 0 : i32
          %dma_start3A_256 = tpu.memref_slice %arg20[%dma_start3A_255] : memref<10240xf32, #tpu.memory_space<vmem_shared>> -> memref<10240xf32, #tpu.memory_space<vmem_shared>>
          tpu.enqueue_indirect_dma source(%arg18 : memref<128xf32, #tpu.memory_space<vmem>>) target(%dma_start3A_256 : memref<10240xf32, #tpu.memory_space<vmem_shared>>) offsets(%dma_start3A_254 : memref<128xi32, #tpu.memory_space<vmem>>) semaphore(%run_scoped3A : memref<!tpu.dma_semaphore, #tpu.memory_space<semaphore_mem>>) {add = true}
          %dma_wait3A_257 = arith.constant 0 : i32
          %dma_wait3A_258 = tpu.memref_slice %arg13[%mul3A_220, %dma_wait3A_257] : memref<40x128xi32, #tpu.memory_space<vmem>> -> memref<1x128xi32, #tpu.memory_space<vmem>>
          %dma_wait3A_259 = tpu.memref_squeeze %dma_wait3A_258 : memref<1x128xi32, #tpu.memory_space<vmem>> -> memref<128xi32, #tpu.memory_space<vmem>>
          %dma_wait3A_260 = arith.constant 0 : i32
          %dma_wait3A_261 = tpu.memref_slice %arg20[%dma_wait3A_260] : memref<10240xf32, #tpu.memory_space<vmem_shared>> -> memref<10240xf32, #tpu.memory_space<vmem_shared>>
          tpu.wait_indirect_dma semaphore(%run_scoped3A : memref<!tpu.dma_semaphore, #tpu.memory_space<semaphore_mem>>) src(%arg18 : memref<128xf32, #tpu.memory_space<vmem>>) dst(%dma_wait3A_261 : memref<10240xf32, #tpu.memory_space<vmem_shared>>)
          tpu.yield
        }) : () -> ()
        %add3A_234 = arith.constant 1 : i32
        %add3A_235 = arith.addi %mul3A_220, %add3A_234 : i32
        %dma_wait3A_236 = arith.constant 0 : i32
        %dma_wait3A_237 = tpu.memref_slice %arg12[%add3A_235, %dma_wait3A_236] : memref<40x128xi32, #tpu.memory_space<vmem>> -> memref<1x128xi32, #tpu.memory_space<vmem>>
        %dma_wait3A_238 = tpu.memref_squeeze %dma_wait3A_237 : memref<1x128xi32, #tpu.memory_space<vmem>> -> memref<128xi32, #tpu.memory_space<vmem>>
        %dma_wait3A_239 = arith.constant 0 : i32
        %dma_wait3A_240 = arith.constant 0 : i32
        %dma_wait3A_241 = tpu.memref_slice %arg3[%dma_wait3A_239, %dma_wait3A_240] : memref<10240x128xf32, #tpu.memory_space<hbm>> -> memref<10240x128xf32, #tpu.memory_space<hbm>>
        tpu.wait_indirect_dma semaphore(%arg22 : memref<!tpu.dma_semaphore, #tpu.memory_space<semaphore_mem>>) src(%dma_wait3A_241 : memref<10240x128xf32, #tpu.memory_space<hbm>>) dst(%arg15 : memref<128x128xf32, #tpu.memory_space<vmem>>)
        %add3A_242 = arith.constant 2 : i32
        %add3A_243 = arith.addi %mul3A_220, %add3A_242 : i32
        %lt3A = arith.constant 40 : i32
        %lt3A_244 = arith.cmpi slt, %add3A_243, %lt3A : i32
        %convert_element_type3A_245 = arith.extui %lt3A_244 : i1 to i32
        %cond3A_246 = arith.constant 0 : i32
        %cond3A_247 = arith.cmpi ne, %convert_element_type3A_245, %cond3A_246 : i32
        scf.if %cond3A_247 {
          %add3A_252 = arith.constant 2 : i32
          %add3A_253 = arith.addi %mul3A_220, %add3A_252 : i32
          %dma_start3A_254 = arith.constant 0 : i32
          %dma_start3A_255 = tpu.memref_slice %arg12[%add3A_253, %dma_start3A_254] : memref<40x128xi32, #tpu.memory_space<vmem>> -> memref<1x128xi32, #tpu.memory_space<vmem>>
          %dma_start3A_256 = tpu.memref_squeeze %dma_start3A_255 : memref<1x128xi32, #tpu.memory_space<vmem>> -> memref<128xi32, #tpu.memory_space<vmem>>
          %dma_start3A_257 = arith.constant 0 : i32
          %dma_start3A_258 = arith.constant 0 : i32
          %dma_start3A_259 = tpu.memref_slice %arg3[%dma_start3A_257, %dma_start3A_258] : memref<10240x128xf32, #tpu.memory_space<hbm>> -> memref<10240x128xf32, #tpu.memory_space<hbm>>
          tpu.enqueue_indirect_dma source(%dma_start3A_259 : memref<10240x128xf32, #tpu.memory_space<hbm>>) target(%arg14 : memref<128x128xf32, #tpu.memory_space<vmem>>) offsets(%dma_start3A_256 : memref<128xi32, #tpu.memory_space<vmem>>) semaphore(%arg21 : memref<!tpu.dma_semaphore, #tpu.memory_space<semaphore_mem>>)
        } else {
        }
        %add3A_248 = arith.constant 1 : i32
        %add3A_249 = arith.addi %mul3A_220, %add3A_248 : i32
        "tpu.region"() ({
          %run_scoped3A = tpu.sem_alloc : memref<!tpu.dma_semaphore, #tpu.memory_space<semaphore_mem>>
          %dma_start3A_252 = arith.constant 0 : i32
          %dma_start3A_253 = tpu.memref_slice %arg13[%add3A_249, %dma_start3A_252] : memref<40x128xi32, #tpu.memory_space<vmem>> -> memref<1x128xi32, #tpu.memory_space<vmem>>
          %dma_start3A_254 = tpu.memref_squeeze %dma_start3A_253 : memref<1x128xi32, #tpu.memory_space<vmem>> -> memref<128xi32, #tpu.memory_space<vmem>>
          %dma_start3A_255 = arith.constant 0 : i32
          %dma_start3A_256 = arith.constant 0 : i32
          %dma_start3A_257 = tpu.memref_slice %arg19[%dma_start3A_255, %dma_start3A_256] : memref<10240x128xf32, #tpu.memory_space<vmem_shared>> -> memref<10240x128xf32, #tpu.memory_space<vmem_shared>>
          tpu.enqueue_indirect_dma source(%arg15 : memref<128x128xf32, #tpu.memory_space<vmem>>) target(%dma_start3A_257 : memref<10240x128xf32, #tpu.memory_space<vmem_shared>>) offsets(%dma_start3A_254 : memref<128xi32, #tpu.memory_space<vmem>>) semaphore(%run_scoped3A : memref<!tpu.dma_semaphore, #tpu.memory_space<semaphore_mem>>) {add = true}
          %dma_wait3A_258 = arith.constant 0 : i32
          %dma_wait3A_259 = tpu.memref_slice %arg13[%add3A_249, %dma_wait3A_258] : memref<40x128xi32, #tpu.memory_space<vmem>> -> memref<1x128xi32, #tpu.memory_space<vmem>>
          %dma_wait3A_260 = tpu.memref_squeeze %dma_wait3A_259 : memref<1x128xi32, #tpu.memory_space<vmem>> -> memref<128xi32, #tpu.memory_space<vmem>>
          %dma_wait3A_261 = arith.constant 0 : i32
          %dma_wait3A_262 = arith.constant 0 : i32
          %dma_wait3A_263 = tpu.memref_slice %arg19[%dma_wait3A_261, %dma_wait3A_262] : memref<10240x128xf32, #tpu.memory_space<vmem_shared>> -> memref<10240x128xf32, #tpu.memory_space<vmem_shared>>
          tpu.wait_indirect_dma semaphore(%run_scoped3A : memref<!tpu.dma_semaphore, #tpu.memory_space<semaphore_mem>>) src(%arg15 : memref<128x128xf32, #tpu.memory_space<vmem>>) dst(%dma_wait3A_263 : memref<10240x128xf32, #tpu.memory_space<vmem_shared>>)
          tpu.yield
        }) : () -> ()
        %add3A_250 = arith.constant 1 : i32
        %add3A_251 = arith.addi %mul3A_220, %add3A_250 : i32
        "tpu.region"() ({
          %run_scoped3A = tpu.sem_alloc : memref<!tpu.dma_semaphore, #tpu.memory_space<semaphore_mem>>
          %dma_start3A_252 = arith.constant 0 : i32
          %dma_start3A_253 = tpu.memref_slice %arg13[%add3A_251, %dma_start3A_252] : memref<40x128xi32, #tpu.memory_space<vmem>> -> memref<1x128xi32, #tpu.memory_space<vmem>>
          %dma_start3A_254 = tpu.memref_squeeze %dma_start3A_253 : memref<1x128xi32, #tpu.memory_space<vmem>> -> memref<128xi32, #tpu.memory_space<vmem>>
          %dma_start3A_255 = arith.constant 0 : i32
          %dma_start3A_256 = tpu.memref_slice %arg20[%dma_start3A_255] : memref<10240xf32, #tpu.memory_space<vmem_shared>> -> memref<10240xf32, #tpu.memory_space<vmem_shared>>
          tpu.enqueue_indirect_dma source(%arg18 : memref<128xf32, #tpu.memory_space<vmem>>) target(%dma_start3A_256 : memref<10240xf32, #tpu.memory_space<vmem_shared>>) offsets(%dma_start3A_254 : memref<128xi32, #tpu.memory_space<vmem>>) semaphore(%run_scoped3A : memref<!tpu.dma_semaphore, #tpu.memory_space<semaphore_mem>>) {add = true}
          %dma_wait3A_257 = arith.constant 0 : i32
          %dma_wait3A_258 = tpu.memref_slice %arg13[%add3A_251, %dma_wait3A_257] : memref<40x128xi32, #tpu.memory_space<vmem>> -> memref<1x128xi32, #tpu.memory_space<vmem>>
          %dma_wait3A_259 = tpu.memref_squeeze %dma_wait3A_258 : memref<1x128xi32, #tpu.memory_space<vmem>> -> memref<128xi32, #tpu.memory_space<vmem>>
          %dma_wait3A_260 = arith.constant 0 : i32
          %dma_wait3A_261 = tpu.memref_slice %arg20[%dma_wait3A_260] : memref<10240xf32, #tpu.memory_space<vmem_shared>> -> memref<10240xf32, #tpu.memory_space<vmem_shared>>
          tpu.wait_indirect_dma semaphore(%run_scoped3A : memref<!tpu.dma_semaphore, #tpu.memory_space<semaphore_mem>>) src(%arg18 : memref<128xf32, #tpu.memory_space<vmem>>) dst(%dma_wait3A_261 : memref<10240xf32, #tpu.memory_space<vmem_shared>>)
          tpu.yield
        }) : () -> ()
      }
      %scan3A_217 = arith.constant 20 : i32
    } else {
    }
    %barrier3A_167 = arith.constant 0 : index
    tpu.barrier barrier_id(%barrier3A_167)
    %eq3A_168 = arith.constant 0 : i32
    %eq3A_169 = arith.cmpi eq, %arg0, %eq3A_168 : i32
    %convert_element_type3A_170 = arith.extui %eq3A_169 : i1 to i32
    %cond3A_171 = arith.constant 0 : i32
    %cond3A_172 = arith.cmpi ne, %convert_element_type3A_170, %cond3A_171 : i32
    scf.if %cond3A_172 {
      %mul3A_178 = arith.constant 640 : i32
      %mul3A_179 = arith.muli %arg1, %mul3A_178 : i32
      %mul3A_180 = arith.constant 640 : i32
      %mul3A_181 = arith.muli %arg1, %mul3A_180 : i32
      "tpu.region"() ({
        %run_scoped3A = tpu.sem_alloc : memref<!tpu.dma_semaphore, #tpu.memory_space<semaphore_mem>>
        %dma_start3A = arith.constant 0 : i32
        %dma_start3A_186 = tpu.memref_slice %arg9[%mul3A_181, %dma_start3A] : memref<10240x128xf32, #tpu.memory_space<hbm>> -> memref<640x128xf32, #tpu.memory_space<hbm>>
        %dma_start3A_187 = arith.constant 0 : i32
        %dma_start3A_188 = tpu.memref_slice %arg19[%mul3A_179, %dma_start3A_187] : memref<10240x128xf32, #tpu.memory_space<vmem_shared>> -> memref<640x128xf32, #tpu.memory_space<vmem_shared>>
        tpu.enqueue_dma source(%dma_start3A_188 : memref<640x128xf32, #tpu.memory_space<vmem_shared>>) target(%dma_start3A_186 : memref<640x128xf32, #tpu.memory_space<hbm>>) target_semaphore(%run_scoped3A : memref<!tpu.dma_semaphore, #tpu.memory_space<semaphore_mem>>)
        %dma_wait3A = arith.constant 0 : i32
        %dma_wait3A_189 = tpu.memref_slice %arg9[%mul3A_181, %dma_wait3A] : memref<10240x128xf32, #tpu.memory_space<hbm>> -> memref<640x128xf32, #tpu.memory_space<hbm>>
        %dma_wait3A_190 = arith.constant 0 : i32
        %dma_wait3A_191 = tpu.memref_slice %arg19[%mul3A_179, %dma_wait3A_190] : memref<10240x128xf32, #tpu.memory_space<vmem_shared>> -> memref<640x128xf32, #tpu.memory_space<vmem_shared>>
        tpu.wait_dma2 semaphore(%run_scoped3A : memref<!tpu.dma_semaphore, #tpu.memory_space<semaphore_mem>>) src(%dma_wait3A_191 : memref<640x128xf32, #tpu.memory_space<vmem_shared>>) dst(%dma_wait3A_189 : memref<640x128xf32, #tpu.memory_space<hbm>>)
        tpu.yield
      }) : () -> ()
      %mul3A_182 = arith.constant 640 : i32
      %mul3A_183 = arith.muli %arg1, %mul3A_182 : i32
      %mul3A_184 = arith.constant 640 : i32
      %mul3A_185 = arith.muli %arg1, %mul3A_184 : i32
      "tpu.region"() ({
        %run_scoped3A = tpu.sem_alloc : memref<!tpu.dma_semaphore, #tpu.memory_space<semaphore_mem>>
        %dma_start3A = tpu.memref_slice %arg11[%mul3A_185] : memref<10240xf32, #tpu.memory_space<hbm>> -> memref<640xf32, #tpu.memory_space<hbm>>
        %dma_start3A_186 = tpu.memref_slice %arg20[%mul3A_183] : memref<10240xf32, #tpu.memory_space<vmem_shared>> -> memref<640xf32, #tpu.memory_space<vmem_shared>>
        tpu.enqueue_dma source(%dma_start3A_186 : memref<640xf32, #tpu.memory_space<vmem_shared>>) target(%dma_start3A : memref<640xf32, #tpu.memory_space<hbm>>) target_semaphore(%run_scoped3A : memref<!tpu.dma_semaphore, #tpu.memory_space<semaphore_mem>>)
        %dma_wait3A = tpu.memref_slice %arg11[%mul3A_185] : memref<10240xf32, #tpu.memory_space<hbm>> -> memref<640xf32, #tpu.memory_space<hbm>>
        %dma_wait3A_187 = tpu.memref_slice %arg20[%mul3A_183] : memref<10240xf32, #tpu.memory_space<vmem_shared>> -> memref<640xf32, #tpu.memory_space<vmem_shared>>
        tpu.wait_dma2 semaphore(%run_scoped3A : memref<!tpu.dma_semaphore, #tpu.memory_space<semaphore_mem>>) src(%dma_wait3A_187 : memref<640xf32, #tpu.memory_space<vmem_shared>>) dst(%dma_wait3A : memref<640xf32, #tpu.memory_space<hbm>>)
        tpu.yield
      }) : () -> ()
    } else {
    }
    %eq3A_173 = arith.constant 1 : i32
    %eq3A_174 = arith.cmpi eq, %arg0, %eq3A_173 : i32
    %convert_element_type3A_175 = arith.extui %eq3A_174 : i1 to i32
    %cond3A_176 = arith.constant 0 : i32
    %cond3A_177 = arith.cmpi ne, %convert_element_type3A_175, %cond3A_176 : i32
    scf.if %cond3A_177 {
      %mul3A_178 = arith.constant 640 : i32
      %mul3A_179 = arith.muli %arg1, %mul3A_178 : i32
      %mul3A_180 = arith.constant 640 : i32
      %mul3A_181 = arith.muli %arg1, %mul3A_180 : i32
      "tpu.region"() ({
        %run_scoped3A = tpu.sem_alloc : memref<!tpu.dma_semaphore, #tpu.memory_space<semaphore_mem>>
        %dma_start3A = arith.constant 0 : i32
        %dma_start3A_182 = tpu.memref_slice %arg10[%mul3A_181, %dma_start3A] : memref<10240x128xf32, #tpu.memory_space<hbm>> -> memref<640x128xf32, #tpu.memory_space<hbm>>
        %dma_start3A_183 = arith.constant 0 : i32
        %dma_start3A_184 = tpu.memref_slice %arg19[%mul3A_179, %dma_start3A_183] : memref<10240x128xf32, #tpu.memory_space<vmem_shared>> -> memref<640x128xf32, #tpu.memory_space<vmem_shared>>
        tpu.enqueue_dma source(%dma_start3A_184 : memref<640x128xf32, #tpu.memory_space<vmem_shared>>) target(%dma_start3A_182 : memref<640x128xf32, #tpu.memory_space<hbm>>) target_semaphore(%run_scoped3A : memref<!tpu.dma_semaphore, #tpu.memory_space<semaphore_mem>>)
        %dma_wait3A = arith.constant 0 : i32
        %dma_wait3A_185 = tpu.memref_slice %arg10[%mul3A_181, %dma_wait3A] : memref<10240x128xf32, #tpu.memory_space<hbm>> -> memref<640x128xf32, #tpu.memory_space<hbm>>
        %dma_wait3A_186 = arith.constant 0 : i32
        %dma_wait3A_187 = tpu.memref_slice %arg19[%mul3A_179, %dma_wait3A_186] : memref<10240x128xf32, #tpu.memory_space<vmem_shared>> -> memref<640x128xf32, #tpu.memory_space<vmem_shared>>
        tpu.wait_dma2 semaphore(%run_scoped3A : memref<!tpu.dma_semaphore, #tpu.memory_space<semaphore_mem>>) src(%dma_wait3A_187 : memref<640x128xf32, #tpu.memory_space<vmem_shared>>) dst(%dma_wait3A_185 : memref<640x128xf32, #tpu.memory_space<hbm>>)
        tpu.yield
      }) : () -> ()
    } else {
    }
    return
  }
}

module attributes {stable_mosaic.version = 14 : i64} {
  func.func @_proj_body(%arg0: i32, %arg1: memref<1024x256xf32, #tpu.memory_space<vmem>>, %arg2: memref<256x256xf32, #tpu.memory_space<vmem>>, %arg3: memref<1x256xf32, #tpu.memory_space<vmem>>, %arg4: memref<1024x128xf32, #tpu.memory_space<vmem>>, %arg5: memref<1024x128xf32, #tpu.memory_space<vmem>>) attributes {dimension_semantics = [#tpu.dimension_semantics<arbitrary>], iteration_bounds = array<i64: 10>, scalar_prefetch = 0 : i64, scratch_operands = 0 : i64, tpu.core_type = #tpu.core_type<tc>, window_params = [{transform_indices = @transform_0, window_bounds = array<i64: 1024, 256>}, {pipeline_mode = #tpu.pipeline_mode<synchronous>, transform_indices = @transform_1, window_bounds = array<i64: 256, 256>}, {pipeline_mode = #tpu.pipeline_mode<synchronous>, transform_indices = @transform_2, window_bounds = array<i64: 1, 256>}, {transform_indices = @transform_3, window_bounds = array<i64: 1024, 128>}, {transform_indices = @transform_4, window_bounds = array<i64: 1024, 128>}]} {
    %get3A = arith.constant 0 : index
    %get3A_0 = arith.constant 0 : index
    %get3A_1 = vector.load %arg1[%get3A, %get3A_0] : memref<1024x256xf32, #tpu.memory_space<vmem>>, vector<1024x256xf32>
    %get3A_2 = arith.constant 0 : index
    %get3A_3 = arith.constant 0 : index
    %get3A_4 = vector.load %arg2[%get3A_2, %get3A_3] : memref<256x256xf32, #tpu.memory_space<vmem>>, vector<256x256xf32>
    %dot_general3A = arith.constant dense<0.000000e+00> : vector<1024x256xf32>
    %dot_general3A_5 = tpu.matmul %get3A_1, %get3A_4, %dot_general3A {dimension_numbers = #tpu.dot_dimension_numbers<[1], [0], [0], [1], [0, 0, 1, 1], [], []>, transpose_lhs_hint = false} : vector<1024x256xf32>, vector<256x256xf32>, vector<1024x256xf32> -> vector<1024x256xf32>
    %get3A_6 = arith.constant 0 : index
    %get3A_7 = arith.constant 0 : index
    %get3A_8 = vector.load %arg3[%get3A_6, %get3A_7] : memref<1x256xf32, #tpu.memory_space<vmem>>, vector<1x256xf32>
    %add3A = vector.broadcast %get3A_8 : vector<1x256xf32> to vector<1024x256xf32>
    %add3A_9 = arith.addf %dot_general3A_5, %add3A : vector<1024x256xf32>
    %slice3A = vector.extract_strided_slice %add3A_9 {offsets = [0, 0], sizes = [1024, 128], strides = [1, 1]} : vector<1024x256xf32> to vector<1024x128xf32>
    %swap3A = arith.constant 0 : index
    %swap3A_10 = arith.constant 0 : index
    %swap3A_11 = vector.load %arg4[%swap3A, %swap3A_10] : memref<1024x128xf32, #tpu.memory_space<vmem>>, vector<1024x128xf32>
    tpu.vector_store %arg4[%swap3A, %swap3A_10], %slice3A {strides = array<i32>} : memref<1024x128xf32, #tpu.memory_space<vmem>>, vector<1024x128xf32>,
    %slice3A_12 = vector.extract_strided_slice %add3A_9 {offsets = [0, 128], sizes = [1024, 128], strides = [1, 1]} : vector<1024x256xf32> to vector<1024x128xf32>
    %swap3A_13 = arith.constant 0 : index
    %swap3A_14 = arith.constant 0 : index
    %swap3A_15 = vector.load %arg5[%swap3A_13, %swap3A_14] : memref<1024x128xf32, #tpu.memory_space<vmem>>, vector<1024x128xf32>
    tpu.vector_store %arg5[%swap3A_13, %swap3A_14], %slice3A_12 {strides = array<i32>} : memref<1024x128xf32, #tpu.memory_space<vmem>>, vector<1024x128xf32>,
    return
  }
  func.func @transform_0(%arg0: i32) -> (i32, i32) {
    %c0_i32 = arith.constant 0 : i32
    %c0_i32_0 = arith.constant 0 : i32
    return %arg0, %c0_i32 : i32, i32
  }
  func.func @transform_1(%arg0: i32) -> (i32, i32) {
    %c0_i32 = arith.constant 0 : i32
    %c0_i32_0 = arith.constant 0 : i32
    %c0_i32_1 = arith.constant 0 : i32
    return %c0_i32, %c0_i32_0 : i32, i32
  }
  func.func @transform_2(%arg0: i32) -> (i32, i32) {
    %c0_i32 = arith.constant 0 : i32
    %c0_i32_0 = arith.constant 0 : i32
    %c0_i32_1 = arith.constant 0 : i32
    return %c0_i32, %c0_i32_0 : i32, i32
  }
  func.func @transform_3(%arg0: i32) -> (i32, i32) {
    %c0_i32 = arith.constant 0 : i32
    %c0_i32_0 = arith.constant 0 : i32
    return %arg0, %c0_i32 : i32, i32
  }
  func.func @transform_4(%arg0: i32) -> (i32, i32) {
    %c0_i32 = arith.constant 0 : i32
    %c0_i32_0 = arith.constant 0 : i32
    return %arg0, %c0_i32 : i32, i32
  }
}

module attributes {stable_mosaic.version = 14 : i64} {
  func.func @_conv_body(%arg0: i32, %arg1: memref<1024x128xf32, #tpu.memory_space<vmem>>, %arg2: memref<1024x128xf32, #tpu.memory_space<vmem>>, %arg3: memref<1024x128xf32, #tpu.memory_space<vmem>>, %arg4: memref<1024x128xf32, #tpu.memory_space<vmem>>, %arg5: memref<1024x1xf32, #tpu.memory_space<vmem>>, %arg6: memref<128x256xf32, #tpu.memory_space<vmem>>, %arg7: memref<128x256xf32, #tpu.memory_space<vmem>>, %arg8: memref<128x256xf32, #tpu.memory_space<vmem>>, %arg9: memref<128x256xf32, #tpu.memory_space<vmem>>, %arg10: memref<1x256xf32, #tpu.memory_space<vmem>>, %arg11: memref<1024x128xf32, #tpu.memory_space<vmem>>, %arg12: memref<1024x128xf32, #tpu.memory_space<vmem>>) attributes {dimension_semantics = [#tpu.dimension_semantics<arbitrary>], iteration_bounds = array<i64: 10>, scalar_prefetch = 0 : i64, scratch_operands = 0 : i64, tpu.core_type = #tpu.core_type<tc>, window_params = [{transform_indices = @transform_0, window_bounds = array<i64: 1024, 128>}, {transform_indices = @transform_1, window_bounds = array<i64: 1024, 128>}, {transform_indices = @transform_2, window_bounds = array<i64: 1024, 128>}, {transform_indices = @transform_3, window_bounds = array<i64: 1024, 128>}, {transform_indices = @transform_4, window_bounds = array<i64: 1024, 1>}, {pipeline_mode = #tpu.pipeline_mode<synchronous>, transform_indices = @transform_5, window_bounds = array<i64: 128, 256>}, {pipeline_mode = #tpu.pipeline_mode<synchronous>, transform_indices = @transform_6, window_bounds = array<i64: 128, 256>}, {pipeline_mode = #tpu.pipeline_mode<synchronous>, transform_indices = @transform_7, window_bounds = array<i64: 128, 256>}, {pipeline_mode = #tpu.pipeline_mode<synchronous>, transform_indices = @transform_8, window_bounds = array<i64: 128, 256>}, {pipeline_mode = #tpu.pipeline_mode<synchronous>, transform_indices = @transform_9, window_bounds = array<i64: 1, 256>}, {transform_indices = @transform_10, window_bounds = array<i64: 1024, 128>}, {transform_indices = @transform_11, window_bounds = array<i64: 1024, 128>}]} {
    %get3A = arith.constant 0 : index
    %get3A_0 = arith.constant 0 : index
    %get3A_1 = vector.load %arg5[%get3A, %get3A_0] : memref<1024x1xf32, #tpu.memory_space<vmem>>, vector<1024x1xf32>
    %max3A = arith.constant 1.000000e+00 : f32
    %max3A_2 = vector.broadcast %max3A : f32 to vector<1024x1xf32>
    %max3A_3 = arith.maximumf %get3A_1, %max3A_2 : vector<1024x1xf32>
    %get3A_4 = arith.constant 0 : index
    %get3A_5 = arith.constant 0 : index
    %get3A_6 = vector.load %arg1[%get3A_4, %get3A_5] : memref<1024x128xf32, #tpu.memory_space<vmem>>, vector<1024x128xf32>
    %div3A = vector.broadcast %max3A_3 : vector<1024x1xf32> to vector<1024x128xf32>
    %div3A_7 = arith.divf %get3A_6, %div3A : vector<1024x128xf32>
    %get3A_8 = arith.constant 0 : index
    %get3A_9 = arith.constant 0 : index
    %get3A_10 = vector.load %arg2[%get3A_8, %get3A_9] : memref<1024x128xf32, #tpu.memory_space<vmem>>, vector<1024x128xf32>
    %div3A_11 = vector.broadcast %max3A_3 : vector<1024x1xf32> to vector<1024x128xf32>
    %div3A_12 = arith.divf %get3A_10, %div3A_11 : vector<1024x128xf32>
    %get3A_13 = arith.constant 0 : index
    %get3A_14 = arith.constant 0 : index
    %get3A_15 = vector.load %arg6[%get3A_13, %get3A_14] : memref<128x256xf32, #tpu.memory_space<vmem>>, vector<128x256xf32>
    %dot_general3A = arith.constant dense<0.000000e+00> : vector<1024x256xf32>
    %dot_general3A_16 = tpu.matmul %div3A_7, %get3A_15, %dot_general3A {dimension_numbers = #tpu.dot_dimension_numbers<[1], [0], [0], [1], [0, 0, 1, 1], [], []>, transpose_lhs_hint = false} : vector<1024x128xf32>, vector<128x256xf32>, vector<1024x256xf32> -> vector<1024x256xf32>
    %get3A_17 = arith.constant 0 : index
    %get3A_18 = arith.constant 0 : index
    %get3A_19 = vector.load %arg7[%get3A_17, %get3A_18] : memref<128x256xf32, #tpu.memory_space<vmem>>, vector<128x256xf32>
    %dot_general3A_20 = arith.constant dense<0.000000e+00> : vector<1024x256xf32>
    %dot_general3A_21 = tpu.matmul %div3A_12, %get3A_19, %dot_general3A_20 {dimension_numbers = #tpu.dot_dimension_numbers<[1], [0], [0], [1], [0, 0, 1, 1], [], []>, transpose_lhs_hint = false} : vector<1024x128xf32>, vector<128x256xf32>, vector<1024x256xf32> -> vector<1024x256xf32>
    %add3A = arith.addf %dot_general3A_16, %dot_general3A_21 : vector<1024x256xf32>
    %get3A_22 = arith.constant 0 : index
    %get3A_23 = arith.constant 0 : index
    %get3A_24 = vector.load %arg3[%get3A_22, %get3A_23] : memref<1024x128xf32, #tpu.memory_space<vmem>>, vector<1024x128xf32>
    %get3A_25 = arith.constant 0 : index
    %get3A_26 = arith.constant 0 : index
    %get3A_27 = vector.load %arg8[%get3A_25, %get3A_26] : memref<128x256xf32, #tpu.memory_space<vmem>>, vector<128x256xf32>
    %dot_general3A_28 = arith.constant dense<0.000000e+00> : vector<1024x256xf32>
    %dot_general3A_29 = tpu.matmul %get3A_24, %get3A_27, %dot_general3A_28 {dimension_numbers = #tpu.dot_dimension_numbers<[1], [0], [0], [1], [0, 0, 1, 1], [], []>, transpose_lhs_hint = false} : vector<1024x128xf32>, vector<128x256xf32>, vector<1024x256xf32> -> vector<1024x256xf32>
    %add3A_30 = arith.addf %add3A, %dot_general3A_29 : vector<1024x256xf32>
    %get3A_31 = arith.constant 0 : index
    %get3A_32 = arith.constant 0 : index
    %get3A_33 = vector.load %arg4[%get3A_31, %get3A_32] : memref<1024x128xf32, #tpu.memory_space<vmem>>, vector<1024x128xf32>
    %get3A_34 = arith.constant 0 : index
    %get3A_35 = arith.constant 0 : index
    %get3A_36 = vector.load %arg9[%get3A_34, %get3A_35] : memref<128x256xf32, #tpu.memory_space<vmem>>, vector<128x256xf32>
    %dot_general3A_37 = arith.constant dense<0.000000e+00> : vector<1024x256xf32>
    %dot_general3A_38 = tpu.matmul %get3A_33, %get3A_36, %dot_general3A_37 {dimension_numbers = #tpu.dot_dimension_numbers<[1], [0], [0], [1], [0, 0, 1, 1], [], []>, transpose_lhs_hint = false} : vector<1024x128xf32>, vector<128x256xf32>, vector<1024x256xf32> -> vector<1024x256xf32>
    %add3A_39 = arith.addf %add3A_30, %dot_general3A_38 : vector<1024x256xf32>
    %get3A_40 = arith.constant 0 : index
    %get3A_41 = arith.constant 0 : index
    %get3A_42 = vector.load %arg10[%get3A_40, %get3A_41] : memref<1x256xf32, #tpu.memory_space<vmem>>, vector<1x256xf32>
    %add3A_43 = vector.broadcast %get3A_42 : vector<1x256xf32> to vector<1024x256xf32>
    %add3A_44 = arith.addf %add3A_39, %add3A_43 : vector<1024x256xf32>
    %max3A_45 = arith.constant 0.000000e+00 : f32
    %max3A_46 = vector.broadcast %max3A_45 : f32 to vector<1024x256xf32>
    %max3A_47 = arith.maximumf %add3A_44, %max3A_46 : vector<1024x256xf32>
    %slice3A = vector.extract_strided_slice %max3A_47 {offsets = [0, 0], sizes = [1024, 128], strides = [1, 1]} : vector<1024x256xf32> to vector<1024x128xf32>
    %swap3A = arith.constant 0 : index
    %swap3A_48 = arith.constant 0 : index
    %swap3A_49 = vector.load %arg11[%swap3A, %swap3A_48] : memref<1024x128xf32, #tpu.memory_space<vmem>>, vector<1024x128xf32>
    tpu.vector_store %arg11[%swap3A, %swap3A_48], %slice3A {strides = array<i32>} : memref<1024x128xf32, #tpu.memory_space<vmem>>, vector<1024x128xf32>,
    %slice3A_50 = vector.extract_strided_slice %max3A_47 {offsets = [0, 128], sizes = [1024, 128], strides = [1, 1]} : vector<1024x256xf32> to vector<1024x128xf32>
    %swap3A_51 = arith.constant 0 : index
    %swap3A_52 = arith.constant 0 : index
    %swap3A_53 = vector.load %arg12[%swap3A_51, %swap3A_52] : memref<1024x128xf32, #tpu.memory_space<vmem>>, vector<1024x128xf32>
    tpu.vector_store %arg12[%swap3A_51, %swap3A_52], %slice3A_50 {strides = array<i32>} : memref<1024x128xf32, #tpu.memory_space<vmem>>, vector<1024x128xf32>,
    return
  }
  func.func @transform_0(%arg0: i32) -> (i32, i32) {
    %c0_i32 = arith.constant 0 : i32
    %c0_i32_0 = arith.constant 0 : i32
    return %arg0, %c0_i32 : i32, i32
  }
  func.func @transform_1(%arg0: i32) -> (i32, i32) {
    %c0_i32 = arith.constant 0 : i32
    %c0_i32_0 = arith.constant 0 : i32
    return %arg0, %c0_i32 : i32, i32
  }
  func.func @transform_2(%arg0: i32) -> (i32, i32) {
    %c0_i32 = arith.constant 0 : i32
    %c0_i32_0 = arith.constant 0 : i32
    return %arg0, %c0_i32 : i32, i32
  }
  func.func @transform_3(%arg0: i32) -> (i32, i32) {
    %c0_i32 = arith.constant 0 : i32
    %c0_i32_0 = arith.constant 0 : i32
    return %arg0, %c0_i32 : i32, i32
  }
  func.func @transform_4(%arg0: i32) -> (i32, i32) {
    %c0_i32 = arith.constant 0 : i32
    %c0_i32_0 = arith.constant 0 : i32
    return %arg0, %c0_i32 : i32, i32
  }
  func.func @transform_5(%arg0: i32) -> (i32, i32) {
    %c0_i32 = arith.constant 0 : i32
    %c0_i32_0 = arith.constant 0 : i32
    %c0_i32_1 = arith.constant 0 : i32
    return %c0_i32, %c0_i32_0 : i32, i32
  }
  func.func @transform_6(%arg0: i32) -> (i32, i32) {
    %c0_i32 = arith.constant 0 : i32
    %c0_i32_0 = arith.constant 0 : i32
    %c0_i32_1 = arith.constant 0 : i32
    return %c0_i32, %c0_i32_0 : i32, i32
  }
  func.func @transform_7(%arg0: i32) -> (i32, i32) {
    %c0_i32 = arith.constant 0 : i32
    %c0_i32_0 = arith.constant 0 : i32
    %c0_i32_1 = arith.constant 0 : i32
    return %c0_i32, %c0_i32_0 : i32, i32
  }
  func.func @transform_8(%arg0: i32) -> (i32, i32) {
    %c0_i32 = arith.constant 0 : i32
    %c0_i32_0 = arith.constant 0 : i32
    %c0_i32_1 = arith.constant 0 : i32
    return %c0_i32, %c0_i32_0 : i32, i32
  }
  func.func @transform_9(%arg0: i32) -> (i32, i32) {
    %c0_i32 = arith.constant 0 : i32
    %c0_i32_0 = arith.constant 0 : i32
    %c0_i32_1 = arith.constant 0 : i32
    return %c0_i32, %c0_i32_0 : i32, i32
  }
  func.func @transform_10(%arg0: i32) -> (i32, i32) {
    %c0_i32 = arith.constant 0 : i32
    %c0_i32_0 = arith.constant 0 : i32
    return %arg0, %c0_i32 : i32, i32
  }
  func.func @transform_11(%arg0: i32) -> (i32, i32) {
    %c0_i32 = arith.constant 0 : i32
    %c0_i32_0 = arith.constant 0 : i32
    return %arg0, %c0_i32 : i32, i32
  }
}

module attributes {stable_mosaic.version = 14 : i64} {
  func.func @_conv_body(%arg0: i32, %arg1: memref<1024x128xf32, #tpu.memory_space<vmem>>, %arg2: memref<1024x128xf32, #tpu.memory_space<vmem>>, %arg3: memref<1024x128xf32, #tpu.memory_space<vmem>>, %arg4: memref<1024x128xf32, #tpu.memory_space<vmem>>, %arg5: memref<1024x1xf32, #tpu.memory_space<vmem>>, %arg6: memref<128x256xf32, #tpu.memory_space<vmem>>, %arg7: memref<128x256xf32, #tpu.memory_space<vmem>>, %arg8: memref<128x256xf32, #tpu.memory_space<vmem>>, %arg9: memref<128x256xf32, #tpu.memory_space<vmem>>, %arg10: memref<1x256xf32, #tpu.memory_space<vmem>>, %arg11: memref<1024x128xf32, #tpu.memory_space<vmem>>, %arg12: memref<1024x128xf32, #tpu.memory_space<vmem>>) attributes {dimension_semantics = [#tpu.dimension_semantics<arbitrary>], iteration_bounds = array<i64: 10>, scalar_prefetch = 0 : i64, scratch_operands = 0 : i64, tpu.core_type = #tpu.core_type<tc>, window_params = [{transform_indices = @transform_0, window_bounds = array<i64: 1024, 128>}, {transform_indices = @transform_1, window_bounds = array<i64: 1024, 128>}, {transform_indices = @transform_2, window_bounds = array<i64: 1024, 128>}, {transform_indices = @transform_3, window_bounds = array<i64: 1024, 128>}, {transform_indices = @transform_4, window_bounds = array<i64: 1024, 1>}, {pipeline_mode = #tpu.pipeline_mode<synchronous>, transform_indices = @transform_5, window_bounds = array<i64: 128, 256>}, {pipeline_mode = #tpu.pipeline_mode<synchronous>, transform_indices = @transform_6, window_bounds = array<i64: 128, 256>}, {pipeline_mode = #tpu.pipeline_mode<synchronous>, transform_indices = @transform_7, window_bounds = array<i64: 128, 256>}, {pipeline_mode = #tpu.pipeline_mode<synchronous>, transform_indices = @transform_8, window_bounds = array<i64: 128, 256>}, {pipeline_mode = #tpu.pipeline_mode<synchronous>, transform_indices = @transform_9, window_bounds = array<i64: 1, 256>}, {transform_indices = @transform_10, window_bounds = array<i64: 1024, 128>}, {transform_indices = @transform_11, window_bounds = array<i64: 1024, 128>}]} {
    %get3A = arith.constant 0 : index
    %get3A_0 = arith.constant 0 : index
    %get3A_1 = vector.load %arg5[%get3A, %get3A_0] : memref<1024x1xf32, #tpu.memory_space<vmem>>, vector<1024x1xf32>
    %max3A = arith.constant 1.000000e+00 : f32
    %max3A_2 = vector.broadcast %max3A : f32 to vector<1024x1xf32>
    %max3A_3 = arith.maximumf %get3A_1, %max3A_2 : vector<1024x1xf32>
    %get3A_4 = arith.constant 0 : index
    %get3A_5 = arith.constant 0 : index
    %get3A_6 = vector.load %arg1[%get3A_4, %get3A_5] : memref<1024x128xf32, #tpu.memory_space<vmem>>, vector<1024x128xf32>
    %div3A = vector.broadcast %max3A_3 : vector<1024x1xf32> to vector<1024x128xf32>
    %div3A_7 = arith.divf %get3A_6, %div3A : vector<1024x128xf32>
    %get3A_8 = arith.constant 0 : index
    %get3A_9 = arith.constant 0 : index
    %get3A_10 = vector.load %arg2[%get3A_8, %get3A_9] : memref<1024x128xf32, #tpu.memory_space<vmem>>, vector<1024x128xf32>
    %div3A_11 = vector.broadcast %max3A_3 : vector<1024x1xf32> to vector<1024x128xf32>
    %div3A_12 = arith.divf %get3A_10, %div3A_11 : vector<1024x128xf32>
    %get3A_13 = arith.constant 0 : index
    %get3A_14 = arith.constant 0 : index
    %get3A_15 = vector.load %arg6[%get3A_13, %get3A_14] : memref<128x256xf32, #tpu.memory_space<vmem>>, vector<128x256xf32>
    %dot_general3A = arith.constant dense<0.000000e+00> : vector<1024x256xf32>
    %dot_general3A_16 = tpu.matmul %div3A_7, %get3A_15, %dot_general3A {dimension_numbers = #tpu.dot_dimension_numbers<[1], [0], [0], [1], [0, 0, 1, 1], [], []>, transpose_lhs_hint = false} : vector<1024x128xf32>, vector<128x256xf32>, vector<1024x256xf32> -> vector<1024x256xf32>
    %get3A_17 = arith.constant 0 : index
    %get3A_18 = arith.constant 0 : index
    %get3A_19 = vector.load %arg7[%get3A_17, %get3A_18] : memref<128x256xf32, #tpu.memory_space<vmem>>, vector<128x256xf32>
    %dot_general3A_20 = arith.constant dense<0.000000e+00> : vector<1024x256xf32>
    %dot_general3A_21 = tpu.matmul %div3A_12, %get3A_19, %dot_general3A_20 {dimension_numbers = #tpu.dot_dimension_numbers<[1], [0], [0], [1], [0, 0, 1, 1], [], []>, transpose_lhs_hint = false} : vector<1024x128xf32>, vector<128x256xf32>, vector<1024x256xf32> -> vector<1024x256xf32>
    %add3A = arith.addf %dot_general3A_16, %dot_general3A_21 : vector<1024x256xf32>
    %get3A_22 = arith.constant 0 : index
    %get3A_23 = arith.constant 0 : index
    %get3A_24 = vector.load %arg3[%get3A_22, %get3A_23] : memref<1024x128xf32, #tpu.memory_space<vmem>>, vector<1024x128xf32>
    %get3A_25 = arith.constant 0 : index
    %get3A_26 = arith.constant 0 : index
    %get3A_27 = vector.load %arg8[%get3A_25, %get3A_26] : memref<128x256xf32, #tpu.memory_space<vmem>>, vector<128x256xf32>
    %dot_general3A_28 = arith.constant dense<0.000000e+00> : vector<1024x256xf32>
    %dot_general3A_29 = tpu.matmul %get3A_24, %get3A_27, %dot_general3A_28 {dimension_numbers = #tpu.dot_dimension_numbers<[1], [0], [0], [1], [0, 0, 1, 1], [], []>, transpose_lhs_hint = false} : vector<1024x128xf32>, vector<128x256xf32>, vector<1024x256xf32> -> vector<1024x256xf32>
    %add3A_30 = arith.addf %add3A, %dot_general3A_29 : vector<1024x256xf32>
    %get3A_31 = arith.constant 0 : index
    %get3A_32 = arith.constant 0 : index
    %get3A_33 = vector.load %arg4[%get3A_31, %get3A_32] : memref<1024x128xf32, #tpu.memory_space<vmem>>, vector<1024x128xf32>
    %get3A_34 = arith.constant 0 : index
    %get3A_35 = arith.constant 0 : index
    %get3A_36 = vector.load %arg9[%get3A_34, %get3A_35] : memref<128x256xf32, #tpu.memory_space<vmem>>, vector<128x256xf32>
    %dot_general3A_37 = arith.constant dense<0.000000e+00> : vector<1024x256xf32>
    %dot_general3A_38 = tpu.matmul %get3A_33, %get3A_36, %dot_general3A_37 {dimension_numbers = #tpu.dot_dimension_numbers<[1], [0], [0], [1], [0, 0, 1, 1], [], []>, transpose_lhs_hint = false} : vector<1024x128xf32>, vector<128x256xf32>, vector<1024x256xf32> -> vector<1024x256xf32>
    %add3A_39 = arith.addf %add3A_30, %dot_general3A_38 : vector<1024x256xf32>
    %get3A_40 = arith.constant 0 : index
    %get3A_41 = arith.constant 0 : index
    %get3A_42 = vector.load %arg10[%get3A_40, %get3A_41] : memref<1x256xf32, #tpu.memory_space<vmem>>, vector<1x256xf32>
    %add3A_43 = vector.broadcast %get3A_42 : vector<1x256xf32> to vector<1024x256xf32>
    %add3A_44 = arith.addf %add3A_39, %add3A_43 : vector<1024x256xf32>
    %slice3A = vector.extract_strided_slice %add3A_44 {offsets = [0, 0], sizes = [1024, 128], strides = [1, 1]} : vector<1024x256xf32> to vector<1024x128xf32>
    %swap3A = arith.constant 0 : index
    %swap3A_45 = arith.constant 0 : index
    %swap3A_46 = vector.load %arg11[%swap3A, %swap3A_45] : memref<1024x128xf32, #tpu.memory_space<vmem>>, vector<1024x128xf32>
    tpu.vector_store %arg11[%swap3A, %swap3A_45], %slice3A {strides = array<i32>} : memref<1024x128xf32, #tpu.memory_space<vmem>>, vector<1024x128xf32>,
    %slice3A_47 = vector.extract_strided_slice %add3A_44 {offsets = [0, 128], sizes = [1024, 128], strides = [1, 1]} : vector<1024x256xf32> to vector<1024x128xf32>
    %swap3A_48 = arith.constant 0 : index
    %swap3A_49 = arith.constant 0 : index
    %swap3A_50 = vector.load %arg12[%swap3A_48, %swap3A_49] : memref<1024x128xf32, #tpu.memory_space<vmem>>, vector<1024x128xf32>
    tpu.vector_store %arg12[%swap3A_48, %swap3A_49], %slice3A_47 {strides = array<i32>} : memref<1024x128xf32, #tpu.memory_space<vmem>>, vector<1024x128xf32>,
    return
  }
  func.func @transform_0(%arg0: i32) -> (i32, i32) {
    %c0_i32 = arith.constant 0 : i32
    %c0_i32_0 = arith.constant 0 : i32
    return %arg0, %c0_i32 : i32, i32
  }
  func.func @transform_1(%arg0: i32) -> (i32, i32) {
    %c0_i32 = arith.constant 0 : i32
    %c0_i32_0 = arith.constant 0 : i32
    return %arg0, %c0_i32 : i32, i32
  }
  func.func @transform_2(%arg0: i32) -> (i32, i32) {
    %c0_i32 = arith.constant 0 : i32
    %c0_i32_0 = arith.constant 0 : i32
    return %arg0, %c0_i32 : i32, i32
  }
  func.func @transform_3(%arg0: i32) -> (i32, i32) {
    %c0_i32 = arith.constant 0 : i32
    %c0_i32_0 = arith.constant 0 : i32
    return %arg0, %c0_i32 : i32, i32
  }
  func.func @transform_4(%arg0: i32) -> (i32, i32) {
    %c0_i32 = arith.constant 0 : i32
    %c0_i32_0 = arith.constant 0 : i32
    return %arg0, %c0_i32 : i32, i32
  }
  func.func @transform_5(%arg0: i32) -> (i32, i32) {
    %c0_i32 = arith.constant 0 : i32
    %c0_i32_0 = arith.constant 0 : i32
    %c0_i32_1 = arith.constant 0 : i32
    return %c0_i32, %c0_i32_0 : i32, i32
  }
  func.func @transform_6(%arg0: i32) -> (i32, i32) {
    %c0_i32 = arith.constant 0 : i32
    %c0_i32_0 = arith.constant 0 : i32
    %c0_i32_1 = arith.constant 0 : i32
    return %c0_i32, %c0_i32_0 : i32, i32
  }
  func.func @transform_7(%arg0: i32) -> (i32, i32) {
    %c0_i32 = arith.constant 0 : i32
    %c0_i32_0 = arith.constant 0 : i32
    %c0_i32_1 = arith.constant 0 : i32
    return %c0_i32, %c0_i32_0 : i32, i32
  }
  func.func @transform_8(%arg0: i32) -> (i32, i32) {
    %c0_i32 = arith.constant 0 : i32
    %c0_i32_0 = arith.constant 0 : i32
    %c0_i32_1 = arith.constant 0 : i32
    return %c0_i32, %c0_i32_0 : i32, i32
  }
  func.func @transform_9(%arg0: i32) -> (i32, i32) {
    %c0_i32 = arith.constant 0 : i32
    %c0_i32_0 = arith.constant 0 : i32
    %c0_i32_1 = arith.constant 0 : i32
    return %c0_i32, %c0_i32_0 : i32, i32
  }
  func.func @transform_10(%arg0: i32) -> (i32, i32) {
    %c0_i32 = arith.constant 0 : i32
    %c0_i32_0 = arith.constant 0 : i32
    return %arg0, %c0_i32 : i32, i32
  }
  func.func @transform_11(%arg0: i32) -> (i32, i32) {
    %c0_i32 = arith.constant 0 : i32
    %c0_i32_0 = arith.constant 0 : i32
    return %arg0, %c0_i32 : i32, i32
  }
}

module attributes {stable_mosaic.version = 14 : i64} {
  func.func @_final_body(%arg0: i32, %arg1: memref<512x768xf32, #tpu.memory_space<vmem>>, %arg2: memref<512x128xf32, #tpu.memory_space<vmem>>, %arg3: memref<512x128xf32, #tpu.memory_space<vmem>>, %arg4: memref<768x256xf32, #tpu.memory_space<vmem>>, %arg5: memref<1x256xf32, #tpu.memory_space<vmem>>, %arg6: memref<256x128xf32, #tpu.memory_space<vmem>>, %arg7: memref<1x128xf32, #tpu.memory_space<vmem>>, %arg8: memref<512x128xf32, #tpu.memory_space<vmem>>) attributes {dimension_semantics = [#tpu.dimension_semantics<arbitrary>], iteration_bounds = array<i64: 32>, scalar_prefetch = 0 : i64, scratch_operands = 0 : i64, tpu.core_type = #tpu.core_type<tc>, window_params = [{transform_indices = @transform_0, window_bounds = array<i64: 512, 768>}, {transform_indices = @transform_1, window_bounds = array<i64: 512, 128>}, {transform_indices = @transform_2, window_bounds = array<i64: 512, 128>}, {pipeline_mode = #tpu.pipeline_mode<synchronous>, transform_indices = @transform_3, window_bounds = array<i64: 768, 256>}, {pipeline_mode = #tpu.pipeline_mode<synchronous>, transform_indices = @transform_4, window_bounds = array<i64: 1, 256>}, {pipeline_mode = #tpu.pipeline_mode<synchronous>, transform_indices = @transform_5, window_bounds = array<i64: 256, 128>}, {pipeline_mode = #tpu.pipeline_mode<synchronous>, transform_indices = @transform_6, window_bounds = array<i64: 1, 128>}, {transform_indices = @transform_7, window_bounds = array<i64: 512, 128>}]} {
    %get3A = arith.constant 0 : index
    %get3A_0 = arith.constant 0 : index
    %get3A_1 = vector.load %arg1[%get3A, %get3A_0] : memref<512x768xf32, #tpu.memory_space<vmem>>, vector<512x768xf32>
    %get3A_2 = arith.constant 0 : index
    %get3A_3 = arith.constant 0 : index
    %get3A_4 = vector.load %arg4[%get3A_2, %get3A_3] : memref<768x256xf32, #tpu.memory_space<vmem>>, vector<768x256xf32>
    %dot_general3A = arith.constant dense<0.000000e+00> : vector<512x256xf32>
    %dot_general3A_5 = tpu.matmul %get3A_1, %get3A_4, %dot_general3A {dimension_numbers = #tpu.dot_dimension_numbers<[1], [0], [0], [1], [0, 0, 1, 1], [], []>, transpose_lhs_hint = false} : vector<512x768xf32>, vector<768x256xf32>, vector<512x256xf32> -> vector<512x256xf32>
    %get3A_6 = arith.constant 0 : index
    %get3A_7 = arith.constant 0 : index
    %get3A_8 = vector.load %arg5[%get3A_6, %get3A_7] : memref<1x256xf32, #tpu.memory_space<vmem>>, vector<1x256xf32>
    %add3A = vector.broadcast %get3A_8 : vector<1x256xf32> to vector<512x256xf32>
    %add3A_9 = arith.addf %dot_general3A_5, %add3A : vector<512x256xf32>
    %get3A_10 = arith.constant 0 : index
    %get3A_11 = arith.constant 0 : index
    %get3A_12 = vector.load %arg2[%get3A_10, %get3A_11] : memref<512x128xf32, #tpu.memory_space<vmem>>, vector<512x128xf32>
    %slice3A = vector.extract_strided_slice %add3A_9 {offsets = [0, 0], sizes = [512, 128], strides = [1, 1]} : vector<512x256xf32> to vector<512x128xf32>
    %mul3A = arith.mulf %get3A_12, %slice3A : vector<512x128xf32>
    %get3A_13 = arith.constant 0 : index
    %get3A_14 = arith.constant 0 : index
    %get3A_15 = vector.load %arg3[%get3A_13, %get3A_14] : memref<512x128xf32, #tpu.memory_space<vmem>>, vector<512x128xf32>
    %slice3A_16 = vector.extract_strided_slice %add3A_9 {offsets = [0, 128], sizes = [512, 128], strides = [1, 1]} : vector<512x256xf32> to vector<512x128xf32>
    %mul3A_17 = arith.mulf %get3A_15, %slice3A_16 : vector<512x128xf32>
    %get3A_18 = arith.constant 0 : index
    %get3A_19 = arith.constant 0 : index
    %get3A_20 = vector.load %arg6[%get3A_18, %get3A_19] : memref<256x128xf32, #tpu.memory_space<vmem>>, vector<128x128xf32>
    %dot_general3A_21 = arith.constant dense<0.000000e+00> : vector<512x128xf32>
    %dot_general3A_22 = tpu.matmul %mul3A, %get3A_20, %dot_general3A_21 {dimension_numbers = #tpu.dot_dimension_numbers<[1], [0], [0], [1], [0, 0, 1, 1], [], []>, transpose_lhs_hint = false} : vector<512x128xf32>, vector<128x128xf32>, vector<512x128xf32> -> vector<512x128xf32>
    %get3A_23 = arith.constant 128 : index
    %get3A_24 = arith.constant 0 : index
    %get3A_25 = vector.load %arg6[%get3A_23, %get3A_24] : memref<256x128xf32, #tpu.memory_space<vmem>>, vector<128x128xf32>
    %dot_general3A_26 = arith.constant dense<0.000000e+00> : vector<512x128xf32>
    %dot_general3A_27 = tpu.matmul %mul3A_17, %get3A_25, %dot_general3A_26 {dimension_numbers = #tpu.dot_dimension_numbers<[1], [0], [0], [1], [0, 0, 1, 1], [], []>, transpose_lhs_hint = false} : vector<512x128xf32>, vector<128x128xf32>, vector<512x128xf32> -> vector<512x128xf32>
    %add3A_28 = arith.addf %dot_general3A_22, %dot_general3A_27 : vector<512x128xf32>
    %get3A_29 = arith.constant 0 : index
    %get3A_30 = arith.constant 0 : index
    %get3A_31 = vector.load %arg7[%get3A_29, %get3A_30] : memref<1x128xf32, #tpu.memory_space<vmem>>, vector<1x128xf32>
    %add3A_32 = vector.broadcast %get3A_31 : vector<1x128xf32> to vector<512x128xf32>
    %add3A_33 = arith.addf %add3A_28, %add3A_32 : vector<512x128xf32>
    %swap3A = arith.constant 0 : index
    %swap3A_34 = arith.constant 0 : index
    %swap3A_35 = vector.load %arg8[%swap3A, %swap3A_34] : memref<512x128xf32, #tpu.memory_space<vmem>>, vector<512x128xf32>
    tpu.vector_store %arg8[%swap3A, %swap3A_34], %add3A_33 {strides = array<i32>} : memref<512x128xf32, #tpu.memory_space<vmem>>, vector<512x128xf32>,
    return
  }
  func.func @transform_0(%arg0: i32) -> (i32, i32) {
    %c0_i32 = arith.constant 0 : i32
    %c0_i32_0 = arith.constant 0 : i32
    return %arg0, %c0_i32 : i32, i32
  }
  func.func @transform_1(%arg0: i32) -> (i32, i32) {
    %c0_i32 = arith.constant 0 : i32
    %c0_i32_0 = arith.constant 0 : i32
    return %arg0, %c0_i32 : i32, i32
  }
  func.func @transform_2(%arg0: i32) -> (i32, i32) {
    %c0_i32 = arith.constant 0 : i32
    %c0_i32_0 = arith.constant 0 : i32
    return %arg0, %c0_i32 : i32, i32
  }
  func.func @transform_3(%arg0: i32) -> (i32, i32) {
    %c0_i32 = arith.constant 0 : i32
    %c0_i32_0 = arith.constant 0 : i32
    %c0_i32_1 = arith.constant 0 : i32
    return %c0_i32, %c0_i32_0 : i32, i32
  }
  func.func @transform_4(%arg0: i32) -> (i32, i32) {
    %c0_i32 = arith.constant 0 : i32
    %c0_i32_0 = arith.constant 0 : i32
    %c0_i32_1 = arith.constant 0 : i32
    return %c0_i32, %c0_i32_0 : i32, i32
  }
  func.func @transform_5(%arg0: i32) -> (i32, i32) {
    %c0_i32 = arith.constant 0 : i32
    %c0_i32_0 = arith.constant 0 : i32
    %c0_i32_1 = arith.constant 0 : i32
    return %c0_i32, %c0_i32_0 : i32, i32
  }
  func.func @transform_6(%arg0: i32) -> (i32, i32) {
    %c0_i32 = arith.constant 0 : i32
    %c0_i32_0 = arith.constant 0 : i32
    %c0_i32_1 = arith.constant 0 : i32
    return %c0_i32, %c0_i32_0 : i32, i32
  }
  func.func @transform_7(%arg0: i32) -> (i32, i32) {
    %c0_i32 = arith.constant 0 : i32
    %c0_i32_0 = arith.constant 0 : i32
    return %arg0, %c0_i32 : i32, i32
  }
}

</mosaic_0001>

<sc_bundles>
// kernel: kernel.10.cloned.1.call-start
scs
__scs_entry_jumppad:
0x0: {  	(pc) =	sbr.rel $0x88, $3  }
0x1: {  	(tag) =	ssettag $0x0;
	lr =	simm.s32 $0x1  }
0x2: {  	[smem:$0x3F90] =	sst lr;
	_ =	strace $0xD0000000  }
0x3: {  	_ = 	snop  }
0x4: {  	_ = 	snop  }
0x5: {  	_ = 	snop  }
0x6: {  	_ = 	snop  }
0x7: {  	_ = 	snop  }
__scs_overlays_trampoline_lowered:
0x8: {  	[smem:$0x3F9F] =	sst s0  }
0x9: {  	[smem:$0x3FA0] =	sst s1  }
0xa: {  	[smem:$0x3FA1] =	sst s2  }
0xb: {  	[smem:$0x3FA2] =	sst s3  }
0xc: {  	[smem:$0x3FA3] =	sst s4  }
0xd: {  	[smem:$0x3FA4] =	sst s5  }
0xe: {  	[smem:$0x3FA5] =	sst s6  }
0xf: {  	[smem:$0x3FA6] =	sst s7  }
0x10: {  	[smem:$0x3FA7] =	sst s8  }
0x11: {  	[smem:$0x3FA8] =	sst s9;
	s0 =	simm.s32 @!p0 $0x0  }
0x12: {  	s1 =	sld [smem:$0x3F8E];
	s0 =	simm.s32 @p0 $0x1  }
0x13: {  	[smem:$0x3FA9] =	sst s0;
	s0 =	simm.s32 @!p1 $0x0  }
0x14: {  	s2 =	sld [smem:$0x3F8D];
	s0 =	simm.s32 @p1 $0x1  }
0x15: {  	[smem:$0x3FAA] =	sst s0;
	s0 =	simm.s32 @!p2 $0x0  }
0x16: {  	s3 =	sld [smem:$0x3FDB];
	s0 =	simm.s32 @p2 $0x1  }
0x17: {  	s4 =	simm.s32 $0x1BF5;
	[smem:$0x3FAC] =	sst s0  }
0x18: {  	s0 =	sld [smem:$0x3F8F];
	_ =	swait.ge [sflag:s4], $0x0  }
0x19: {  	s7 =	sld [smem:$0x3F90]  }
0x1a: {  	s8 =	sadd.s32 $0xFFFFE003, lr  }
0x1b: {  	s9 =	sadd.s32 $0xFFFFFEF7, lr;
	s5 =	simm.s32 $0xFFFFFFFF;
	p2 =	slt.u32 s8, $0xFFFFF086  }
0x1c: {  	p1 =	slt.u32 s9, $0xF7A;
	s5 =	simm.s32 @!p2 $0x0  }
0x1d: {  	s5 =	simm.s32 @p1 $0x1;
	p0 =	seq.s32 s7, s2  }
0x1e: {  	s7 =	smul.u32 @!p0 $0xF7A, s2;
	p2 =	seq.s32 @!p0 s5, $0x0  }
0x1f: {  	s9 =	smul.u32 $0xF7A, s1;
	s8 =	simm.s32 @!p0 $0x1BF5;
	p2 =	por !p2, p0  }
0x20: {  	[sflag:s8] =	ssyncset.s32 @!p0 $0xFFFFF086;
	s6 =	sadd.s32 @!p0 s3, s7;
	s7 =	simm.s32 @!p0 $0x108  }
0x21: {  	s3 =	sadd.s32 s3, s9;
	s6 =	sadd.s32 @!p0 $0x88, s6;
	s7 =	simm.s32 @p2 $0x1082  }
0x22: {  	[simem:s7], [sflag:s8] =	dma.local @!p0 [hbm:s6], $0xF7A  }
0x23: {  	s9 =	sor.u32 $0xD0000000, s2;
	s6 =	simm.s32 $0x108;
	_ =	swait.ge @!p0 [sflag:s8], $0x0  }
0x24: {  	s3 =	sadd.s32 $0x88, s3;
	s6 =	simm.s32 @!p1 $0x1082;
	[sflag:s4] =	ssyncset.s32 $0xFFFFF086  }
0x25: {  	[simem:s6], [sflag:s4] =	dma.local [hbm:s3], $0xF7A  }
0x26: {  	[smem:$0x3F90] =	sst s1;
	(tag) =	ssettag s2;
	_ =	strace s9  }
0x27: {  	s1 =	sld [smem:$0x3FA0]  }
0x28: {  	s2 =	sld [smem:$0x3FA1]  }
0x29: {  	s4 =	sld [smem:$0x3FA3]  }
0x2a: {  	p0 =	seq.s32 s5, $0x0;
	s5 =	sld [smem:$0x3FA4]  }
0x2b: {  	s6 =	sld [smem:$0x3FA5]  }
0x2c: {  	s7 =	sld [smem:$0x3FA6]  }
0x2d: {  	s3 =	simm.s32 $0x108;
	s8 =	sld [smem:$0x3FA7]  }
0x2e: {  	s3 =	simm.s32 @!p0 $0x1082;
	s9 =	sld [smem:$0x3FA8]  }
0x2f: {  	lr =	sadd.s32 s0, s3;
	s0 =	sld [smem:$0x3F9F]  }
0x30: {  	s3 =	sld [smem:$0x3FA2]  }
0x31: {  	[smem:$0x3FAB] =	sst s10  }
0x32: {  	s10 =	sld [smem:$0x3FA9];
	_ =	sdelay $0x3  }
0x33: {  	p0 =	seq.s32 s10, $0x1;
	s10 =	sld [smem:$0x3FAB];
	_ =	sdelay $0x3  }
0x34: {  	[smem:$0x3FAB] =	sst s10  }
0x35: {  	s10 =	sld [smem:$0x3FAA];
	_ =	sdelay $0x3  }
0x36: {  	p1 =	seq.s32 s10, $0x1;
	s10 =	sld [smem:$0x3FAB];
	_ =	sdelay $0x3  }
0x37: {  	[smem:$0x3FAB] =	sst s10  }
0x38: {  	s10 =	sld [smem:$0x3FAC]  }
0x39: {  	_ = 	snop;
	(pc) =	sbr.ind lr, $3  }
0x3a: {  	_ = 	snop  }
0x3b: {  	_ = 	snop  }
0x3c: {  	p2 =	seq.s32 s10, $0x1;
	s10 =	sld [smem:$0x3FAB]  }
0x3d: {  	_ =	shalt  }
0x3e: {  	_ =	shalt  }
0x3f: {  	_ =	shalt  }
0x40: {  	_ =	shalt  }
0x41: {  	_ =	shalt  }
0x42: {  	_ =	shalt  }
0x43: {  	_ =	shalt  }
0x44: {  	_ =	shalt  }
0x45: {  	_ =	shalt  }
0x46: {  	_ =	shalt  }
0x47: {  	_ =	shalt  }
0x48: {  	_ =	shalt  }
0x49: {  	_ =	shalt  }
0x4a: {  	_ =	shalt  }
0x4b: {  	_ =	shalt  }
0x4c: {  	_ =	shalt  }
0x4d: {  	_ =	shalt  }
0x4e: {  	_ =	shalt  }
0x4f: {  	_ =	shalt  }
0x50: {  	_ =	shalt  }
0x51: {  	_ =	shalt  }
0x52: {  	_ =	shalt  }
0x53: {  	_ =	shalt  }
0x54: {  	_ =	shalt  }
0x55: {  	_ =	shalt  }
0x56: {  	_ =	shalt  }
0x57: {  	_ =	shalt  }
0x58: {  	_ =	shalt  }
0x59: {  	_ =	shalt  }
0x5a: {  	_ =	shalt  }
0x5b: {  	_ =	shalt  }
0x5c: {  	_ =	shalt  }
0x5d: {  	_ =	shalt  }
0x5e: {  	_ =	shalt  }
0x5f: {  	_ =	shalt  }
0x60: {  	_ =	shalt  }
0x61: {  	_ =	shalt  }
0x62: {  	_ =	shalt  }
0x63: {  	_ =	shalt  }
0x64: {  	_ =	shalt  }
0x65: {  	_ =	shalt  }
0x66: {  	_ =	shalt  }
0x67: {  	_ =	shalt  }
0x68: {  	_ =	shalt  }
0x69: {  	_ =	shalt  }
0x6a: {  	_ =	shalt  }
0x6b: {  	_ =	shalt  }
0x6c: {  	_ =	shalt  }
0x6d: {  	_ =	shalt  }
0x6e: {  	_ =	shalt  }
0x6f: {  	_ =	shalt  }
0x70: {  	_ =	shalt  }
0x71: {  	_ =	shalt  }
0x72: {  	_ =	shalt  }
0x73: {  	_ =	shalt  }
0x74: {  	_ =	shalt  }
0x75: {  	_ =	shalt  }
0x76: {  	_ =	shalt  }
0x77: {  	_ =	shalt  }
0x78: {  	_ =	shalt  }
0x79: {  	_ =	shalt  }
0x7a: {  	_ =	shalt  }
0x7b: {  	_ =	shalt  }
0x7c: {  	_ =	shalt  }
0x7d: {  	_ =	shalt  }
0x7e: {  	_ =	shalt  }
0x7f: {  	_ =	shalt  }
0x80: {  	_ =	shalt  }
0x81: {  	_ =	shalt  }
0x82: {  	_ =	shalt  }
0x83: {  	_ =	shalt  }
0x84: {  	_ =	shalt  }
0x85: {  	_ =	shalt  }
0x86: {  	_ =	shalt  }
0x87: {  	_ =	shalt  }
.Lfunc_end0:
.L_simem_size_0:
called_computation_lowered:
.L_overlay_start_0:
0x88: {  	s2 =	sld [smem:$0x3FD9]  }
0x89: {  	s3 =	sld [smem:$0x3FFE];
	_ =	sdelay $0x1  }
0x8a: {  	s1 =	srdreg.scid  }
0x8b: {  	s0 =	sand.u32 $0x1, s1  }
0x8c: {  	s17 =	sshll.u32 s0, $0xA;
	s2 =	sadd.s32 s3, s2  }
0x8d: {  	s2 =	sadd.s32 s2, s17  }
0x8e: {  	[smem:$0x3FB7] =	sst s2  }
0x8f: {  	_ = 	snop  }
0x90: {  	s2 =	sld [smem:$0x3FD0];
	(tm) =	ssettm $0x1  }
0x91: {  	s18 =	sld [smem:$0x3FFB];
	_ =	sdelay $0x3  }
0x92: {  	_ =	strace s18  }
0x93: {  	s3 =	sld [smem:$0x3FFC];
	_ =	sdelay $0x3  }
0x94: {  	_ =	strace s3  }
0x95: {  	s3 =	sld [smem:$0x3FFD];
	_ =	sdelay $0x3  }
0x96: {  	_ =	strace s3  }
0x97: {  	_ =	strace $0x8FFFFFFF  }
0x98: {  	s19 =	sld [smem:$0x3FDB];
	_ =	sdelay $0x1  }
0x99: {  	s4 =	simm.s32 $_scs_section_size  }
0x9a: {  	s5 =	simm.s32 $_size__tile_overlayer_lowered;
	s6 =	simm.s32 $_tile_overlayer_lowered  }
0x9b: {  	s22 =	simm.s32 $0x1BFF;
	s21 =	sshll.u32 s6, $0x1;
	s3 =	sadd.s32 s4, s19  }
0x9c: {  	s7 =	simm.s32 $0x0;
	s20 =	sshll.u32 s5, $0x1;
	s5 =	sadd.s32 s21, s3  }
0x9d: {  	[timem:s7], [sflag:s22] =	dma.local [hbm:s5], s20  }
0x9e: {  	_ =	swait.ge [sflag:s22], s20  }
0x9f: {  	s4 =	ssub.s32 $0x0, s20;
	[sflag:s22] =	ssyncset.done $0x0  }
0xa0: {  	[sflag:s22] =	ssyncadd.s32 s4;
	_ =	sdelay $0x1  }
0xa1: {  	s23 =	simm.s32 $0x1B8B  }
0xa2: {  	_ =	swait.ge [sflag:s23], $0x1  }
0xa3: {  	[sflag:s23] =	ssyncset.done $0x0  }
0xa4: {  	s25 =	simm.s32 $0x1B8E;
	s24 =	sld [smem:$0x3FFE];
	[sflag:s23] =	ssyncadd.s32 $0xFFFFFFFF  }
0xa5: {  	s26 =	simm.s32 $execute0_lowered;
	[smem:$0x3FD2] =	sst s25  }
0xa6: {  	s5 =	sshll.u32 s26, $0x1;
	_ =	strace $0x80000046;
	[dreg:$0x1] =	wrdreg $0xFFFFFFFF  }
0xa7: {  	s28 =	simm.s32 $_size_execute0_lowered;
	s3 =	sadd.s32 s3, s5;
	[dreg:$0x0] =	wrdreg $0x0  }
0xa8: {  	s5 =	sshll.u32 s28, $0x1;
	[dreg:$0x2] =	wrdreg s3  }
0xa9: {  	[dreg:$0x3] =	wrdreg s5  }
0xaa: {  	[dreg:$0x4] =	wrdreg $0xC0  }
0xab: {  	_ =	task [dreg:s7], $0x5FFFF  }
0xac: {  	[dreg:$0x1] =	wrdreg $0xFFFFFFFF  }
0xad: {  	[dreg:$0x0] =	wrdreg $0x60  }
0xae: {  	[dreg:$0x2] =	wrdreg s24  }
0xaf: {  	[dreg:$0x3] =	wrdreg s2  }
0xb0: {  	[dreg:$0x4] =	wrdreg $0xB3000  }
0xb1: {  	[dreg:$0x5] =	wrdreg $0x1F3000  }
0xb2: {  	[dreg:$0x6] =	wrdreg $0x9  }
0xb3: {  	_ =	task.clear_ibuf [dreg:s7], $0x7FFFF;
	_ =	strace $0x90000046  }
0xb4: {  	s29 =	simm.s32 $0x9;
	_ =	strace $0x80000048  }
0xb5: {  	_ =	swait.ge [sflag:s29], $0x1  }
0xb6: {  	[sflag:s29] =	ssyncadd.s32 $0xFFFFFFFF  }
0xb7: {  	_ =	strace $0x90000048  }
0xb8: {  	_ =	sfence  }
0xb9: {  	s30 =	sld [smem:$0x0];
	_ =	sdelay $0x2  }
0xba: {  	s31 =	sshll.u32 s1, $0xD;
	s1 =	sshrl.u32 s1, $0x2  }
0xbb: {  	s3 =	sand.u32 $0x4000, s31;
	s1 =	sadd.s32 s1, s30  }
0xbc: {  	s0 =	sor.u32 s3, s0;
	s1 =	sshll.u32 s1, $0x11  }
0xbd: {  	s0 =	sor.u32 s1, s0  }
0xbe: {  	s0 =	sadd.s32 $0x8F2B, s0  }
0xbf: {  	[sflag:s0] =	ssyncadd.remote.s32 $0x1  }
0xc0: {  	_ =	sfence.sel $0xFFFF  }
0xc1: {  	[dreg:$0x0] =	wrdreg $0xFFFFFFFF;
	(pc) =	sbr.abs _section_cstart, $3  }
0xc2: {  	[dreg:$0x1] =	wrdreg $0xFFFFFFFF  }
0xc3: {  	_ =	task.clear_ibuf [dreg:s7], $0x2FFFF;
	_ =	strace $0x9FFFFFFF  }
0xc4: {  	(tm) =	ssettm $0x7FFFFFFF  }
0xc5: {  	_ =	shalt  }
tec
execute0_lowered:
.L_overlay_start_1:
0x0: {  	(tag) =	ssettag $0x1  }
0x1: {  	s0 =	rddreg [dreg:$0x0]  }
0x2: {  	s4 =	rddreg [dreg:$0x1]  }
0x3: {  	s1 =	rddreg [dreg:$0x2]  }
0x4: {  	s2 =	rddreg [dreg:$0x3]  }
0x5: {  	s3 =	simm.s32 $0x0;
	s14 =	stileid.u32;
	s18 =	srdreg.scid  }
0x6: {  	[smem:$0x7FF] =	sst s3;
	s5 =	sadd.s32 $0xEE00, s0;
	s10 =	smul.u32 $0x50000, s14  }
0x7: {  	s6 =	sadd.s32 $0x36E00, s0;
	s7 =	sadd.s32 $0x9E00, s0;
	s19 =	smul.u32 $0x2800, s14  }
0x8: {  	s9 =	sadd.s32 $0x5F200, s0;
	s11 =	sadd.s32 $0x5F000, s0;
	s21 =	smul.u32 $0x280, s14  }
0x9: {  	s14 =	smul.u32 $0x500, s14;
	_ =	strace $0x80000047;
	[dreg:$0x5] =	wrdreg s9  }
0xa: {  	s8 =	sadd.s32 $0x4E00, s0;
	s12 =	sadd.s32 $0x5EE00, s0;
	[dreg:$0x6] =	wrdreg s11  }
0xb: {  	s9 =	sand.u32 $0x1, s18;
	[dreg:$0x7] =	wrdreg s12;
	s26 =	sadd.s32 s7, s14  }
0xc: {  	s14 =	sadd.s32 s8, s14;
	s16 =	sshrl.u32 s21, $0x3;
	[dreg:$0xd] =	wrdreg s26  }
0xd: {  	s0 =	sadd.s32 s19, s0;
	[dreg:$0xe] =	wrdreg s14;
	s4 =	sadd.s32 s4, s16  }
0xe: {  	s10 =	sshrl.u32 s10, $0x2;
	s18 =	sadd.s32 $0x87400, s0;
	[dreg:$0x11] =	wrdreg s4  }
0xf: {  	s10 =	sadd.s32 s10, s1;
	s0 =	sadd.s32 $0x5F400, s0;
	[dreg:$0x13] =	wrdreg s18  }
0x10: {  	s15 =	sadd.s32 $0x800, s10;
	[dreg:$0x14] =	wrdreg s0  }
0x11: {  	s22 =	sadd.s32 $0x1000, s10;
	[dreg:$0x8] =	wrdreg s15  }
0x12: {  	s23 =	sadd.s32 $0x1800, s10;
	[dreg:$0x9] =	wrdreg s22  }
0x13: {  	s11 =	sshrl.u32 s19, $0x3;
	s24 =	sadd.s32 $0x2000, s10;
	[dreg:$0xa] =	wrdreg s23  }
0x14: {  	s11 =	sadd.s32 $0x280, s11;
	s25 =	sadd.s32 $0x2800, s10;
	[dreg:$0xb] =	wrdreg s24  }
0x15: {  	s20 =	ssub.s32 $0x2, s9;
	s7 =	sadd.s32 s7, s11;
	[dreg:$0xc] =	wrdreg s25  }
0x16: {  	s13 =	sshrl.u32 s20, $0x1;
	s17 =	sadd.s32 $0x3000, s10;
	[dreg:$0xf] =	wrdreg s7  }
0x17: {  	s12 =	ssub.s32 s20, s13;
	s20 =	sadd.s32 $0x3800, s10;
	[dreg:$0x12] =	wrdreg s17  }
0x18: {  	s26 =	sadd.s32 $0x6000, s10;
	[dreg:$0x16] =	wrdreg s20  }
0x19: {  	s4 =	sadd.s32 $0x6800, s10;
	[dreg:$0x1b] =	wrdreg s26  }
0x1a: {  	p0 =	sne.s32 s9, $0x0;
	s9 =	sadd.s32 $0x8000, s10;
	[dreg:$0x1c] =	wrdreg s4  }
0x1b: {  	s13 =	sadd.s32 $0x9800, s10;
	[dreg:$0x1f] =	wrdreg s9  }
0x1c: {  	s14 =	sadd.s32 $0xA000, s10;
	[smem:$0x7F1] =	sst s13  }
0x1d: {  	s16 =	sadd.s32 $0xB000, s10;
	[smem:$0x7F2] =	sst s14  }
0x1e: {  	s18 =	sadd.s32 $0xC000, s10;
	[smem:$0x7F4] =	sst s16  }
0x1f: {  	s15 =	sadd.s32 s8, s11;
	[smem:$0x7F6] =	sst s18  }
0x20: {  	s28 =	sadd.s32 $0x10000, s10;
	s19 =	smax.u32 s12, $0x1;
	[dreg:$0x10] =	wrdreg s15  }
0x21: {  	s22 =	sadd.s32 s21, s2;
	s21 =	sadd.s32 $0x4000, s10;
	[dreg:$0x15] =	wrdreg s19  }
0x22: {  	s29 =	sadd.s32 $0x10800, s10;
	s23 =	sadd.s32 $0x4800, s10;
	[dreg:$0x17] =	wrdreg s21  }
0x23: {  	s30 =	sadd.s32 $0x11000, s10;
	s24 =	sadd.s32 $0x5000, s10;
	[dreg:$0x18] =	wrdreg s23  }
0x24: {  	s31 =	sadd.s32 $0x11800, s10;
	s25 =	sadd.s32 $0x5800, s10;
	[dreg:$0x19] =	wrdreg s24  }
0x25: {  	s0 =	sadd.s32 $0x12000, s10;
	s7 =	sadd.s32 $0x7000, s10;
	[dreg:$0x1a] =	wrdreg s25  }
0x26: {  	s8 =	sadd.s32 $0x7800, s10;
	s11 =	sadd.s32 $0x8800, s10;
	[dreg:$0x1d] =	wrdreg s7  }
0x27: {  	s12 =	sadd.s32 $0x9000, s10;
	s17 =	sadd.s32 $0xB800, s10;
	[dreg:$0x1e] =	wrdreg s8  }
0x28: {  	s20 =	sadd.s32 $0xD000, s10;
	s26 =	sadd.s32 $0xF800, s10;
	[smem:$0x7EF] =	sst s11  }
0x29: {  	s4 =	simm.s32 $0xA800;
	s9 =	simm.s32 $0xB280;
	[smem:$0x7F0] =	sst s12  }
0x2a: {  	s13 =	simm.s32 $0x2800;
	s14 =	simm.s32 $0x1;
	[smem:$0x7F5] =	sst s17  }
0x2b: {  	s16 =	simm.s32 $0x2;
	s18 =	simm.s32 $0x2700;
	[smem:$0x7F8] =	sst s20  }
0x2c: {  	s15 =	sadd.s32 $0xA800, s10;
	s19 =	sadd.s32 $0xC800, s10;
	[smem:$0x7FD] =	sst s26  }
0x2d: {  	s21 =	sadd.s32 $0xD800, s10;
	s23 =	sadd.s32 $0xE000, s10;
	[smem:$0x7F3] =	sst s15  }
0x2e: {  	s24 =	sadd.s32 $0xE800, s10;
	s25 =	sadd.s32 $0xF000, s10;
	[smem:$0x7F7] =	sst s19  }
.Ltmp0:
0x2f: {  	s20 =	sadd.s32 $0x12800, s10;
	[smem:$0x7F9] =	sst s21;
	(pc) =	sbr.rel .LBB2_1-.Ltmp0, $4  }
0x30: {  	s7 =	simm.s32 $0x3;
	s11 =	simm.s32 $0x1400;
	[smem:$0x7FA] =	sst s23  }
0x31: {  	s12 =	simm.s32 $0x80;
	s17 =	simm.s32 $0x1380;
	[smem:$0x7FB] =	sst s24  }
0x32: {  	[smem:$0x7FC] =	sst s25;
	s23 =	sadd.s32 $0x13000, s10;
	s24 =	sadd.s32 $0x13800, s10  }
0x33: {  	s15 =	simm.s32 $0x6800;
	s19 =	simm.s32 $0x2780;
	s21 =	simm.s32 $0x0  }
.LBB2_11:
0x34: {  	[sflag:s7] =	ssyncadd.s32 $0xFFFFFF80  }
0x35: {  	_ =	swait.ge [sflag:s14], $0x4000  }
0x36: {  	[sflag:s14] =	ssyncset.done $0x0  }
0x37: {  	[sflag:s14] =	ssyncadd.s32 $0xFFFFC000  }
0x38: {  	[tilespmem:s15], [sflag:$0x2] =	stream.indirect.gather [hbm4b:s6+s12], $0x80, s17, s12, $0xb8;
	[tilespmem:$0x1F580] =	vst v63  }
0x39: {  	_ = 	snop  }
0x3a: {  	[spmem:s1] =	stream.indirect.scatter.add.f32 [tilespmem:s13], [sflag:$0x3], $0x80, s18, s12, $0xb8;
	[tilespmem:$0x1F580] =	vst v63  }
0x3b: {  	_ =	swait.ge [sflag:s7], $0x4000  }
0x3c: {  	[sflag:s7] =	ssyncset.done $0x0  }
0x3d: {  	[sflag:s7] =	ssyncadd.s32 $0xFFFFC000  }
0x3e: {  	[spmem:s2] =	stream.indirect.scatter.add.f32 [tilespmem:s9], [sflag:$0x3], $0x1, s18, s12, $0xb8;
	[tilespmem:$0x1F580] =	vst v63  }
0x3f: {  	_ =	swait.ge [sflag:s7], $0x80  }
0x40: {  	[sflag:s7] =	ssyncset.done $0x0  }
0x41: {  	[sflag:s7] =	ssyncadd.s32 $0xFFFFFF80  }
0x42: {  	_ =	swait.ge [sflag:s16], $0x4000  }
0x43: {  	[sflag:s16] =	ssyncset.done $0x0  }
0x44: {  	[sflag:s16] =	ssyncadd.s32 $0xFFFFC000  }
0x45: {  	[spmem:s1] =	stream.indirect.scatter.add.f32 [tilespmem:s15], [sflag:$0x3], $0x80, s19, s12, $0xb8;
	[tilespmem:$0x1F580] =	vst v63  }
0x46: {  	_ =	swait.ge [sflag:s7], $0x4000  }
0x47: {  	[sflag:s7] =	ssyncset.done $0x0  }
0x48: {  	[sflag:s7] =	ssyncadd.s32 $0xFFFFC000  }
0x49: {  	[spmem:s2] =	stream.indirect.scatter.add.f32 [tilespmem:s9], [sflag:$0x3], $0x1, s19, s12, $0xb8;
	[tilespmem:$0x1F580] =	vst v63  }
0x4a: {  	_ =	swait.ge [sflag:s7], $0x80  }
0x4b: {  	[sflag:s7] =	ssyncset.done $0x0  }
0x4c: {  	s8 =	stileid.u32;
	[sflag:s7] =	ssyncadd.s32 $0xFFFFFF80  }
0x4d: {  	s8 =	sshll.u32 s8, $0x6;
	[bflag:$0x0] =	sbarrier.arrive $0xFFFF  }
0x4e: {  	s25 =	sshrl.u32 s10, $0x3;
	s8 =	sor.u32 $0x1C03, s8;
	s26 =	rddreg [dreg:$0x13]  }
0x4f: {  	[hbm:s26], [sflag:s8] =	dma.local [spmem:s25], $0x2800  }
0x50: {  	_ =	swait.ge [sflag:s7], $0x2800  }
0x51: {  	[sflag:s7] =	ssyncset.done $0x0  }
0x52: {  	[sflag:s7] =	ssyncadd.s32 $0xFFFFD800  }
.LBB2_12:
0x53: {  	s21 =	sadd.s32 $0x1, s21;
	s8 =	rddreg [dreg:$0x15]  }
0x54: {  	p1 =	sne.s32 s21, s8  }
.Ltmp1:
0x55: {  	_ = 	snop;
	(pc) =	sbr.rel @!p1 .LBB2_13-.Ltmp1, $1  }
0x56: {  	_ =	sdelay $0x3  }
.LBB2_1:
0x57: {  	s8 =	rddreg [dreg:$0x5]  }
0x58: {  	[tilespmem:s4], [sflag:$0x3] =	stream.linear.gather [hbm4b:s8+s3], $0x800, $0x38;
	[tilespmem:$0x1F580] =	vst v63  }
0x59: {  	_ =	swait.ge [sflag:s7], $0x800  }
0x5a: {  	[sflag:s7] =	ssyncset.done $0x0  }
0x5b: {  	[sflag:s7] =	ssyncadd.s32 $0xFFFFF800  }
0x5c: {  	[spmem:s10] =	stream.linear.scatter [tilespmem:s4], [sflag:$0x3], $0x800, $0x38;
	[tilespmem:$0x1F580] =	vst v63  }
0x5d: {  	_ =	swait.ge [sflag:s7], $0x800  }
0x5e: {  	[sflag:s7] =	ssyncset.done $0x0  }
0x5f: {  	s25 =	rddreg [dreg:$0x8];
	[sflag:s7] =	ssyncadd.s32 $0xFFFFF800  }
0x60: {  	[spmem:s25] =	stream.linear.scatter [tilespmem:s4], [sflag:$0x3], $0x800, $0x38;
	[tilespmem:$0x1F580] =	vst v63  }
0x61: {  	_ =	swait.ge [sflag:s7], $0x800  }
0x62: {  	[sflag:s7] =	ssyncset.done $0x0  }
0x63: {  	s26 =	rddreg [dreg:$0x9];
	[sflag:s7] =	ssyncadd.s32 $0xFFFFF800  }
0x64: {  	[spmem:s26] =	stream.linear.scatter [tilespmem:s4], [sflag:$0x3], $0x800, $0x38;
	[tilespmem:$0x1F580] =	vst v63  }
0x65: {  	_ =	swait.ge [sflag:s7], $0x800  }
0x66: {  	[sflag:s7] =	ssyncset.done $0x0  }
0x67: {  	s25 =	rddreg [dreg:$0xa];
	[sflag:s7] =	ssyncadd.s32 $0xFFFFF800  }
0x68: {  	[spmem:s25] =	stream.linear.scatter [tilespmem:s4], [sflag:$0x3], $0x800, $0x38;
	[tilespmem:$0x1F580] =	vst v63  }
0x69: {  	_ =	swait.ge [sflag:s7], $0x800  }
0x6a: {  	[sflag:s7] =	ssyncset.done $0x0  }
0x6b: {  	s26 =	rddreg [dreg:$0xb];
	[sflag:s7] =	ssyncadd.s32 $0xFFFFF800  }
0x6c: {  	[spmem:s26] =	stream.linear.scatter [tilespmem:s4], [sflag:$0x3], $0x800, $0x38;
	[tilespmem:$0x1F580] =	vst v63  }
0x6d: {  	_ =	swait.ge [sflag:s7], $0x800  }
0x6e: {  	[sflag:s7] =	ssyncset.done $0x0  }
0x6f: {  	s25 =	rddreg [dreg:$0xc];
	[sflag:s7] =	ssyncadd.s32 $0xFFFFF800  }
0x70: {  	[spmem:s25] =	stream.linear.scatter [tilespmem:s4], [sflag:$0x3], $0x800, $0x38;
	[tilespmem:$0x1F580] =	vst v63  }
0x71: {  	_ =	swait.ge [sflag:s7], $0x800  }
0x72: {  	[sflag:s7] =	ssyncset.done $0x0  }
0x73: {  	s26 =	rddreg [dreg:$0x12];
	[sflag:s7] =	ssyncadd.s32 $0xFFFFF800  }
0x74: {  	[spmem:s26] =	stream.linear.scatter [tilespmem:s4], [sflag:$0x3], $0x800, $0x38;
	[tilespmem:$0x1F580] =	vst v63  }
0x75: {  	_ =	swait.ge [sflag:s7], $0x800  }
0x76: {  	[sflag:s7] =	ssyncset.done $0x0  }
0x77: {  	s25 =	rddreg [dreg:$0x16];
	[sflag:s7] =	ssyncadd.s32 $0xFFFFF800  }
0x78: {  	[spmem:s25] =	stream.linear.scatter [tilespmem:s4], [sflag:$0x3], $0x800, $0x38;
	[tilespmem:$0x1F580] =	vst v63  }
0x79: {  	_ =	swait.ge [sflag:s7], $0x800  }
0x7a: {  	[sflag:s7] =	ssyncset.done $0x0  }
0x7b: {  	s26 =	rddreg [dreg:$0x17];
	[sflag:s7] =	ssyncadd.s32 $0xFFFFF800  }
0x7c: {  	[spmem:s26] =	stream.linear.scatter [tilespmem:s4], [sflag:$0x3], $0x800, $0x38;
	[tilespmem:$0x1F580] =	vst v63  }
0x7d: {  	_ =	swait.ge [sflag:s7], $0x800  }
0x7e: {  	[sflag:s7] =	ssyncset.done $0x0  }
0x7f: {  	s25 =	rddreg [dreg:$0x18];
	[sflag:s7] =	ssyncadd.s32 $0xFFFFF800  }
0x80: {  	[spmem:s25] =	stream.linear.scatter [tilespmem:s4], [sflag:$0x3], $0x800, $0x38;
	[tilespmem:$0x1F580] =	vst v63  }
0x81: {  	_ =	swait.ge [sflag:s7], $0x800  }
0x82: {  	[sflag:s7] =	ssyncset.done $0x0  }
0x83: {  	s26 =	rddreg [dreg:$0x19];
	[sflag:s7] =	ssyncadd.s32 $0xFFFFF800  }
0x84: {  	[spmem:s26] =	stream.linear.scatter [tilespmem:s4], [sflag:$0x3], $0x800, $0x38;
	[tilespmem:$0x1F580] =	vst v63  }
0x85: {  	_ =	swait.ge [sflag:s7], $0x800  }
0x86: {  	[sflag:s7] =	ssyncset.done $0x0  }
0x87: {  	s25 =	rddreg [dreg:$0x1a];
	[sflag:s7] =	ssyncadd.s32 $0xFFFFF800  }
0x88: {  	[spmem:s25] =	stream.linear.scatter [tilespmem:s4], [sflag:$0x3], $0x800, $0x38;
	[tilespmem:$0x1F580] =	vst v63  }
0x89: {  	_ =	swait.ge [sflag:s7], $0x800  }
0x8a: {  	[sflag:s7] =	ssyncset.done $0x0  }
0x8b: {  	s26 =	rddreg [dreg:$0x1b];
	[sflag:s7] =	ssyncadd.s32 $0xFFFFF800  }
0x8c: {  	[spmem:s26] =	stream.linear.scatter [tilespmem:s4], [sflag:$0x3], $0x800, $0x38;
	[tilespmem:$0x1F580] =	vst v63  }
0x8d: {  	_ =	swait.ge [sflag:s7], $0x800  }
0x8e: {  	[sflag:s7] =	ssyncset.done $0x0  }
0x8f: {  	s25 =	rddreg [dreg:$0x1c];
	[sflag:s7] =	ssyncadd.s32 $0xFFFFF800  }
0x90: {  	[spmem:s25] =	stream.linear.scatter [tilespmem:s4], [sflag:$0x3], $0x800, $0x38;
	[tilespmem:$0x1F580] =	vst v63  }
0x91: {  	_ =	swait.ge [sflag:s7], $0x800  }
0x92: {  	[sflag:s7] =	ssyncset.done $0x0  }
0x93: {  	s26 =	rddreg [dreg:$0x1d];
	[sflag:s7] =	ssyncadd.s32 $0xFFFFF800  }
0x94: {  	[spmem:s26] =	stream.linear.scatter [tilespmem:s4], [sflag:$0x3], $0x800, $0x38;
	[tilespmem:$0x1F580] =	vst v63  }
0x95: {  	_ =	swait.ge [sflag:s7], $0x800  }
0x96: {  	[sflag:s7] =	ssyncset.done $0x0  }
0x97: {  	s25 =	rddreg [dreg:$0x1e];
	[sflag:s7] =	ssyncadd.s32 $0xFFFFF800  }
0x98: {  	[spmem:s25] =	stream.linear.scatter [tilespmem:s4], [sflag:$0x3], $0x800, $0x38;
	[tilespmem:$0x1F580] =	vst v63  }
0x99: {  	_ =	swait.ge [sflag:s7], $0x800  }
0x9a: {  	[sflag:s7] =	ssyncset.done $0x0  }
0x9b: {  	s26 =	rddreg [dreg:$0x1f];
	[sflag:s7] =	ssyncadd.s32 $0xFFFFF800  }
0x9c: {  	[spmem:s26] =	stream.linear.scatter [tilespmem:s4], [sflag:$0x3], $0x800, $0x38;
	[tilespmem:$0x1F580] =	vst v63  }
0x9d: {  	_ =	swait.ge [sflag:s7], $0x800  }
0x9e: {  	s25 =	sld [smem:$0x7EF]  }
0x9f: {  	[sflag:s7] =	ssyncset.done $0x0  }
0xa0: {  	[sflag:s7] =	ssyncadd.s32 $0xFFFFF800  }
0xa1: {  	[spmem:s25] =	stream.linear.scatter [tilespmem:s4], [sflag:$0x3], $0x800, $0x38;
	[tilespmem:$0x1F580] =	vst v63  }
0xa2: {  	_ =	swait.ge [sflag:s7], $0x800  }
0xa3: {  	s26 =	sld [smem:$0x7F0]  }
0xa4: {  	[sflag:s7] =	ssyncset.done $0x0  }
0xa5: {  	[sflag:s7] =	ssyncadd.s32 $0xFFFFF800  }
0xa6: {  	[spmem:s26] =	stream.linear.scatter [tilespmem:s4], [sflag:$0x3], $0x800, $0x38;
	[tilespmem:$0x1F580] =	vst v63  }
0xa7: {  	_ =	swait.ge [sflag:s7], $0x800  }
0xa8: {  	s25 =	sld [smem:$0x7F1]  }
0xa9: {  	[sflag:s7] =	ssyncset.done $0x0  }
0xaa: {  	[sflag:s7] =	ssyncadd.s32 $0xFFFFF800  }
0xab: {  	[spmem:s25] =	stream.linear.scatter [tilespmem:s4], [sflag:$0x3], $0x800, $0x38;
	[tilespmem:$0x1F580] =	vst v63  }
0xac: {  	_ =	swait.ge [sflag:s7], $0x800  }
0xad: {  	s26 =	sld [smem:$0x7F2]  }
0xae: {  	[sflag:s7] =	ssyncset.done $0x0  }
0xaf: {  	[sflag:s7] =	ssyncadd.s32 $0xFFFFF800  }
0xb0: {  	[spmem:s26] =	stream.linear.scatter [tilespmem:s4], [sflag:$0x3], $0x800, $0x38;
	[tilespmem:$0x1F580] =	vst v63  }
0xb1: {  	_ =	swait.ge [sflag:s7], $0x800  }
0xb2: {  	s25 =	sld [smem:$0x7F3]  }
0xb3: {  	[sflag:s7] =	ssyncset.done $0x0  }
0xb4: {  	[sflag:s7] =	ssyncadd.s32 $0xFFFFF800  }
0xb5: {  	[spmem:s25] =	stream.linear.scatter [tilespmem:s4], [sflag:$0x3], $0x800, $0x38;
	[tilespmem:$0x1F580] =	vst v63  }
0xb6: {  	_ =	swait.ge [sflag:s7], $0x800  }
0xb7: {  	s26 =	sld [smem:$0x7F4]  }
0xb8: {  	[sflag:s7] =	ssyncset.done $0x0  }
0xb9: {  	[sflag:s7] =	ssyncadd.s32 $0xFFFFF800  }
0xba: {  	[spmem:s26] =	stream.linear.scatter [tilespmem:s4], [sflag:$0x3], $0x800, $0x38;
	[tilespmem:$0x1F580] =	vst v63  }
0xbb: {  	_ =	swait.ge [sflag:s7], $0x800  }
0xbc: {  	s25 =	sld [smem:$0x7F5]  }
0xbd: {  	[sflag:s7] =	ssyncset.done $0x0  }
0xbe: {  	[sflag:s7] =	ssyncadd.s32 $0xFFFFF800  }
0xbf: {  	[spmem:s25] =	stream.linear.scatter [tilespmem:s4], [sflag:$0x3], $0x800, $0x38;
	[tilespmem:$0x1F580] =	vst v63  }
0xc0: {  	_ =	swait.ge [sflag:s7], $0x800  }
0xc1: {  	s26 =	sld [smem:$0x7F6]  }
0xc2: {  	[sflag:s7] =	ssyncset.done $0x0  }
0xc3: {  	[sflag:s7] =	ssyncadd.s32 $0xFFFFF800  }
0xc4: {  	[spmem:s26] =	stream.linear.scatter [tilespmem:s4], [sflag:$0x3], $0x800, $0x38;
	[tilespmem:$0x1F580] =	vst v63  }
0xc5: {  	_ =	swait.ge [sflag:s7], $0x800  }
0xc6: {  	s25 =	sld [smem:$0x7F7]  }
0xc7: {  	[sflag:s7] =	ssyncset.done $0x0  }
0xc8: {  	[sflag:s7] =	ssyncadd.s32 $0xFFFFF800  }
0xc9: {  	[spmem:s25] =	stream.linear.scatter [tilespmem:s4], [sflag:$0x3], $0x800, $0x38;
	[tilespmem:$0x1F580] =	vst v63  }
0xca: {  	_ =	swait.ge [sflag:s7], $0x800  }
0xcb: {  	s26 =	sld [smem:$0x7F8]  }
0xcc: {  	[sflag:s7] =	ssyncset.done $0x0  }
0xcd: {  	[sflag:s7] =	ssyncadd.s32 $0xFFFFF800  }
0xce: {  	[spmem:s26] =	stream.linear.scatter [tilespmem:s4], [sflag:$0x3], $0x800, $0x38;
	[tilespmem:$0x1F580] =	vst v63  }
0xcf: {  	_ =	swait.ge [sflag:s7], $0x800  }
0xd0: {  	s25 =	sld [smem:$0x7F9]  }
0xd1: {  	[sflag:s7] =	ssyncset.done $0x0  }
0xd2: {  	[sflag:s7] =	ssyncadd.s32 $0xFFFFF800  }
0xd3: {  	[spmem:s25] =	stream.linear.scatter [tilespmem:s4], [sflag:$0x3], $0x800, $0x38;
	[tilespmem:$0x1F580] =	vst v63  }
0xd4: {  	_ =	swait.ge [sflag:s7], $0x800  }
0xd5: {  	s26 =	sld [smem:$0x7FA]  }
0xd6: {  	[sflag:s7] =	ssyncset.done $0x0  }
0xd7: {  	[sflag:s7] =	ssyncadd.s32 $0xFFFFF800  }
0xd8: {  	[spmem:s26] =	stream.linear.scatter [tilespmem:s4], [sflag:$0x3], $0x800, $0x38;
	[tilespmem:$0x1F580] =	vst v63  }
0xd9: {  	_ =	swait.ge [sflag:s7], $0x800  }
0xda: {  	s25 =	sld [smem:$0x7FB]  }
0xdb: {  	[sflag:s7] =	ssyncset.done $0x0  }
0xdc: {  	[sflag:s7] =	ssyncadd.s32 $0xFFFFF800  }
0xdd: {  	[spmem:s25] =	stream.linear.scatter [tilespmem:s4], [sflag:$0x3], $0x800, $0x38;
	[tilespmem:$0x1F580] =	vst v63  }
0xde: {  	_ =	swait.ge [sflag:s7], $0x800  }
0xdf: {  	s26 =	sld [smem:$0x7FC]  }
0xe0: {  	[sflag:s7] =	ssyncset.done $0x0  }
0xe1: {  	[sflag:s7] =	ssyncadd.s32 $0xFFFFF800  }
0xe2: {  	[spmem:s26] =	stream.linear.scatter [tilespmem:s4], [sflag:$0x3], $0x800, $0x38;
	[tilespmem:$0x1F580] =	vst v63  }
0xe3: {  	_ =	swait.ge [sflag:s7], $0x800  }
0xe4: {  	s25 =	sld [smem:$0x7FD]  }
0xe5: {  	[sflag:s7] =	ssyncset.done $0x0  }
0xe6: {  	[sflag:s7] =	ssyncadd.s32 $0xFFFFF800  }
0xe7: {  	[spmem:s25] =	stream.linear.scatter [tilespmem:s4], [sflag:$0x3], $0x800, $0x38;
	[tilespmem:$0x1F580] =	vst v63  }
0xe8: {  	_ =	swait.ge [sflag:s7], $0x800  }
0xe9: {  	[sflag:s7] =	ssyncset.done $0x0  }
0xea: {  	[sflag:s7] =	ssyncadd.s32 $0xFFFFF800  }
0xeb: {  	[spmem:s28] =	stream.linear.scatter [tilespmem:s4], [sflag:$0x3], $0x800, $0x38;
	[tilespmem:$0x1F580] =	vst v63  }
0xec: {  	_ =	swait.ge [sflag:s7], $0x800  }
0xed: {  	[sflag:s7] =	ssyncset.done $0x0  }
0xee: {  	[sflag:s7] =	ssyncadd.s32 $0xFFFFF800  }
0xef: {  	[spmem:s29] =	stream.linear.scatter [tilespmem:s4], [sflag:$0x3], $0x800, $0x38;
	[tilespmem:$0x1F580] =	vst v63  }
0xf0: {  	_ =	swait.ge [sflag:s7], $0x800  }
0xf1: {  	[sflag:s7] =	ssyncset.done $0x0  }
0xf2: {  	[sflag:s7] =	ssyncadd.s32 $0xFFFFF800  }
0xf3: {  	[spmem:s30] =	stream.linear.scatter [tilespmem:s4], [sflag:$0x3], $0x800, $0x38;
	[tilespmem:$0x1F580] =	vst v63  }
0xf4: {  	_ =	swait.ge [sflag:s7], $0x800  }
0xf5: {  	[sflag:s7] =	ssyncset.done $0x0  }
0xf6: {  	[sflag:s7] =	ssyncadd.s32 $0xFFFFF800  }
0xf7: {  	[spmem:s31] =	stream.linear.scatter [tilespmem:s4], [sflag:$0x3], $0x800, $0x38;
	[tilespmem:$0x1F580] =	vst v63  }
0xf8: {  	_ =	swait.ge [sflag:s7], $0x800  }
0xf9: {  	[sflag:s7] =	ssyncset.done $0x0  }
0xfa: {  	[sflag:s7] =	ssyncadd.s32 $0xFFFFF800  }
0xfb: {  	[spmem:s0] =	stream.linear.scatter [tilespmem:s4], [sflag:$0x3], $0x800, $0x38;
	[tilespmem:$0x1F580] =	vst v63  }
0xfc: {  	_ =	swait.ge [sflag:s7], $0x800  }
0xfd: {  	[sflag:s7] =	ssyncset.done $0x0  }
0xfe: {  	[sflag:s7] =	ssyncadd.s32 $0xFFFFF800  }
0xff: {  	[spmem:s20] =	stream.linear.scatter [tilespmem:s4], [sflag:$0x3], $0x800, $0x38;
	[tilespmem:$0x1F580] =	vst v63  }
0x100: {  	_ =	swait.ge [sflag:s7], $0x800  }
0x101: {  	[sflag:s7] =	ssyncset.done $0x0  }
0x102: {  	[sflag:s7] =	ssyncadd.s32 $0xFFFFF800  }
0x103: {  	[spmem:s23] =	stream.linear.scatter [tilespmem:s4], [sflag:$0x3], $0x800, $0x38;
	[tilespmem:$0x1F580] =	vst v63  }
0x104: {  	_ =	swait.ge [sflag:s7], $0x800  }
0x105: {  	[sflag:s7] =	ssyncset.done $0x0  }
0x106: {  	[sflag:s7] =	ssyncadd.s32 $0xFFFFF800  }
0x107: {  	[spmem:s24] =	stream.linear.scatter [tilespmem:s4], [sflag:$0x3], $0x800, $0x38;
	[tilespmem:$0x1F580] =	vst v63  }
0x108: {  	_ =	swait.ge [sflag:s7], $0x800  }
0x109: {  	[sflag:s7] =	ssyncset.done $0x0  }
0x10a: {  	s25 =	simm.s32 $0xB000;
	s26 =	rddreg [dreg:$0x6];
	[sflag:s7] =	ssyncadd.s32 $0xFFFFF800  }
0x10b: {  	[tilespmem:s25], [sflag:$0x3] =	stream.linear.gather [hbm4b:s26+s3], $0x280, $0x38;
	[tilespmem:$0x1F580] =	vst v63  }
0x10c: {  	_ =	swait.ge [sflag:s7], $0x280  }
0x10d: {  	[sflag:s7] =	ssyncset.done $0x0  }
0x10e: {  	[sflag:s7] =	ssyncadd.s32 $0xFFFFFD80  }
0x10f: {  	[spmem:s22] =	stream.linear.scatter [tilespmem:s25], [sflag:$0x3], $0x280, $0x38;
	[tilespmem:$0x1F580] =	vst v63  }
0x110: {  	_ =	swait.ge [sflag:s7], $0x280  }
0x111: {  	[sflag:s7] =	ssyncset.done $0x0  }
0x112: {  	s26 =	rddreg [dreg:$0x7];
	[sflag:s7] =	ssyncadd.s32 $0xFFFFFD80  }
0x113: {  	[tilespmem:s9], [sflag:$0x3] =	stream.linear.gather [hbm4b:s26+s3], $0x80, $0x38;
	[tilespmem:$0x1F580] =	vst v63  }
0x114: {  	_ =	swait.ge [sflag:s7], $0x80  }
0x115: {  	[sflag:s7] =	ssyncset.done $0x0  }
0x116: {  	[sflag:s7] =	ssyncadd.s32 $0xFFFFFF80  }
0x117: {  	[bflag:$0x0] =	sbarrier.arrive $0xFFFF  }
0x118: {  	s25 =	rddreg [dreg:$0xd]  }
0x119: {  	[tilespmem:s3], [sflag:$0x3] =	stream.linear.gather [hbm4b:s25+s3], $0x1400, $0x38;
	[tilespmem:$0x1F580] =	vst v63  }
0x11a: {  	_ =	swait.ge [sflag:s7], $0x1400  }
0x11b: {  	[sflag:s7] =	ssyncset.done $0x0  }
.Ltmp2:
0x11c: {  	s26 =	rddreg [dreg:$0xe];
	[sflag:s7] =	ssyncadd.s32 $0xFFFFEC00;
	(pc) =	sbr.rel @p0 .LBB2_7-.Ltmp2, $4  }
0x11d: {  	[tilespmem:s11], [sflag:$0x3] =	stream.linear.gather [hbm4b:s26+s3], $0x1400, $0x38;
	[tilespmem:$0x1F580] =	vst v63  }
0x11e: {  	_ =	swait.ge [sflag:s7], $0x1400  }
0x11f: {  	[sflag:s7] =	ssyncset.done $0x0  }
0x120: {  	[sflag:s7] =	ssyncadd.s32 $0xFFFFEC00  }
0x121: {  	s25 =	simm.s32 $0x0  }
0x122: {  	[tilespmem:s13], [sflag:$0x1] =	stream.indirect.gather [hbm4b:s5+s12], $0x80, s25, s12, $0xb8;
	[tilespmem:$0x1F580] =	vst v63  }
0x123: {  	_ =	swait.ge [sflag:s14], $0x4000  }
0x124: {  	[sflag:s14] =	ssyncset.done $0x0  }
0x125: {  	s8 =	simm.s32 $0x80;
	[sflag:s14] =	ssyncadd.s32 $0xFFFFC000  }
0x126: {  	[tilespmem:s15], [sflag:$0x2] =	stream.indirect.gather [hbm4b:s5+s12], $0x80, s8, s12, $0xb8;
	[tilespmem:$0x1F580] =	vst v63  }
0x127: {  	s26 =	simm.s32 $0x1400  }
0x128: {  	[spmem:s1] =	stream.indirect.scatter.add.f32 [tilespmem:s13], [sflag:$0x3], $0x80, s26, s12, $0xb8;
	[tilespmem:$0x1F580] =	vst v63  }
0x129: {  	_ =	swait.ge [sflag:s7], $0x4000  }
0x12a: {  	[sflag:s7] =	ssyncset.done $0x0  }
0x12b: {  	[sflag:s7] =	ssyncadd.s32 $0xFFFFC000  }
0x12c: {  	[spmem:s2] =	stream.indirect.scatter.add.f32 [tilespmem:s9], [sflag:$0x3], $0x1, s26, s12, $0xb8;
	[tilespmem:$0x1F580] =	vst v63  }
0x12d: {  	_ =	swait.ge [sflag:s7], $0x80  }
0x12e: {  	[sflag:s7] =	ssyncset.done $0x0  }
0x12f: {  	[sflag:s7] =	ssyncadd.s32 $0xFFFFFF80  }
0x130: {  	_ =	swait.ge [sflag:s16], $0x4000  }
0x131: {  	[sflag:s16] =	ssyncset.done $0x0  }
0x132: {  	s8 =	simm.s32 $0x100;
	[sflag:s16] =	ssyncadd.s32 $0xFFFFC000  }
0x133: {  	[tilespmem:s13], [sflag:$0x1] =	stream.indirect.gather [hbm4b:s5+s12], $0x80, s8, s12, $0xb8;
	[tilespmem:$0x1F580] =	vst v63  }
0x134: {  	s26 =	simm.s32 $0x1480  }
0x135: {  	[spmem:s1] =	stream.indirect.scatter.add.f32 [tilespmem:s15], [sflag:$0x3], $0x80, s26, s12, $0xb8;
	[tilespmem:$0x1F580] =	vst v63  }
0x136: {  	_ =	swait.ge [sflag:s7], $0x4000  }
0x137: {  	[sflag:s7] =	ssyncset.done $0x0  }
0x138: {  	[sflag:s7] =	ssyncadd.s32 $0xFFFFC000  }
0x139: {  	[spmem:s2] =	stream.indirect.scatter.add.f32 [tilespmem:s9], [sflag:$0x3], $0x1, s26, s12, $0xb8;
	[tilespmem:$0x1F580] =	vst v63  }
0x13a: {  	_ =	swait.ge [sflag:s7], $0x80  }
0x13b: {  	s25 =	simm.s32 $0x400;
	[sflag:s7] =	ssyncset.done $0x0  }
.LBB2_3:
0x13c: {  	p1 =	sne.s32 s25, $0x4800  }
0x13d: {  	[sflag:s7] =	ssyncadd.s32 $0xFFFFFF80;
	s8 =	smov.u32 s25;
	s25 =	sadd.s32 $0x400, s25  }
0x13e: {  	_ =	swait.ge [sflag:s14], $0x4000  }
0x13f: {  	s8 =	sshra.s32 s8, $0x2;
	[sflag:s14] =	ssyncset.done $0x0  }
0x140: {  	s26 =	sadd.s32 $0x80, s8;
	[sflag:s14] =	ssyncadd.s32 $0xFFFFC000  }
0x141: {  	[tilespmem:s15], [sflag:$0x2] =	stream.indirect.gather [hbm4b:s5+s12], $0x80, s26, s12, $0xb8;
	[tilespmem:$0x1F580] =	vst v63  }
0x142: {  	s26 =	sadd.s32 $0x1400, s8  }
0x143: {  	[spmem:s1] =	stream.indirect.scatter.add.f32 [tilespmem:s13], [sflag:$0x3], $0x80, s26, s12, $0xb8;
	[tilespmem:$0x1F580] =	vst v63  }
0x144: {  	_ =	swait.ge [sflag:s7], $0x4000  }
0x145: {  	[sflag:s7] =	ssyncset.done $0x0  }
0x146: {  	[sflag:s7] =	ssyncadd.s32 $0xFFFFC000  }
0x147: {  	[spmem:s2] =	stream.indirect.scatter.add.f32 [tilespmem:s9], [sflag:$0x3], $0x1, s26, s12, $0xb8;
	[tilespmem:$0x1F580] =	vst v63  }
0x148: {  	_ =	swait.ge [sflag:s7], $0x80  }
0x149: {  	[sflag:s7] =	ssyncset.done $0x0  }
0x14a: {  	[sflag:s7] =	ssyncadd.s32 $0xFFFFFF80  }
0x14b: {  	_ =	swait.ge [sflag:s16], $0x4000  }
0x14c: {  	[sflag:s16] =	ssyncset.done $0x0  }
0x14d: {  	s26 =	sadd.s32 $0x100, s8;
	[sflag:s16] =	ssyncadd.s32 $0xFFFFC000  }
0x14e: {  	[tilespmem:s13], [sflag:$0x1] =	stream.indirect.gather [hbm4b:s5+s12], $0x80, s26, s12, $0xb8;
	[tilespmem:$0x1F580] =	vst v63  }
0x14f: {  	s8 =	sadd.s32 $0x1480, s8  }
0x150: {  	[spmem:s1] =	stream.indirect.scatter.add.f32 [tilespmem:s15], [sflag:$0x3], $0x80, s8, s12, $0xb8;
	[tilespmem:$0x1F580] =	vst v63  }
0x151: {  	_ =	swait.ge [sflag:s7], $0x4000  }
.Ltmp3:
0x152: {  	[sflag:s7] =	ssyncset.done $0x0;
	(pc) =	sbr.rel @p1 .LBB2_3-.Ltmp3, $4  }
0x153: {  	[sflag:s7] =	ssyncadd.s32 $0xFFFFC000  }
0x154: {  	[spmem:s2] =	stream.indirect.scatter.add.f32 [tilespmem:s9], [sflag:$0x3], $0x1, s8, s12, $0xb8;
	[tilespmem:$0x1F580] =	vst v63  }
0x155: {  	_ =	swait.ge [sflag:s7], $0x80  }
0x156: {  	[sflag:s7] =	ssyncset.done $0x0  }
0x157: {  	[sflag:s7] =	ssyncadd.s32 $0xFFFFFF80  }
0x158: {  	_ =	swait.ge [sflag:s14], $0x4000  }
0x159: {  	[sflag:s14] =	ssyncset.done $0x0  }
0x15a: {  	[sflag:s14] =	ssyncadd.s32 $0xFFFFC000  }
0x15b: {  	[tilespmem:s15], [sflag:$0x2] =	stream.indirect.gather [hbm4b:s5+s12], $0x80, s17, s12, $0xb8;
	[tilespmem:$0x1F580] =	vst v63  }
0x15c: {  	_ = 	snop  }
0x15d: {  	[spmem:s1] =	stream.indirect.scatter.add.f32 [tilespmem:s13], [sflag:$0x3], $0x80, s18, s12, $0xb8;
	[tilespmem:$0x1F580] =	vst v63  }
0x15e: {  	_ =	swait.ge [sflag:s7], $0x4000  }
0x15f: {  	[sflag:s7] =	ssyncset.done $0x0  }
0x160: {  	[sflag:s7] =	ssyncadd.s32 $0xFFFFC000  }
0x161: {  	[spmem:s2] =	stream.indirect.scatter.add.f32 [tilespmem:s9], [sflag:$0x3], $0x1, s18, s12, $0xb8;
	[tilespmem:$0x1F580] =	vst v63  }
0x162: {  	_ =	swait.ge [sflag:s7], $0x80  }
0x163: {  	[sflag:s7] =	ssyncset.done $0x0  }
0x164: {  	[sflag:s7] =	ssyncadd.s32 $0xFFFFFF80  }
0x165: {  	_ =	swait.ge [sflag:s16], $0x4000  }
0x166: {  	[sflag:s16] =	ssyncset.done $0x0  }
0x167: {  	[sflag:s16] =	ssyncadd.s32 $0xFFFFC000  }
0x168: {  	[spmem:s1] =	stream.indirect.scatter.add.f32 [tilespmem:s15], [sflag:$0x3], $0x80, s19, s12, $0xb8;
	[tilespmem:$0x1F580] =	vst v63  }
0x169: {  	_ =	swait.ge [sflag:s7], $0x4000  }
0x16a: {  	[sflag:s7] =	ssyncset.done $0x0  }
0x16b: {  	[sflag:s7] =	ssyncadd.s32 $0xFFFFC000  }
0x16c: {  	[spmem:s2] =	stream.indirect.scatter.add.f32 [tilespmem:s9], [sflag:$0x3], $0x1, s19, s12, $0xb8;
	[tilespmem:$0x1F580] =	vst v63  }
0x16d: {  	_ =	swait.ge [sflag:s7], $0x80  }
0x16e: {  	[sflag:s7] =	ssyncset.done $0x0  }
0x16f: {  	s8 =	simm.s32 $0x0;
	s25 =	rddreg [dreg:$0xf];
	[sflag:s7] =	ssyncadd.s32 $0xFFFFFF80  }
0x170: {  	[tilespmem:s8], [sflag:$0x3] =	stream.linear.gather [hbm4b:s25+s8], $0x1400, $0x38;
	[tilespmem:$0x1F580] =	vst v63  }
0x171: {  	_ =	swait.ge [sflag:s7], $0x1400  }
0x172: {  	[sflag:s7] =	ssyncset.done $0x0  }
0x173: {  	s26 =	rddreg [dreg:$0x10];
	[sflag:s7] =	ssyncadd.s32 $0xFFFFEC00  }
0x174: {  	[tilespmem:s11], [sflag:$0x3] =	stream.linear.gather [hbm4b:s26+s8], $0x1400, $0x38;
	[tilespmem:$0x1F580] =	vst v63  }
0x175: {  	_ =	swait.ge [sflag:s7], $0x1400  }
0x176: {  	[sflag:s7] =	ssyncset.done $0x0  }
0x177: {  	[sflag:s7] =	ssyncadd.s32 $0xFFFFEC00  }
0x178: {  	[tilespmem:s13], [sflag:$0x1] =	stream.indirect.gather [hbm4b:s5+s12], $0x80, s8, s12, $0xb8;
	[tilespmem:$0x1F580] =	vst v63  }
0x179: {  	_ =	swait.ge [sflag:s14], $0x4000  }
0x17a: {  	[sflag:s14] =	ssyncset.done $0x0  }
0x17b: {  	s25 =	simm.s32 $0x80;
	[sflag:s14] =	ssyncadd.s32 $0xFFFFC000  }
0x17c: {  	[tilespmem:s15], [sflag:$0x2] =	stream.indirect.gather [hbm4b:s5+s12], $0x80, s25, s12, $0xb8;
	[tilespmem:$0x1F580] =	vst v63  }
0x17d: {  	s26 =	simm.s32 $0x1400  }
0x17e: {  	[spmem:s1] =	stream.indirect.scatter.add.f32 [tilespmem:s13], [sflag:$0x3], $0x80, s26, s12, $0xb8;
	[tilespmem:$0x1F580] =	vst v63  }
0x17f: {  	_ =	swait.ge [sflag:s7], $0x4000  }
0x180: {  	[sflag:s7] =	ssyncset.done $0x0  }
0x181: {  	[sflag:s7] =	ssyncadd.s32 $0xFFFFC000  }
0x182: {  	[spmem:s2] =	stream.indirect.scatter.add.f32 [tilespmem:s9], [sflag:$0x3], $0x1, s26, s12, $0xb8;
	[tilespmem:$0x1F580] =	vst v63  }
0x183: {  	_ =	swait.ge [sflag:s7], $0x80  }
0x184: {  	[sflag:s7] =	ssyncset.done $0x0  }
0x185: {  	[sflag:s7] =	ssyncadd.s32 $0xFFFFFF80  }
0x186: {  	_ =	swait.ge [sflag:s16], $0x4000  }
0x187: {  	[sflag:s16] =	ssyncset.done $0x0  }
0x188: {  	s25 =	simm.s32 $0x100;
	[sflag:s16] =	ssyncadd.s32 $0xFFFFC000  }
0x189: {  	[tilespmem:s13], [sflag:$0x1] =	stream.indirect.gather [hbm4b:s5+s12], $0x80, s25, s12, $0xb8;
	[tilespmem:$0x1F580] =	vst v63  }
0x18a: {  	s26 =	simm.s32 $0x1480  }
0x18b: {  	[spmem:s1] =	stream.indirect.scatter.add.f32 [tilespmem:s15], [sflag:$0x3], $0x80, s26, s12, $0xb8;
	[tilespmem:$0x1F580] =	vst v63  }
0x18c: {  	_ =	swait.ge [sflag:s7], $0x4000  }
0x18d: {  	[sflag:s7] =	ssyncset.done $0x0  }
0x18e: {  	[sflag:s7] =	ssyncadd.s32 $0xFFFFC000  }
0x18f: {  	[spmem:s2] =	stream.indirect.scatter.add.f32 [tilespmem:s9], [sflag:$0x3], $0x1, s26, s12, $0xb8;
	[tilespmem:$0x1F580] =	vst v63  }
0x190: {  	_ =	swait.ge [sflag:s7], $0x80  }
0x191: {  	s25 =	simm.s32 $0x400;
	[sflag:s7] =	ssyncset.done $0x0  }
.LBB2_5:
0x192: {  	p1 =	sne.s32 s25, $0x4800  }
0x193: {  	[sflag:s7] =	ssyncadd.s32 $0xFFFFFF80;
	s8 =	smov.u32 s25;
	s25 =	sadd.s32 $0x400, s25  }
0x194: {  	_ =	swait.ge [sflag:s14], $0x4000  }
0x195: {  	s8 =	sshra.s32 s8, $0x2;
	[sflag:s14] =	ssyncset.done $0x0  }
0x196: {  	s26 =	sadd.s32 $0x80, s8;
	[sflag:s14] =	ssyncadd.s32 $0xFFFFC000  }
0x197: {  	[tilespmem:s15], [sflag:$0x2] =	stream.indirect.gather [hbm4b:s5+s12], $0x80, s26, s12, $0xb8;
	[tilespmem:$0x1F580] =	vst v63  }
0x198: {  	s26 =	sadd.s32 $0x1400, s8  }
0x199: {  	[spmem:s1] =	stream.indirect.scatter.add.f32 [tilespmem:s13], [sflag:$0x3], $0x80, s26, s12, $0xb8;
	[tilespmem:$0x1F580] =	vst v63  }
0x19a: {  	_ =	swait.ge [sflag:s7], $0x4000  }
0x19b: {  	[sflag:s7] =	ssyncset.done $0x0  }
0x19c: {  	[sflag:s7] =	ssyncadd.s32 $0xFFFFC000  }
0x19d: {  	[spmem:s2] =	stream.indirect.scatter.add.f32 [tilespmem:s9], [sflag:$0x3], $0x1, s26, s12, $0xb8;
	[tilespmem:$0x1F580] =	vst v63  }
0x19e: {  	_ =	swait.ge [sflag:s7], $0x80  }
0x19f: {  	[sflag:s7] =	ssyncset.done $0x0  }
0x1a0: {  	[sflag:s7] =	ssyncadd.s32 $0xFFFFFF80  }
0x1a1: {  	_ =	swait.ge [sflag:s16], $0x4000  }
0x1a2: {  	[sflag:s16] =	ssyncset.done $0x0  }
0x1a3: {  	s26 =	sadd.s32 $0x100, s8;
	[sflag:s16] =	ssyncadd.s32 $0xFFFFC000  }
0x1a4: {  	[tilespmem:s13], [sflag:$0x1] =	stream.indirect.gather [hbm4b:s5+s12], $0x80, s26, s12, $0xb8;
	[tilespmem:$0x1F580] =	vst v63  }
0x1a5: {  	s8 =	sadd.s32 $0x1480, s8  }
0x1a6: {  	[spmem:s1] =	stream.indirect.scatter.add.f32 [tilespmem:s15], [sflag:$0x3], $0x80, s8, s12, $0xb8;
	[tilespmem:$0x1F580] =	vst v63  }
0x1a7: {  	_ =	swait.ge [sflag:s7], $0x4000  }
.Ltmp4:
0x1a8: {  	[sflag:s7] =	ssyncset.done $0x0;
	(pc) =	sbr.rel @p1 .LBB2_5-.Ltmp4, $4  }
0x1a9: {  	[sflag:s7] =	ssyncadd.s32 $0xFFFFC000  }
0x1aa: {  	[spmem:s2] =	stream.indirect.scatter.add.f32 [tilespmem:s9], [sflag:$0x3], $0x1, s8, s12, $0xb8;
	[tilespmem:$0x1F580] =	vst v63  }
0x1ab: {  	_ =	swait.ge [sflag:s7], $0x80  }
0x1ac: {  	[sflag:s7] =	ssyncset.done $0x0  }
0x1ad: {  	[sflag:s7] =	ssyncadd.s32 $0xFFFFFF80  }
0x1ae: {  	_ =	swait.ge [sflag:s14], $0x4000  }
0x1af: {  	[sflag:s14] =	ssyncset.done $0x0  }
0x1b0: {  	[sflag:s14] =	ssyncadd.s32 $0xFFFFC000  }
0x1b1: {  	[tilespmem:s15], [sflag:$0x2] =	stream.indirect.gather [hbm4b:s5+s12], $0x80, s17, s12, $0xb8;
	[tilespmem:$0x1F580] =	vst v63  }
0x1b2: {  	_ = 	snop  }
0x1b3: {  	[spmem:s1] =	stream.indirect.scatter.add.f32 [tilespmem:s13], [sflag:$0x3], $0x80, s18, s12, $0xb8;
	[tilespmem:$0x1F580] =	vst v63  }
0x1b4: {  	_ =	swait.ge [sflag:s7], $0x4000  }
0x1b5: {  	[sflag:s7] =	ssyncset.done $0x0  }
0x1b6: {  	[sflag:s7] =	ssyncadd.s32 $0xFFFFC000  }
0x1b7: {  	[spmem:s2] =	stream.indirect.scatter.add.f32 [tilespmem:s9], [sflag:$0x3], $0x1, s18, s12, $0xb8;
	[tilespmem:$0x1F580] =	vst v63  }
0x1b8: {  	_ =	swait.ge [sflag:s7], $0x80  }
0x1b9: {  	[sflag:s7] =	ssyncset.done $0x0  }
0x1ba: {  	[sflag:s7] =	ssyncadd.s32 $0xFFFFFF80  }
0x1bb: {  	_ =	swait.ge [sflag:s16], $0x4000  }
0x1bc: {  	[sflag:s16] =	ssyncset.done $0x0  }
0x1bd: {  	[sflag:s16] =	ssyncadd.s32 $0xFFFFC000  }
0x1be: {  	[spmem:s1] =	stream.indirect.scatter.add.f32 [tilespmem:s15], [sflag:$0x3], $0x80, s19, s12, $0xb8;
	[tilespmem:$0x1F580] =	vst v63  }
0x1bf: {  	_ =	swait.ge [sflag:s7], $0x4000  }
0x1c0: {  	[sflag:s7] =	ssyncset.done $0x0  }
0x1c1: {  	[sflag:s7] =	ssyncadd.s32 $0xFFFFC000  }
0x1c2: {  	[spmem:s2] =	stream.indirect.scatter.add.f32 [tilespmem:s9], [sflag:$0x3], $0x1, s19, s12, $0xb8;
	[tilespmem:$0x1F580] =	vst v63  }
0x1c3: {  	_ =	swait.ge [sflag:s7], $0x80  }
0x1c4: {  	[sflag:s7] =	ssyncset.done $0x0  }
0x1c5: {  	s8 =	stileid.u32;
	[sflag:s7] =	ssyncadd.s32 $0xFFFFFF80  }
0x1c6: {  	s8 =	sshll.u32 s8, $0x6;
	[bflag:$0x0] =	sbarrier.arrive $0xFFFF  }
0x1c7: {  	s25 =	sshrl.u32 s10, $0x3;
	s8 =	sor.u32 $0x1C03, s8;
	s26 =	rddreg [dreg:$0x14]  }
0x1c8: {  	[hbm:s26], [sflag:s8] =	dma.local [spmem:s25], $0x2800  }
0x1c9: {  	_ =	swait.ge [sflag:s7], $0x2800  }
0x1ca: {  	s25 =	sshrl.u32 s22, $0x3;
	[sflag:s7] =	ssyncset.done $0x0  }
.Ltmp5:
0x1cb: {  	s26 =	rddreg [dreg:$0x11];
	[sflag:s7] =	ssyncadd.s32 $0xFFFFD800;
	(pc) =	sbr.rel .LBB2_12-.Ltmp5, $4  }
0x1cc: {  	[hbm:s26], [sflag:s8] =	dma.local [spmem:s25], $0x50  }
0x1cd: {  	_ =	swait.ge [sflag:s7], $0x50  }
0x1ce: {  	[sflag:s7] =	ssyncset.done $0x0  }
0x1cf: {  	[sflag:s7] =	ssyncadd.s32 $0xFFFFFFB0  }
.LBB2_7:
0x1d0: {  	s8 =	simm.s32 $0x0  }
0x1d1: {  	[tilespmem:s13], [sflag:$0x1] =	stream.indirect.gather [hbm4b:s6+s12], $0x80, s8, s12, $0xb8;
	[tilespmem:$0x1F580] =	vst v63  }
0x1d2: {  	_ =	swait.ge [sflag:s14], $0x4000  }
0x1d3: {  	[sflag:s14] =	ssyncset.done $0x0  }
0x1d4: {  	s25 =	simm.s32 $0x80;
	[sflag:s14] =	ssyncadd.s32 $0xFFFFC000  }
0x1d5: {  	[tilespmem:s15], [sflag:$0x2] =	stream.indirect.gather [hbm4b:s6+s12], $0x80, s25, s12, $0xb8;
	[tilespmem:$0x1F580] =	vst v63  }
0x1d6: {  	s26 =	simm.s32 $0x1400  }
0x1d7: {  	[spmem:s1] =	stream.indirect.scatter.add.f32 [tilespmem:s13], [sflag:$0x3], $0x80, s26, s12, $0xb8;
	[tilespmem:$0x1F580] =	vst v63  }
0x1d8: {  	_ =	swait.ge [sflag:s7], $0x4000  }
0x1d9: {  	[sflag:s7] =	ssyncset.done $0x0  }
0x1da: {  	[sflag:s7] =	ssyncadd.s32 $0xFFFFC000  }
0x1db: {  	[spmem:s2] =	stream.indirect.scatter.add.f32 [tilespmem:s9], [sflag:$0x3], $0x1, s26, s12, $0xb8;
	[tilespmem:$0x1F580] =	vst v63  }
0x1dc: {  	_ =	swait.ge [sflag:s7], $0x80  }
0x1dd: {  	[sflag:s7] =	ssyncset.done $0x0  }
0x1de: {  	[sflag:s7] =	ssyncadd.s32 $0xFFFFFF80  }
0x1df: {  	_ =	swait.ge [sflag:s16], $0x4000  }
0x1e0: {  	[sflag:s16] =	ssyncset.done $0x0  }
0x1e1: {  	s25 =	simm.s32 $0x100;
	[sflag:s16] =	ssyncadd.s32 $0xFFFFC000  }
0x1e2: {  	[tilespmem:s13], [sflag:$0x1] =	stream.indirect.gather [hbm4b:s6+s12], $0x80, s25, s12, $0xb8;
	[tilespmem:$0x1F580] =	vst v63  }
0x1e3: {  	s26 =	simm.s32 $0x1480  }
0x1e4: {  	[spmem:s1] =	stream.indirect.scatter.add.f32 [tilespmem:s15], [sflag:$0x3], $0x80, s26, s12, $0xb8;
	[tilespmem:$0x1F580] =	vst v63  }
0x1e5: {  	_ =	swait.ge [sflag:s7], $0x4000  }
0x1e6: {  	[sflag:s7] =	ssyncset.done $0x0  }
0x1e7: {  	[sflag:s7] =	ssyncadd.s32 $0xFFFFC000  }
0x1e8: {  	[spmem:s2] =	stream.indirect.scatter.add.f32 [tilespmem:s9], [sflag:$0x3], $0x1, s26, s12, $0xb8;
	[tilespmem:$0x1F580] =	vst v63  }
0x1e9: {  	_ =	swait.ge [sflag:s7], $0x80  }
0x1ea: {  	s25 =	simm.s32 $0x400;
	[sflag:s7] =	ssyncset.done $0x0  }
.LBB2_8:
0x1eb: {  	p1 =	sne.s32 s25, $0x4800  }
0x1ec: {  	[sflag:s7] =	ssyncadd.s32 $0xFFFFFF80;
	s8 =	smov.u32 s25;
	s25 =	sadd.s32 $0x400, s25  }
0x1ed: {  	_ =	swait.ge [sflag:s14], $0x4000  }
0x1ee: {  	s8 =	sshra.s32 s8, $0x2;
	[sflag:s14] =	ssyncset.done $0x0  }
0x1ef: {  	s26 =	sadd.s32 $0x80, s8;
	[sflag:s14] =	ssyncadd.s32 $0xFFFFC000  }
0x1f0: {  	[tilespmem:s15], [sflag:$0x2] =	stream.indirect.gather [hbm4b:s6+s12], $0x80, s26, s12, $0xb8;
	[tilespmem:$0x1F580] =	vst v63  }
0x1f1: {  	s26 =	sadd.s32 $0x1400, s8  }
0x1f2: {  	[spmem:s1] =	stream.indirect.scatter.add.f32 [tilespmem:s13], [sflag:$0x3], $0x80, s26, s12, $0xb8;
	[tilespmem:$0x1F580] =	vst v63  }
0x1f3: {  	_ =	swait.ge [sflag:s7], $0x4000  }
0x1f4: {  	[sflag:s7] =	ssyncset.done $0x0  }
0x1f5: {  	[sflag:s7] =	ssyncadd.s32 $0xFFFFC000  }
0x1f6: {  	[spmem:s2] =	stream.indirect.scatter.add.f32 [tilespmem:s9], [sflag:$0x3], $0x1, s26, s12, $0xb8;
	[tilespmem:$0x1F580] =	vst v63  }
0x1f7: {  	_ =	swait.ge [sflag:s7], $0x80  }
0x1f8: {  	[sflag:s7] =	ssyncset.done $0x0  }
0x1f9: {  	[sflag:s7] =	ssyncadd.s32 $0xFFFFFF80  }
0x1fa: {  	_ =	swait.ge [sflag:s16], $0x4000  }
0x1fb: {  	[sflag:s16] =	ssyncset.done $0x0  }
0x1fc: {  	s26 =	sadd.s32 $0x100, s8;
	[sflag:s16] =	ssyncadd.s32 $0xFFFFC000  }
0x1fd: {  	[tilespmem:s13], [sflag:$0x1] =	stream.indirect.gather [hbm4b:s6+s12], $0x80, s26, s12, $0xb8;
	[tilespmem:$0x1F580] =	vst v63  }
0x1fe: {  	s8 =	sadd.s32 $0x1480, s8  }
0x1ff: {  	[spmem:s1] =	stream.indirect.scatter.add.f32 [tilespmem:s15], [sflag:$0x3], $0x80, s8, s12, $0xb8;
	[tilespmem:$0x1F580] =	vst v63  }
0x200: {  	_ =	swait.ge [sflag:s7], $0x4000  }
.Ltmp6:
0x201: {  	[sflag:s7] =	ssyncset.done $0x0;
	(pc) =	sbr.rel @p1 .LBB2_8-.Ltmp6, $4  }
0x202: {  	[sflag:s7] =	ssyncadd.s32 $0xFFFFC000  }
0x203: {  	[spmem:s2] =	stream.indirect.scatter.add.f32 [tilespmem:s9], [sflag:$0x3], $0x1, s8, s12, $0xb8;
	[tilespmem:$0x1F580] =	vst v63  }
0x204: {  	_ =	swait.ge [sflag:s7], $0x80  }
0x205: {  	[sflag:s7] =	ssyncset.done $0x0  }
0x206: {  	[sflag:s7] =	ssyncadd.s32 $0xFFFFFF80  }
0x207: {  	_ =	swait.ge [sflag:s14], $0x4000  }
0x208: {  	[sflag:s14] =	ssyncset.done $0x0  }
0x209: {  	[sflag:s14] =	ssyncadd.s32 $0xFFFFC000  }
0x20a: {  	[tilespmem:s15], [sflag:$0x2] =	stream.indirect.gather [hbm4b:s6+s12], $0x80, s17, s12, $0xb8;
	[tilespmem:$0x1F580] =	vst v63  }
0x20b: {  	_ = 	snop  }
0x20c: {  	[spmem:s1] =	stream.indirect.scatter.add.f32 [tilespmem:s13], [sflag:$0x3], $0x80, s18, s12, $0xb8;
	[tilespmem:$0x1F580] =	vst v63  }
0x20d: {  	_ =	swait.ge [sflag:s7], $0x4000  }
0x20e: {  	[sflag:s7] =	ssyncset.done $0x0  }
0x20f: {  	[sflag:s7] =	ssyncadd.s32 $0xFFFFC000  }
0x210: {  	[spmem:s2] =	stream.indirect.scatter.add.f32 [tilespmem:s9], [sflag:$0x3], $0x1, s18, s12, $0xb8;
	[tilespmem:$0x1F580] =	vst v63  }
0x211: {  	_ =	swait.ge [sflag:s7], $0x80  }
0x212: {  	[sflag:s7] =	ssyncset.done $0x0  }
0x213: {  	[sflag:s7] =	ssyncadd.s32 $0xFFFFFF80  }
0x214: {  	_ =	swait.ge [sflag:s16], $0x4000  }
0x215: {  	[sflag:s16] =	ssyncset.done $0x0  }
0x216: {  	[sflag:s16] =	ssyncadd.s32 $0xFFFFC000  }
0x217: {  	[spmem:s1] =	stream.indirect.scatter.add.f32 [tilespmem:s15], [sflag:$0x3], $0x80, s19, s12, $0xb8;
	[tilespmem:$0x1F580] =	vst v63  }
0x218: {  	_ =	swait.ge [sflag:s7], $0x4000  }
0x219: {  	[sflag:s7] =	ssyncset.done $0x0  }
0x21a: {  	[sflag:s7] =	ssyncadd.s32 $0xFFFFC000  }
0x21b: {  	[spmem:s2] =	stream.indirect.scatter.add.f32 [tilespmem:s9], [sflag:$0x3], $0x1, s19, s12, $0xb8;
	[tilespmem:$0x1F580] =	vst v63  }
0x21c: {  	_ =	swait.ge [sflag:s7], $0x80  }
0x21d: {  	[sflag:s7] =	ssyncset.done $0x0  }
0x21e: {  	s8 =	simm.s32 $0x0;
	s25 =	rddreg [dreg:$0xf];
	[sflag:s7] =	ssyncadd.s32 $0xFFFFFF80  }
0x21f: {  	[tilespmem:s8], [sflag:$0x3] =	stream.linear.gather [hbm4b:s25+s8], $0x1400, $0x38;
	[tilespmem:$0x1F580] =	vst v63  }
0x220: {  	_ =	swait.ge [sflag:s7], $0x1400  }
0x221: {  	[sflag:s7] =	ssyncset.done $0x0  }
0x222: {  	s26 =	rddreg [dreg:$0x10];
	[sflag:s7] =	ssyncadd.s32 $0xFFFFEC00  }
0x223: {  	[tilespmem:s11], [sflag:$0x3] =	stream.linear.gather [hbm4b:s26+s8], $0x1400, $0x38;
	[tilespmem:$0x1F580] =	vst v63  }
0x224: {  	_ =	swait.ge [sflag:s7], $0x1400  }
0x225: {  	[sflag:s7] =	ssyncset.done $0x0  }
0x226: {  	[sflag:s7] =	ssyncadd.s32 $0xFFFFEC00  }
0x227: {  	[tilespmem:s13], [sflag:$0x1] =	stream.indirect.gather [hbm4b:s6+s12], $0x80, s8, s12, $0xb8;
	[tilespmem:$0x1F580] =	vst v63  }
0x228: {  	_ =	swait.ge [sflag:s14], $0x4000  }
0x229: {  	[sflag:s14] =	ssyncset.done $0x0  }
0x22a: {  	s25 =	simm.s32 $0x80;
	[sflag:s14] =	ssyncadd.s32 $0xFFFFC000  }
0x22b: {  	[tilespmem:s15], [sflag:$0x2] =	stream.indirect.gather [hbm4b:s6+s12], $0x80, s25, s12, $0xb8;
	[tilespmem:$0x1F580] =	vst v63  }
0x22c: {  	s26 =	simm.s32 $0x1400  }
0x22d: {  	[spmem:s1] =	stream.indirect.scatter.add.f32 [tilespmem:s13], [sflag:$0x3], $0x80, s26, s12, $0xb8;
	[tilespmem:$0x1F580] =	vst v63  }
0x22e: {  	_ =	swait.ge [sflag:s7], $0x4000  }
0x22f: {  	[sflag:s7] =	ssyncset.done $0x0  }
0x230: {  	[sflag:s7] =	ssyncadd.s32 $0xFFFFC000  }
0x231: {  	[spmem:s2] =	stream.indirect.scatter.add.f32 [tilespmem:s9], [sflag:$0x3], $0x1, s26, s12, $0xb8;
	[tilespmem:$0x1F580] =	vst v63  }
0x232: {  	_ =	swait.ge [sflag:s7], $0x80  }
0x233: {  	[sflag:s7] =	ssyncset.done $0x0  }
0x234: {  	[sflag:s7] =	ssyncadd.s32 $0xFFFFFF80  }
0x235: {  	_ =	swait.ge [sflag:s16], $0x4000  }
0x236: {  	[sflag:s16] =	ssyncset.done $0x0  }
0x237: {  	s25 =	simm.s32 $0x100;
	[sflag:s16] =	ssyncadd.s32 $0xFFFFC000  }
0x238: {  	[tilespmem:s13], [sflag:$0x1] =	stream.indirect.gather [hbm4b:s6+s12], $0x80, s25, s12, $0xb8;
	[tilespmem:$0x1F580] =	vst v63  }
0x239: {  	s26 =	simm.s32 $0x1480  }
0x23a: {  	[spmem:s1] =	stream.indirect.scatter.add.f32 [tilespmem:s15], [sflag:$0x3], $0x80, s26, s12, $0xb8;
	[tilespmem:$0x1F580] =	vst v63  }
0x23b: {  	_ =	swait.ge [sflag:s7], $0x4000  }
0x23c: {  	[sflag:s7] =	ssyncset.done $0x0  }
0x23d: {  	[sflag:s7] =	ssyncadd.s32 $0xFFFFC000  }
0x23e: {  	[spmem:s2] =	stream.indirect.scatter.add.f32 [tilespmem:s9], [sflag:$0x3], $0x1, s26, s12, $0xb8;
	[tilespmem:$0x1F580] =	vst v63  }
0x23f: {  	_ =	swait.ge [sflag:s7], $0x80  }
0x240: {  	s25 =	simm.s32 $0x400;
	[sflag:s7] =	ssyncset.done $0x0  }
.LBB2_10:
0x241: {  	p1 =	sne.s32 s25, $0x4800  }
0x242: {  	[sflag:s7] =	ssyncadd.s32 $0xFFFFFF80;
	s8 =	smov.u32 s25;
	s25 =	sadd.s32 $0x400, s25  }
0x243: {  	_ =	swait.ge [sflag:s14], $0x4000  }
0x244: {  	s8 =	sshra.s32 s8, $0x2;
	[sflag:s14] =	ssyncset.done $0x0  }
0x245: {  	s26 =	sadd.s32 $0x80, s8;
	[sflag:s14] =	ssyncadd.s32 $0xFFFFC000  }
0x246: {  	[tilespmem:s15], [sflag:$0x2] =	stream.indirect.gather [hbm4b:s6+s12], $0x80, s26, s12, $0xb8;
	[tilespmem:$0x1F580] =	vst v63  }
0x247: {  	s26 =	sadd.s32 $0x1400, s8  }
0x248: {  	[spmem:s1] =	stream.indirect.scatter.add.f32 [tilespmem:s13], [sflag:$0x3], $0x80, s26, s12, $0xb8;
	[tilespmem:$0x1F580] =	vst v63  }
0x249: {  	_ =	swait.ge [sflag:s7], $0x4000  }
0x24a: {  	[sflag:s7] =	ssyncset.done $0x0  }
0x24b: {  	[sflag:s7] =	ssyncadd.s32 $0xFFFFC000  }
0x24c: {  	[spmem:s2] =	stream.indirect.scatter.add.f32 [tilespmem:s9], [sflag:$0x3], $0x1, s26, s12, $0xb8;
	[tilespmem:$0x1F580] =	vst v63  }
0x24d: {  	_ =	swait.ge [sflag:s7], $0x80  }
0x24e: {  	[sflag:s7] =	ssyncset.done $0x0  }
0x24f: {  	[sflag:s7] =	ssyncadd.s32 $0xFFFFFF80  }
0x250: {  	_ =	swait.ge [sflag:s16], $0x4000  }
0x251: {  	[sflag:s16] =	ssyncset.done $0x0  }
0x252: {  	s26 =	sadd.s32 $0x100, s8;
	[sflag:s16] =	ssyncadd.s32 $0xFFFFC000  }
0x253: {  	[tilespmem:s13], [sflag:$0x1] =	stream.indirect.gather [hbm4b:s6+s12], $0x80, s26, s12, $0xb8;
	[tilespmem:$0x1F580] =	vst v63  }
0x254: {  	s8 =	sadd.s32 $0x1480, s8  }
0x255: {  	[spmem:s1] =	stream.indirect.scatter.add.f32 [tilespmem:s15], [sflag:$0x3], $0x80, s8, s12, $0xb8;
	[tilespmem:$0x1F580] =	vst v63  }
0x256: {  	_ =	swait.ge [sflag:s7], $0x4000  }
.Ltmp7:
0x257: {  	[sflag:s7] =	ssyncset.done $0x0;
	(pc) =	sbr.rel @p1 .LBB2_10-.Ltmp7, $4  }
0x258: {  	[sflag:s7] =	ssyncadd.s32 $0xFFFFC000  }
0x259: {  	[spmem:s2] =	stream.indirect.scatter.add.f32 [tilespmem:s9], [sflag:$0x3], $0x1, s8, s12, $0xb8;
	[tilespmem:$0x1F580] =	vst v63  }
0x25a: {  	_ =	swait.ge [sflag:s7], $0x80  }
0x25b: {  	[sflag:s7] =	ssyncset.done $0x0  }
.Ltmp8:
0x25c: {  	_ = 	snop;
	(pc) =	sbr.rel .LBB2_11-.Ltmp8, $1  }
0x25d: {  	_ =	sdelay $0x3  }
.LBB2_13:
0x25e: {  	_ =	sfence.sel $0x180000  }
0x25f: {  	[bflag:$0x0] =	sbarrier.arrive $0xFFFF  }
0x260: {  	_ =	strace $0x90000047  }
0x261: {  	s0 =	stileid.u32;
	[bflag:$0x2] =	sbarrier.arrive $0xFFFF  }
0x262: {  	p0 =	sne.s32 s0, $0x0;
	s0 =	rddreg [dreg:$0x4]  }
0x263: {  	s0 =	sadd.s32 @!p0 $0x100000, s0  }
0x264: {  	[sflag:s0] =	ssyncadd.tile.s32 @!p0 $0x1;
	_ =	shalt  }
.Lfunc_end2:
_tile_overlayer_lowered:
.L_overlay_start_2:
0x265: {  	(tag) =	ssettag $0x2  }
0x266: {  	s0 =	rddreg [dreg:$0x0];
	s2 =	stileid.u32  }
0x267: {  	s1 =	rddreg [dreg:$0x1];
	p0 =	sne.s32 s2, $0x0  }
0x268: {  	s3 =	rddreg [dreg:$0x2];
	[bflag:$0x3] =	sbarrier.arrive $0xFFFF;
	s2 =	simm.s32 @!p0 $0x1C03  }
0x269: {  	[timem:s3], [sflag:s2] =	dma.local @!p0 [hbm:s0], s1  }
0x26a: {  	s0 =	simm.s32 @!p0 $0x3  }
0x26b: {  	_ =	swait.ge @!p0 [sflag:s0], s1  }
0x26c: {  	s1 =	ssub.s32 @!p0 $0x0, s1;
	[sflag:s0] =	ssyncset.done @!p0 $0x0  }
0x26d: {  	[sflag:s0] =	ssyncadd.s32 @!p0 s1  }
0x26e: {  	[bflag:$0x3] =	sbarrier.arrive $0xFFFF  }
0x26f: {  	_ =	shalt  }

// kernel: kernel.13.cloned.1.call-start
scs
__scs_entry_jumppad:
0x0: {  	(pc) =	sbr.rel $0x88, $3  }
0x1: {  	(tag) =	ssettag $0x0;
	lr =	simm.s32 $0x1  }
0x2: {  	[smem:$0x3F90] =	sst lr;
	_ =	strace $0xD0000000  }
0x3: {  	_ = 	snop  }
0x4: {  	_ = 	snop  }
0x5: {  	_ = 	snop  }
0x6: {  	_ = 	snop  }
0x7: {  	_ = 	snop  }
__scs_overlays_trampoline_lowered:
0x8: {  	[smem:$0x3F9F] =	sst s0  }
0x9: {  	[smem:$0x3FA0] =	sst s1  }
0xa: {  	[smem:$0x3FA1] =	sst s2  }
0xb: {  	[smem:$0x3FA2] =	sst s3  }
0xc: {  	[smem:$0x3FA3] =	sst s4  }
0xd: {  	[smem:$0x3FA4] =	sst s5  }
0xe: {  	[smem:$0x3FA5] =	sst s6  }
0xf: {  	[smem:$0x3FA6] =	sst s7  }
0x10: {  	[smem:$0x3FA7] =	sst s8  }
0x11: {  	[smem:$0x3FA8] =	sst s9;
	s0 =	simm.s32 @!p0 $0x0  }
0x12: {  	s1 =	sld [smem:$0x3F8E];
	s0 =	simm.s32 @p0 $0x1  }
0x13: {  	[smem:$0x3FA9] =	sst s0;
	s0 =	simm.s32 @!p1 $0x0  }
0x14: {  	s2 =	sld [smem:$0x3F8D];
	s0 =	simm.s32 @p1 $0x1  }
0x15: {  	[smem:$0x3FAA] =	sst s0;
	s0 =	simm.s32 @!p2 $0x0  }
0x16: {  	s3 =	sld [smem:$0x3FDB];
	s0 =	simm.s32 @p2 $0x1  }
0x17: {  	s4 =	simm.s32 $0x1BF5;
	[smem:$0x3FAC] =	sst s0  }
0x18: {  	s0 =	sld [smem:$0x3F8F];
	_ =	swait.ge [sflag:s4], $0x0  }
0x19: {  	s7 =	sld [smem:$0x3F90]  }
0x1a: {  	s8 =	sadd.s32 $0xFFFFE003, lr  }
0x1b: {  	s9 =	sadd.s32 $0xFFFFFEF7, lr;
	s5 =	simm.s32 $0xFFFFFFFF;
	p2 =	slt.u32 s8, $0xFFFFF086  }
0x1c: {  	p1 =	slt.u32 s9, $0xF7A;
	s5 =	simm.s32 @!p2 $0x0  }
0x1d: {  	s5 =	simm.s32 @p1 $0x1;
	p0 =	seq.s32 s7, s2  }
0x1e: {  	s7 =	smul.u32 @!p0 $0xF7A, s2;
	p2 =	seq.s32 @!p0 s5, $0x0  }
0x1f: {  	s9 =	smul.u32 $0xF7A, s1;
	s8 =	simm.s32 @!p0 $0x1BF5;
	p2 =	por !p2, p0  }
0x20: {  	[sflag:s8] =	ssyncset.s32 @!p0 $0xFFFFF086;
	s6 =	sadd.s32 @!p0 s3, s7;
	s7 =	simm.s32 @!p0 $0x108  }
0x21: {  	s3 =	sadd.s32 s3, s9;
	s6 =	sadd.s32 @!p0 $0x88, s6;
	s7 =	simm.s32 @p2 $0x1082  }
0x22: {  	[simem:s7], [sflag:s8] =	dma.local @!p0 [hbm:s6], $0xF7A  }
0x23: {  	s9 =	sor.u32 $0xD0000000, s2;
	s6 =	simm.s32 $0x108;
	_ =	swait.ge @!p0 [sflag:s8], $0x0  }
0x24: {  	s3 =	sadd.s32 $0x88, s3;
	s6 =	simm.s32 @!p1 $0x1082;
	[sflag:s4] =	ssyncset.s32 $0xFFFFF086  }
0x25: {  	[simem:s6], [sflag:s4] =	dma.local [hbm:s3], $0xF7A  }
0x26: {  	[smem:$0x3F90] =	sst s1;
	(tag) =	ssettag s2;
	_ =	strace s9  }
0x27: {  	s1 =	sld [smem:$0x3FA0]  }
0x28: {  	s2 =	sld [smem:$0x3FA1]  }
0x29: {  	s4 =	sld [smem:$0x3FA3]  }
0x2a: {  	p0 =	seq.s32 s5, $0x0;
	s5 =	sld [smem:$0x3FA4]  }
0x2b: {  	s6 =	sld [smem:$0x3FA5]  }
0x2c: {  	s7 =	sld [smem:$0x3FA6]  }
0x2d: {  	s3 =	simm.s32 $0x108;
	s8 =	sld [smem:$0x3FA7]  }
0x2e: {  	s3 =	simm.s32 @!p0 $0x1082;
	s9 =	sld [smem:$0x3FA8]  }
0x2f: {  	lr =	sadd.s32 s0, s3;
	s0 =	sld [smem:$0x3F9F]  }
0x30: {  	s3 =	sld [smem:$0x3FA2]  }
0x31: {  	[smem:$0x3FAB] =	sst s10  }
0x32: {  	s10 =	sld [smem:$0x3FA9];
	_ =	sdelay $0x3  }
0x33: {  	p0 =	seq.s32 s10, $0x1;
	s10 =	sld [smem:$0x3FAB];
	_ =	sdelay $0x3  }
0x34: {  	[smem:$0x3FAB] =	sst s10  }
0x35: {  	s10 =	sld [smem:$0x3FAA];
	_ =	sdelay $0x3  }
0x36: {  	p1 =	seq.s32 s10, $0x1;
	s10 =	sld [smem:$0x3FAB];
	_ =	sdelay $0x3  }
0x37: {  	[smem:$0x3FAB] =	sst s10  }
0x38: {  	s10 =	sld [smem:$0x3FAC]  }
0x39: {  	_ = 	snop;
	(pc) =	sbr.ind lr, $3  }
0x3a: {  	_ = 	snop  }
0x3b: {  	_ = 	snop  }
0x3c: {  	p2 =	seq.s32 s10, $0x1;
	s10 =	sld [smem:$0x3FAB]  }
0x3d: {  	_ =	shalt  }
0x3e: {  	_ =	shalt  }
0x3f: {  	_ =	shalt  }
0x40: {  	_ =	shalt  }
0x41: {  	_ =	shalt  }
0x42: {  	_ =	shalt  }
0x43: {  	_ =	shalt  }
0x44: {  	_ =	shalt  }
0x45: {  	_ =	shalt  }
0x46: {  	_ =	shalt  }
0x47: {  	_ =	shalt  }
0x48: {  	_ =	shalt  }
0x49: {  	_ =	shalt  }
0x4a: {  	_ =	shalt  }
0x4b: {  	_ =	shalt  }
0x4c: {  	_ =	shalt  }
0x4d: {  	_ =	shalt  }
0x4e: {  	_ =	shalt  }
0x4f: {  	_ =	shalt  }
0x50: {  	_ =	shalt  }
0x51: {  	_ =	shalt  }
0x52: {  	_ =	shalt  }
0x53: {  	_ =	shalt  }
0x54: {  	_ =	shalt  }
0x55: {  	_ =	shalt  }
0x56: {  	_ =	shalt  }
0x57: {  	_ =	shalt  }
0x58: {  	_ =	shalt  }
0x59: {  	_ =	shalt  }
0x5a: {  	_ =	shalt  }
0x5b: {  	_ =	shalt  }
0x5c: {  	_ =	shalt  }
0x5d: {  	_ =	shalt  }
0x5e: {  	_ =	shalt  }
0x5f: {  	_ =	shalt  }
0x60: {  	_ =	shalt  }
0x61: {  	_ =	shalt  }
0x62: {  	_ =	shalt  }
0x63: {  	_ =	shalt  }
0x64: {  	_ =	shalt  }
0x65: {  	_ =	shalt  }
0x66: {  	_ =	shalt  }
0x67: {  	_ =	shalt  }
0x68: {  	_ =	shalt  }
0x69: {  	_ =	shalt  }
0x6a: {  	_ =	shalt  }
0x6b: {  	_ =	shalt  }
0x6c: {  	_ =	shalt  }
0x6d: {  	_ =	shalt  }
0x6e: {  	_ =	shalt  }
0x6f: {  	_ =	shalt  }
0x70: {  	_ =	shalt  }
0x71: {  	_ =	shalt  }
0x72: {  	_ =	shalt  }
0x73: {  	_ =	shalt  }
0x74: {  	_ =	shalt  }
0x75: {  	_ =	shalt  }
0x76: {  	_ =	shalt  }
0x77: {  	_ =	shalt  }
0x78: {  	_ =	shalt  }
0x79: {  	_ =	shalt  }
0x7a: {  	_ =	shalt  }
0x7b: {  	_ =	shalt  }
0x7c: {  	_ =	shalt  }
0x7d: {  	_ =	shalt  }
0x7e: {  	_ =	shalt  }
0x7f: {  	_ =	shalt  }
0x80: {  	_ =	shalt  }
0x81: {  	_ =	shalt  }
0x82: {  	_ =	shalt  }
0x83: {  	_ =	shalt  }
0x84: {  	_ =	shalt  }
0x85: {  	_ =	shalt  }
0x86: {  	_ =	shalt  }
0x87: {  	_ =	shalt  }
.Lfunc_end0:
.L_simem_size_0:
called_computation.1_lowered:
.L_overlay_start_0:
0x88: {  	s2 =	sld [smem:$0x3FD9]  }
0x89: {  	s3 =	sld [smem:$0x3FFE];
	_ =	sdelay $0x1  }
0x8a: {  	s1 =	srdreg.scid  }
0x8b: {  	s0 =	sand.u32 $0x1, s1  }
0x8c: {  	s16 =	sshll.u32 s0, $0xA;
	s2 =	sadd.s32 s3, s2  }
0x8d: {  	s2 =	sadd.s32 s2, s16  }
0x8e: {  	[smem:$0x3FB7] =	sst s2  }
0x8f: {  	_ = 	snop  }
0x90: {  	(tm) =	ssettm $0x1  }
0x91: {  	s17 =	sld [smem:$0x3FFB];
	_ =	sdelay $0x3  }
0x92: {  	_ =	strace s17  }
0x93: {  	s2 =	sld [smem:$0x3FFC];
	_ =	sdelay $0x3  }
0x94: {  	_ =	strace s2  }
0x95: {  	s2 =	sld [smem:$0x3FFD];
	_ =	sdelay $0x3  }
0x96: {  	_ =	strace s2  }
0x97: {  	_ =	strace $0x8FFFFFFF  }
0x98: {  	s18 =	sld [smem:$0x3FDB];
	_ =	sdelay $0x1  }
0x99: {  	s19 =	simm.s32 $_scs_section_size  }
0x9a: {  	s4 =	simm.s32 $_size__tile_overlayer_lowered;
	s5 =	simm.s32 $_tile_overlayer_lowered  }
0x9b: {  	s22 =	simm.s32 $0x1BFF;
	s21 =	sshll.u32 s5, $0x1;
	s2 =	sadd.s32 s19, s18  }
0x9c: {  	s6 =	simm.s32 $0x0;
	s20 =	sshll.u32 s4, $0x1;
	s4 =	sadd.s32 s21, s2  }
0x9d: {  	[timem:s6], [sflag:s22] =	dma.local [hbm:s4], s20  }
0x9e: {  	_ =	swait.ge [sflag:s22], s20  }
0x9f: {  	s3 =	ssub.s32 $0x0, s20;
	[sflag:s22] =	ssyncset.done $0x0  }
0xa0: {  	[sflag:s22] =	ssyncadd.s32 s3;
	_ =	sdelay $0x1  }
0xa1: {  	s23 =	simm.s32 $0x1B8B  }
0xa2: {  	_ =	swait.ge [sflag:s23], $0x1  }
0xa3: {  	[sflag:s23] =	ssyncset.done $0x0  }
0xa4: {  	s25 =	simm.s32 $0x1B8E;
	s24 =	sld [smem:$0x3FFE];
	[sflag:s23] =	ssyncadd.s32 $0xFFFFFFFF  }
0xa5: {  	s26 =	simm.s32 $execute0_lowered;
	[smem:$0x3FD2] =	sst s25  }
0xa6: {  	s4 =	sshll.u32 s26, $0x1;
	_ =	strace $0x80000049;
	[dreg:$0x1] =	wrdreg $0xFFFFFFFF  }
0xa7: {  	s28 =	simm.s32 $_size_execute0_lowered;
	s2 =	sadd.s32 s2, s4;
	[dreg:$0x0] =	wrdreg $0x0  }
0xa8: {  	s4 =	sshll.u32 s28, $0x1;
	[dreg:$0x2] =	wrdreg s2  }
0xa9: {  	[dreg:$0x3] =	wrdreg s4  }
0xaa: {  	[dreg:$0x4] =	wrdreg $0xC0  }
0xab: {  	_ =	task [dreg:s6], $0x5FFFF  }
0xac: {  	[dreg:$0x1] =	wrdreg $0xFFFFFFFF  }
0xad: {  	[dreg:$0x0] =	wrdreg $0x60  }
0xae: {  	[dreg:$0x2] =	wrdreg s24  }
0xaf: {  	[dreg:$0x3] =	wrdreg $0xB0000  }
0xb0: {  	[dreg:$0x4] =	wrdreg $0xA  }
0xb1: {  	_ =	task.clear_ibuf [dreg:s6], $0x5FFFF;
	_ =	strace $0x90000049  }
0xb2: {  	s29 =	simm.s32 $0xA;
	_ =	strace $0x8000004B  }
0xb3: {  	_ =	swait.ge [sflag:s29], $0x1  }
0xb4: {  	[sflag:s29] =	ssyncadd.s32 $0xFFFFFFFF  }
0xb5: {  	_ =	strace $0x9000004B  }
0xb6: {  	_ =	sfence  }
0xb7: {  	s30 =	sld [smem:$0x0];
	_ =	sdelay $0x2  }
0xb8: {  	s31 =	sshll.u32 s1, $0xD;
	s1 =	sshrl.u32 s1, $0x2  }
0xb9: {  	s3 =	sand.u32 $0x4000, s31;
	s1 =	sadd.s32 s1, s30  }
0xba: {  	s0 =	sor.u32 s3, s0;
	s1 =	sshll.u32 s1, $0x11  }
0xbb: {  	s0 =	sor.u32 s1, s0  }
0xbc: {  	s0 =	sadd.s32 $0x8F2B, s0  }
0xbd: {  	[sflag:s0] =	ssyncadd.remote.s32 $0x1  }
0xbe: {  	_ =	sfence.sel $0xFFFF  }
0xbf: {  	[dreg:$0x0] =	wrdreg $0xFFFFFFFF;
	(pc) =	sbr.abs _section_cstart, $3  }
0xc0: {  	[dreg:$0x1] =	wrdreg $0xFFFFFFFF  }
0xc1: {  	_ =	task.clear_ibuf [dreg:s6], $0x2FFFF;
	_ =	strace $0x9FFFFFFF  }
0xc2: {  	(tm) =	ssettm $0x7FFFFFFF  }
0xc3: {  	_ =	shalt  }
tec
execute0_lowered:
.L_overlay_start_1:
0x0: {  	(tag) =	ssettag $0x1  }
0x1: {  	s0 =	rddreg [dreg:$0x0]  }
0x2: {  	s1 =	rddreg [dreg:$0x1];
	s3 =	simm.s32 $0x0  }
0x3: {  	s12 =	stileid.u32;
	[smem:$0x7FF] =	sst s3;
	s4 =	sadd.s32 $0x5F400, s0  }
0x4: {  	s5 =	sadd.s32 $0x87400, s0;
	s6 =	smul.u32 $0x50000, s12;
	s7 =	sadd.s32 $0x9E00, s0  }
0x5: {  	s9 =	sadd.s32 $0x4E00, s0;
	s8 =	sadd.s32 $0x5F200, s0;
	s11 =	sadd.s32 $0xEE00, s0  }
0x6: {  	s16 =	smul.u32 $0x2800, s12;
	_ =	strace $0x8000004A;
	[dreg:$0x3] =	wrdreg s8  }
0x7: {  	s0 =	sadd.s32 $0x36E00, s0;
	s19 =	smul.u32 $0x500, s12;
	[dreg:$0x4] =	wrdreg s11  }
0x8: {  	[dreg:$0x5] =	wrdreg s0;
	s6 =	sshrl.u32 s6, $0x2  }
0x9: {  	[dreg:$0x9] =	wrdreg s16;
	s23 =	sadd.s32 s7, s19;
	s8 =	sadd.s32 s6, s1  }
0xa: {  	[dreg:$0xf] =	wrdreg s23;
	s6 =	sadd.s32 $0x800, s8  }
0xb: {  	s14 =	sadd.s32 $0x1000, s8;
	[dreg:$0x6] =	wrdreg s6  }
0xc: {  	s15 =	sadd.s32 $0x1800, s8;
	[dreg:$0x7] =	wrdreg s14  }
0xd: {  	s17 =	sadd.s32 $0x2000, s8;
	[dreg:$0x8] =	wrdreg s15  }
0xe: {  	s2 =	srdreg.scid;
	s18 =	sadd.s32 $0x2800, s8;
	[dreg:$0xa] =	wrdreg s17  }
0xf: {  	s2 =	sand.u32 $0x1, s2;
	s20 =	sadd.s32 $0x3000, s8;
	[dreg:$0xb] =	wrdreg s18  }
0x10: {  	s10 =	ssub.s32 $0x2, s2;
	s21 =	sadd.s32 $0x3800, s8;
	[dreg:$0xc] =	wrdreg s20  }
0x11: {  	s11 =	sshrl.u32 s10, $0x1;
	s22 =	sadd.s32 $0x4000, s8;
	[dreg:$0xd] =	wrdreg s21  }
0x12: {  	s13 =	ssub.s32 s10, s11;
	s26 =	sadd.s32 $0x4800, s8;
	[dreg:$0xe] =	wrdreg s22  }
0x13: {  	s0 =	smax.u32 s13, $0x1;
	[dreg:$0x13] =	wrdreg s26  }
0x14: {  	s11 =	sadd.s32 $0x6800, s8;
	[dreg:$0x15] =	wrdreg s0  }
0x15: {  	s12 =	sadd.s32 $0x7000, s8;
	[dreg:$0x18] =	wrdreg s11  }
0x16: {  	s13 =	sadd.s32 $0x7800, s8;
	[dreg:$0x19] =	wrdreg s12  }
0x17: {  	s10 =	sshrl.u32 s16, $0x3;
	s16 =	sadd.s32 $0x9000, s8;
	[dreg:$0x1a] =	wrdreg s13  }
0x18: {  	s23 =	sadd.s32 $0xC800, s8;
	[dreg:$0x1d] =	wrdreg s16  }
0x19: {  	s10 =	sadd.s32 $0x280, s10;
	s6 =	sadd.s32 s9, s19;
	[smem:$0x7FA] =	sst s23  }
0x1a: {  	s24 =	sadd.s32 s7, s10;
	[dreg:$0x10] =	wrdreg s6  }
0x1b: {  	s25 =	sadd.s32 s9, s10;
	[dreg:$0x11] =	wrdreg s24  }
0x1c: {  	s30 =	simm.s32 $0xA800;
	s7 =	sadd.s32 $0x5000, s8;
	[dreg:$0x12] =	wrdreg s25  }
0x1d: {  	s31 =	simm.s32 $0x3;
	s9 =	sadd.s32 $0x5800, s8;
	[dreg:$0x14] =	wrdreg s7  }
0x1e: {  	p0 =	sne.s32 s2, $0x0;
	s10 =	sadd.s32 $0x6000, s8;
	[dreg:$0x16] =	wrdreg s9  }
0x1f: {  	s2 =	simm.s32 $0x1;
	s14 =	sadd.s32 $0x8000, s8;
	[dreg:$0x17] =	wrdreg s10  }
0x20: {  	s28 =	sadd.s32 $0x12800, s8;
	s15 =	sadd.s32 $0x8800, s8;
	[dreg:$0x1b] =	wrdreg s14  }
0x21: {  	s29 =	sadd.s32 $0x13800, s8;
	s17 =	sadd.s32 $0x9800, s8;
	[dreg:$0x1c] =	wrdreg s15  }
0x22: {  	s18 =	sadd.s32 $0xA000, s8;
	s19 =	sadd.s32 $0xA800, s8;
	[dreg:$0x1e] =	wrdreg s17  }
0x23: {  	s20 =	sadd.s32 $0xB000, s8;
	s21 =	sadd.s32 $0xB800, s8;
	[dreg:$0x1f] =	wrdreg s18  }
0x24: {  	s22 =	sadd.s32 $0xC000, s8;
	s26 =	sadd.s32 $0xE000, s8;
	[smem:$0x7F6] =	sst s19  }
0x25: {  	s23 =	sadd.s32 $0x10800, s8;
	s13 =	sadd.s32 $0x13000, s8;
	[smem:$0x7F7] =	sst s20  }
0x26: {  	s0 =	simm.s32 $0x1400;
	s11 =	simm.s32 $0x1380;
	[smem:$0x7F8] =	sst s21  }
0x27: {  	s12 =	simm.s32 $0x2700;
	[smem:$0x7F9] =	sst s22;
	s24 =	sadd.s32 $0xD000, s8  }
0x28: {  	s25 =	sadd.s32 $0xD800, s8;
	[smem:$0x7FD] =	sst s26;
	s19 =	sadd.s32 $0xE800, s8  }
.Ltmp0:
0x29: {  	s20 =	sadd.s32 $0xF000, s8;
	s21 =	sadd.s32 $0xF800, s8;
	(pc) =	sbr.rel .LBB2_1-.Ltmp0, $4  }
0x2a: {  	s22 =	sadd.s32 $0x10000, s8;
	s26 =	sadd.s32 $0x12000, s8;
	s7 =	simm.s32 $0x80  }
0x2b: {  	s9 =	simm.s32 $0x2800;
	s6 =	simm.s32 $0x6800;
	s10 =	simm.s32 $0x2  }
0x2c: {  	s14 =	simm.s32 $0x2780;
	s15 =	simm.s32 $0x0;
	[smem:$0x7FB] =	sst s24  }
0x2d: {  	[smem:$0x7FC] =	sst s25;
	s24 =	sadd.s32 $0x11000, s8;
	s25 =	sadd.s32 $0x11800, s8  }
.LBB2_11:
0x2e: {  	[sflag:s31] =	ssyncadd.s32 $0xFFFFC000  }
0x2f: {  	_ =	swait.ge [sflag:s2], $0x4000  }
0x30: {  	[sflag:s2] =	ssyncset.done $0x0  }
0x31: {  	s16 =	rddreg [dreg:$0x5];
	[sflag:s2] =	ssyncadd.s32 $0xFFFFC000  }
0x32: {  	[tilespmem:s6], [sflag:$0x2] =	stream.indirect.gather [hbm4b:s5+s7], $0x80, s11, s7, $0xb8;
	[tilespmem:$0x1F000] =	vst v63  }
.LBB2_12:
0x33: {  	[spmem:s1] =	stream.indirect.scatter.add.f32 [tilespmem:s9], [sflag:$0x3], $0x80, s12, s7, $0xb8;
	[tilespmem:$0x1F000] =	vst v63  }
0x34: {  	_ =	swait.ge [sflag:s31], $0x4000  }
0x35: {  	[sflag:s31] =	ssyncset.done $0x0  }
0x36: {  	[sflag:s31] =	ssyncadd.s32 $0xFFFFC000  }
0x37: {  	_ =	swait.ge [sflag:s10], $0x4000  }
0x38: {  	[sflag:s10] =	ssyncset.done $0x0  }
0x39: {  	[sflag:s10] =	ssyncadd.s32 $0xFFFFC000  }
0x3a: {  	[spmem:s1] =	stream.indirect.scatter.add.f32 [tilespmem:s6], [sflag:$0x3], $0x80, s14, s7, $0xb8;
	[tilespmem:$0x1F000] =	vst v63  }
0x3b: {  	_ =	swait.ge [sflag:s31], $0x4000  }
0x3c: {  	s18 =	stileid.u32;
	[sflag:s31] =	ssyncset.done $0x0;
	s17 =	rddreg [dreg:$0x9]  }
0x3d: {  	s16 =	sadd.s32 s16, s17;
	[sflag:s31] =	ssyncadd.s32 $0xFFFFC000;
	s17 =	sshll.u32 s18, $0x6  }
0x3e: {  	s18 =	sshrl.u32 s8, $0x3;
	[bflag:$0x0] =	sbarrier.arrive $0xFFFF;
	s17 =	sor.u32 $0x1C03, s17  }
0x3f: {  	[hbm:s16], [sflag:s17] =	dma.local [spmem:s18], $0x2800  }
0x40: {  	_ =	swait.ge [sflag:s31], $0x2800  }
0x41: {  	s15 =	sadd.s32 $0x1, s15;
	s18 =	rddreg [dreg:$0x15]  }
0x42: {  	p1 =	sne.s32 s15, s18  }
.Ltmp1:
0x43: {  	_ = 	snop;
	(pc) =	sbr.rel @!p1 .LBB2_13-.Ltmp1, $3  }
0x44: {  	_ =	sdelay $0x1  }
0x45: {  	[sflag:s31] =	ssyncset.done $0x0  }
0x46: {  	[sflag:s31] =	ssyncadd.s32 $0xFFFFD800  }
.LBB2_1:
0x47: {  	s16 =	rddreg [dreg:$0x3]  }
0x48: {  	[tilespmem:s30], [sflag:$0x3] =	stream.linear.gather [hbm4b:s16+s3], $0x800, $0x38;
	[tilespmem:$0x1F000] =	vst v63  }
0x49: {  	_ =	swait.ge [sflag:s31], $0x800  }
0x4a: {  	[sflag:s31] =	ssyncset.done $0x0  }
0x4b: {  	[sflag:s31] =	ssyncadd.s32 $0xFFFFF800  }
0x4c: {  	[spmem:s8] =	stream.linear.scatter [tilespmem:s30], [sflag:$0x3], $0x800, $0x38;
	[tilespmem:$0x1F000] =	vst v63  }
0x4d: {  	_ =	swait.ge [sflag:s31], $0x800  }
0x4e: {  	[sflag:s31] =	ssyncset.done $0x0  }
0x4f: {  	s17 =	rddreg [dreg:$0x6];
	[sflag:s31] =	ssyncadd.s32 $0xFFFFF800  }
0x50: {  	[spmem:s17] =	stream.linear.scatter [tilespmem:s30], [sflag:$0x3], $0x800, $0x38;
	[tilespmem:$0x1F000] =	vst v63  }
0x51: {  	_ =	swait.ge [sflag:s31], $0x800  }
0x52: {  	[sflag:s31] =	ssyncset.done $0x0  }
0x53: {  	s18 =	rddreg [dreg:$0x7];
	[sflag:s31] =	ssyncadd.s32 $0xFFFFF800  }
0x54: {  	[spmem:s18] =	stream.linear.scatter [tilespmem:s30], [sflag:$0x3], $0x800, $0x38;
	[tilespmem:$0x1F000] =	vst v63  }
0x55: {  	_ =	swait.ge [sflag:s31], $0x800  }
0x56: {  	[sflag:s31] =	ssyncset.done $0x0  }
0x57: {  	s17 =	rddreg [dreg:$0x8];
	[sflag:s31] =	ssyncadd.s32 $0xFFFFF800  }
0x58: {  	[spmem:s17] =	stream.linear.scatter [tilespmem:s30], [sflag:$0x3], $0x800, $0x38;
	[tilespmem:$0x1F000] =	vst v63  }
0x59: {  	_ =	swait.ge [sflag:s31], $0x800  }
0x5a: {  	[sflag:s31] =	ssyncset.done $0x0  }
0x5b: {  	s18 =	rddreg [dreg:$0xa];
	[sflag:s31] =	ssyncadd.s32 $0xFFFFF800  }
0x5c: {  	[spmem:s18] =	stream.linear.scatter [tilespmem:s30], [sflag:$0x3], $0x800, $0x38;
	[tilespmem:$0x1F000] =	vst v63  }
0x5d: {  	_ =	swait.ge [sflag:s31], $0x800  }
0x5e: {  	[sflag:s31] =	ssyncset.done $0x0  }
0x5f: {  	s17 =	rddreg [dreg:$0xb];
	[sflag:s31] =	ssyncadd.s32 $0xFFFFF800  }
0x60: {  	[spmem:s17] =	stream.linear.scatter [tilespmem:s30], [sflag:$0x3], $0x800, $0x38;
	[tilespmem:$0x1F000] =	vst v63  }
0x61: {  	_ =	swait.ge [sflag:s31], $0x800  }
0x62: {  	[sflag:s31] =	ssyncset.done $0x0  }
0x63: {  	s18 =	rddreg [dreg:$0xc];
	[sflag:s31] =	ssyncadd.s32 $0xFFFFF800  }
0x64: {  	[spmem:s18] =	stream.linear.scatter [tilespmem:s30], [sflag:$0x3], $0x800, $0x38;
	[tilespmem:$0x1F000] =	vst v63  }
0x65: {  	_ =	swait.ge [sflag:s31], $0x800  }
0x66: {  	[sflag:s31] =	ssyncset.done $0x0  }
0x67: {  	s17 =	rddreg [dreg:$0xd];
	[sflag:s31] =	ssyncadd.s32 $0xFFFFF800  }
0x68: {  	[spmem:s17] =	stream.linear.scatter [tilespmem:s30], [sflag:$0x3], $0x800, $0x38;
	[tilespmem:$0x1F000] =	vst v63  }
0x69: {  	_ =	swait.ge [sflag:s31], $0x800  }
0x6a: {  	[sflag:s31] =	ssyncset.done $0x0  }
0x6b: {  	s18 =	rddreg [dreg:$0xe];
	[sflag:s31] =	ssyncadd.s32 $0xFFFFF800  }
0x6c: {  	[spmem:s18] =	stream.linear.scatter [tilespmem:s30], [sflag:$0x3], $0x800, $0x38;
	[tilespmem:$0x1F000] =	vst v63  }
0x6d: {  	_ =	swait.ge [sflag:s31], $0x800  }
0x6e: {  	[sflag:s31] =	ssyncset.done $0x0  }
0x6f: {  	s17 =	rddreg [dreg:$0x13];
	[sflag:s31] =	ssyncadd.s32 $0xFFFFF800  }
0x70: {  	[spmem:s17] =	stream.linear.scatter [tilespmem:s30], [sflag:$0x3], $0x800, $0x38;
	[tilespmem:$0x1F000] =	vst v63  }
0x71: {  	_ =	swait.ge [sflag:s31], $0x800  }
0x72: {  	[sflag:s31] =	ssyncset.done $0x0  }
0x73: {  	s18 =	rddreg [dreg:$0x14];
	[sflag:s31] =	ssyncadd.s32 $0xFFFFF800  }
0x74: {  	[spmem:s18] =	stream.linear.scatter [tilespmem:s30], [sflag:$0x3], $0x800, $0x38;
	[tilespmem:$0x1F000] =	vst v63  }
0x75: {  	_ =	swait.ge [sflag:s31], $0x800  }
0x76: {  	[sflag:s31] =	ssyncset.done $0x0  }
0x77: {  	s17 =	rddreg [dreg:$0x16];
	[sflag:s31] =	ssyncadd.s32 $0xFFFFF800  }
0x78: {  	[spmem:s17] =	stream.linear.scatter [tilespmem:s30], [sflag:$0x3], $0x800, $0x38;
	[tilespmem:$0x1F000] =	vst v63  }
0x79: {  	_ =	swait.ge [sflag:s31], $0x800  }
0x7a: {  	[sflag:s31] =	ssyncset.done $0x0  }
0x7b: {  	s18 =	rddreg [dreg:$0x17];
	[sflag:s31] =	ssyncadd.s32 $0xFFFFF800  }
0x7c: {  	[spmem:s18] =	stream.linear.scatter [tilespmem:s30], [sflag:$0x3], $0x800, $0x38;
	[tilespmem:$0x1F000] =	vst v63  }
0x7d: {  	_ =	swait.ge [sflag:s31], $0x800  }
0x7e: {  	[sflag:s31] =	ssyncset.done $0x0  }
0x7f: {  	s17 =	rddreg [dreg:$0x18];
	[sflag:s31] =	ssyncadd.s32 $0xFFFFF800  }
0x80: {  	[spmem:s17] =	stream.linear.scatter [tilespmem:s30], [sflag:$0x3], $0x800, $0x38;
	[tilespmem:$0x1F000] =	vst v63  }
0x81: {  	_ =	swait.ge [sflag:s31], $0x800  }
0x82: {  	[sflag:s31] =	ssyncset.done $0x0  }
0x83: {  	s18 =	rddreg [dreg:$0x19];
	[sflag:s31] =	ssyncadd.s32 $0xFFFFF800  }
0x84: {  	[spmem:s18] =	stream.linear.scatter [tilespmem:s30], [sflag:$0x3], $0x800, $0x38;
	[tilespmem:$0x1F000] =	vst v63  }
0x85: {  	_ =	swait.ge [sflag:s31], $0x800  }
0x86: {  	[sflag:s31] =	ssyncset.done $0x0  }
0x87: {  	s17 =	rddreg [dreg:$0x1a];
	[sflag:s31] =	ssyncadd.s32 $0xFFFFF800  }
0x88: {  	[spmem:s17] =	stream.linear.scatter [tilespmem:s30], [sflag:$0x3], $0x800, $0x38;
	[tilespmem:$0x1F000] =	vst v63  }
0x89: {  	_ =	swait.ge [sflag:s31], $0x800  }
0x8a: {  	[sflag:s31] =	ssyncset.done $0x0  }
0x8b: {  	s18 =	rddreg [dreg:$0x1b];
	[sflag:s31] =	ssyncadd.s32 $0xFFFFF800  }
0x8c: {  	[spmem:s18] =	stream.linear.scatter [tilespmem:s30], [sflag:$0x3], $0x800, $0x38;
	[tilespmem:$0x1F000] =	vst v63  }
0x8d: {  	_ =	swait.ge [sflag:s31], $0x800  }
0x8e: {  	[sflag:s31] =	ssyncset.done $0x0  }
0x8f: {  	s17 =	rddreg [dreg:$0x1c];
	[sflag:s31] =	ssyncadd.s32 $0xFFFFF800  }
0x90: {  	[spmem:s17] =	stream.linear.scatter [tilespmem:s30], [sflag:$0x3], $0x800, $0x38;
	[tilespmem:$0x1F000] =	vst v63  }
0x91: {  	_ =	swait.ge [sflag:s31], $0x800  }
0x92: {  	[sflag:s31] =	ssyncset.done $0x0  }
0x93: {  	s18 =	rddreg [dreg:$0x1d];
	[sflag:s31] =	ssyncadd.s32 $0xFFFFF800  }
0x94: {  	[spmem:s18] =	stream.linear.scatter [tilespmem:s30], [sflag:$0x3], $0x800, $0x38;
	[tilespmem:$0x1F000] =	vst v63  }
0x95: {  	_ =	swait.ge [sflag:s31], $0x800  }
0x96: {  	[sflag:s31] =	ssyncset.done $0x0  }
0x97: {  	s17 =	rddreg [dreg:$0x1e];
	[sflag:s31] =	ssyncadd.s32 $0xFFFFF800  }
0x98: {  	[spmem:s17] =	stream.linear.scatter [tilespmem:s30], [sflag:$0x3], $0x800, $0x38;
	[tilespmem:$0x1F000] =	vst v63  }
0x99: {  	_ =	swait.ge [sflag:s31], $0x800  }
0x9a: {  	[sflag:s31] =	ssyncset.done $0x0  }
0x9b: {  	s18 =	rddreg [dreg:$0x1f];
	[sflag:s31] =	ssyncadd.s32 $0xFFFFF800  }
0x9c: {  	[spmem:s18] =	stream.linear.scatter [tilespmem:s30], [sflag:$0x3], $0x800, $0x38;
	[tilespmem:$0x1F000] =	vst v63  }
0x9d: {  	_ =	swait.ge [sflag:s31], $0x800  }
0x9e: {  	s17 =	sld [smem:$0x7F6]  }
0x9f: {  	[sflag:s31] =	ssyncset.done $0x0  }
0xa0: {  	[sflag:s31] =	ssyncadd.s32 $0xFFFFF800  }
0xa1: {  	[spmem:s17] =	stream.linear.scatter [tilespmem:s30], [sflag:$0x3], $0x800, $0x38;
	[tilespmem:$0x1F000] =	vst v63  }
0xa2: {  	_ =	swait.ge [sflag:s31], $0x800  }
0xa3: {  	s18 =	sld [smem:$0x7F7]  }
0xa4: {  	[sflag:s31] =	ssyncset.done $0x0  }
0xa5: {  	[sflag:s31] =	ssyncadd.s32 $0xFFFFF800  }
0xa6: {  	[spmem:s18] =	stream.linear.scatter [tilespmem:s30], [sflag:$0x3], $0x800, $0x38;
	[tilespmem:$0x1F000] =	vst v63  }
0xa7: {  	_ =	swait.ge [sflag:s31], $0x800  }
0xa8: {  	s17 =	sld [smem:$0x7F8]  }
0xa9: {  	[sflag:s31] =	ssyncset.done $0x0  }
0xaa: {  	[sflag:s31] =	ssyncadd.s32 $0xFFFFF800  }
0xab: {  	[spmem:s17] =	stream.linear.scatter [tilespmem:s30], [sflag:$0x3], $0x800, $0x38;
	[tilespmem:$0x1F000] =	vst v63  }
0xac: {  	_ =	swait.ge [sflag:s31], $0x800  }
0xad: {  	s18 =	sld [smem:$0x7F9]  }
0xae: {  	[sflag:s31] =	ssyncset.done $0x0  }
0xaf: {  	[sflag:s31] =	ssyncadd.s32 $0xFFFFF800  }
0xb0: {  	[spmem:s18] =	stream.linear.scatter [tilespmem:s30], [sflag:$0x3], $0x800, $0x38;
	[tilespmem:$0x1F000] =	vst v63  }
0xb1: {  	_ =	swait.ge [sflag:s31], $0x800  }
0xb2: {  	s17 =	sld [smem:$0x7FA]  }
0xb3: {  	[sflag:s31] =	ssyncset.done $0x0  }
0xb4: {  	[sflag:s31] =	ssyncadd.s32 $0xFFFFF800  }
0xb5: {  	[spmem:s17] =	stream.linear.scatter [tilespmem:s30], [sflag:$0x3], $0x800, $0x38;
	[tilespmem:$0x1F000] =	vst v63  }
0xb6: {  	_ =	swait.ge [sflag:s31], $0x800  }
0xb7: {  	s18 =	sld [smem:$0x7FB]  }
0xb8: {  	[sflag:s31] =	ssyncset.done $0x0  }
0xb9: {  	[sflag:s31] =	ssyncadd.s32 $0xFFFFF800  }
0xba: {  	[spmem:s18] =	stream.linear.scatter [tilespmem:s30], [sflag:$0x3], $0x800, $0x38;
	[tilespmem:$0x1F000] =	vst v63  }
0xbb: {  	_ =	swait.ge [sflag:s31], $0x800  }
0xbc: {  	s17 =	sld [smem:$0x7FC]  }
0xbd: {  	[sflag:s31] =	ssyncset.done $0x0  }
0xbe: {  	[sflag:s31] =	ssyncadd.s32 $0xFFFFF800  }
0xbf: {  	[spmem:s17] =	stream.linear.scatter [tilespmem:s30], [sflag:$0x3], $0x800, $0x38;
	[tilespmem:$0x1F000] =	vst v63  }
0xc0: {  	_ =	swait.ge [sflag:s31], $0x800  }
0xc1: {  	s18 =	sld [smem:$0x7FD]  }
0xc2: {  	[sflag:s31] =	ssyncset.done $0x0  }
0xc3: {  	[sflag:s31] =	ssyncadd.s32 $0xFFFFF800  }
0xc4: {  	[spmem:s18] =	stream.linear.scatter [tilespmem:s30], [sflag:$0x3], $0x800, $0x38;
	[tilespmem:$0x1F000] =	vst v63  }
0xc5: {  	_ =	swait.ge [sflag:s31], $0x800  }
0xc6: {  	[sflag:s31] =	ssyncset.done $0x0  }
0xc7: {  	[sflag:s31] =	ssyncadd.s32 $0xFFFFF800  }
0xc8: {  	[spmem:s19] =	stream.linear.scatter [tilespmem:s30], [sflag:$0x3], $0x800, $0x38;
	[tilespmem:$0x1F000] =	vst v63  }
0xc9: {  	_ =	swait.ge [sflag:s31], $0x800  }
0xca: {  	[sflag:s31] =	ssyncset.done $0x0  }
0xcb: {  	[sflag:s31] =	ssyncadd.s32 $0xFFFFF800  }
0xcc: {  	[spmem:s20] =	stream.linear.scatter [tilespmem:s30], [sflag:$0x3], $0x800, $0x38;
	[tilespmem:$0x1F000] =	vst v63  }
0xcd: {  	_ =	swait.ge [sflag:s31], $0x800  }
0xce: {  	[sflag:s31] =	ssyncset.done $0x0  }
0xcf: {  	[sflag:s31] =	ssyncadd.s32 $0xFFFFF800  }
0xd0: {  	[spmem:s21] =	stream.linear.scatter [tilespmem:s30], [sflag:$0x3], $0x800, $0x38;
	[tilespmem:$0x1F000] =	vst v63  }
0xd1: {  	_ =	swait.ge [sflag:s31], $0x800  }
0xd2: {  	[sflag:s31] =	ssyncset.done $0x0  }
0xd3: {  	[sflag:s31] =	ssyncadd.s32 $0xFFFFF800  }
0xd4: {  	[spmem:s22] =	stream.linear.scatter [tilespmem:s30], [sflag:$0x3], $0x800, $0x38;
	[tilespmem:$0x1F000] =	vst v63  }
0xd5: {  	_ =	swait.ge [sflag:s31], $0x800  }
0xd6: {  	[sflag:s31] =	ssyncset.done $0x0  }
0xd7: {  	[sflag:s31] =	ssyncadd.s32 $0xFFFFF800  }
0xd8: {  	[spmem:s23] =	stream.linear.scatter [tilespmem:s30], [sflag:$0x3], $0x800, $0x38;
	[tilespmem:$0x1F000] =	vst v63  }
0xd9: {  	_ =	swait.ge [sflag:s31], $0x800  }
0xda: {  	[sflag:s31] =	ssyncset.done $0x0  }
0xdb: {  	[sflag:s31] =	ssyncadd.s32 $0xFFFFF800  }
0xdc: {  	[spmem:s24] =	stream.linear.scatter [tilespmem:s30], [sflag:$0x3], $0x800, $0x38;
	[tilespmem:$0x1F000] =	vst v63  }
0xdd: {  	_ =	swait.ge [sflag:s31], $0x800  }
0xde: {  	[sflag:s31] =	ssyncset.done $0x0  }
0xdf: {  	[sflag:s31] =	ssyncadd.s32 $0xFFFFF800  }
0xe0: {  	[spmem:s25] =	stream.linear.scatter [tilespmem:s30], [sflag:$0x3], $0x800, $0x38;
	[tilespmem:$0x1F000] =	vst v63  }
0xe1: {  	_ =	swait.ge [sflag:s31], $0x800  }
0xe2: {  	[sflag:s31] =	ssyncset.done $0x0  }
0xe3: {  	[sflag:s31] =	ssyncadd.s32 $0xFFFFF800  }
0xe4: {  	[spmem:s26] =	stream.linear.scatter [tilespmem:s30], [sflag:$0x3], $0x800, $0x38;
	[tilespmem:$0x1F000] =	vst v63  }
0xe5: {  	_ =	swait.ge [sflag:s31], $0x800  }
0xe6: {  	[sflag:s31] =	ssyncset.done $0x0  }
0xe7: {  	[sflag:s31] =	ssyncadd.s32 $0xFFFFF800  }
0xe8: {  	[spmem:s28] =	stream.linear.scatter [tilespmem:s30], [sflag:$0x3], $0x800, $0x38;
	[tilespmem:$0x1F000] =	vst v63  }
0xe9: {  	_ =	swait.ge [sflag:s31], $0x800  }
0xea: {  	[sflag:s31] =	ssyncset.done $0x0  }
0xeb: {  	[sflag:s31] =	ssyncadd.s32 $0xFFFFF800  }
0xec: {  	[spmem:s13] =	stream.linear.scatter [tilespmem:s30], [sflag:$0x3], $0x800, $0x38;
	[tilespmem:$0x1F000] =	vst v63  }
0xed: {  	_ =	swait.ge [sflag:s31], $0x800  }
0xee: {  	[sflag:s31] =	ssyncset.done $0x0  }
0xef: {  	[sflag:s31] =	ssyncadd.s32 $0xFFFFF800  }
0xf0: {  	[spmem:s29] =	stream.linear.scatter [tilespmem:s30], [sflag:$0x3], $0x800, $0x38;
	[tilespmem:$0x1F000] =	vst v63  }
0xf1: {  	_ =	swait.ge [sflag:s31], $0x800  }
0xf2: {  	[sflag:s31] =	ssyncset.done $0x0  }
0xf3: {  	[sflag:s31] =	ssyncadd.s32 $0xFFFFF800  }
0xf4: {  	[bflag:$0x0] =	sbarrier.arrive $0xFFFF  }
0xf5: {  	s17 =	rddreg [dreg:$0xf]  }
0xf6: {  	[tilespmem:s3], [sflag:$0x3] =	stream.linear.gather [hbm4b:s17+s3], $0x1400, $0x38;
	[tilespmem:$0x1F000] =	vst v63  }
0xf7: {  	_ =	swait.ge [sflag:s31], $0x1400  }
0xf8: {  	[sflag:s31] =	ssyncset.done $0x0  }
.Ltmp2:
0xf9: {  	s18 =	rddreg [dreg:$0x10];
	[sflag:s31] =	ssyncadd.s32 $0xFFFFEC00;
	(pc) =	sbr.rel @p0 .LBB2_7-.Ltmp2, $4  }
0xfa: {  	[tilespmem:s0], [sflag:$0x3] =	stream.linear.gather [hbm4b:s18+s3], $0x1400, $0x38;
	[tilespmem:$0x1F000] =	vst v63  }
0xfb: {  	_ =	swait.ge [sflag:s31], $0x1400  }
0xfc: {  	[sflag:s31] =	ssyncset.done $0x0  }
0xfd: {  	s16 =	simm.s32 $0x0;
	[sflag:s31] =	ssyncadd.s32 $0xFFFFEC00  }
0xfe: {  	[tilespmem:s9], [sflag:$0x1] =	stream.indirect.gather [hbm4b:s4+s7], $0x80, s16, s7, $0xb8;
	[tilespmem:$0x1F000] =	vst v63  }
0xff: {  	_ =	swait.ge [sflag:s2], $0x4000  }
0x100: {  	[sflag:s2] =	ssyncset.done $0x0  }
0x101: {  	s17 =	simm.s32 $0x80;
	[sflag:s2] =	ssyncadd.s32 $0xFFFFC000  }
0x102: {  	[tilespmem:s6], [sflag:$0x2] =	stream.indirect.gather [hbm4b:s4+s7], $0x80, s17, s7, $0xb8;
	[tilespmem:$0x1F000] =	vst v63  }
0x103: {  	s18 =	simm.s32 $0x1400  }
0x104: {  	[spmem:s1] =	stream.indirect.scatter.add.f32 [tilespmem:s9], [sflag:$0x3], $0x80, s18, s7, $0xb8;
	[tilespmem:$0x1F000] =	vst v63  }
0x105: {  	_ =	swait.ge [sflag:s31], $0x4000  }
0x106: {  	[sflag:s31] =	ssyncset.done $0x0  }
0x107: {  	[sflag:s31] =	ssyncadd.s32 $0xFFFFC000  }
0x108: {  	_ =	swait.ge [sflag:s10], $0x4000  }
0x109: {  	[sflag:s10] =	ssyncset.done $0x0  }
0x10a: {  	s17 =	simm.s32 $0x100;
	[sflag:s10] =	ssyncadd.s32 $0xFFFFC000  }
0x10b: {  	[tilespmem:s9], [sflag:$0x1] =	stream.indirect.gather [hbm4b:s4+s7], $0x80, s17, s7, $0xb8;
	[tilespmem:$0x1F000] =	vst v63  }
0x10c: {  	s18 =	simm.s32 $0x1480  }
0x10d: {  	[spmem:s1] =	stream.indirect.scatter.add.f32 [tilespmem:s6], [sflag:$0x3], $0x80, s18, s7, $0xb8;
	[tilespmem:$0x1F000] =	vst v63  }
0x10e: {  	_ =	swait.ge [sflag:s31], $0x4000  }
0x10f: {  	s16 =	simm.s32 $0x400;
	[sflag:s31] =	ssyncset.done $0x0  }
.LBB2_3:
0x110: {  	p1 =	sne.s32 s16, $0x4800  }
0x111: {  	[sflag:s31] =	ssyncadd.s32 $0xFFFFC000;
	s17 =	smov.u32 s16;
	s16 =	sadd.s32 $0x400, s16  }
0x112: {  	_ = 	snop  }
0x113: {  	_ =	swait.ge [sflag:s2], $0x4000  }
0x114: {  	s17 =	sshra.s32 s17, $0x2;
	[sflag:s2] =	ssyncset.done $0x0  }
0x115: {  	s18 =	sadd.s32 $0x80, s17;
	[sflag:s2] =	ssyncadd.s32 $0xFFFFC000  }
0x116: {  	[tilespmem:s6], [sflag:$0x2] =	stream.indirect.gather [hbm4b:s4+s7], $0x80, s18, s7, $0xb8;
	[tilespmem:$0x1F000] =	vst v63  }
0x117: {  	s18 =	sadd.s32 $0x1400, s17  }
0x118: {  	[spmem:s1] =	stream.indirect.scatter.add.f32 [tilespmem:s9], [sflag:$0x3], $0x80, s18, s7, $0xb8;
	[tilespmem:$0x1F000] =	vst v63  }
0x119: {  	_ =	swait.ge [sflag:s31], $0x4000  }
0x11a: {  	[sflag:s31] =	ssyncset.done $0x0  }
0x11b: {  	[sflag:s31] =	ssyncadd.s32 $0xFFFFC000  }
0x11c: {  	_ =	swait.ge [sflag:s10], $0x4000  }
0x11d: {  	[sflag:s10] =	ssyncset.done $0x0  }
0x11e: {  	s18 =	sadd.s32 $0x100, s17;
	[sflag:s10] =	ssyncadd.s32 $0xFFFFC000  }
0x11f: {  	[tilespmem:s9], [sflag:$0x1] =	stream.indirect.gather [hbm4b:s4+s7], $0x80, s18, s7, $0xb8;
	[tilespmem:$0x1F000] =	vst v63  }
.Ltmp3:
0x120: {  	_ = 	snop;
	(pc) =	sbr.rel @p1 .LBB2_3-.Ltmp3, $4  }
0x121: {  	s17 =	sadd.s32 $0x1480, s17  }
0x122: {  	[spmem:s1] =	stream.indirect.scatter.add.f32 [tilespmem:s6], [sflag:$0x3], $0x80, s17, s7, $0xb8;
	[tilespmem:$0x1F000] =	vst v63  }
0x123: {  	_ =	swait.ge [sflag:s31], $0x4000  }
0x124: {  	[sflag:s31] =	ssyncset.done $0x0  }
0x125: {  	[sflag:s31] =	ssyncadd.s32 $0xFFFFC000  }
0x126: {  	_ =	swait.ge [sflag:s2], $0x4000  }
0x127: {  	[sflag:s2] =	ssyncset.done $0x0  }
0x128: {  	[sflag:s2] =	ssyncadd.s32 $0xFFFFC000  }
0x129: {  	[tilespmem:s6], [sflag:$0x2] =	stream.indirect.gather [hbm4b:s4+s7], $0x80, s11, s7, $0xb8;
	[tilespmem:$0x1F000] =	vst v63  }
0x12a: {  	_ = 	snop  }
0x12b: {  	[spmem:s1] =	stream.indirect.scatter.add.f32 [tilespmem:s9], [sflag:$0x3], $0x80, s12, s7, $0xb8;
	[tilespmem:$0x1F000] =	vst v63  }
0x12c: {  	_ =	swait.ge [sflag:s31], $0x4000  }
0x12d: {  	[sflag:s31] =	ssyncset.done $0x0  }
0x12e: {  	[sflag:s31] =	ssyncadd.s32 $0xFFFFC000  }
0x12f: {  	_ =	swait.ge [sflag:s10], $0x4000  }
0x130: {  	[sflag:s10] =	ssyncset.done $0x0  }
0x131: {  	[sflag:s10] =	ssyncadd.s32 $0xFFFFC000  }
0x132: {  	[spmem:s1] =	stream.indirect.scatter.add.f32 [tilespmem:s6], [sflag:$0x3], $0x80, s14, s7, $0xb8;
	[tilespmem:$0x1F000] =	vst v63  }
0x133: {  	_ =	swait.ge [sflag:s31], $0x4000  }
0x134: {  	[sflag:s31] =	ssyncset.done $0x0  }
0x135: {  	s16 =	simm.s32 $0x0;
	s17 =	rddreg [dreg:$0x11];
	[sflag:s31] =	ssyncadd.s32 $0xFFFFC000  }
0x136: {  	[tilespmem:s16], [sflag:$0x3] =	stream.linear.gather [hbm4b:s17+s16], $0x1400, $0x38;
	[tilespmem:$0x1F000] =	vst v63  }
0x137: {  	_ =	swait.ge [sflag:s31], $0x1400  }
0x138: {  	[sflag:s31] =	ssyncset.done $0x0  }
0x139: {  	s18 =	rddreg [dreg:$0x12];
	[sflag:s31] =	ssyncadd.s32 $0xFFFFEC00  }
0x13a: {  	[tilespmem:s0], [sflag:$0x3] =	stream.linear.gather [hbm4b:s18+s16], $0x1400, $0x38;
	[tilespmem:$0x1F000] =	vst v63  }
0x13b: {  	_ =	swait.ge [sflag:s31], $0x1400  }
0x13c: {  	[sflag:s31] =	ssyncset.done $0x0  }
0x13d: {  	[sflag:s31] =	ssyncadd.s32 $0xFFFFEC00  }
0x13e: {  	[tilespmem:s9], [sflag:$0x1] =	stream.indirect.gather [hbm4b:s4+s7], $0x80, s16, s7, $0xb8;
	[tilespmem:$0x1F000] =	vst v63  }
0x13f: {  	_ =	swait.ge [sflag:s2], $0x4000  }
0x140: {  	[sflag:s2] =	ssyncset.done $0x0  }
0x141: {  	s17 =	simm.s32 $0x80;
	[sflag:s2] =	ssyncadd.s32 $0xFFFFC000  }
0x142: {  	[tilespmem:s6], [sflag:$0x2] =	stream.indirect.gather [hbm4b:s4+s7], $0x80, s17, s7, $0xb8;
	[tilespmem:$0x1F000] =	vst v63  }
0x143: {  	s18 =	simm.s32 $0x1400  }
0x144: {  	[spmem:s1] =	stream.indirect.scatter.add.f32 [tilespmem:s9], [sflag:$0x3], $0x80, s18, s7, $0xb8;
	[tilespmem:$0x1F000] =	vst v63  }
0x145: {  	_ =	swait.ge [sflag:s31], $0x4000  }
0x146: {  	[sflag:s31] =	ssyncset.done $0x0  }
0x147: {  	[sflag:s31] =	ssyncadd.s32 $0xFFFFC000  }
0x148: {  	_ =	swait.ge [sflag:s10], $0x4000  }
0x149: {  	[sflag:s10] =	ssyncset.done $0x0  }
0x14a: {  	s17 =	simm.s32 $0x100;
	[sflag:s10] =	ssyncadd.s32 $0xFFFFC000  }
0x14b: {  	[tilespmem:s9], [sflag:$0x1] =	stream.indirect.gather [hbm4b:s4+s7], $0x80, s17, s7, $0xb8;
	[tilespmem:$0x1F000] =	vst v63  }
0x14c: {  	s18 =	simm.s32 $0x1480  }
0x14d: {  	[spmem:s1] =	stream.indirect.scatter.add.f32 [tilespmem:s6], [sflag:$0x3], $0x80, s18, s7, $0xb8;
	[tilespmem:$0x1F000] =	vst v63  }
0x14e: {  	_ =	swait.ge [sflag:s31], $0x4000  }
0x14f: {  	s16 =	simm.s32 $0x400;
	[sflag:s31] =	ssyncset.done $0x0  }
.LBB2_5:
0x150: {  	p1 =	sne.s32 s16, $0x4800  }
0x151: {  	[sflag:s31] =	ssyncadd.s32 $0xFFFFC000;
	s17 =	smov.u32 s16;
	s16 =	sadd.s32 $0x400, s16  }
0x152: {  	_ = 	snop  }
0x153: {  	_ =	swait.ge [sflag:s2], $0x4000  }
0x154: {  	s17 =	sshra.s32 s17, $0x2;
	[sflag:s2] =	ssyncset.done $0x0  }
0x155: {  	s18 =	sadd.s32 $0x80, s17;
	[sflag:s2] =	ssyncadd.s32 $0xFFFFC000  }
0x156: {  	[tilespmem:s6], [sflag:$0x2] =	stream.indirect.gather [hbm4b:s4+s7], $0x80, s18, s7, $0xb8;
	[tilespmem:$0x1F000] =	vst v63  }
0x157: {  	s18 =	sadd.s32 $0x1400, s17  }
0x158: {  	[spmem:s1] =	stream.indirect.scatter.add.f32 [tilespmem:s9], [sflag:$0x3], $0x80, s18, s7, $0xb8;
	[tilespmem:$0x1F000] =	vst v63  }
0x159: {  	_ =	swait.ge [sflag:s31], $0x4000  }
0x15a: {  	[sflag:s31] =	ssyncset.done $0x0  }
0x15b: {  	[sflag:s31] =	ssyncadd.s32 $0xFFFFC000  }
0x15c: {  	_ =	swait.ge [sflag:s10], $0x4000  }
0x15d: {  	[sflag:s10] =	ssyncset.done $0x0  }
0x15e: {  	s18 =	sadd.s32 $0x100, s17;
	[sflag:s10] =	ssyncadd.s32 $0xFFFFC000  }
0x15f: {  	[tilespmem:s9], [sflag:$0x1] =	stream.indirect.gather [hbm4b:s4+s7], $0x80, s18, s7, $0xb8;
	[tilespmem:$0x1F000] =	vst v63  }
.Ltmp4:
0x160: {  	_ = 	snop;
	(pc) =	sbr.rel @p1 .LBB2_5-.Ltmp4, $4  }
0x161: {  	s17 =	sadd.s32 $0x1480, s17  }
0x162: {  	[spmem:s1] =	stream.indirect.scatter.add.f32 [tilespmem:s6], [sflag:$0x3], $0x80, s17, s7, $0xb8;
	[tilespmem:$0x1F000] =	vst v63  }
0x163: {  	_ =	swait.ge [sflag:s31], $0x4000  }
0x164: {  	[sflag:s31] =	ssyncset.done $0x0  }
.Ltmp5:
0x165: {  	[sflag:s31] =	ssyncadd.s32 $0xFFFFC000;
	(pc) =	sbr.rel .LBB2_12-.Ltmp5, $4  }
0x166: {  	_ =	swait.ge [sflag:s2], $0x4000  }
0x167: {  	[sflag:s2] =	ssyncset.done $0x0  }
0x168: {  	s16 =	rddreg [dreg:$0x4];
	[sflag:s2] =	ssyncadd.s32 $0xFFFFC000  }
0x169: {  	[tilespmem:s6], [sflag:$0x2] =	stream.indirect.gather [hbm4b:s4+s7], $0x80, s11, s7, $0xb8;
	[tilespmem:$0x1F000] =	vst v63  }
.LBB2_7:
0x16a: {  	[tilespmem:s9], [sflag:$0x1] =	stream.indirect.gather [hbm4b:s5+s7], $0x80, s16, s7, $0xb8;
	[tilespmem:$0x1F000] =	vst v63  }
0x16b: {  	_ =	swait.ge [sflag:s2], $0x4000  }
0x16c: {  	[sflag:s2] =	ssyncset.done $0x0  }
0x16d: {  	s17 =	simm.s32 $0x80;
	[sflag:s2] =	ssyncadd.s32 $0xFFFFC000  }
0x16e: {  	[tilespmem:s6], [sflag:$0x2] =	stream.indirect.gather [hbm4b:s5+s7], $0x80, s17, s7, $0xb8;
	[tilespmem:$0x1F000] =	vst v63  }
0x16f: {  	s18 =	simm.s32 $0x1400  }
0x170: {  	[spmem:s1] =	stream.indirect.scatter.add.f32 [tilespmem:s9], [sflag:$0x3], $0x80, s18, s7, $0xb8;
	[tilespmem:$0x1F000] =	vst v63  }
0x171: {  	_ =	swait.ge [sflag:s31], $0x4000  }
0x172: {  	[sflag:s31] =	ssyncset.done $0x0  }
0x173: {  	[sflag:s31] =	ssyncadd.s32 $0xFFFFC000  }
0x174: {  	_ =	swait.ge [sflag:s10], $0x4000  }
0x175: {  	[sflag:s10] =	ssyncset.done $0x0  }
0x176: {  	s17 =	simm.s32 $0x100;
	[sflag:s10] =	ssyncadd.s32 $0xFFFFC000  }
0x177: {  	[tilespmem:s9], [sflag:$0x1] =	stream.indirect.gather [hbm4b:s5+s7], $0x80, s17, s7, $0xb8;
	[tilespmem:$0x1F000] =	vst v63  }
0x178: {  	s18 =	simm.s32 $0x1480  }
0x179: {  	[spmem:s1] =	stream.indirect.scatter.add.f32 [tilespmem:s6], [sflag:$0x3], $0x80, s18, s7, $0xb8;
	[tilespmem:$0x1F000] =	vst v63  }
0x17a: {  	_ =	swait.ge [sflag:s31], $0x4000  }
0x17b: {  	s16 =	simm.s32 $0x400;
	[sflag:s31] =	ssyncset.done $0x0  }
.LBB2_8:
0x17c: {  	p1 =	sne.s32 s16, $0x4800  }
0x17d: {  	[sflag:s31] =	ssyncadd.s32 $0xFFFFC000;
	s17 =	smov.u32 s16;
	s16 =	sadd.s32 $0x400, s16  }
0x17e: {  	_ = 	snop  }
0x17f: {  	_ =	swait.ge [sflag:s2], $0x4000  }
0x180: {  	s17 =	sshra.s32 s17, $0x2;
	[sflag:s2] =	ssyncset.done $0x0  }
0x181: {  	s18 =	sadd.s32 $0x80, s17;
	[sflag:s2] =	ssyncadd.s32 $0xFFFFC000  }
0x182: {  	[tilespmem:s6], [sflag:$0x2] =	stream.indirect.gather [hbm4b:s5+s7], $0x80, s18, s7, $0xb8;
	[tilespmem:$0x1F000] =	vst v63  }
0x183: {  	s18 =	sadd.s32 $0x1400, s17  }
0x184: {  	[spmem:s1] =	stream.indirect.scatter.add.f32 [tilespmem:s9], [sflag:$0x3], $0x80, s18, s7, $0xb8;
	[tilespmem:$0x1F000] =	vst v63  }
0x185: {  	_ =	swait.ge [sflag:s31], $0x4000  }
0x186: {  	[sflag:s31] =	ssyncset.done $0x0  }
0x187: {  	[sflag:s31] =	ssyncadd.s32 $0xFFFFC000  }
0x188: {  	_ =	swait.ge [sflag:s10], $0x4000  }
0x189: {  	[sflag:s10] =	ssyncset.done $0x0  }
0x18a: {  	s18 =	sadd.s32 $0x100, s17;
	[sflag:s10] =	ssyncadd.s32 $0xFFFFC000  }
0x18b: {  	[tilespmem:s9], [sflag:$0x1] =	stream.indirect.gather [hbm4b:s5+s7], $0x80, s18, s7, $0xb8;
	[tilespmem:$0x1F000] =	vst v63  }
.Ltmp6:
0x18c: {  	_ = 	snop;
	(pc) =	sbr.rel @p1 .LBB2_8-.Ltmp6, $4  }
0x18d: {  	s17 =	sadd.s32 $0x1480, s17  }
0x18e: {  	[spmem:s1] =	stream.indirect.scatter.add.f32 [tilespmem:s6], [sflag:$0x3], $0x80, s17, s7, $0xb8;
	[tilespmem:$0x1F000] =	vst v63  }
0x18f: {  	_ =	swait.ge [sflag:s31], $0x4000  }
0x190: {  	[sflag:s31] =	ssyncset.done $0x0  }
0x191: {  	[sflag:s31] =	ssyncadd.s32 $0xFFFFC000  }
0x192: {  	_ =	swait.ge [sflag:s2], $0x4000  }
0x193: {  	[sflag:s2] =	ssyncset.done $0x0  }
0x194: {  	[sflag:s2] =	ssyncadd.s32 $0xFFFFC000  }
0x195: {  	[tilespmem:s6], [sflag:$0x2] =	stream.indirect.gather [hbm4b:s5+s7], $0x80, s11, s7, $0xb8;
	[tilespmem:$0x1F000] =	vst v63  }
0x196: {  	_ = 	snop  }
0x197: {  	[spmem:s1] =	stream.indirect.scatter.add.f32 [tilespmem:s9], [sflag:$0x3], $0x80, s12, s7, $0xb8;
	[tilespmem:$0x1F000] =	vst v63  }
0x198: {  	_ =	swait.ge [sflag:s31], $0x4000  }
0x199: {  	[sflag:s31] =	ssyncset.done $0x0  }
0x19a: {  	[sflag:s31] =	ssyncadd.s32 $0xFFFFC000  }
0x19b: {  	_ =	swait.ge [sflag:s10], $0x4000  }
0x19c: {  	[sflag:s10] =	ssyncset.done $0x0  }
0x19d: {  	[sflag:s10] =	ssyncadd.s32 $0xFFFFC000  }
0x19e: {  	[spmem:s1] =	stream.indirect.scatter.add.f32 [tilespmem:s6], [sflag:$0x3], $0x80, s14, s7, $0xb8;
	[tilespmem:$0x1F000] =	vst v63  }
0x19f: {  	_ =	swait.ge [sflag:s31], $0x4000  }
0x1a0: {  	[sflag:s31] =	ssyncset.done $0x0  }
0x1a1: {  	s16 =	simm.s32 $0x0;
	s17 =	rddreg [dreg:$0x11];
	[sflag:s31] =	ssyncadd.s32 $0xFFFFC000  }
0x1a2: {  	[tilespmem:s16], [sflag:$0x3] =	stream.linear.gather [hbm4b:s17+s16], $0x1400, $0x38;
	[tilespmem:$0x1F000] =	vst v63  }
0x1a3: {  	_ =	swait.ge [sflag:s31], $0x1400  }
0x1a4: {  	[sflag:s31] =	ssyncset.done $0x0  }
0x1a5: {  	s18 =	rddreg [dreg:$0x12];
	[sflag:s31] =	ssyncadd.s32 $0xFFFFEC00  }
0x1a6: {  	[tilespmem:s0], [sflag:$0x3] =	stream.linear.gather [hbm4b:s18+s16], $0x1400, $0x38;
	[tilespmem:$0x1F000] =	vst v63  }
0x1a7: {  	_ =	swait.ge [sflag:s31], $0x1400  }
0x1a8: {  	[sflag:s31] =	ssyncset.done $0x0  }
0x1a9: {  	[sflag:s31] =	ssyncadd.s32 $0xFFFFEC00  }
0x1aa: {  	[tilespmem:s9], [sflag:$0x1] =	stream.indirect.gather [hbm4b:s5+s7], $0x80, s16, s7, $0xb8;
	[tilespmem:$0x1F000] =	vst v63  }
0x1ab: {  	_ =	swait.ge [sflag:s2], $0x4000  }
0x1ac: {  	[sflag:s2] =	ssyncset.done $0x0  }
0x1ad: {  	s17 =	simm.s32 $0x80;
	[sflag:s2] =	ssyncadd.s32 $0xFFFFC000  }
0x1ae: {  	[tilespmem:s6], [sflag:$0x2] =	stream.indirect.gather [hbm4b:s5+s7], $0x80, s17, s7, $0xb8;
	[tilespmem:$0x1F000] =	vst v63  }
0x1af: {  	s18 =	simm.s32 $0x1400  }
0x1b0: {  	[spmem:s1] =	stream.indirect.scatter.add.f32 [tilespmem:s9], [sflag:$0x3], $0x80, s18, s7, $0xb8;
	[tilespmem:$0x1F000] =	vst v63  }
0x1b1: {  	_ =	swait.ge [sflag:s31], $0x4000  }
0x1b2: {  	[sflag:s31] =	ssyncset.done $0x0  }
0x1b3: {  	[sflag:s31] =	ssyncadd.s32 $0xFFFFC000  }
0x1b4: {  	_ =	swait.ge [sflag:s10], $0x4000  }
0x1b5: {  	[sflag:s10] =	ssyncset.done $0x0  }
0x1b6: {  	s17 =	simm.s32 $0x100;
	[sflag:s10] =	ssyncadd.s32 $0xFFFFC000  }
0x1b7: {  	[tilespmem:s9], [sflag:$0x1] =	stream.indirect.gather [hbm4b:s5+s7], $0x80, s17, s7, $0xb8;
	[tilespmem:$0x1F000] =	vst v63  }
0x1b8: {  	s18 =	simm.s32 $0x1480  }
0x1b9: {  	[spmem:s1] =	stream.indirect.scatter.add.f32 [tilespmem:s6], [sflag:$0x3], $0x80, s18, s7, $0xb8;
	[tilespmem:$0x1F000] =	vst v63  }
0x1ba: {  	_ =	swait.ge [sflag:s31], $0x4000  }
0x1bb: {  	s16 =	simm.s32 $0x400;
	[sflag:s31] =	ssyncset.done $0x0  }
.LBB2_10:
0x1bc: {  	p1 =	sne.s32 s16, $0x4800  }
0x1bd: {  	[sflag:s31] =	ssyncadd.s32 $0xFFFFC000;
	s17 =	smov.u32 s16;
	s16 =	sadd.s32 $0x400, s16  }
0x1be: {  	_ = 	snop  }
0x1bf: {  	_ =	swait.ge [sflag:s2], $0x4000  }
0x1c0: {  	s17 =	sshra.s32 s17, $0x2;
	[sflag:s2] =	ssyncset.done $0x0  }
0x1c1: {  	s18 =	sadd.s32 $0x80, s17;
	[sflag:s2] =	ssyncadd.s32 $0xFFFFC000  }
0x1c2: {  	[tilespmem:s6], [sflag:$0x2] =	stream.indirect.gather [hbm4b:s5+s7], $0x80, s18, s7, $0xb8;
	[tilespmem:$0x1F000] =	vst v63  }
0x1c3: {  	s18 =	sadd.s32 $0x1400, s17  }
0x1c4: {  	[spmem:s1] =	stream.indirect.scatter.add.f32 [tilespmem:s9], [sflag:$0x3], $0x80, s18, s7, $0xb8;
	[tilespmem:$0x1F000] =	vst v63  }
0x1c5: {  	_ =	swait.ge [sflag:s31], $0x4000  }
0x1c6: {  	[sflag:s31] =	ssyncset.done $0x0  }
0x1c7: {  	[sflag:s31] =	ssyncadd.s32 $0xFFFFC000  }
0x1c8: {  	_ =	swait.ge [sflag:s10], $0x4000  }
0x1c9: {  	[sflag:s10] =	ssyncset.done $0x0  }
0x1ca: {  	s18 =	sadd.s32 $0x100, s17;
	[sflag:s10] =	ssyncadd.s32 $0xFFFFC000  }
0x1cb: {  	[tilespmem:s9], [sflag:$0x1] =	stream.indirect.gather [hbm4b:s5+s7], $0x80, s18, s7, $0xb8;
	[tilespmem:$0x1F000] =	vst v63  }
.Ltmp7:
0x1cc: {  	_ = 	snop;
	(pc) =	sbr.rel @p1 .LBB2_10-.Ltmp7, $4  }
0x1cd: {  	s17 =	sadd.s32 $0x1480, s17  }
0x1ce: {  	[spmem:s1] =	stream.indirect.scatter.add.f32 [tilespmem:s6], [sflag:$0x3], $0x80, s17, s7, $0xb8;
	[tilespmem:$0x1F000] =	vst v63  }
0x1cf: {  	_ =	swait.ge [sflag:s31], $0x4000  }
0x1d0: {  	[sflag:s31] =	ssyncset.done $0x0  }
.Ltmp8:
0x1d1: {  	_ = 	snop;
	(pc) =	sbr.rel .LBB2_11-.Ltmp8, $1  }
0x1d2: {  	_ =	sdelay $0x3  }
.LBB2_13:
0x1d3: {  	_ =	sfence.sel $0x180000  }
0x1d4: {  	[bflag:$0x0] =	sbarrier.arrive $0xFFFF  }
0x1d5: {  	_ =	strace $0x9000004A  }
0x1d6: {  	s0 =	stileid.u32;
	[bflag:$0x2] =	sbarrier.arrive $0xFFFF  }
0x1d7: {  	p0 =	sne.s32 s0, $0x0;
	s0 =	rddreg [dreg:$0x2]  }
0x1d8: {  	s0 =	sadd.s32 @!p0 $0x100000, s0  }
0x1d9: {  	[sflag:s0] =	ssyncadd.tile.s32 @!p0 $0x1;
	_ =	shalt  }
.Lfunc_end2:
_tile_overlayer_lowered:
.L_overlay_start_2:
0x1da: {  	(tag) =	ssettag $0x2  }
0x1db: {  	s0 =	rddreg [dreg:$0x0];
	s2 =	stileid.u32  }
0x1dc: {  	s1 =	rddreg [dreg:$0x1];
	p0 =	sne.s32 s2, $0x0  }
0x1dd: {  	s3 =	rddreg [dreg:$0x2];
	[bflag:$0x3] =	sbarrier.arrive $0xFFFF;
	s2 =	simm.s32 @!p0 $0x1C03  }
0x1de: {  	[timem:s3], [sflag:s2] =	dma.local @!p0 [hbm:s0], s1  }
0x1df: {  	s0 =	simm.s32 @!p0 $0x3  }
0x1e0: {  	_ =	swait.ge @!p0 [sflag:s0], s1  }
0x1e1: {  	s1 =	ssub.s32 @!p0 $0x0, s1;
	[sflag:s0] =	ssyncset.done @!p0 $0x0  }
0x1e2: {  	[sflag:s0] =	ssyncadd.s32 @!p0 s1  }
0x1e3: {  	[bflag:$0x3] =	sbarrier.arrive $0xFFFF  }
0x1e4: {  	_ =	shalt  }

// kernel: kernel.16.cloned.1.call-start
scs
__scs_entry_jumppad:
0x0: {  	(pc) =	sbr.rel $0x88, $3  }
0x1: {  	(tag) =	ssettag $0x0;
	lr =	simm.s32 $0x1  }
0x2: {  	[smem:$0x3F90] =	sst lr;
	_ =	strace $0xD0000000  }
0x3: {  	_ = 	snop  }
0x4: {  	_ = 	snop  }
0x5: {  	_ = 	snop  }
0x6: {  	_ = 	snop  }
0x7: {  	_ = 	snop  }
__scs_overlays_trampoline_lowered:
0x8: {  	[smem:$0x3F9F] =	sst s0  }
0x9: {  	[smem:$0x3FA0] =	sst s1  }
0xa: {  	[smem:$0x3FA1] =	sst s2  }
0xb: {  	[smem:$0x3FA2] =	sst s3  }
0xc: {  	[smem:$0x3FA3] =	sst s4  }
0xd: {  	[smem:$0x3FA4] =	sst s5  }
0xe: {  	[smem:$0x3FA5] =	sst s6  }
0xf: {  	[smem:$0x3FA6] =	sst s7  }
0x10: {  	[smem:$0x3FA7] =	sst s8  }
0x11: {  	[smem:$0x3FA8] =	sst s9;
	s0 =	simm.s32 @!p0 $0x0  }
0x12: {  	s1 =	sld [smem:$0x3F8E];
	s0 =	simm.s32 @p0 $0x1  }
0x13: {  	[smem:$0x3FA9] =	sst s0;
	s0 =	simm.s32 @!p1 $0x0  }
0x14: {  	s2 =	sld [smem:$0x3F8D];
	s0 =	simm.s32 @p1 $0x1  }
0x15: {  	[smem:$0x3FAA] =	sst s0;
	s0 =	simm.s32 @!p2 $0x0  }
0x16: {  	s3 =	sld [smem:$0x3FDB];
	s0 =	simm.s32 @p2 $0x1  }
0x17: {  	s4 =	simm.s32 $0x1BF5;
	[smem:$0x3FAC] =	sst s0  }
0x18: {  	s0 =	sld [smem:$0x3F8F];
	_ =	swait.ge [sflag:s4], $0x0  }
0x19: {  	s7 =	sld [smem:$0x3F90]  }
0x1a: {  	s8 =	sadd.s32 $0xFFFFE003, lr  }
0x1b: {  	s9 =	sadd.s32 $0xFFFFFEF7, lr;
	s5 =	simm.s32 $0xFFFFFFFF;
	p2 =	slt.u32 s8, $0xFFFFF086  }
0x1c: {  	p1 =	slt.u32 s9, $0xF7A;
	s5 =	simm.s32 @!p2 $0x0  }
0x1d: {  	s5 =	simm.s32 @p1 $0x1;
	p0 =	seq.s32 s7, s2  }
0x1e: {  	s7 =	smul.u32 @!p0 $0xF7A, s2;
	p2 =	seq.s32 @!p0 s5, $0x0  }
0x1f: {  	s9 =	smul.u32 $0xF7A, s1;
	s8 =	simm.s32 @!p0 $0x1BF5;
	p2 =	por !p2, p0  }
0x20: {  	[sflag:s8] =	ssyncset.s32 @!p0 $0xFFFFF086;
	s6 =	sadd.s32 @!p0 s3, s7;
	s7 =	simm.s32 @!p0 $0x108  }
0x21: {  	s3 =	sadd.s32 s3, s9;
	s6 =	sadd.s32 @!p0 $0x88, s6;
	s7 =	simm.s32 @p2 $0x1082  }
0x22: {  	[simem:s7], [sflag:s8] =	dma.local @!p0 [hbm:s6], $0xF7A  }
0x23: {  	s9 =	sor.u32 $0xD0000000, s2;
	s6 =	simm.s32 $0x108;
	_ =	swait.ge @!p0 [sflag:s8], $0x0  }
0x24: {  	s3 =	sadd.s32 $0x88, s3;
	s6 =	simm.s32 @!p1 $0x1082;
	[sflag:s4] =	ssyncset.s32 $0xFFFFF086  }
0x25: {  	[simem:s6], [sflag:s4] =	dma.local [hbm:s3], $0xF7A  }
0x26: {  	[smem:$0x3F90] =	sst s1;
	(tag) =	ssettag s2;
	_ =	strace s9  }
0x27: {  	s1 =	sld [smem:$0x3FA0]  }
0x28: {  	s2 =	sld [smem:$0x3FA1]  }
0x29: {  	s4 =	sld [smem:$0x3FA3]  }
0x2a: {  	p0 =	seq.s32 s5, $0x0;
	s5 =	sld [smem:$0x3FA4]  }
0x2b: {  	s6 =	sld [smem:$0x3FA5]  }
0x2c: {  	s7 =	sld [smem:$0x3FA6]  }
0x2d: {  	s3 =	simm.s32 $0x108;
	s8 =	sld [smem:$0x3FA7]  }
0x2e: {  	s3 =	simm.s32 @!p0 $0x1082;
	s9 =	sld [smem:$0x3FA8]  }
0x2f: {  	lr =	sadd.s32 s0, s3;
	s0 =	sld [smem:$0x3F9F]  }
0x30: {  	s3 =	sld [smem:$0x3FA2]  }
0x31: {  	[smem:$0x3FAB] =	sst s10  }
0x32: {  	s10 =	sld [smem:$0x3FA9];
	_ =	sdelay $0x3  }
0x33: {  	p0 =	seq.s32 s10, $0x1;
	s10 =	sld [smem:$0x3FAB];
	_ =	sdelay $0x3  }
0x34: {  	[smem:$0x3FAB] =	sst s10  }
0x35: {  	s10 =	sld [smem:$0x3FAA];
	_ =	sdelay $0x3  }
0x36: {  	p1 =	seq.s32 s10, $0x1;
	s10 =	sld [smem:$0x3FAB];
	_ =	sdelay $0x3  }
0x37: {  	[smem:$0x3FAB] =	sst s10  }
0x38: {  	s10 =	sld [smem:$0x3FAC]  }
0x39: {  	_ = 	snop;
	(pc) =	sbr.ind lr, $3  }
0x3a: {  	_ = 	snop  }
0x3b: {  	_ = 	snop  }
0x3c: {  	p2 =	seq.s32 s10, $0x1;
	s10 =	sld [smem:$0x3FAB]  }
0x3d: {  	_ =	shalt  }
0x3e: {  	_ =	shalt  }
0x3f: {  	_ =	shalt  }
0x40: {  	_ =	shalt  }
0x41: {  	_ =	shalt  }
0x42: {  	_ =	shalt  }
0x43: {  	_ =	shalt  }
0x44: {  	_ =	shalt  }
0x45: {  	_ =	shalt  }
0x46: {  	_ =	shalt  }
0x47: {  	_ =	shalt  }
0x48: {  	_ =	shalt  }
0x49: {  	_ =	shalt  }
0x4a: {  	_ =	shalt  }
0x4b: {  	_ =	shalt  }
0x4c: {  	_ =	shalt  }
0x4d: {  	_ =	shalt  }
0x4e: {  	_ =	shalt  }
0x4f: {  	_ =	shalt  }
0x50: {  	_ =	shalt  }
0x51: {  	_ =	shalt  }
0x52: {  	_ =	shalt  }
0x53: {  	_ =	shalt  }
0x54: {  	_ =	shalt  }
0x55: {  	_ =	shalt  }
0x56: {  	_ =	shalt  }
0x57: {  	_ =	shalt  }
0x58: {  	_ =	shalt  }
0x59: {  	_ =	shalt  }
0x5a: {  	_ =	shalt  }
0x5b: {  	_ =	shalt  }
0x5c: {  	_ =	shalt  }
0x5d: {  	_ =	shalt  }
0x5e: {  	_ =	shalt  }
0x5f: {  	_ =	shalt  }
0x60: {  	_ =	shalt  }
0x61: {  	_ =	shalt  }
0x62: {  	_ =	shalt  }
0x63: {  	_ =	shalt  }
0x64: {  	_ =	shalt  }
0x65: {  	_ =	shalt  }
0x66: {  	_ =	shalt  }
0x67: {  	_ =	shalt  }
0x68: {  	_ =	shalt  }
0x69: {  	_ =	shalt  }
0x6a: {  	_ =	shalt  }
0x6b: {  	_ =	shalt  }
0x6c: {  	_ =	shalt  }
0x6d: {  	_ =	shalt  }
0x6e: {  	_ =	shalt  }
0x6f: {  	_ =	shalt  }
0x70: {  	_ =	shalt  }
0x71: {  	_ =	shalt  }
0x72: {  	_ =	shalt  }
0x73: {  	_ =	shalt  }
0x74: {  	_ =	shalt  }
0x75: {  	_ =	shalt  }
0x76: {  	_ =	shalt  }
0x77: {  	_ =	shalt  }
0x78: {  	_ =	shalt  }
0x79: {  	_ =	shalt  }
0x7a: {  	_ =	shalt  }
0x7b: {  	_ =	shalt  }
0x7c: {  	_ =	shalt  }
0x7d: {  	_ =	shalt  }
0x7e: {  	_ =	shalt  }
0x7f: {  	_ =	shalt  }
0x80: {  	_ =	shalt  }
0x81: {  	_ =	shalt  }
0x82: {  	_ =	shalt  }
0x83: {  	_ =	shalt  }
0x84: {  	_ =	shalt  }
0x85: {  	_ =	shalt  }
0x86: {  	_ =	shalt  }
0x87: {  	_ =	shalt  }
.Lfunc_end0:
.L_simem_size_0:
called_computation.2_lowered:
.L_overlay_start_0:
0x88: {  	s2 =	sld [smem:$0x3FD9]  }
0x89: {  	s3 =	sld [smem:$0x3FFE];
	_ =	sdelay $0x1  }
0x8a: {  	s1 =	srdreg.scid  }
0x8b: {  	s0 =	sand.u32 $0x1, s1  }
0x8c: {  	s17 =	sshll.u32 s0, $0xA;
	s2 =	sadd.s32 s3, s2  }
0x8d: {  	s2 =	sadd.s32 s2, s17  }
0x8e: {  	[smem:$0x3FB7] =	sst s2  }
0x8f: {  	_ = 	snop  }
0x90: {  	s18 =	sld [smem:$0x3FC9];
	(tm) =	ssettm $0x1  }
0x91: {  	s19 =	sld [smem:$0x3FFB];
	_ =	sdelay $0x3  }
0x92: {  	_ =	strace s19  }
0x93: {  	s2 =	sld [smem:$0x3FFC];
	_ =	sdelay $0x3  }
0x94: {  	_ =	strace s2  }
0x95: {  	s2 =	sld [smem:$0x3FFD];
	_ =	sdelay $0x3  }
0x96: {  	_ =	strace s2  }
0x97: {  	_ =	strace $0x8FFFFFFF  }
0x98: {  	s20 =	sld [smem:$0x3FDB];
	_ =	sdelay $0x1  }
0x99: {  	s4 =	simm.s32 $_scs_section_size  }
0x9a: {  	s5 =	simm.s32 $_size__tile_overlayer_lowered;
	s6 =	simm.s32 $_tile_overlayer_lowered  }
0x9b: {  	s7 =	simm.s32 $0x1BFF;
	s21 =	sshll.u32 s6, $0x1;
	s4 =	sadd.s32 s4, s20  }
0x9c: {  	s22 =	simm.s32 $0x0;
	s5 =	sshll.u32 s5, $0x1;
	s6 =	sadd.s32 s21, s4  }
0x9d: {  	[timem:s22], [sflag:s7] =	dma.local [hbm:s6], s5  }
0x9e: {  	_ =	swait.ge [sflag:s7], s5  }
0x9f: {  	s5 =	ssub.s32 $0x0, s5;
	[sflag:s7] =	ssyncset.done $0x0  }
0xa0: {  	[sflag:s7] =	ssyncadd.s32 s5;
	_ =	sdelay $0x1  }
0xa1: {  	s23 =	simm.s32 $0x1B8B  }
0xa2: {  	_ =	swait.ge [sflag:s23], $0x1  }
0xa3: {  	[sflag:s23] =	ssyncset.done $0x0  }
0xa4: {  	[sflag:s23] =	ssyncadd.s32 $0xFFFFFFFF  }
0xa5: {  	s5 =	sld [smem:$0x0]  }
0xa6: {  	s6 =	sand.u32 $0xFFFFFFFE, s1  }
0xa7: {  	p0 =	sne.s32 s1, s6  }
0xa8: {  	s6 =	sshll.u32 @p0 s6, $0xE  }
0xa9: {  	s6 =	sadd.s32 @p0 $0x11B8D, s6;
	s7 =	sshll.u32 @p0 s5, $0x11  }
0xaa: {  	s6 =	sor.u32 @p0 s7, s6  }
0xab: {  	[sflag:s6] =	ssyncadd.remote.s32 @p0 $0x1;
	_ =	sdelay $0x1  }
0xac: {  	s6 =	simm.s32 @p0 $0x1B8D  }
0xad: {  	_ =	swait.eq @p0 [sflag:s6], $0x1  }
0xae: {  	[sflag:s6] =	ssyncadd.s32 @p0 $0xFFFFFFFF  }
0xaf: {  	s7 =	sshll.u32 @!p0 s1, $0xE  }
0xb0: {  	s7 =	sor.u32 @!p0 $0x4000, s7;
	s6 =	simm.s32 @!p0 $0x1B8D  }
0xb1: {  	s5 =	sshll.u32 @!p0 s5, $0x11;
	s7 =	sadd.s32 @!p0 $0x11B8D, s7;
	_ =	swait.eq @!p0 [sflag:s6], $0x1  }
0xb2: {  	s5 =	sor.u32 @!p0 s5, s7;
	[sflag:s6] =	ssyncadd.s32 @!p0 $0xFFFFFFFF  }
0xb3: {  	s25 =	simm.s32 $0x1B8E;
	s24 =	sld [smem:$0x3FFE];
	[sflag:s5] =	ssyncadd.remote.s32 @!p0 $0x1  }
0xb4: {  	s26 =	simm.s32 $execute0_lowered;
	[smem:$0x3FD2] =	sst s25  }
0xb5: {  	s6 =	sshll.u32 s26, $0x1;
	_ =	strace $0x8000004F;
	[dreg:$0x1] =	wrdreg $0xFFFFFFFF  }
0xb6: {  	s28 =	simm.s32 $_size_execute0_lowered;
	s4 =	sadd.s32 s4, s6;
	[dreg:$0x0] =	wrdreg $0x0  }
0xb7: {  	s6 =	sshll.u32 s28, $0x1;
	[dreg:$0x2] =	wrdreg s4  }
0xb8: {  	[dreg:$0x3] =	wrdreg s6  }
0xb9: {  	[dreg:$0x4] =	wrdreg $0xC0  }
0xba: {  	_ =	task [dreg:s22], $0x5FFFF  }
0xbb: {  	[dreg:$0x1] =	wrdreg $0xFFFFFFFF  }
0xbc: {  	[dreg:$0x0] =	wrdreg $0x60  }
0xbd: {  	[dreg:$0x2] =	wrdreg s24  }
0xbe: {  	[dreg:$0x3] =	wrdreg s18  }
0xbf: {  	[dreg:$0x4] =	wrdreg $0xA  }
0xc0: {  	_ =	task.clear_ibuf [dreg:s22], $0x5FFFF;
	_ =	strace $0x9000004F  }
0xc1: {  	s29 =	simm.s32 $0xA;
	_ =	strace $0x80000051  }
0xc2: {  	_ =	swait.ge [sflag:s29], $0x1  }
0xc3: {  	[sflag:s29] =	ssyncadd.s32 $0xFFFFFFFF  }
0xc4: {  	_ =	strace $0x90000051  }
0xc5: {  	_ =	sfence  }
0xc6: {  	s30 =	sld [smem:$0x0];
	_ =	sdelay $0x2  }
0xc7: {  	s31 =	sshll.u32 s1, $0xD;
	s1 =	sshrl.u32 s1, $0x2  }
0xc8: {  	s4 =	sand.u32 $0x4000, s31;
	s1 =	sadd.s32 s1, s30  }
0xc9: {  	s0 =	sor.u32 s4, s0;
	s1 =	sshll.u32 s1, $0x11  }
0xca: {  	s0 =	sor.u32 s1, s0  }
0xcb: {  	s0 =	sadd.s32 $0x8F2B, s0  }
0xcc: {  	[sflag:s0] =	ssyncadd.remote.s32 $0x1  }
0xcd: {  	_ =	sfence.sel $0xFFFF  }
0xce: {  	[dreg:$0x0] =	wrdreg $0xFFFFFFFF;
	(pc) =	sbr.abs _section_cstart, $3  }
0xcf: {  	[dreg:$0x1] =	wrdreg $0xFFFFFFFF  }
0xd0: {  	_ =	task.clear_ibuf [dreg:s22], $0x2FFFF;
	_ =	strace $0x9FFFFFFF  }
0xd1: {  	(tm) =	ssettm $0x7FFFFFFF  }
tec
execute0_lowered:
.L_overlay_start_1:
0x0: {  	(tag) =	ssettag $0x1  }
0x1: {  	s0 =	rddreg [dreg:$0x0]  }
0x2: {  	s5 =	rddreg [dreg:$0x1]  }
0x3: {  	s1 =	simm.s32 $0x0;
	s2 =	srdreg.scid;
	s21 =	simm.s32 $0x2  }
0x4: {  	s22 =	simm.s32 $0x80;
	s23 =	simm.s32 $0x400;
	s24 =	simm.s32 $0x1  }
0x5: {  	s28 =	simm.s32 $0x200;
	s29 =	simm.s32 $0x280;
	s30 =	simm.s32 $0x300  }
0x6: {  	s31 =	simm.s32 $0x380;
	[smem:$0x7FF] =	sst s1;
	s6 =	sand.u32 $0x1, s2  }
0x7: {  	s3 =	sadd.s32 $0x4E00, s0;
	s2 =	stileid.u32;
	s4 =	sadd.s32 $0x2CE00, s0  }
0x8: {  	_ =	strace $0x80000050;
	s7 =	ssub.s32 $0x2, s6;
	s8 =	sshll.u32 s2, $0xE  }
0x9: {  	s26 =	sshll.u32 s2, $0x7;
	p0 =	seq.s32 s6, $0x1;
	s9 =	sshrl.u32 s7, $0x1  }
0xa: {  	s20 =	sadd.s32 s8, s0;
	s5 =	sadd.s32 s5, s26;
	s26 =	simm.s32 $0x180  }
0xb: {  	s25 =	ssub.s32 s7, s9;
	s0 =	sadd.s32 $0x54E00, s20;
	s7 =	sadd.s32 $0x94E00, s20  }
.Ltmp0:
0xc: {  	s9 =	sadd.s32 $0x55600, s20;
	s10 =	sadd.s32 $0x55E00, s20;
	(pc) =	sbr.rel .LBB2_1-.Ltmp0, $4  }
0xd: {  	s11 =	sadd.s32 $0x56600, s20;
	s12 =	sadd.s32 $0x56E00, s20;
	s13 =	sadd.s32 $0x57600, s20  }
0xe: {  	s14 =	sadd.s32 $0x57E00, s20;
	s15 =	sadd.s32 $0x95600, s20;
	s16 =	sadd.s32 $0x95E00, s20  }
0xf: {  	s17 =	sadd.s32 $0x96600, s20;
	s18 =	sadd.s32 $0x96E00, s20;
	s19 =	sadd.s32 $0x97600, s20  }
0x10: {  	s20 =	sadd.s32 $0x97E00, s20;
	s8 =	smax.u32 s25, $0x1;
	s25 =	simm.s32 $0x100  }
.LBB2_3:
0x11: {  	[tilespmem:s23], [sflag:$0x1] =	stream.indirect.gather [hbm4b:s4+s22], $0x80, s1, s22, $0xb8;
	[tilespmem:$0x4400] =	vst v63  }
0x12: {  	_ =	swait.ge [sflag:s24], $0x4000  }
0x13: {  	[sflag:s24] =	ssyncset.done $0x0  }
0x14: {  	[sflag:s24] =	ssyncadd.s32 $0xFFFFC000  }
0x15: {  	[hbm4b:s7+s1] =	stream.linear.scatter [tilespmem:s23], [sflag:$0x2], $0x4000, $0x38;
	[tilespmem:$0x4400] =	vst v63  }
0x16: {  	_ =	swait.ge [sflag:s21], $0x4000  }
0x17: {  	[sflag:s21] =	ssyncset.done $0x0  }
0x18: {  	[sflag:s21] =	ssyncadd.s32 $0xFFFFC000  }
0x19: {  	[tilespmem:s23], [sflag:$0x1] =	stream.indirect.gather [hbm4b:s4+s22], $0x80, s22, s22, $0xb8;
	[tilespmem:$0x4400] =	vst v63  }
0x1a: {  	_ =	swait.ge [sflag:s24], $0x4000  }
0x1b: {  	[sflag:s24] =	ssyncset.done $0x0  }
0x1c: {  	[sflag:s24] =	ssyncadd.s32 $0xFFFFC000  }
0x1d: {  	[hbm4b:s15+s1] =	stream.linear.scatter [tilespmem:s23], [sflag:$0x2], $0x4000, $0x38;
	[tilespmem:$0x4400] =	vst v63  }
0x1e: {  	_ =	swait.ge [sflag:s21], $0x4000  }
0x1f: {  	[sflag:s21] =	ssyncset.done $0x0  }
0x20: {  	[sflag:s21] =	ssyncadd.s32 $0xFFFFC000  }
0x21: {  	[tilespmem:s23], [sflag:$0x1] =	stream.indirect.gather [hbm4b:s4+s22], $0x80, s25, s22, $0xb8;
	[tilespmem:$0x4400] =	vst v63  }
0x22: {  	_ =	swait.ge [sflag:s24], $0x4000  }
0x23: {  	[sflag:s24] =	ssyncset.done $0x0  }
0x24: {  	[sflag:s24] =	ssyncadd.s32 $0xFFFFC000  }
0x25: {  	[hbm4b:s16+s1] =	stream.linear.scatter [tilespmem:s23], [sflag:$0x2], $0x4000, $0x38;
	[tilespmem:$0x4400] =	vst v63  }
0x26: {  	_ =	swait.ge [sflag:s21], $0x4000  }
0x27: {  	[sflag:s21] =	ssyncset.done $0x0  }
0x28: {  	[sflag:s21] =	ssyncadd.s32 $0xFFFFC000  }
0x29: {  	[tilespmem:s23], [sflag:$0x1] =	stream.indirect.gather [hbm4b:s4+s22], $0x80, s26, s22, $0xb8;
	[tilespmem:$0x4400] =	vst v63  }
0x2a: {  	_ =	swait.ge [sflag:s24], $0x4000  }
0x2b: {  	[sflag:s24] =	ssyncset.done $0x0  }
0x2c: {  	[sflag:s24] =	ssyncadd.s32 $0xFFFFC000  }
0x2d: {  	[hbm4b:s17+s1] =	stream.linear.scatter [tilespmem:s23], [sflag:$0x2], $0x4000, $0x38;
	[tilespmem:$0x4400] =	vst v63  }
0x2e: {  	_ =	swait.ge [sflag:s21], $0x4000  }
0x2f: {  	[sflag:s21] =	ssyncset.done $0x0  }
0x30: {  	[sflag:s21] =	ssyncadd.s32 $0xFFFFC000  }
0x31: {  	[tilespmem:s23], [sflag:$0x1] =	stream.indirect.gather [hbm4b:s4+s22], $0x80, s28, s22, $0xb8;
	[tilespmem:$0x4400] =	vst v63  }
0x32: {  	_ =	swait.ge [sflag:s24], $0x4000  }
0x33: {  	[sflag:s24] =	ssyncset.done $0x0  }
0x34: {  	[sflag:s24] =	ssyncadd.s32 $0xFFFFC000  }
0x35: {  	[hbm4b:s18+s1] =	stream.linear.scatter [tilespmem:s23], [sflag:$0x2], $0x4000, $0x38;
	[tilespmem:$0x4400] =	vst v63  }
0x36: {  	_ =	swait.ge [sflag:s21], $0x4000  }
0x37: {  	[sflag:s21] =	ssyncset.done $0x0  }
0x38: {  	[sflag:s21] =	ssyncadd.s32 $0xFFFFC000  }
0x39: {  	[tilespmem:s23], [sflag:$0x1] =	stream.indirect.gather [hbm4b:s4+s22], $0x80, s29, s22, $0xb8;
	[tilespmem:$0x4400] =	vst v63  }
0x3a: {  	_ =	swait.ge [sflag:s24], $0x4000  }
0x3b: {  	[sflag:s24] =	ssyncset.done $0x0  }
0x3c: {  	[sflag:s24] =	ssyncadd.s32 $0xFFFFC000  }
0x3d: {  	[hbm4b:s19+s1] =	stream.linear.scatter [tilespmem:s23], [sflag:$0x2], $0x4000, $0x38;
	[tilespmem:$0x4400] =	vst v63  }
0x3e: {  	_ =	swait.ge [sflag:s21], $0x4000  }
0x3f: {  	[sflag:s21] =	ssyncset.done $0x0  }
0x40: {  	[sflag:s21] =	ssyncadd.s32 $0xFFFFC000  }
0x41: {  	[tilespmem:s23], [sflag:$0x1] =	stream.indirect.gather [hbm4b:s4+s22], $0x80, s30, s22, $0xb8;
	[tilespmem:$0x4400] =	vst v63  }
0x42: {  	_ =	swait.ge [sflag:s24], $0x4000  }
0x43: {  	[sflag:s24] =	ssyncset.done $0x0  }
0x44: {  	[sflag:s24] =	ssyncadd.s32 $0xFFFFC000  }
0x45: {  	[hbm4b:s20+s1] =	stream.linear.scatter [tilespmem:s23], [sflag:$0x2], $0x4000, $0x38;
	[tilespmem:$0x4400] =	vst v63  }
0x46: {  	_ =	swait.ge [sflag:s21], $0x4000  }
0x47: {  	[sflag:s21] =	ssyncset.done $0x0  }
0x48: {  	s6 =	smov.u32 s7;
	[sflag:s21] =	ssyncadd.s32 $0xFFFFC000  }
0x49: {  	[tilespmem:s23], [sflag:$0x1] =	stream.indirect.gather [hbm4b:s4+s22], $0x80, s31, s22, $0xb8;
	[tilespmem:$0x4400] =	vst v63  }
.LBB2_4:
0x4a: {  	_ =	swait.ge [sflag:s24], $0x4000;
	s8 =	sadd.s32 $0xFFFFFFFF, s8  }
0x4b: {  	[sflag:s24] =	ssyncset.done $0x0;
	p1 =	sne.s32 s8, $0x0  }
.Ltmp1:
0x4c: {  	s6 =	sadd.s32 $0x3800, s6;
	[sflag:s24] =	ssyncadd.s32 $0xFFFFC000;
	(pc) =	sbr.rel @!p1 .LBB2_5-.Ltmp1, $4  }
0x4d: {  	[hbm4b:s6+s1] =	stream.linear.scatter [tilespmem:s23], [sflag:$0x2], $0x4000, $0x38;
	[tilespmem:$0x4400] =	vst v63  }
0x4e: {  	_ =	swait.ge [sflag:s21], $0x4000  }
0x4f: {  	[sflag:s21] =	ssyncset.done $0x0  }
0x50: {  	[sflag:s21] =	ssyncadd.s32 $0xFFFFC000  }
.LBB2_1:
.Ltmp2:
0x51: {  	(pc) =	sbr.rel @p0 .LBB2_3-.Ltmp2, $4  }
0x52: {  	[tilespmem:s1], [sflag:$0x2] =	stream.linear.gather [hbm4b:s5+s1], $0x400, $0x38;
	[tilespmem:$0x4400] =	vst v63  }
0x53: {  	_ =	swait.ge [sflag:s21], $0x400  }
0x54: {  	[sflag:s21] =	ssyncset.done $0x0  }
0x55: {  	[sflag:s21] =	ssyncadd.s32 $0xFFFFFC00  }
0x56: {  	[tilespmem:s23], [sflag:$0x1] =	stream.indirect.gather [hbm4b:s3+s22], $0x80, s1, s22, $0xb8;
	[tilespmem:$0x4400] =	vst v63  }
0x57: {  	_ =	swait.ge [sflag:s24], $0x4000  }
0x58: {  	[sflag:s24] =	ssyncset.done $0x0  }
0x59: {  	[sflag:s24] =	ssyncadd.s32 $0xFFFFC000  }
0x5a: {  	[hbm4b:s0+s1] =	stream.linear.scatter [tilespmem:s23], [sflag:$0x2], $0x4000, $0x38;
	[tilespmem:$0x4400] =	vst v63  }
0x5b: {  	_ =	swait.ge [sflag:s21], $0x4000  }
0x5c: {  	[sflag:s21] =	ssyncset.done $0x0  }
0x5d: {  	[sflag:s21] =	ssyncadd.s32 $0xFFFFC000  }
0x5e: {  	[tilespmem:s23], [sflag:$0x1] =	stream.indirect.gather [hbm4b:s3+s22], $0x80, s22, s22, $0xb8;
	[tilespmem:$0x4400] =	vst v63  }
0x5f: {  	_ =	swait.ge [sflag:s24], $0x4000  }
0x60: {  	[sflag:s24] =	ssyncset.done $0x0  }
0x61: {  	[sflag:s24] =	ssyncadd.s32 $0xFFFFC000  }
0x62: {  	[hbm4b:s9+s1] =	stream.linear.scatter [tilespmem:s23], [sflag:$0x2], $0x4000, $0x38;
	[tilespmem:$0x4400] =	vst v63  }
0x63: {  	_ =	swait.ge [sflag:s21], $0x4000  }
0x64: {  	[sflag:s21] =	ssyncset.done $0x0  }
0x65: {  	[sflag:s21] =	ssyncadd.s32 $0xFFFFC000  }
0x66: {  	[tilespmem:s23], [sflag:$0x1] =	stream.indirect.gather [hbm4b:s3+s22], $0x80, s25, s22, $0xb8;
	[tilespmem:$0x4400] =	vst v63  }
0x67: {  	_ =	swait.ge [sflag:s24], $0x4000  }
0x68: {  	[sflag:s24] =	ssyncset.done $0x0  }
0x69: {  	[sflag:s24] =	ssyncadd.s32 $0xFFFFC000  }
0x6a: {  	[hbm4b:s10+s1] =	stream.linear.scatter [tilespmem:s23], [sflag:$0x2], $0x4000, $0x38;
	[tilespmem:$0x4400] =	vst v63  }
0x6b: {  	_ =	swait.ge [sflag:s21], $0x4000  }
0x6c: {  	[sflag:s21] =	ssyncset.done $0x0  }
0x6d: {  	[sflag:s21] =	ssyncadd.s32 $0xFFFFC000  }
0x6e: {  	[tilespmem:s23], [sflag:$0x1] =	stream.indirect.gather [hbm4b:s3+s22], $0x80, s26, s22, $0xb8;
	[tilespmem:$0x4400] =	vst v63  }
0x6f: {  	_ =	swait.ge [sflag:s24], $0x4000  }
0x70: {  	[sflag:s24] =	ssyncset.done $0x0  }
0x71: {  	[sflag:s24] =	ssyncadd.s32 $0xFFFFC000  }
0x72: {  	[hbm4b:s11+s1] =	stream.linear.scatter [tilespmem:s23], [sflag:$0x2], $0x4000, $0x38;
	[tilespmem:$0x4400] =	vst v63  }
0x73: {  	_ =	swait.ge [sflag:s21], $0x4000  }
0x74: {  	[sflag:s21] =	ssyncset.done $0x0  }
0x75: {  	[sflag:s21] =	ssyncadd.s32 $0xFFFFC000  }
0x76: {  	[tilespmem:s23], [sflag:$0x1] =	stream.indirect.gather [hbm4b:s3+s22], $0x80, s28, s22, $0xb8;
	[tilespmem:$0x4400] =	vst v63  }
0x77: {  	_ =	swait.ge [sflag:s24], $0x4000  }
0x78: {  	[sflag:s24] =	ssyncset.done $0x0  }
0x79: {  	[sflag:s24] =	ssyncadd.s32 $0xFFFFC000  }
0x7a: {  	[hbm4b:s12+s1] =	stream.linear.scatter [tilespmem:s23], [sflag:$0x2], $0x4000, $0x38;
	[tilespmem:$0x4400] =	vst v63  }
0x7b: {  	_ =	swait.ge [sflag:s21], $0x4000  }
0x7c: {  	[sflag:s21] =	ssyncset.done $0x0  }
0x7d: {  	[sflag:s21] =	ssyncadd.s32 $0xFFFFC000  }
0x7e: {  	[tilespmem:s23], [sflag:$0x1] =	stream.indirect.gather [hbm4b:s3+s22], $0x80, s29, s22, $0xb8;
	[tilespmem:$0x4400] =	vst v63  }
0x7f: {  	_ =	swait.ge [sflag:s24], $0x4000  }
0x80: {  	[sflag:s24] =	ssyncset.done $0x0  }
0x81: {  	[sflag:s24] =	ssyncadd.s32 $0xFFFFC000  }
0x82: {  	[hbm4b:s13+s1] =	stream.linear.scatter [tilespmem:s23], [sflag:$0x2], $0x4000, $0x38;
	[tilespmem:$0x4400] =	vst v63  }
0x83: {  	_ =	swait.ge [sflag:s21], $0x4000  }
0x84: {  	[sflag:s21] =	ssyncset.done $0x0  }
0x85: {  	[sflag:s21] =	ssyncadd.s32 $0xFFFFC000  }
0x86: {  	[tilespmem:s23], [sflag:$0x1] =	stream.indirect.gather [hbm4b:s3+s22], $0x80, s30, s22, $0xb8;
	[tilespmem:$0x4400] =	vst v63  }
0x87: {  	_ =	swait.ge [sflag:s24], $0x4000  }
0x88: {  	[sflag:s24] =	ssyncset.done $0x0  }
0x89: {  	[sflag:s24] =	ssyncadd.s32 $0xFFFFC000  }
0x8a: {  	[hbm4b:s14+s1] =	stream.linear.scatter [tilespmem:s23], [sflag:$0x2], $0x4000, $0x38;
	[tilespmem:$0x4400] =	vst v63  }
.Ltmp3:
0x8b: {  	_ = 	snop;
	(pc) =	sbr.rel .LBB2_4-.Ltmp3, $4  }
0x8c: {  	_ =	swait.ge [sflag:s21], $0x4000  }
0x8d: {  	[sflag:s21] =	ssyncset.done $0x0  }
0x8e: {  	s6 =	smov.u32 s0;
	[sflag:s21] =	ssyncadd.s32 $0xFFFFC000  }
0x8f: {  	[tilespmem:s23], [sflag:$0x1] =	stream.indirect.gather [hbm4b:s3+s22], $0x80, s31, s22, $0xb8;
	[tilespmem:$0x4400] =	vst v63  }
.LBB2_5:
0x90: {  	_ =	sfence.sel $0x180000  }
0x91: {  	[bflag:$0x0] =	sbarrier.arrive $0xFFFF  }
0x92: {  	_ =	strace $0x90000050  }
0x93: {  	[bflag:$0x2] =	sbarrier.arrive $0xFFFF  }
0x94: {  	p0 =	sne.s32 s2, $0x0;
	s0 =	rddreg [dreg:$0x2]  }
0x95: {  	s0 =	sadd.s32 @!p0 $0x100000, s0  }
0x96: {  	[sflag:s0] =	ssyncadd.tile.s32 @!p0 $0x1;
	_ =	shalt  }
.Lfunc_end2:
_tile_overlayer_lowered:
.L_overlay_start_2:
0x97: {  	(tag) =	ssettag $0x2  }
0x98: {  	s0 =	rddreg [dreg:$0x0];
	s2 =	stileid.u32  }
0x99: {  	s1 =	rddreg [dreg:$0x1];
	p0 =	sne.s32 s2, $0x0  }
0x9a: {  	s3 =	rddreg [dreg:$0x2];
	[bflag:$0x3] =	sbarrier.arrive $0xFFFF;
	s2 =	simm.s32 @!p0 $0x1C02  }
0x9b: {  	[timem:s3], [sflag:s2] =	dma.local @!p0 [hbm:s0], s1  }
0x9c: {  	s0 =	simm.s32 @!p0 $0x2  }
0x9d: {  	_ =	swait.ge @!p0 [sflag:s0], s1  }
0x9e: {  	s1 =	ssub.s32 @!p0 $0x0, s1;
	[sflag:s0] =	ssyncset.done @!p0 $0x0  }
0x9f: {  	[sflag:s0] =	ssyncadd.s32 @!p0 s1  }
0xa0: {  	[bflag:$0x3] =	sbarrier.arrive $0xFFFF  }
0xa1: {  	_ =	shalt  }

// kernel: kernel.19.cloned.1.call-start
scs
__scs_entry_jumppad:
0x0: {  	(pc) =	sbr.rel $0x88, $3  }
0x1: {  	(tag) =	ssettag $0x0;
	lr =	simm.s32 $0x1  }
0x2: {  	[smem:$0x3F90] =	sst lr;
	_ =	strace $0xD0000000  }
0x3: {  	_ = 	snop  }
0x4: {  	_ = 	snop  }
0x5: {  	_ = 	snop  }
0x6: {  	_ = 	snop  }
0x7: {  	_ = 	snop  }
__scs_overlays_trampoline_lowered:
0x8: {  	[smem:$0x3F9F] =	sst s0  }
0x9: {  	[smem:$0x3FA0] =	sst s1  }
0xa: {  	[smem:$0x3FA1] =	sst s2  }
0xb: {  	[smem:$0x3FA2] =	sst s3  }
0xc: {  	[smem:$0x3FA3] =	sst s4  }
0xd: {  	[smem:$0x3FA4] =	sst s5  }
0xe: {  	[smem:$0x3FA5] =	sst s6  }
0xf: {  	[smem:$0x3FA6] =	sst s7  }
0x10: {  	[smem:$0x3FA7] =	sst s8  }
0x11: {  	[smem:$0x3FA8] =	sst s9;
	s0 =	simm.s32 @!p0 $0x0  }
0x12: {  	s1 =	sld [smem:$0x3F8E];
	s0 =	simm.s32 @p0 $0x1  }
0x13: {  	[smem:$0x3FA9] =	sst s0;
	s0 =	simm.s32 @!p1 $0x0  }
0x14: {  	s2 =	sld [smem:$0x3F8D];
	s0 =	simm.s32 @p1 $0x1  }
0x15: {  	[smem:$0x3FAA] =	sst s0;
	s0 =	simm.s32 @!p2 $0x0  }
0x16: {  	s3 =	sld [smem:$0x3FDB];
	s0 =	simm.s32 @p2 $0x1  }
0x17: {  	s4 =	simm.s32 $0x1BF5;
	[smem:$0x3FAC] =	sst s0  }
0x18: {  	s0 =	sld [smem:$0x3F8F];
	_ =	swait.ge [sflag:s4], $0x0  }
0x19: {  	s7 =	sld [smem:$0x3F90]  }
0x1a: {  	s8 =	sadd.s32 $0xFFFFE003, lr  }
0x1b: {  	s9 =	sadd.s32 $0xFFFFFEF7, lr;
	s5 =	simm.s32 $0xFFFFFFFF;
	p2 =	slt.u32 s8, $0xFFFFF086  }
0x1c: {  	p1 =	slt.u32 s9, $0xF7A;
	s5 =	simm.s32 @!p2 $0x0  }
0x1d: {  	s5 =	simm.s32 @p1 $0x1;
	p0 =	seq.s32 s7, s2  }
0x1e: {  	s7 =	smul.u32 @!p0 $0xF7A, s2;
	p2 =	seq.s32 @!p0 s5, $0x0  }
0x1f: {  	s9 =	smul.u32 $0xF7A, s1;
	s8 =	simm.s32 @!p0 $0x1BF5;
	p2 =	por !p2, p0  }
0x20: {  	[sflag:s8] =	ssyncset.s32 @!p0 $0xFFFFF086;
	s6 =	sadd.s32 @!p0 s3, s7;
	s7 =	simm.s32 @!p0 $0x108  }
0x21: {  	s3 =	sadd.s32 s3, s9;
	s6 =	sadd.s32 @!p0 $0x88, s6;
	s7 =	simm.s32 @p2 $0x1082  }
0x22: {  	[simem:s7], [sflag:s8] =	dma.local @!p0 [hbm:s6], $0xF7A  }
0x23: {  	s9 =	sor.u32 $0xD0000000, s2;
	s6 =	simm.s32 $0x108;
	_ =	swait.ge @!p0 [sflag:s8], $0x0  }
0x24: {  	s3 =	sadd.s32 $0x88, s3;
	s6 =	simm.s32 @!p1 $0x1082;
	[sflag:s4] =	ssyncset.s32 $0xFFFFF086  }
0x25: {  	[simem:s6], [sflag:s4] =	dma.local [hbm:s3], $0xF7A  }
0x26: {  	[smem:$0x3F90] =	sst s1;
	(tag) =	ssettag s2;
	_ =	strace s9  }
0x27: {  	s1 =	sld [smem:$0x3FA0]  }
0x28: {  	s2 =	sld [smem:$0x3FA1]  }
0x29: {  	s4 =	sld [smem:$0x3FA3]  }
0x2a: {  	p0 =	seq.s32 s5, $0x0;
	s5 =	sld [smem:$0x3FA4]  }
0x2b: {  	s6 =	sld [smem:$0x3FA5]  }
0x2c: {  	s7 =	sld [smem:$0x3FA6]  }
0x2d: {  	s3 =	simm.s32 $0x108;
	s8 =	sld [smem:$0x3FA7]  }
0x2e: {  	s3 =	simm.s32 @!p0 $0x1082;
	s9 =	sld [smem:$0x3FA8]  }
0x2f: {  	lr =	sadd.s32 s0, s3;
	s0 =	sld [smem:$0x3F9F]  }
0x30: {  	s3 =	sld [smem:$0x3FA2]  }
0x31: {  	[smem:$0x3FAB] =	sst s10  }
0x32: {  	s10 =	sld [smem:$0x3FA9];
	_ =	sdelay $0x3  }
0x33: {  	p0 =	seq.s32 s10, $0x1;
	s10 =	sld [smem:$0x3FAB];
	_ =	sdelay $0x3  }
0x34: {  	[smem:$0x3FAB] =	sst s10  }
0x35: {  	s10 =	sld [smem:$0x3FAA];
	_ =	sdelay $0x3  }
0x36: {  	p1 =	seq.s32 s10, $0x1;
	s10 =	sld [smem:$0x3FAB];
	_ =	sdelay $0x3  }
0x37: {  	[smem:$0x3FAB] =	sst s10  }
0x38: {  	s10 =	sld [smem:$0x3FAC]  }
0x39: {  	_ = 	snop;
	(pc) =	sbr.ind lr, $3  }
0x3a: {  	_ = 	snop  }
0x3b: {  	_ = 	snop  }
0x3c: {  	p2 =	seq.s32 s10, $0x1;
	s10 =	sld [smem:$0x3FAB]  }
0x3d: {  	_ =	shalt  }
0x3e: {  	_ =	shalt  }
0x3f: {  	_ =	shalt  }
0x40: {  	_ =	shalt  }
0x41: {  	_ =	shalt  }
0x42: {  	_ =	shalt  }
0x43: {  	_ =	shalt  }
0x44: {  	_ =	shalt  }
0x45: {  	_ =	shalt  }
0x46: {  	_ =	shalt  }
0x47: {  	_ =	shalt  }
0x48: {  	_ =	shalt  }
0x49: {  	_ =	shalt  }
0x4a: {  	_ =	shalt  }
0x4b: {  	_ =	shalt  }
0x4c: {  	_ =	shalt  }
0x4d: {  	_ =	shalt  }
0x4e: {  	_ =	shalt  }
0x4f: {  	_ =	shalt  }
0x50: {  	_ =	shalt  }
0x51: {  	_ =	shalt  }
0x52: {  	_ =	shalt  }
0x53: {  	_ =	shalt  }
0x54: {  	_ =	shalt  }
0x55: {  	_ =	shalt  }
0x56: {  	_ =	shalt  }
0x57: {  	_ =	shalt  }
0x58: {  	_ =	shalt  }
0x59: {  	_ =	shalt  }
0x5a: {  	_ =	shalt  }
0x5b: {  	_ =	shalt  }
0x5c: {  	_ =	shalt  }
0x5d: {  	_ =	shalt  }
0x5e: {  	_ =	shalt  }
0x5f: {  	_ =	shalt  }
0x60: {  	_ =	shalt  }
0x61: {  	_ =	shalt  }
0x62: {  	_ =	shalt  }
0x63: {  	_ =	shalt  }
0x64: {  	_ =	shalt  }
0x65: {  	_ =	shalt  }
0x66: {  	_ =	shalt  }
0x67: {  	_ =	shalt  }
0x68: {  	_ =	shalt  }
0x69: {  	_ =	shalt  }
0x6a: {  	_ =	shalt  }
0x6b: {  	_ =	shalt  }
0x6c: {  	_ =	shalt  }
0x6d: {  	_ =	shalt  }
0x6e: {  	_ =	shalt  }
0x6f: {  	_ =	shalt  }
0x70: {  	_ =	shalt  }
0x71: {  	_ =	shalt  }
0x72: {  	_ =	shalt  }
0x73: {  	_ =	shalt  }
0x74: {  	_ =	shalt  }
0x75: {  	_ =	shalt  }
0x76: {  	_ =	shalt  }
0x77: {  	_ =	shalt  }
0x78: {  	_ =	shalt  }
0x79: {  	_ =	shalt  }
0x7a: {  	_ =	shalt  }
0x7b: {  	_ =	shalt  }
0x7c: {  	_ =	shalt  }
0x7d: {  	_ =	shalt  }
0x7e: {  	_ =	shalt  }
0x7f: {  	_ =	shalt  }
0x80: {  	_ =	shalt  }
0x81: {  	_ =	shalt  }
0x82: {  	_ =	shalt  }
0x83: {  	_ =	shalt  }
0x84: {  	_ =	shalt  }
0x85: {  	_ =	shalt  }
0x86: {  	_ =	shalt  }
0x87: {  	_ =	shalt  }
.Lfunc_end0:
.L_simem_size_0:
called_computation.3_lowered:
.L_overlay_start_0:
0x88: {  	s2 =	sld [smem:$0x3FD9]  }
0x89: {  	s3 =	sld [smem:$0x3FFE];
	_ =	sdelay $0x1  }
0x8a: {  	s1 =	srdreg.scid  }
0x8b: {  	s0 =	sand.u32 $0x1, s1  }
0x8c: {  	s17 =	sshll.u32 s0, $0xA;
	s2 =	sadd.s32 s3, s2  }
0x8d: {  	s2 =	sadd.s32 s2, s17  }
0x8e: {  	[smem:$0x3FB7] =	sst s2  }
0x8f: {  	_ = 	snop  }
0x90: {  	s18 =	sld [smem:$0x3FC5]  }
0x91: {  	s4 =	sld [smem:$0x3FD0];
	(tm) =	ssettm $0x1  }
0x92: {  	s19 =	sld [smem:$0x3FFB];
	_ =	sdelay $0x3  }
0x93: {  	_ =	strace s19  }
0x94: {  	s2 =	sld [smem:$0x3FFC];
	_ =	sdelay $0x3  }
0x95: {  	_ =	strace s2  }
0x96: {  	s2 =	sld [smem:$0x3FFD];
	_ =	sdelay $0x3  }
0x97: {  	_ =	strace s2  }
0x98: {  	_ =	strace $0x8FFFFFFF  }
0x99: {  	s20 =	sld [smem:$0x3FDB];
	_ =	sdelay $0x1  }
0x9a: {  	s5 =	simm.s32 $_scs_section_size  }
0x9b: {  	s6 =	simm.s32 $_size__tile_overlayer_lowered;
	s7 =	simm.s32 $_tile_overlayer_lowered  }
0x9c: {  	s8 =	simm.s32 $0x1BFF;
	s21 =	sshll.u32 s7, $0x1;
	s5 =	sadd.s32 s5, s20  }
0x9d: {  	s22 =	simm.s32 $0x0;
	s6 =	sshll.u32 s6, $0x1;
	s7 =	sadd.s32 s21, s5  }
0x9e: {  	[timem:s22], [sflag:s8] =	dma.local [hbm:s7], s6  }
0x9f: {  	_ =	swait.ge [sflag:s8], s6  }
0xa0: {  	s6 =	ssub.s32 $0x0, s6;
	[sflag:s8] =	ssyncset.done $0x0  }
0xa1: {  	[sflag:s8] =	ssyncadd.s32 s6;
	_ =	sdelay $0x1  }
0xa2: {  	s23 =	simm.s32 $0x1B8B  }
0xa3: {  	_ =	swait.ge [sflag:s23], $0x1  }
0xa4: {  	[sflag:s23] =	ssyncset.done $0x0  }
0xa5: {  	[sflag:s23] =	ssyncadd.s32 $0xFFFFFFFF  }
0xa6: {  	s6 =	sld [smem:$0x0]  }
0xa7: {  	s7 =	sand.u32 $0xFFFFFFFE, s1  }
0xa8: {  	p0 =	sne.s32 s1, s7  }
0xa9: {  	s7 =	sshll.u32 @p0 s7, $0xE  }
0xaa: {  	s7 =	sadd.s32 @p0 $0x11B8D, s7;
	s8 =	sshll.u32 @p0 s6, $0x11  }
0xab: {  	s7 =	sor.u32 @p0 s8, s7  }
0xac: {  	[sflag:s7] =	ssyncadd.remote.s32 @p0 $0x1;
	_ =	sdelay $0x1  }
0xad: {  	s7 =	simm.s32 @p0 $0x1B8D  }
0xae: {  	_ =	swait.eq @p0 [sflag:s7], $0x1  }
0xaf: {  	[sflag:s7] =	ssyncadd.s32 @p0 $0xFFFFFFFF  }
0xb0: {  	s8 =	sshll.u32 @!p0 s1, $0xE  }
0xb1: {  	s8 =	sor.u32 @!p0 $0x4000, s8;
	s7 =	simm.s32 @!p0 $0x1B8D  }
0xb2: {  	s6 =	sshll.u32 @!p0 s6, $0x11;
	s8 =	sadd.s32 @!p0 $0x11B8D, s8;
	_ =	swait.eq @!p0 [sflag:s7], $0x1  }
0xb3: {  	s6 =	sor.u32 @!p0 s6, s8;
	[sflag:s7] =	ssyncadd.s32 @!p0 $0xFFFFFFFF  }
0xb4: {  	s25 =	simm.s32 $0x1B8E;
	s24 =	sld [smem:$0x3FFE];
	[sflag:s6] =	ssyncadd.remote.s32 @!p0 $0x1  }
0xb5: {  	s26 =	simm.s32 $execute0_lowered;
	[smem:$0x3FD2] =	sst s25  }
0xb6: {  	s7 =	sshll.u32 s26, $0x1;
	_ =	strace $0x8000004C;
	[dreg:$0x1] =	wrdreg $0xFFFFFFFF  }
0xb7: {  	s28 =	simm.s32 $_size_execute0_lowered;
	s5 =	sadd.s32 s5, s7;
	[dreg:$0x0] =	wrdreg $0x0  }
0xb8: {  	s7 =	sshll.u32 s28, $0x1;
	[dreg:$0x2] =	wrdreg s5  }
0xb9: {  	[dreg:$0x3] =	wrdreg s7  }
0xba: {  	[dreg:$0x4] =	wrdreg $0xC0  }
0xbb: {  	_ =	task [dreg:s22], $0x5FFFF  }
0xbc: {  	[dreg:$0x1] =	wrdreg $0xFFFFFFFF  }
0xbd: {  	[dreg:$0x0] =	wrdreg $0x60  }
0xbe: {  	[dreg:$0x2] =	wrdreg s18  }
0xbf: {  	[dreg:$0x3] =	wrdreg s4  }
0xc0: {  	[dreg:$0x4] =	wrdreg s24  }
0xc1: {  	[dreg:$0x5] =	wrdreg $0x9  }
0xc2: {  	_ =	task.clear_ibuf [dreg:s22], $0x6FFFF;
	_ =	strace $0x9000004C  }
0xc3: {  	s29 =	simm.s32 $0x9;
	_ =	strace $0x8000004E  }
0xc4: {  	_ =	swait.ge [sflag:s29], $0x1  }
0xc5: {  	[sflag:s29] =	ssyncadd.s32 $0xFFFFFFFF  }
0xc6: {  	_ =	strace $0x9000004E  }
0xc7: {  	_ =	sfence  }
0xc8: {  	s30 =	sld [smem:$0x0];
	_ =	sdelay $0x2  }
0xc9: {  	s31 =	sshll.u32 s1, $0xD;
	s1 =	sshrl.u32 s1, $0x2  }
0xca: {  	s4 =	sand.u32 $0x4000, s31;
	s1 =	sadd.s32 s1, s30  }
0xcb: {  	s0 =	sor.u32 s4, s0;
	s1 =	sshll.u32 s1, $0x11  }
0xcc: {  	s0 =	sor.u32 s1, s0  }
0xcd: {  	s0 =	sadd.s32 $0x8F2B, s0  }
0xce: {  	[sflag:s0] =	ssyncadd.remote.s32 $0x1  }
0xcf: {  	_ =	sfence.sel $0xFFFF  }
0xd0: {  	[dreg:$0x0] =	wrdreg $0xFFFFFFFF;
	(pc) =	sbr.abs _section_cstart, $3  }
0xd1: {  	[dreg:$0x1] =	wrdreg $0xFFFFFFFF  }
0xd2: {  	_ =	task.clear_ibuf [dreg:s22], $0x2FFFF;
	_ =	strace $0x9FFFFFFF  }
0xd3: {  	(tm) =	ssettm $0x7FFFFFFF  }
tec
execute0_lowered:
.L_overlay_start_1:
0x0: {  	(tag) =	ssettag $0x1  }
0x1: {  	s2 =	rddreg [dreg:$0x0]  }
0x2: {  	s0 =	rddreg [dreg:$0x1]  }
0x3: {  	s1 =	rddreg [dreg:$0x2];
	s8 =	stileid.u32  }
0x4: {  	s4 =	srdreg.scid;
	s3 =	simm.s32 $0x0;
	s22 =	simm.s32 $0xC00  }
0x5: {  	s23 =	simm.s32 $0x1400;
	s24 =	simm.s32 $0x1C00;
	s26 =	simm.s32 $0x2400  }
0x6: {  	s9 =	simm.s32 $0x400;
	s10 =	simm.s32 $0x2C00;
	s11 =	simm.s32 $0x3400  }
0x7: {  	s12 =	simm.s32 $0x3C00;
	s13 =	simm.s32 $0x4400;
	s14 =	simm.s32 $0x4C00  }
0x8: {  	s15 =	simm.s32 $0x5400;
	s16 =	simm.s32 $0x5C00;
	s17 =	simm.s32 $0x6400  }
0x9: {  	s18 =	simm.s32 $0x6C00;
	s19 =	simm.s32 $0x7400;
	s28 =	simm.s32 $0xB400  }
0xa: {  	s29 =	simm.s32 $0xBC00;
	s30 =	simm.s32 $0x1;
	[smem:$0x7FF] =	sst s3  }
0xb: {  	s31 =	simm.s32 $0x0;
	_ =	strace $0x8000004D;
	[dreg:$0x5] =	wrdreg s22  }
0xc: {  	s5 =	smul.u32 $0x18000, s8;
	s4 =	sand.u32 $0x1, s4;
	[dreg:$0x6] =	wrdreg s23  }
0xd: {  	s8 =	sshll.u32 s8, $0x8;
	s6 =	ssub.s32 $0x2, s4;
	[dreg:$0x7] =	wrdreg s24  }
0xe: {  	s7 =	smul.u32 $0xC000, s4;
	s4 =	sshll.u32 s4, $0x7;
	[dreg:$0x8] =	wrdreg s26  }
0xf: {  	s22 =	simm.s32 $0x8C00;
	s23 =	simm.s32 $0x9400;
	s24 =	simm.s32 $0x9C00  }
0x10: {  	s26 =	simm.s32 $0xAC00;
	s1 =	sadd.s32 s5, s1;
	s20 =	sshrl.u32 s6, $0x1  }
0x11: {  	s4 =	sor.u32 s4, s8;
	s5 =	sadd.s32 $0x100, s2;
	s8 =	simm.s32 $0x2  }
0x12: {  	s1 =	sadd.s32 s7, s1;
	s21 =	ssub.s32 s6, s20;
	s0 =	sadd.s32 s0, s4  }
0x13: {  	v2 =	vlaneseq.u32;
	s6 =	sadd.s32 $0x200, s2;
	s1 =	sadd.s32 $0xD7400, s1;
	[dreg:$0x9] =	wrdreg s0  }
0x14: {  	vm0 =	vmmov $0xffff;
	v1 =	vshrl.u32 v2, $0x3;
	s20 =	simm.s32 $0x7C00;
	s25 =	smax.u32 s21, $0x1;
	[dreg:$0x4] =	wrdreg s1  }
0x15: {  	v0 =	vand.u32 $0x7, v2;
	v2 =	vor.u32 $0x8, v2;
	v1 =	vmul.u32 $0x8, v1;
	s21 =	simm.s32 $0x8400;
	[dreg:$0xa] =	wrdreg s25;
	s25 =	simm.s32 $0xA400  }
.LBB2_1:
0x16: {  	s0 =	rddreg [dreg:$0x9]  }
0x17: {  	[tilespmem:s3], [sflag:$0x2] =	stream.linear.gather [hbm4b:s0+s3], $0x400, $0x38;
	[tilespmem:$0xC400] =	vst v63  }
0x18: {  	_ =	swait.ge [sflag:s8], $0x400  }
0x19: {  	[sflag:s8] =	ssyncset.done $0x0  }
0x1a: {  	s1 =	simm.s32 $0x0;
	s0 =	simm.s32 $0x20;
	[sflag:s8] =	ssyncadd.s32 $0xFFFFFC00  }
.LBB2_2:
0x1b: {  	v3 =	vld [tilespmem:s0+$0xFFFFFFE0];
	_ =	sdelay $0x4  }
0x1c: {  	v4 =	vshrl.u32 v3, $0x3  }
0x1d: {  	v4 =	vmul.u32 $0x30, v4  }
0x1e: {  	v3 =	vand.u32 $0x7, v3  }
0x1f: {  	v3 =	vor.u32 v3, v4  }
0x20: {  	v4 =	vperm.xlane v3, v0;
	_ =	sdelay $0x1  }
0x21: {  	v4 =	vadd.s32 v1, v4;
	_ =	sdelay $0x3  }
0x22: {  	v3 =	vperm.xlane v3, v2  }
0x23: {  	[tilespmem:s9], [sflag:$0x1] =	stream.indirect_vreg.gather [hbm4b:s2+s3], $0x80, v4, vm0, $0xb8;
	[tilespmem:$0xC400] =	vst v63  }
0x24: {  	s4 =	rddreg [dreg:$0x5];
	v3 =	vadd.s32 v1, v3  }
0x25: {  	[tilespmem:s4], [sflag:$0x1] =	stream.indirect_vreg.gather [hbm4b:s5+s3], $0x80, v4, vm0, $0xb8;
	[tilespmem:$0xC400] =	vst v63  }
0x26: {  	s7 =	rddreg [dreg:$0x6]  }
0x27: {  	[tilespmem:s7], [sflag:$0x1] =	stream.indirect_vreg.gather [hbm4b:s6+s3], $0x80, v4, vm0, $0xb8;
	[tilespmem:$0xC400] =	vst v63  }
0x28: {  	s4 =	rddreg [dreg:$0x7]  }
0x29: {  	[tilespmem:s4], [sflag:$0x1] =	stream.indirect_vreg.gather [hbm4b:s2+s3], $0x80, v3, vm0, $0xb8;
	[tilespmem:$0xC400] =	vst v63  }
0x2a: {  	s7 =	rddreg [dreg:$0x8]  }
0x2b: {  	[tilespmem:s7], [sflag:$0x1] =	stream.indirect_vreg.gather [hbm4b:s5+s3], $0x80, v3, vm0, $0xb8;
	[tilespmem:$0xC400] =	vst v63  }
0x2c: {  	_ = 	snop  }
0x2d: {  	[tilespmem:s10], [sflag:$0x1] =	stream.indirect_vreg.gather [hbm4b:s6+s3], $0x80, v3, vm0, $0xb8;
	[tilespmem:$0xC400] =	vst v63  }
0x2e: {  	v3 =	vld [tilespmem:s0+$0xFFFFFFF0];
	_ =	sdelay $0x4  }
0x2f: {  	v61 =	vshrl.u32 v3, $0x3  }
0x30: {  	v4 =	vmul.u32 $0x30, v61  }
0x31: {  	v3 =	vand.u32 $0x7, v3  }
0x32: {  	v3 =	vor.u32 v3, v4  }
0x33: {  	v4 =	vperm.xlane v3, v0;
	_ =	sdelay $0x1  }
0x34: {  	v4 =	vadd.s32 v1, v4;
	_ =	sdelay $0x3  }
0x35: {  	v3 =	vperm.xlane v3, v2  }
0x36: {  	[tilespmem:s11], [sflag:$0x1] =	stream.indirect_vreg.gather [hbm4b:s2+s3], $0x80, v4, vm0, $0xb8;
	[tilespmem:$0xC400] =	vst v63  }
0x37: {  	v3 =	vadd.s32 v1, v3  }
0x38: {  	[tilespmem:s12], [sflag:$0x1] =	stream.indirect_vreg.gather [hbm4b:s5+s3], $0x80, v4, vm0, $0xb8;
	[tilespmem:$0xC400] =	vst v63  }
0x39: {  	_ = 	snop  }
0x3a: {  	[tilespmem:s13], [sflag:$0x1] =	stream.indirect_vreg.gather [hbm4b:s6+s3], $0x80, v4, vm0, $0xb8;
	[tilespmem:$0xC400] =	vst v63  }
0x3b: {  	_ = 	snop  }
0x3c: {  	[tilespmem:s14], [sflag:$0x1] =	stream.indirect_vreg.gather [hbm4b:s2+s3], $0x80, v3, vm0, $0xb8;
	[tilespmem:$0xC400] =	vst v63  }
0x3d: {  	_ = 	snop  }
0x3e: {  	[tilespmem:s15], [sflag:$0x1] =	stream.indirect_vreg.gather [hbm4b:s5+s3], $0x80, v3, vm0, $0xb8;
	[tilespmem:$0xC400] =	vst v63  }
0x3f: {  	_ = 	snop  }
0x40: {  	[tilespmem:s16], [sflag:$0x1] =	stream.indirect_vreg.gather [hbm4b:s6+s3], $0x80, v3, vm0, $0xb8;
	[tilespmem:$0xC400] =	vst v63  }
0x41: {  	v3 =	vld [tilespmem:s0+$0x0];
	_ =	sdelay $0x4  }
0x42: {  	v62 =	vshrl.u32 v3, $0x3  }
0x43: {  	v4 =	vmul.u32 $0x30, v62  }
0x44: {  	v3 =	vand.u32 $0x7, v3  }
0x45: {  	v3 =	vor.u32 v3, v4  }
0x46: {  	v4 =	vperm.xlane v3, v0;
	_ =	sdelay $0x1  }
0x47: {  	v4 =	vadd.s32 v1, v4;
	_ =	sdelay $0x3  }
0x48: {  	v3 =	vperm.xlane v3, v2  }
0x49: {  	[tilespmem:s17], [sflag:$0x1] =	stream.indirect_vreg.gather [hbm4b:s2+s3], $0x80, v4, vm0, $0xb8;
	[tilespmem:$0xC400] =	vst v63  }
0x4a: {  	v3 =	vadd.s32 v1, v3  }
0x4b: {  	[tilespmem:s18], [sflag:$0x1] =	stream.indirect_vreg.gather [hbm4b:s5+s3], $0x80, v4, vm0, $0xb8;
	[tilespmem:$0xC400] =	vst v63  }
0x4c: {  	_ = 	snop  }
0x4d: {  	[tilespmem:s19], [sflag:$0x1] =	stream.indirect_vreg.gather [hbm4b:s6+s3], $0x80, v4, vm0, $0xb8;
	[tilespmem:$0xC400] =	vst v63  }
0x4e: {  	_ = 	snop  }
0x4f: {  	[tilespmem:s20], [sflag:$0x1] =	stream.indirect_vreg.gather [hbm4b:s2+s3], $0x80, v3, vm0, $0xb8;
	[tilespmem:$0xC400] =	vst v63  }
0x50: {  	_ = 	snop  }
0x51: {  	[tilespmem:s21], [sflag:$0x1] =	stream.indirect_vreg.gather [hbm4b:s5+s3], $0x80, v3, vm0, $0xb8;
	[tilespmem:$0xC400] =	vst v63  }
0x52: {  	_ = 	snop  }
0x53: {  	[tilespmem:s22], [sflag:$0x1] =	stream.indirect_vreg.gather [hbm4b:s6+s3], $0x80, v3, vm0, $0xb8;
	[tilespmem:$0xC400] =	vst v63  }
0x54: {  	v3 =	vld [tilespmem:s0+$0x10];
	_ =	sdelay $0x4  }
0x55: {  	v63 =	vshrl.u32 v3, $0x3  }
0x56: {  	v4 =	vmul.u32 $0x30, v63  }
0x57: {  	v3 =	vand.u32 $0x7, v3  }
0x58: {  	v3 =	vor.u32 v3, v4  }
0x59: {  	v4 =	vperm.xlane v3, v0;
	_ =	sdelay $0x1  }
0x5a: {  	v4 =	vadd.s32 v1, v4;
	_ =	sdelay $0x3  }
0x5b: {  	v3 =	vperm.xlane v3, v2  }
0x5c: {  	[tilespmem:s23], [sflag:$0x1] =	stream.indirect_vreg.gather [hbm4b:s2+s3], $0x80, v4, vm0, $0xb8;
	[tilespmem:$0xC400] =	vst v63  }
0x5d: {  	v3 =	vadd.s32 v1, v3  }
0x5e: {  	[tilespmem:s24], [sflag:$0x1] =	stream.indirect_vreg.gather [hbm4b:s5+s3], $0x80, v4, vm0, $0xb8;
	[tilespmem:$0xC400] =	vst v63  }
0x5f: {  	_ = 	snop  }
0x60: {  	[tilespmem:s25], [sflag:$0x1] =	stream.indirect_vreg.gather [hbm4b:s6+s3], $0x80, v4, vm0, $0xb8;
	[tilespmem:$0xC400] =	vst v63  }
0x61: {  	_ = 	snop  }
0x62: {  	[tilespmem:s26], [sflag:$0x1] =	stream.indirect_vreg.gather [hbm4b:s2+s3], $0x80, v3, vm0, $0xb8;
	[tilespmem:$0xC400] =	vst v63  }
0x63: {  	_ = 	snop  }
0x64: {  	[tilespmem:s28], [sflag:$0x1] =	stream.indirect_vreg.gather [hbm4b:s5+s3], $0x80, v3, vm0, $0xb8;
	[tilespmem:$0xC400] =	vst v63  }
0x65: {  	_ = 	snop  }
0x66: {  	[tilespmem:s29], [sflag:$0x1] =	stream.indirect_vreg.gather [hbm4b:s6+s3], $0x80, v3, vm0, $0xb8;
	[tilespmem:$0xC400] =	vst v63  }
0x67: {  	_ =	swait.ge [sflag:s30], $0xC000  }
0x68: {  	p0 =	sne.s32 s1, $0xA800;
	s7 =	rddreg [dreg:$0x4];
	[sflag:s30] =	ssyncset.done $0x0  }
.Ltmp0:
0x69: {  	[sflag:s30] =	ssyncadd.s32 $0xFFFF4000;
	s4 =	sadd.s32 s1, s7;
	(pc) =	sbr.rel @p0 .LBB2_2-.Ltmp0, $4  }
0x6a: {  	[hbm4b:s4+s3] =	stream.linear.scatter [tilespmem:s9], [sflag:$0x2], $0xC000, $0x38;
	[tilespmem:$0xC400] =	vst v63  }
0x6b: {  	_ =	swait.ge [sflag:s8], $0xC000  }
0x6c: {  	[sflag:s8] =	ssyncset.done $0x0  }
0x6d: {  	s0 =	sadd.s32 $0x80, s0;
	s1 =	sadd.s32 $0x1800, s1;
	[sflag:s8] =	ssyncadd.s32 $0xFFFF4000  }
0x6e: {  	s31 =	sadd.s32 $0x1, s31;
	s0 =	rddreg [dreg:$0xa]  }
0x6f: {  	p0 =	sne.s32 s31, s0  }
.Ltmp1:
0x70: {  	_ = 	snop;
	(pc) =	sbr.rel @p0 .LBB2_1-.Ltmp1, $1  }
0x71: {  	_ =	sdelay $0x3  }
0x72: {  	_ =	sfence.sel $0x180000  }
0x73: {  	[bflag:$0x0] =	sbarrier.arrive $0xFFFF  }
0x74: {  	_ =	strace $0x9000004D  }
0x75: {  	s0 =	stileid.u32;
	[bflag:$0x2] =	sbarrier.arrive $0xFFFF  }
0x76: {  	p0 =	sne.s32 s0, $0x0;
	s0 =	rddreg [dreg:$0x3]  }
0x77: {  	s0 =	sadd.s32 @!p0 $0x100000, s0  }
0x78: {  	[sflag:s0] =	ssyncadd.tile.s32 @!p0 $0x1;
	_ =	shalt  }
.Lfunc_end2:
_tile_overlayer_lowered:
.L_overlay_start_2:
0x79: {  	(tag) =	ssettag $0x2  }
0x7a: {  	s0 =	rddreg [dreg:$0x0];
	s2 =	stileid.u32  }
0x7b: {  	s1 =	rddreg [dreg:$0x1];
	p0 =	sne.s32 s2, $0x0  }
0x7c: {  	s3 =	rddreg [dreg:$0x2];
	[bflag:$0x3] =	sbarrier.arrive $0xFFFF;
	s2 =	simm.s32 @!p0 $0x1C02  }
0x7d: {  	[timem:s3], [sflag:s2] =	dma.local @!p0 [hbm:s0], s1  }
0x7e: {  	s0 =	simm.s32 @!p0 $0x2  }
0x7f: {  	_ =	swait.ge @!p0 [sflag:s0], s1  }
0x80: {  	s1 =	ssub.s32 @!p0 $0x0, s1;
	[sflag:s0] =	ssyncset.done @!p0 $0x0  }
0x81: {  	[sflag:s0] =	ssyncadd.s32 @!p0 s1  }
0x82: {  	[bflag:$0x3] =	sbarrier.arrive $0xFFFF  }
0x83: {  	_ =	shalt  }

</sc_bundles>
